<compile_context>
chip_gen: v7x
topology: tpu7x:2x2x1
jax: 0.10.2.dev20260603
libtpu: 0.0.44.dev20260713+nightly
codegen_flags: <defaults>
</compile_context>

<pallas_src>
import functools

import jax
import jax.numpy as jnp
from jax import lax
from jax.experimental import pallas as pl
from jax.experimental.pallas import tpu as pltpu
from jax.experimental.pallas import tpu_sc as plsc

_N = 10000
_E = 320000
_NG = 64
_NC = 2
_NS = 16
_NW = _NC * _NS
_C = 128
_EPAD = 327680
_NCHROWS = _EPAD // _C
_NCH1 = _NCHROWS // _NW
_NCH2 = _NCHROWS // _NS
_NPAD = 10240
_RPT = _NPAD // _NS
_SLAB = 128
_NB = 4

_mesh = plsc.VectorSubcoreMesh(core_axis_name="c", subcore_axis_name="s")
_sc_params = pltpu.CompilerParams(use_tc_tiling_on_sc=False)


def _zero_slab(slab, d):
  def zrow(r, carry):
    def zcol(j, c2):
      slab[r, pl.ds(j * 16, 16)] = jnp.zeros((16,), jnp.float32)
      return c2
    return lax.fori_loop(0, d // 16, zcol, carry)
  lax.fori_loop(0, _SLAB, zrow, 0)


def _zero_acc_slab(slab, acc, s, d):
  _zero_slab(slab, d)
  for i in range(_RPT // _SLAB):
    pltpu.sync_copy(slab, acc.at[pl.ds(s * _RPT + i * _SLAB, _SLAB)])


def _dump_acc_slab(slab, acc, out_hbm, c, s):
  for i in range(_RPT // _SLAB):
    pltpu.sync_copy(acc.at[pl.ds(s * _RPT + i * _SLAB, _SLAB)], slab)
    pltpu.sync_copy(slab, out_hbm.at[pl.ds(c * _NPAD + s * _RPT + i * _SLAB,
                                           _SLAB)])


def _gs_pipeline(y_hbm, sidx_v, didx_v, rows, acc, gsem, ssem, nch):
  nb = len(rows)
  half = nb // 2
  banks = [rows[:half], rows[half:]]
  ng = nch // half

  def fire_g(g, bank):
    for b in range(half):
      for h in range(2):
        pltpu.async_copy(y_hbm.at[sidx_v.at[(g * half + b) * 2 + h]],
                         bank[b].at[pl.ds(h * 64, 64)], gsem)

  def wait_g(g, bank):
    for b in range(half):
      for h in range(2):
        pltpu.make_async_copy(y_hbm.at[sidx_v.at[(g * half + b) * 2 + h]],
                              bank[b].at[pl.ds(h * 64, 64)], gsem).wait()

  def fire_s(g, bank):
    for b in range(half):
      pltpu.async_copy(bank[b], acc.at[didx_v.at[g * half + b]], ssem,
                       add=True)

  def wait_s(g, bank):
    for b in range(half):
      pltpu.make_async_copy(bank[b], acc.at[didx_v.at[g * half + b]],
                            ssem).wait()

  fire_g(0, banks[0])
  fire_g(1, banks[1])

  def body(p, carry):
    ga = 2 * p
    gb = 2 * p + 1
    wait_g(ga, banks[0])
    fire_s(ga, banks[0])
    wait_g(gb, banks[1])
    fire_s(gb, banks[1])
    wait_s(ga, banks[0])

    @pl.when(ga + 2 < ng)
    def _():
      fire_g(ga + 2, banks[0])

    wait_s(gb, banks[1])

    @pl.when(gb + 2 < ng)
    def _():
      fire_g(gb + 2, banks[1])

    return carry

  lax.fori_loop(0, ng // 2, body, 0)


def _make_scatter_half(dh):

  @functools.partial(
      pl.kernel,
      mesh=_mesh,
      out_type=jax.ShapeDtypeStruct((_NC * _NPAD, dh), jnp.float32),
      scratch_types=(
          [pltpu.VMEM((_NCH2 * 2, 64), jnp.int32),
           pltpu.VMEM((_NCH2, _C), jnp.int32)]
          + [pltpu.VMEM((_C, dh), jnp.float32)] * _NB
          + [pltpu.VMEM((_SLAB, dh), jnp.float32),
             pltpu.VMEM_SHARED((_NPAD, dh), jnp.float32),
             pltpu.SemaphoreType.DMA,
             pltpu.SemaphoreType.DMA]
      ),
      compiler_params=_sc_params,
  )
  def k(ya_hbm, yb_hbm, src_hbm, dst_hbm, out_hbm, sidx_v, didx_v,
        r0, r1, r2, r3, slab, acc, gsem, ssem):
    c = lax.axis_index("c")
    s = lax.axis_index("s")

    pltpu.sync_copy(src_hbm.at[pl.ds(s * _NCH2 * 2, _NCH2 * 2)], sidx_v)
    pltpu.sync_copy(dst_hbm.at[pl.ds(s * _NCH2, _NCH2)], didx_v)
    _zero_acc_slab(slab, acc, s, dh)
    plsc.subcore_barrier()

    rows = [r0, r1, r2, r3]

    @pl.when(c == 0)
    def _():
      _gs_pipeline(ya_hbm, sidx_v, didx_v, rows, acc, gsem, ssem, _NCH2)

    @pl.when(c == 1)
    def _():
      _gs_pipeline(yb_hbm, sidx_v, didx_v, rows, acc, gsem, ssem, _NCH2)

    plsc.subcore_barrier()
    _dump_acc_slab(slab, acc, out_hbm, c, s)

  return k


_scat1 = _make_scatter_half(32)
_scat2 = _make_scatter_half(64)


@functools.partial(
    pl.kernel,
    mesh=_mesh,
    out_type=jax.ShapeDtypeStruct((_NC * _NPAD, 16), jnp.float32),
    scratch_types=[
        pltpu.VMEM((_NCH1, _C), jnp.int32),
        pltpu.VMEM((_C, 16), jnp.float32),
        pltpu.VMEM((_SLAB, 16), jnp.float32),
        pltpu.VMEM_SHARED((_NPAD, 16), jnp.float32),
        pltpu.SemaphoreType.DMA,
    ],
    compiler_params=_sc_params,
)
def _hist(dst_hbm, out_hbm, didx_v, ones_v, slab, acc, ssem):
  c = lax.axis_index("c")
  s = lax.axis_index("s")
  wid = s * _NC + c

  def orow(r, carry):
    ones_v[r, pl.ds(0, 16)] = jnp.ones((16,), jnp.float32)
    return carry
  lax.fori_loop(0, _C, orow, 0)

  pltpu.sync_copy(dst_hbm.at[pl.ds(wid * _NCH1, _NCH1)], didx_v)
  _zero_acc_slab(slab, acc, s, 16)
  plsc.subcore_barrier()

  nb = 8

  def group(t, carry):
    j0 = t * nb
    for b in range(nb):
      pltpu.async_copy(ones_v, acc.at[didx_v.at[j0 + b]], ssem, add=True)
    for b in range(nb):
      pltpu.make_async_copy(ones_v, acc.at[didx_v.at[j0 + b]], ssem).wait()
    return carry

  lax.fori_loop(0, _NCH1 // nb, group, 0)
  plsc.subcore_barrier()
  _dump_acc_slab(slab, acc, out_hbm, c, s)


_BM = 1000
_NBLK = _N // _BM


def _dis_of(ha, hb):
  deg = ha[:, 0:1] + hb[:, 0:1] + 1.0
  return lax.rsqrt(deg)


def _k1_body(x_ref, w_ref, ha_ref, hb_ref, oa_ref, ob_ref):
  dis = _dis_of(ha_ref[...], hb_ref[...])
  xw = jnp.dot(x_ref[...], w_ref[...], preferred_element_type=jnp.float32)
  y1 = xw * dis
  oa_ref[...] = y1[:, :32]
  ob_ref[...] = y1[:, 32:]


def _k2_body(sa, sb, y1a, y1b, ha, hb, w2, b1r, oa, ob):
  dis = _dis_of(ha[...], hb[...])
  pre = jnp.concatenate([sa[...] + y1a[...], sb[...] + y1b[...]], axis=1)
  h = jnp.maximum(pre * dis + b1r[...], 0.0)
  y2 = jnp.dot(h, w2[...], preferred_element_type=jnp.float32) * dis
  oa[...] = y2[:, :64]
  ob[...] = y2[:, 64:]


def _k3_body(sa, sb, y2a, y2b, ha, hb, b2r, batchr, fcw, fcb, o, sums, cnts):
  g = pl.program_id(0)

  @pl.when(g == 0)
  def _():
    sums[...] = jnp.zeros_like(sums)
    cnts[...] = jnp.zeros_like(cnts)

  dis = _dis_of(ha[...], hb[...])
  h_lo = jnp.maximum((sa[...] + y2a[...]) * dis + b2r[:, :64], 0.0)
  h_hi = jnp.maximum((sb[...] + y2b[...]) * dis + b2r[:, 64:], 0.0)
  h = jnp.concatenate([h_lo, h_hi], axis=1)
  gid = lax.broadcasted_iota(jnp.int32, (_BM, _NG), 1)
  p = (batchr[...] == gid).astype(jnp.float32)
  dn = (((0,), (0,)), ((), ()))
  sums[...] += lax.dot_general(p, h, dn, preferred_element_type=jnp.float32)
  cnts[...] += lax.dot_general(p, jnp.ones_like(h), dn,
                               preferred_element_type=jnp.float32)

  @pl.when(g == _NBLK - 1)
  def _():
    pooled = sums[...] / jnp.maximum(cnts[...], 1.0)
    o[...] = jnp.dot(pooled, fcw[...],
                     preferred_element_type=jnp.float32) + fcb[...]


def _row_spec(d):
  return pl.BlockSpec((_BM, d), lambda i: (i, 0))


def _full_spec(shape):
  return pl.BlockSpec(shape, lambda i: tuple(0 for _ in shape))


def kernel(x, edge_index, batch, W1, b1, W2, b2, fc_W, fc_b):
  src = edge_index[0].astype(jnp.int32)
  dst = edge_index[1].astype(jnp.int32)
  npad = _EPAD - _E
  src2d = jnp.concatenate([src, jnp.zeros((npad,), jnp.int32)]).reshape(
      _NCHROWS * 2, 64)
  dst2d = jnp.concatenate([dst, jnp.full((npad,), _N, jnp.int32)]).reshape(
      _NCHROWS, _C)

  hist = _hist(dst2d)
  ha, hb = hist[:_N], hist[_NPAD:_NPAD + _N]

  y1a, y1b = pl.pallas_call(
      _k1_body,
      grid=(_NBLK,),
      in_specs=[_row_spec(128), _full_spec((128, 64)),
                _row_spec(16), _row_spec(16)],
      out_specs=[_row_spec(32), _row_spec(32)],
      out_shape=[jax.ShapeDtypeStruct((_N, 32), jnp.float32),
                 jax.ShapeDtypeStruct((_N, 32), jnp.float32)],
  )(x, W1, ha, hb)

  s1 = _scat1(y1a, y1b, src2d, dst2d)

  y2a, y2b = pl.pallas_call(
      _k2_body,
      grid=(_NBLK,),
      in_specs=[_row_spec(32), _row_spec(32), _row_spec(32), _row_spec(32),
                _row_spec(16), _row_spec(16),
                _full_spec((64, 128)), _full_spec((1, 64))],
      out_specs=[_row_spec(64), _row_spec(64)],
      out_shape=[jax.ShapeDtypeStruct((_N, 64), jnp.float32),
                 jax.ShapeDtypeStruct((_N, 64), jnp.float32)],
  )(s1[:_N], s1[_NPAD:_NPAD + _N], y1a, y1b, ha, hb, W2, b1.reshape(1, 64))

  s2 = _scat2(y2a, y2b, src2d, dst2d)

  out = pl.pallas_call(
      _k3_body,
      grid=(_NBLK,),
      in_specs=[_row_spec(64), _row_spec(64), _row_spec(64), _row_spec(64),
                _row_spec(16), _row_spec(16),
                _full_spec((1, 128)), pl.BlockSpec((_BM, 1), lambda i: (i, 0)),
                _full_spec((128, 2)), _full_spec((1, 2))],
      out_specs=_full_spec((_NG, 2)),
      out_shape=jax.ShapeDtypeStruct((_NG, 2), jnp.float32),
      scratch_shapes=[pltpu.VMEM((_NG, 128), jnp.float32),
                      pltpu.VMEM((_NG, 128), jnp.float32)],
  )(s2[:_N], s2[_NPAD:_NPAD + _N], y2a, y2b, ha, hb, b2.reshape(1, 128),
    batch.astype(jnp.int32).reshape(_N, 1), fc_W, fc_b.reshape(1, 2))

  return out

# --- scband reference (transcript-rebuilt; emitter-appended) ---
"""Pipeline reference for scband-gcnnet-25340307046788 (READ-ONLY COPY).

The authoritative reference and input builder live on the scoring server;
editing this copy changes nothing except your own understanding.
"""

import jax, jax.numpy as jnp
import numpy as np

N_NODES = 10000
N_EDGES = 320000
IN_CH = 128
HID1 = 64
HID2 = 128
N_GRAPHS = 64


def gcn_conv(x, edge_index, W, b):
    N = x.shape[0]
    # add self-loops (PyG GCNConv default)
    loop = jnp.arange(N, dtype=edge_index.dtype)
    src = jnp.concatenate([edge_index[0], loop])
    dst = jnp.concatenate([edge_index[1], loop])
    # symmetric normalization with unit edge weights
    ones = jnp.ones(src.shape[0], dtype=x.dtype)
    deg = jax.ops.segment_sum(ones, dst, num_segments=N)
    deg_inv_sqrt = jnp.where(deg > 0, 1.0 / jnp.sqrt(deg), 0.0)
    norm = deg_inv_sqrt[src] * deg_inv_sqrt[dst]
    # linear transform, then gather-scatter message passing
    xw = x @ W
    msgs = xw[src] * norm[:, None]
    out = jax.ops.segment_sum(msgs, dst, num_segments=N)
    return out + b


def global_mean_pool(x, batch, num_graphs):
    sums = jax.ops.segment_sum(x, batch, num_segments=num_graphs)
    counts = jax.ops.segment_sum(jnp.ones(x.shape[0], dtype=x.dtype), batch, num_segments=num_graphs)
    counts = jnp.maximum(counts, 1.0)
    return sums / counts[:, None]


def setup_inputs(seed: int = 0) -> dict:
    key = jax.random.key(seed)
    ks = jax.random.split(key, 10)
    x = jax.random.normal(ks[0], (N_NODES, IN_CH), dtype=jnp.float32)
    edge_index = jax.random.randint(ks[1], (2, N_EDGES), 0, N_NODES, dtype=jnp.int64) if jax.config.jax_enable_x64 else jax.random.randint(ks[1], (2, N_EDGES), 0, N_NODES).astype(jnp.int32)
    batch = jnp.sort(jax.random.randint(ks[2], (N_NODES,), 0, N_GRAPHS)).astype(jnp.int32)
    s1 = 1.0 / np.sqrt(IN_CH)
    W1 = jax.random.uniform(ks[3], (IN_CH, HID1), minval=-s1, maxval=s1, dtype=jnp.float32)
    b1 = jnp.zeros((HID1,), dtype=jnp.float32)
    s2 = 1.0 / np.sqrt(HID1)
    W2 = jax.random.uniform(ks[4], (HID1, HID2), minval=-s2, maxval=s2, dtype=jnp.float32)
    b2 = jnp.zeros((HID2,), dtype=jnp.float32)
    s3 = 1.0 / np.sqrt(HID2)
    fc_W = jax.random.uniform(ks[5], (HID2, 2), minval=-s3, maxval=s3, dtype=jnp.float32)
    fc_b = jax.random.uniform(ks[6], (2,), minval=-s3, maxval=s3, dtype=jnp.float32)
    return {"x": x, "edge_index": edge_index, "batch": batch, "W1": W1, "b1": b1, "W2": W2, "b2": b2, "fc_W": fc_W, "fc_b": fc_b}


def reference(x, edge_index, batch, W1, b1, W2, b2, fc_W, fc_b):
    h = jax.nn.relu(gcn_conv(x, edge_index, W1, b1))
    h = jax.nn.relu(gcn_conv(h, edge_index, W2, b2))
    g = global_mean_pool(h, batch, N_GRAPHS)
    return g @ fc_W + fc_b

if __name__ == "__main__":
    import jax
    _d = setup_inputs()
    print(jax.jit(kernel)(*tuple(_d.values())))

</pallas_src>

<mosaic_0001>
#map = affine_map<(d0, d1) -> (0, 0)>
module attributes {stable_mosaic.version = 14 : i64} {
  func.func @k(%arg0: i32, %arg1: i32, %arg2: memref<10000x64xf32, #tpu.memory_space<hbm>>, %arg3: memref<10000x64xf32, #tpu.memory_space<hbm>>, %arg4: memref<5120x64xi32, #tpu.memory_space<hbm>>, %arg5: memref<2560x128xi32, #tpu.memory_space<hbm>>, %arg6: memref<20480x64xf32, #tpu.memory_space<hbm>>, %arg7: memref<320x64xi32, #tpu.memory_space<vmem>>, %arg8: memref<160x128xi32, #tpu.memory_space<vmem>>, %arg9: memref<128x64xf32, #tpu.memory_space<vmem>>, %arg10: memref<128x64xf32, #tpu.memory_space<vmem>>, %arg11: memref<128x64xf32, #tpu.memory_space<vmem>>, %arg12: memref<128x64xf32, #tpu.memory_space<vmem>>, %arg13: memref<128x64xf32, #tpu.memory_space<vmem>>, %arg14: memref<10240x64xf32, #tpu.memory_space<vmem_shared>>, %arg15: memref<!tpu.dma_semaphore, #tpu.memory_space<semaphore_mem>>, %arg16: memref<!tpu.dma_semaphore, #tpu.memory_space<semaphore_mem>>) attributes {dimension_semantics = [#tpu.dimension_semantics<core_parallel>, #tpu.dimension_semantics<subcore_parallel>], iteration_bounds = array<i64: 2, 16>, scalar_prefetch = 0 : i64, scratch_operands = 10 : i64, tpu.core_type = #tpu.core_type<sc_vector_subcore>, window_params = [{transform_indices = #map}, {transform_indices = #map}, {transform_indices = #map}, {transform_indices = #map}, {transform_indices = #map}]} {
    %mul3A = arith.constant 160 : i32
    %mul3A_0 = arith.muli %arg1, %mul3A : i32
    %mul3A_1 = arith.constant 2 : i32
    %mul3A_2 = arith.muli %mul3A_0, %mul3A_1 : i32
    "tpu.region"() ({
      %run_scoped3A = tpu.sem_alloc : memref<!tpu.dma_semaphore, #tpu.memory_space<semaphore_mem>>
      %dma_start3A = arith.constant 0 : i32
      %dma_start3A_92 = tpu.memref_slice %arg4[%mul3A_2, %dma_start3A] : memref<5120x64xi32, #tpu.memory_space<hbm>> -> memref<320x64xi32, #tpu.memory_space<hbm>>
      %dma_start3A_93 = arith.constant 0 : i32
      %dma_start3A_94 = tpu.memref_slice %arg4[%mul3A_2, %dma_start3A_93] : memref<5120x64xi32, #tpu.memory_space<hbm>> -> memref<320x64xi32, #tpu.memory_space<hbm>>
      tpu.enqueue_dma source(%dma_start3A_94 : memref<320x64xi32, #tpu.memory_space<hbm>>) target(%arg7 : memref<320x64xi32, #tpu.memory_space<vmem>>) target_semaphore(%run_scoped3A : memref<!tpu.dma_semaphore, #tpu.memory_space<semaphore_mem>>)
      %dma_wait3A = arith.constant 0 : i32
      %dma_wait3A_95 = tpu.memref_slice %arg4[%mul3A_2, %dma_wait3A] : memref<5120x64xi32, #tpu.memory_space<hbm>> -> memref<320x64xi32, #tpu.memory_space<hbm>>
      %dma_wait3A_96 = arith.constant 0 : i32
      %dma_wait3A_97 = tpu.memref_slice %arg4[%mul3A_2, %dma_wait3A_96] : memref<5120x64xi32, #tpu.memory_space<hbm>> -> memref<320x64xi32, #tpu.memory_space<hbm>>
      tpu.wait_dma2 semaphore(%run_scoped3A : memref<!tpu.dma_semaphore, #tpu.memory_space<semaphore_mem>>) src(%dma_wait3A_97 : memref<320x64xi32, #tpu.memory_space<hbm>>) dst(%arg7 : memref<320x64xi32, #tpu.memory_space<vmem>>)
      tpu.yield
    }) : () -> ()
    %mul3A_3 = arith.constant 160 : i32
    %mul3A_4 = arith.muli %arg1, %mul3A_3 : i32
    "tpu.region"() ({
      %run_scoped3A = tpu.sem_alloc : memref<!tpu.dma_semaphore, #tpu.memory_space<semaphore_mem>>
      %dma_start3A = arith.constant 0 : i32
      %dma_start3A_92 = tpu.memref_slice %arg5[%mul3A_4, %dma_start3A] : memref<2560x128xi32, #tpu.memory_space<hbm>> -> memref<160x128xi32, #tpu.memory_space<hbm>>
      %dma_start3A_93 = arith.constant 0 : i32
      %dma_start3A_94 = tpu.memref_slice %arg5[%mul3A_4, %dma_start3A_93] : memref<2560x128xi32, #tpu.memory_space<hbm>> -> memref<160x128xi32, #tpu.memory_space<hbm>>
      tpu.enqueue_dma source(%dma_start3A_94 : memref<160x128xi32, #tpu.memory_space<hbm>>) target(%arg8 : memref<160x128xi32, #tpu.memory_space<vmem>>) target_semaphore(%run_scoped3A : memref<!tpu.dma_semaphore, #tpu.memory_space<semaphore_mem>>)
      %dma_wait3A = arith.constant 0 : i32
      %dma_wait3A_95 = tpu.memref_slice %arg5[%mul3A_4, %dma_wait3A] : memref<2560x128xi32, #tpu.memory_space<hbm>> -> memref<160x128xi32, #tpu.memory_space<hbm>>
      %dma_wait3A_96 = arith.constant 0 : i32
      %dma_wait3A_97 = tpu.memref_slice %arg5[%mul3A_4, %dma_wait3A_96] : memref<2560x128xi32, #tpu.memory_space<hbm>> -> memref<160x128xi32, #tpu.memory_space<hbm>>
      tpu.wait_dma2 semaphore(%run_scoped3A : memref<!tpu.dma_semaphore, #tpu.memory_space<semaphore_mem>>) src(%dma_wait3A_97 : memref<160x128xi32, #tpu.memory_space<hbm>>) dst(%arg8 : memref<160x128xi32, #tpu.memory_space<vmem>>)
      tpu.yield
    }) : () -> ()
    %scan3A = arith.constant 0 : i32
    %scan3A_5 = arith.constant 0 : i32
    %scan3A_6 = arith.constant 128 : i32
    %scan3A_7 = arith.addi %scan3A_5, %scan3A_6 : i32
    %scan3A_8 = arith.constant 1 : i32
    scf.for %scan3A_92 = %scan3A_5 to %scan3A_7 step %scan3A_8  : i32 {
      %scan3A_93 = arith.constant 0 : i32
      %scan3A_94 = arith.constant 4 : i32
      %scan3A_95 = arith.addi %scan3A_93, %scan3A_94 : i32
      %scan3A_96 = arith.constant 1 : i32
      scf.for %scan3A_98 = %scan3A_93 to %scan3A_95 step %scan3A_96  : i32 {
        %broadcast_in_dim3A = arith.constant 0.000000e+00 : f32
        %broadcast_in_dim3A_99 = vector.broadcast %broadcast_in_dim3A : f32 to vector<16xf32>
        %mul3A_100 = arith.constant 16 : i32
        %mul3A_101 = arith.muli %scan3A_98, %mul3A_100 : i32
        %swap3A = arith.index_cast %scan3A_92 : i32 to index
        %swap3A_102 = arith.index_cast %mul3A_101 : i32 to index
        %swap3A_103 = tpu.vector_load %arg13[%swap3A, %swap3A_102] {strides = array<i32>} : memref<128x64xf32, #tpu.memory_space<vmem>>, vector<1x16xf32>,
        %swap3A_104 = vector.shape_cast %swap3A_103 : vector<1x16xf32> to vector<16xf32>
        %swap3A_105 = vector.shape_cast %broadcast_in_dim3A_99 : vector<16xf32> to vector<1x16xf32>
        tpu.vector_store %arg13[%swap3A, %swap3A_102], %swap3A_105 {strides = array<i32>} : memref<128x64xf32, #tpu.memory_space<vmem>>, vector<1x16xf32>,
      }
      %scan3A_97 = arith.constant 4 : i32
    }
    %scan3A_9 = arith.constant 128 : i32
    %mul3A_10 = arith.constant 640 : i32
    %mul3A_11 = arith.muli %arg1, %mul3A_10 : i32
    %add3A = arith.constant 0 : i32
    %add3A_12 = arith.addi %mul3A_11, %add3A : i32
    "tpu.region"() ({
      %run_scoped3A = tpu.sem_alloc : memref<!tpu.dma_semaphore, #tpu.memory_space<semaphore_mem>>
      %dma_start3A = arith.constant 0 : i32
      %dma_start3A_92 = tpu.memref_slice %arg14[%add3A_12, %dma_start3A] : memref<10240x64xf32, #tpu.memory_space<vmem_shared>> -> memref<128x64xf32, #tpu.memory_space<vmem_shared>>
      %dma_start3A_93 = arith.constant 0 : i32
      %dma_start3A_94 = tpu.memref_slice %arg14[%add3A_12, %dma_start3A_93] : memref<10240x64xf32, #tpu.memory_space<vmem_shared>> -> memref<128x64xf32, #tpu.memory_space<vmem_shared>>
      tpu.enqueue_dma source(%arg13 : memref<128x64xf32, #tpu.memory_space<vmem>>) target(%dma_start3A_94 : memref<128x64xf32, #tpu.memory_space<vmem_shared>>) target_semaphore(%run_scoped3A : memref<!tpu.dma_semaphore, #tpu.memory_space<semaphore_mem>>)
      %dma_wait3A = arith.constant 0 : i32
      %dma_wait3A_95 = tpu.memref_slice %arg14[%add3A_12, %dma_wait3A] : memref<10240x64xf32, #tpu.memory_space<vmem_shared>> -> memref<128x64xf32, #tpu.memory_space<vmem_shared>>
      %dma_wait3A_96 = arith.constant 0 : i32
      %dma_wait3A_97 = tpu.memref_slice %arg14[%add3A_12, %dma_wait3A_96] : memref<10240x64xf32, #tpu.memory_space<vmem_shared>> -> memref<128x64xf32, #tpu.memory_space<vmem_shared>>
      tpu.wait_dma2 semaphore(%run_scoped3A : memref<!tpu.dma_semaphore, #tpu.memory_space<semaphore_mem>>) src(%arg13 : memref<128x64xf32, #tpu.memory_space<vmem>>) dst(%dma_wait3A_97 : memref<128x64xf32, #tpu.memory_space<vmem_shared>>)
      tpu.yield
    }) : () -> ()
    %mul3A_13 = arith.constant 640 : i32
    %mul3A_14 = arith.muli %arg1, %mul3A_13 : i32
    %add3A_15 = arith.constant 128 : i32
    %add3A_16 = arith.addi %mul3A_14, %add3A_15 : i32
    "tpu.region"() ({
      %run_scoped3A = tpu.sem_alloc : memref<!tpu.dma_semaphore, #tpu.memory_space<semaphore_mem>>
      %dma_start3A = arith.constant 0 : i32
      %dma_start3A_92 = tpu.memref_slice %arg14[%add3A_16, %dma_start3A] : memref<10240x64xf32, #tpu.memory_space<vmem_shared>> -> memref<128x64xf32, #tpu.memory_space<vmem_shared>>
      %dma_start3A_93 = arith.constant 0 : i32
      %dma_start3A_94 = tpu.memref_slice %arg14[%add3A_16, %dma_start3A_93] : memref<10240x64xf32, #tpu.memory_space<vmem_shared>> -> memref<128x64xf32, #tpu.memory_space<vmem_shared>>
      tpu.enqueue_dma source(%arg13 : memref<128x64xf32, #tpu.memory_space<vmem>>) target(%dma_start3A_94 : memref<128x64xf32, #tpu.memory_space<vmem_shared>>) target_semaphore(%run_scoped3A : memref<!tpu.dma_semaphore, #tpu.memory_space<semaphore_mem>>)
      %dma_wait3A = arith.constant 0 : i32
      %dma_wait3A_95 = tpu.memref_slice %arg14[%add3A_16, %dma_wait3A] : memref<10240x64xf32, #tpu.memory_space<vmem_shared>> -> memref<128x64xf32, #tpu.memory_space<vmem_shared>>
      %dma_wait3A_96 = arith.constant 0 : i32
      %dma_wait3A_97 = tpu.memref_slice %arg14[%add3A_16, %dma_wait3A_96] : memref<10240x64xf32, #tpu.memory_space<vmem_shared>> -> memref<128x64xf32, #tpu.memory_space<vmem_shared>>
      tpu.wait_dma2 semaphore(%run_scoped3A : memref<!tpu.dma_semaphore, #tpu.memory_space<semaphore_mem>>) src(%arg13 : memref<128x64xf32, #tpu.memory_space<vmem>>) dst(%dma_wait3A_97 : memref<128x64xf32, #tpu.memory_space<vmem_shared>>)
      tpu.yield
    }) : () -> ()
    %mul3A_17 = arith.constant 640 : i32
    %mul3A_18 = arith.muli %arg1, %mul3A_17 : i32
    %add3A_19 = arith.constant 256 : i32
    %add3A_20 = arith.addi %mul3A_18, %add3A_19 : i32
    "tpu.region"() ({
      %run_scoped3A = tpu.sem_alloc : memref<!tpu.dma_semaphore, #tpu.memory_space<semaphore_mem>>
      %dma_start3A = arith.constant 0 : i32
      %dma_start3A_92 = tpu.memref_slice %arg14[%add3A_20, %dma_start3A] : memref<10240x64xf32, #tpu.memory_space<vmem_shared>> -> memref<128x64xf32, #tpu.memory_space<vmem_shared>>
      %dma_start3A_93 = arith.constant 0 : i32
      %dma_start3A_94 = tpu.memref_slice %arg14[%add3A_20, %dma_start3A_93] : memref<10240x64xf32, #tpu.memory_space<vmem_shared>> -> memref<128x64xf32, #tpu.memory_space<vmem_shared>>
      tpu.enqueue_dma source(%arg13 : memref<128x64xf32, #tpu.memory_space<vmem>>) target(%dma_start3A_94 : memref<128x64xf32, #tpu.memory_space<vmem_shared>>) target_semaphore(%run_scoped3A : memref<!tpu.dma_semaphore, #tpu.memory_space<semaphore_mem>>)
      %dma_wait3A = arith.constant 0 : i32
      %dma_wait3A_95 = tpu.memref_slice %arg14[%add3A_20, %dma_wait3A] : memref<10240x64xf32, #tpu.memory_space<vmem_shared>> -> memref<128x64xf32, #tpu.memory_space<vmem_shared>>
      %dma_wait3A_96 = arith.constant 0 : i32
      %dma_wait3A_97 = tpu.memref_slice %arg14[%add3A_20, %dma_wait3A_96] : memref<10240x64xf32, #tpu.memory_space<vmem_shared>> -> memref<128x64xf32, #tpu.memory_space<vmem_shared>>
      tpu.wait_dma2 semaphore(%run_scoped3A : memref<!tpu.dma_semaphore, #tpu.memory_space<semaphore_mem>>) src(%arg13 : memref<128x64xf32, #tpu.memory_space<vmem>>) dst(%dma_wait3A_97 : memref<128x64xf32, #tpu.memory_space<vmem_shared>>)
      tpu.yield
    }) : () -> ()
    %mul3A_21 = arith.constant 640 : i32
    %mul3A_22 = arith.muli %arg1, %mul3A_21 : i32
    %add3A_23 = arith.constant 384 : i32
    %add3A_24 = arith.addi %mul3A_22, %add3A_23 : i32
    "tpu.region"() ({
      %run_scoped3A = tpu.sem_alloc : memref<!tpu.dma_semaphore, #tpu.memory_space<semaphore_mem>>
      %dma_start3A = arith.constant 0 : i32
      %dma_start3A_92 = tpu.memref_slice %arg14[%add3A_24, %dma_start3A] : memref<10240x64xf32, #tpu.memory_space<vmem_shared>> -> memref<128x64xf32, #tpu.memory_space<vmem_shared>>
      %dma_start3A_93 = arith.constant 0 : i32
      %dma_start3A_94 = tpu.memref_slice %arg14[%add3A_24, %dma_start3A_93] : memref<10240x64xf32, #tpu.memory_space<vmem_shared>> -> memref<128x64xf32, #tpu.memory_space<vmem_shared>>
      tpu.enqueue_dma source(%arg13 : memref<128x64xf32, #tpu.memory_space<vmem>>) target(%dma_start3A_94 : memref<128x64xf32, #tpu.memory_space<vmem_shared>>) target_semaphore(%run_scoped3A : memref<!tpu.dma_semaphore, #tpu.memory_space<semaphore_mem>>)
      %dma_wait3A = arith.constant 0 : i32
      %dma_wait3A_95 = tpu.memref_slice %arg14[%add3A_24, %dma_wait3A] : memref<10240x64xf32, #tpu.memory_space<vmem_shared>> -> memref<128x64xf32, #tpu.memory_space<vmem_shared>>
      %dma_wait3A_96 = arith.constant 0 : i32
      %dma_wait3A_97 = tpu.memref_slice %arg14[%add3A_24, %dma_wait3A_96] : memref<10240x64xf32, #tpu.memory_space<vmem_shared>> -> memref<128x64xf32, #tpu.memory_space<vmem_shared>>
      tpu.wait_dma2 semaphore(%run_scoped3A : memref<!tpu.dma_semaphore, #tpu.memory_space<semaphore_mem>>) src(%arg13 : memref<128x64xf32, #tpu.memory_space<vmem>>) dst(%dma_wait3A_97 : memref<128x64xf32, #tpu.memory_space<vmem_shared>>)
      tpu.yield
    }) : () -> ()
    %mul3A_25 = arith.constant 640 : i32
    %mul3A_26 = arith.muli %arg1, %mul3A_25 : i32
    %add3A_27 = arith.constant 512 : i32
    %add3A_28 = arith.addi %mul3A_26, %add3A_27 : i32
    "tpu.region"() ({
      %run_scoped3A = tpu.sem_alloc : memref<!tpu.dma_semaphore, #tpu.memory_space<semaphore_mem>>
      %dma_start3A = arith.constant 0 : i32
      %dma_start3A_92 = tpu.memref_slice %arg14[%add3A_28, %dma_start3A] : memref<10240x64xf32, #tpu.memory_space<vmem_shared>> -> memref<128x64xf32, #tpu.memory_space<vmem_shared>>
      %dma_start3A_93 = arith.constant 0 : i32
      %dma_start3A_94 = tpu.memref_slice %arg14[%add3A_28, %dma_start3A_93] : memref<10240x64xf32, #tpu.memory_space<vmem_shared>> -> memref<128x64xf32, #tpu.memory_space<vmem_shared>>
      tpu.enqueue_dma source(%arg13 : memref<128x64xf32, #tpu.memory_space<vmem>>) target(%dma_start3A_94 : memref<128x64xf32, #tpu.memory_space<vmem_shared>>) target_semaphore(%run_scoped3A : memref<!tpu.dma_semaphore, #tpu.memory_space<semaphore_mem>>)
      %dma_wait3A = arith.constant 0 : i32
      %dma_wait3A_95 = tpu.memref_slice %arg14[%add3A_28, %dma_wait3A] : memref<10240x64xf32, #tpu.memory_space<vmem_shared>> -> memref<128x64xf32, #tpu.memory_space<vmem_shared>>
      %dma_wait3A_96 = arith.constant 0 : i32
      %dma_wait3A_97 = tpu.memref_slice %arg14[%add3A_28, %dma_wait3A_96] : memref<10240x64xf32, #tpu.memory_space<vmem_shared>> -> memref<128x64xf32, #tpu.memory_space<vmem_shared>>
      tpu.wait_dma2 semaphore(%run_scoped3A : memref<!tpu.dma_semaphore, #tpu.memory_space<semaphore_mem>>) src(%arg13 : memref<128x64xf32, #tpu.memory_space<vmem>>) dst(%dma_wait3A_97 : memref<128x64xf32, #tpu.memory_space<vmem_shared>>)
      tpu.yield
    }) : () -> ()
    %barrier3A = arith.constant 0 : index
    tpu.barrier barrier_id(%barrier3A)
    %eq3A = arith.constant 0 : i32
    %eq3A_29 = arith.cmpi eq, %arg0, %eq3A : i32
    %convert_element_type3A = arith.extui %eq3A_29 : i1 to i32
    %cond3A = arith.constant 0 : i32
    %cond3A_30 = arith.cmpi ne, %convert_element_type3A, %cond3A : i32
    scf.if %cond3A_30 {
      %dma_start3A = arith.constant 0 : i32
      %dma_start3A_92 = arith.constant 0 : i32
      %dma_start3A_93 = arith.constant 0 : i32
      %dma_start3A_94 = tpu.memref_slice %arg9[%dma_start3A_92, %dma_start3A_93] : memref<128x64xf32, #tpu.memory_space<vmem>> -> memref<64x64xf32, #tpu.memory_space<vmem>>
      %dma_start3A_95 = arith.constant 0 : i32
      %dma_start3A_96 = tpu.memref_slice %arg7[%dma_start3A, %dma_start3A_95] : memref<320x64xi32, #tpu.memory_space<vmem>> -> memref<1x64xi32, #tpu.memory_space<vmem>>
      %dma_start3A_97 = tpu.memref_squeeze %dma_start3A_96 : memref<1x64xi32, #tpu.memory_space<vmem>> -> memref<64xi32, #tpu.memory_space<vmem>>
      %dma_start3A_98 = arith.constant 0 : i32
      %dma_start3A_99 = arith.constant 0 : i32
      %dma_start3A_100 = tpu.memref_slice %arg2[%dma_start3A_98, %dma_start3A_99] : memref<10000x64xf32, #tpu.memory_space<hbm>> -> memref<10000x64xf32, #tpu.memory_space<hbm>>
      tpu.enqueue_indirect_dma source(%dma_start3A_100 : memref<10000x64xf32, #tpu.memory_space<hbm>>) target(%dma_start3A_94 : memref<64x64xf32, #tpu.memory_space<vmem>>) offsets(%dma_start3A_97 : memref<64xi32, #tpu.memory_space<vmem>>) semaphore(%arg15 : memref<!tpu.dma_semaphore, #tpu.memory_space<semaphore_mem>>)
      %dma_start3A_101 = arith.constant 1 : i32
      %dma_start3A_102 = arith.constant 64 : i32
      %dma_start3A_103 = arith.constant 0 : i32
      %dma_start3A_104 = tpu.memref_slice %arg9[%dma_start3A_102, %dma_start3A_103] : memref<128x64xf32, #tpu.memory_space<vmem>> -> memref<64x64xf32, #tpu.memory_space<vmem>>
      %dma_start3A_105 = arith.constant 0 : i32
      %dma_start3A_106 = tpu.memref_slice %arg7[%dma_start3A_101, %dma_start3A_105] : memref<320x64xi32, #tpu.memory_space<vmem>> -> memref<1x64xi32, #tpu.memory_space<vmem>>
      %dma_start3A_107 = tpu.memref_squeeze %dma_start3A_106 : memref<1x64xi32, #tpu.memory_space<vmem>> -> memref<64xi32, #tpu.memory_space<vmem>>
      %dma_start3A_108 = arith.constant 0 : i32
      %dma_start3A_109 = arith.constant 0 : i32
      %dma_start3A_110 = tpu.memref_slice %arg2[%dma_start3A_108, %dma_start3A_109] : memref<10000x64xf32, #tpu.memory_space<hbm>> -> memref<10000x64xf32, #tpu.memory_space<hbm>>
      tpu.enqueue_indirect_dma source(%dma_start3A_110 : memref<10000x64xf32, #tpu.memory_space<hbm>>) target(%dma_start3A_104 : memref<64x64xf32, #tpu.memory_space<vmem>>) offsets(%dma_start3A_107 : memref<64xi32, #tpu.memory_space<vmem>>) semaphore(%arg15 : memref<!tpu.dma_semaphore, #tpu.memory_space<semaphore_mem>>)
      %dma_start3A_111 = arith.constant 2 : i32
      %dma_start3A_112 = arith.constant 0 : i32
      %dma_start3A_113 = arith.constant 0 : i32
      %dma_start3A_114 = tpu.memref_slice %arg10[%dma_start3A_112, %dma_start3A_113] : memref<128x64xf32, #tpu.memory_space<vmem>> -> memref<64x64xf32, #tpu.memory_space<vmem>>
      %dma_start3A_115 = arith.constant 0 : i32
      %dma_start3A_116 = tpu.memref_slice %arg7[%dma_start3A_111, %dma_start3A_115] : memref<320x64xi32, #tpu.memory_space<vmem>> -> memref<1x64xi32, #tpu.memory_space<vmem>>
      %dma_start3A_117 = tpu.memref_squeeze %dma_start3A_116 : memref<1x64xi32, #tpu.memory_space<vmem>> -> memref<64xi32, #tpu.memory_space<vmem>>
      %dma_start3A_118 = arith.constant 0 : i32
      %dma_start3A_119 = arith.constant 0 : i32
      %dma_start3A_120 = tpu.memref_slice %arg2[%dma_start3A_118, %dma_start3A_119] : memref<10000x64xf32, #tpu.memory_space<hbm>> -> memref<10000x64xf32, #tpu.memory_space<hbm>>
      tpu.enqueue_indirect_dma source(%dma_start3A_120 : memref<10000x64xf32, #tpu.memory_space<hbm>>) target(%dma_start3A_114 : memref<64x64xf32, #tpu.memory_space<vmem>>) offsets(%dma_start3A_117 : memref<64xi32, #tpu.memory_space<vmem>>) semaphore(%arg15 : memref<!tpu.dma_semaphore, #tpu.memory_space<semaphore_mem>>)
      %dma_start3A_121 = arith.constant 3 : i32
      %dma_start3A_122 = arith.constant 64 : i32
      %dma_start3A_123 = arith.constant 0 : i32
      %dma_start3A_124 = tpu.memref_slice %arg10[%dma_start3A_122, %dma_start3A_123] : memref<128x64xf32, #tpu.memory_space<vmem>> -> memref<64x64xf32, #tpu.memory_space<vmem>>
      %dma_start3A_125 = arith.constant 0 : i32
      %dma_start3A_126 = tpu.memref_slice %arg7[%dma_start3A_121, %dma_start3A_125] : memref<320x64xi32, #tpu.memory_space<vmem>> -> memref<1x64xi32, #tpu.memory_space<vmem>>
      %dma_start3A_127 = tpu.memref_squeeze %dma_start3A_126 : memref<1x64xi32, #tpu.memory_space<vmem>> -> memref<64xi32, #tpu.memory_space<vmem>>
      %dma_start3A_128 = arith.constant 0 : i32
      %dma_start3A_129 = arith.constant 0 : i32
      %dma_start3A_130 = tpu.memref_slice %arg2[%dma_start3A_128, %dma_start3A_129] : memref<10000x64xf32, #tpu.memory_space<hbm>> -> memref<10000x64xf32, #tpu.memory_space<hbm>>
      tpu.enqueue_indirect_dma source(%dma_start3A_130 : memref<10000x64xf32, #tpu.memory_space<hbm>>) target(%dma_start3A_124 : memref<64x64xf32, #tpu.memory_space<vmem>>) offsets(%dma_start3A_127 : memref<64xi32, #tpu.memory_space<vmem>>) semaphore(%arg15 : memref<!tpu.dma_semaphore, #tpu.memory_space<semaphore_mem>>)
      %dma_start3A_131 = arith.constant 4 : i32
      %dma_start3A_132 = arith.constant 0 : i32
      %dma_start3A_133 = arith.constant 0 : i32
      %dma_start3A_134 = tpu.memref_slice %arg11[%dma_start3A_132, %dma_start3A_133] : memref<128x64xf32, #tpu.memory_space<vmem>> -> memref<64x64xf32, #tpu.memory_space<vmem>>
      %dma_start3A_135 = arith.constant 0 : i32
      %dma_start3A_136 = tpu.memref_slice %arg7[%dma_start3A_131, %dma_start3A_135] : memref<320x64xi32, #tpu.memory_space<vmem>> -> memref<1x64xi32, #tpu.memory_space<vmem>>
      %dma_start3A_137 = tpu.memref_squeeze %dma_start3A_136 : memref<1x64xi32, #tpu.memory_space<vmem>> -> memref<64xi32, #tpu.memory_space<vmem>>
      %dma_start3A_138 = arith.constant 0 : i32
      %dma_start3A_139 = arith.constant 0 : i32
      %dma_start3A_140 = tpu.memref_slice %arg2[%dma_start3A_138, %dma_start3A_139] : memref<10000x64xf32, #tpu.memory_space<hbm>> -> memref<10000x64xf32, #tpu.memory_space<hbm>>
      tpu.enqueue_indirect_dma source(%dma_start3A_140 : memref<10000x64xf32, #tpu.memory_space<hbm>>) target(%dma_start3A_134 : memref<64x64xf32, #tpu.memory_space<vmem>>) offsets(%dma_start3A_137 : memref<64xi32, #tpu.memory_space<vmem>>) semaphore(%arg15 : memref<!tpu.dma_semaphore, #tpu.memory_space<semaphore_mem>>)
      %dma_start3A_141 = arith.constant 5 : i32
      %dma_start3A_142 = arith.constant 64 : i32
      %dma_start3A_143 = arith.constant 0 : i32
      %dma_start3A_144 = tpu.memref_slice %arg11[%dma_start3A_142, %dma_start3A_143] : memref<128x64xf32, #tpu.memory_space<vmem>> -> memref<64x64xf32, #tpu.memory_space<vmem>>
      %dma_start3A_145 = arith.constant 0 : i32
      %dma_start3A_146 = tpu.memref_slice %arg7[%dma_start3A_141, %dma_start3A_145] : memref<320x64xi32, #tpu.memory_space<vmem>> -> memref<1x64xi32, #tpu.memory_space<vmem>>
      %dma_start3A_147 = tpu.memref_squeeze %dma_start3A_146 : memref<1x64xi32, #tpu.memory_space<vmem>> -> memref<64xi32, #tpu.memory_space<vmem>>
      %dma_start3A_148 = arith.constant 0 : i32
      %dma_start3A_149 = arith.constant 0 : i32
      %dma_start3A_150 = tpu.memref_slice %arg2[%dma_start3A_148, %dma_start3A_149] : memref<10000x64xf32, #tpu.memory_space<hbm>> -> memref<10000x64xf32, #tpu.memory_space<hbm>>
      tpu.enqueue_indirect_dma source(%dma_start3A_150 : memref<10000x64xf32, #tpu.memory_space<hbm>>) target(%dma_start3A_144 : memref<64x64xf32, #tpu.memory_space<vmem>>) offsets(%dma_start3A_147 : memref<64xi32, #tpu.memory_space<vmem>>) semaphore(%arg15 : memref<!tpu.dma_semaphore, #tpu.memory_space<semaphore_mem>>)
      %dma_start3A_151 = arith.constant 6 : i32
      %dma_start3A_152 = arith.constant 0 : i32
      %dma_start3A_153 = arith.constant 0 : i32
      %dma_start3A_154 = tpu.memref_slice %arg12[%dma_start3A_152, %dma_start3A_153] : memref<128x64xf32, #tpu.memory_space<vmem>> -> memref<64x64xf32, #tpu.memory_space<vmem>>
      %dma_start3A_155 = arith.constant 0 : i32
      %dma_start3A_156 = tpu.memref_slice %arg7[%dma_start3A_151, %dma_start3A_155] : memref<320x64xi32, #tpu.memory_space<vmem>> -> memref<1x64xi32, #tpu.memory_space<vmem>>
      %dma_start3A_157 = tpu.memref_squeeze %dma_start3A_156 : memref<1x64xi32, #tpu.memory_space<vmem>> -> memref<64xi32, #tpu.memory_space<vmem>>
      %dma_start3A_158 = arith.constant 0 : i32
      %dma_start3A_159 = arith.constant 0 : i32
      %dma_start3A_160 = tpu.memref_slice %arg2[%dma_start3A_158, %dma_start3A_159] : memref<10000x64xf32, #tpu.memory_space<hbm>> -> memref<10000x64xf32, #tpu.memory_space<hbm>>
      tpu.enqueue_indirect_dma source(%dma_start3A_160 : memref<10000x64xf32, #tpu.memory_space<hbm>>) target(%dma_start3A_154 : memref<64x64xf32, #tpu.memory_space<vmem>>) offsets(%dma_start3A_157 : memref<64xi32, #tpu.memory_space<vmem>>) semaphore(%arg15 : memref<!tpu.dma_semaphore, #tpu.memory_space<semaphore_mem>>)
      %dma_start3A_161 = arith.constant 7 : i32
      %dma_start3A_162 = arith.constant 64 : i32
      %dma_start3A_163 = arith.constant 0 : i32
      %dma_start3A_164 = tpu.memref_slice %arg12[%dma_start3A_162, %dma_start3A_163] : memref<128x64xf32, #tpu.memory_space<vmem>> -> memref<64x64xf32, #tpu.memory_space<vmem>>
      %dma_start3A_165 = arith.constant 0 : i32
      %dma_start3A_166 = tpu.memref_slice %arg7[%dma_start3A_161, %dma_start3A_165] : memref<320x64xi32, #tpu.memory_space<vmem>> -> memref<1x64xi32, #tpu.memory_space<vmem>>
      %dma_start3A_167 = tpu.memref_squeeze %dma_start3A_166 : memref<1x64xi32, #tpu.memory_space<vmem>> -> memref<64xi32, #tpu.memory_space<vmem>>
      %dma_start3A_168 = arith.constant 0 : i32
      %dma_start3A_169 = arith.constant 0 : i32
      %dma_start3A_170 = tpu.memref_slice %arg2[%dma_start3A_168, %dma_start3A_169] : memref<10000x64xf32, #tpu.memory_space<hbm>> -> memref<10000x64xf32, #tpu.memory_space<hbm>>
      tpu.enqueue_indirect_dma source(%dma_start3A_170 : memref<10000x64xf32, #tpu.memory_space<hbm>>) target(%dma_start3A_164 : memref<64x64xf32, #tpu.memory_space<vmem>>) offsets(%dma_start3A_167 : memref<64xi32, #tpu.memory_space<vmem>>) semaphore(%arg15 : memref<!tpu.dma_semaphore, #tpu.memory_space<semaphore_mem>>)
      %scan3A_171 = arith.constant 0 : i32
      %scan3A_172 = arith.constant 0 : i32
      %scan3A_173 = arith.constant 40 : i32
      %scan3A_174 = arith.addi %scan3A_172, %scan3A_173 : i32
      %scan3A_175 = arith.constant 1 : i32
      scf.for %scan3A_177 = %scan3A_172 to %scan3A_174 step %scan3A_175  : i32 {
        %mul3A_178 = arith.constant 2 : i32
        %mul3A_179 = arith.muli %mul3A_178, %scan3A_177 : i32
        %mul3A_180 = arith.constant 2 : i32
        %mul3A_181 = arith.muli %mul3A_180, %scan3A_177 : i32
        %add3A_182 = arith.constant 1 : i32
        %add3A_183 = arith.addi %mul3A_181, %add3A_182 : i32
        %mul3A_184 = arith.constant 2 : i32
        %mul3A_185 = arith.muli %mul3A_179, %mul3A_184 : i32
        %add3A_186 = arith.constant 0 : i32
        %add3A_187 = arith.addi %mul3A_185, %add3A_186 : i32
        %mul3A_188 = arith.constant 2 : i32
        %mul3A_189 = arith.muli %add3A_187, %mul3A_188 : i32
        %add3A_190 = arith.constant 0 : i32
        %add3A_191 = arith.addi %mul3A_189, %add3A_190 : i32
        %dma_wait3A = arith.constant 0 : i32
        %dma_wait3A_192 = arith.constant 0 : i32
        %dma_wait3A_193 = tpu.memref_slice %arg9[%dma_wait3A, %dma_wait3A_192] : memref<128x64xf32, #tpu.memory_space<vmem>> -> memref<64x64xf32, #tpu.memory_space<vmem>>
        %dma_wait3A_194 = arith.constant 0 : i32
        %dma_wait3A_195 = tpu.memref_slice %arg7[%add3A_191, %dma_wait3A_194] : memref<320x64xi32, #tpu.memory_space<vmem>> -> memref<1x64xi32, #tpu.memory_space<vmem>>
        %dma_wait3A_196 = tpu.memref_squeeze %dma_wait3A_195 : memref<1x64xi32, #tpu.memory_space<vmem>> -> memref<64xi32, #tpu.memory_space<vmem>>
        %dma_wait3A_197 = arith.constant 0 : i32
        %dma_wait3A_198 = arith.constant 0 : i32
        %dma_wait3A_199 = tpu.memref_slice %arg2[%dma_wait3A_197, %dma_wait3A_198] : memref<10000x64xf32, #tpu.memory_space<hbm>> -> memref<10000x64xf32, #tpu.memory_space<hbm>>
        tpu.wait_indirect_dma semaphore(%arg15 : memref<!tpu.dma_semaphore, #tpu.memory_space<semaphore_mem>>) src(%dma_wait3A_199 : memref<10000x64xf32, #tpu.memory_space<hbm>>) dst(%dma_wait3A_193 : memref<64x64xf32, #tpu.memory_space<vmem>>)
        %mul3A_200 = arith.constant 2 : i32
        %mul3A_201 = arith.muli %mul3A_179, %mul3A_200 : i32
        %add3A_202 = arith.constant 0 : i32
        %add3A_203 = arith.addi %mul3A_201, %add3A_202 : i32
        %mul3A_204 = arith.constant 2 : i32
        %mul3A_205 = arith.muli %add3A_203, %mul3A_204 : i32
        %add3A_206 = arith.constant 1 : i32
        %add3A_207 = arith.addi %mul3A_205, %add3A_206 : i32
        %dma_wait3A_208 = arith.constant 64 : i32
        %dma_wait3A_209 = arith.constant 0 : i32
        %dma_wait3A_210 = tpu.memref_slice %arg9[%dma_wait3A_208, %dma_wait3A_209] : memref<128x64xf32, #tpu.memory_space<vmem>> -> memref<64x64xf32, #tpu.memory_space<vmem>>
        %dma_wait3A_211 = arith.constant 0 : i32
        %dma_wait3A_212 = tpu.memref_slice %arg7[%add3A_207, %dma_wait3A_211] : memref<320x64xi32, #tpu.memory_space<vmem>> -> memref<1x64xi32, #tpu.memory_space<vmem>>
        %dma_wait3A_213 = tpu.memref_squeeze %dma_wait3A_212 : memref<1x64xi32, #tpu.memory_space<vmem>> -> memref<64xi32, #tpu.memory_space<vmem>>
        %dma_wait3A_214 = arith.constant 0 : i32
        %dma_wait3A_215 = arith.constant 0 : i32
        %dma_wait3A_216 = tpu.memref_slice %arg2[%dma_wait3A_214, %dma_wait3A_215] : memref<10000x64xf32, #tpu.memory_space<hbm>> -> memref<10000x64xf32, #tpu.memory_space<hbm>>
        tpu.wait_indirect_dma semaphore(%arg15 : memref<!tpu.dma_semaphore, #tpu.memory_space<semaphore_mem>>) src(%dma_wait3A_216 : memref<10000x64xf32, #tpu.memory_space<hbm>>) dst(%dma_wait3A_210 : memref<64x64xf32, #tpu.memory_space<vmem>>)
        %mul3A_217 = arith.constant 2 : i32
        %mul3A_218 = arith.muli %mul3A_179, %mul3A_217 : i32
        %add3A_219 = arith.constant 1 : i32
        %add3A_220 = arith.addi %mul3A_218, %add3A_219 : i32
        %mul3A_221 = arith.constant 2 : i32
        %mul3A_222 = arith.muli %add3A_220, %mul3A_221 : i32
        %add3A_223 = arith.constant 0 : i32
        %add3A_224 = arith.addi %mul3A_222, %add3A_223 : i32
        %dma_wait3A_225 = arith.constant 0 : i32
        %dma_wait3A_226 = arith.constant 0 : i32
        %dma_wait3A_227 = tpu.memref_slice %arg10[%dma_wait3A_225, %dma_wait3A_226] : memref<128x64xf32, #tpu.memory_space<vmem>> -> memref<64x64xf32, #tpu.memory_space<vmem>>
        %dma_wait3A_228 = arith.constant 0 : i32
        %dma_wait3A_229 = tpu.memref_slice %arg7[%add3A_224, %dma_wait3A_228] : memref<320x64xi32, #tpu.memory_space<vmem>> -> memref<1x64xi32, #tpu.memory_space<vmem>>
        %dma_wait3A_230 = tpu.memref_squeeze %dma_wait3A_229 : memref<1x64xi32, #tpu.memory_space<vmem>> -> memref<64xi32, #tpu.memory_space<vmem>>
        %dma_wait3A_231 = arith.constant 0 : i32
        %dma_wait3A_232 = arith.constant 0 : i32
        %dma_wait3A_233 = tpu.memref_slice %arg2[%dma_wait3A_231, %dma_wait3A_232] : memref<10000x64xf32, #tpu.memory_space<hbm>> -> memref<10000x64xf32, #tpu.memory_space<hbm>>
        tpu.wait_indirect_dma semaphore(%arg15 : memref<!tpu.dma_semaphore, #tpu.memory_space<semaphore_mem>>) src(%dma_wait3A_233 : memref<10000x64xf32, #tpu.memory_space<hbm>>) dst(%dma_wait3A_227 : memref<64x64xf32, #tpu.memory_space<vmem>>)
        %mul3A_234 = arith.constant 2 : i32
        %mul3A_235 = arith.muli %mul3A_179, %mul3A_234 : i32
        %add3A_236 = arith.constant 1 : i32
        %add3A_237 = arith.addi %mul3A_235, %add3A_236 : i32
        %mul3A_238 = arith.constant 2 : i32
        %mul3A_239 = arith.muli %add3A_237, %mul3A_238 : i32
        %add3A_240 = arith.constant 1 : i32
        %add3A_241 = arith.addi %mul3A_239, %add3A_240 : i32
        %dma_wait3A_242 = arith.constant 64 : i32
        %dma_wait3A_243 = arith.constant 0 : i32
        %dma_wait3A_244 = tpu.memref_slice %arg10[%dma_wait3A_242, %dma_wait3A_243] : memref<128x64xf32, #tpu.memory_space<vmem>> -> memref<64x64xf32, #tpu.memory_space<vmem>>
        %dma_wait3A_245 = arith.constant 0 : i32
        %dma_wait3A_246 = tpu.memref_slice %arg7[%add3A_241, %dma_wait3A_245] : memref<320x64xi32, #tpu.memory_space<vmem>> -> memref<1x64xi32, #tpu.memory_space<vmem>>
        %dma_wait3A_247 = tpu.memref_squeeze %dma_wait3A_246 : memref<1x64xi32, #tpu.memory_space<vmem>> -> memref<64xi32, #tpu.memory_space<vmem>>
        %dma_wait3A_248 = arith.constant 0 : i32
        %dma_wait3A_249 = arith.constant 0 : i32
        %dma_wait3A_250 = tpu.memref_slice %arg2[%dma_wait3A_248, %dma_wait3A_249] : memref<10000x64xf32, #tpu.memory_space<hbm>> -> memref<10000x64xf32, #tpu.memory_space<hbm>>
        tpu.wait_indirect_dma semaphore(%arg15 : memref<!tpu.dma_semaphore, #tpu.memory_space<semaphore_mem>>) src(%dma_wait3A_250 : memref<10000x64xf32, #tpu.memory_space<hbm>>) dst(%dma_wait3A_244 : memref<64x64xf32, #tpu.memory_space<vmem>>)
        %mul3A_251 = arith.constant 2 : i32
        %mul3A_252 = arith.muli %mul3A_179, %mul3A_251 : i32
        %add3A_253 = arith.constant 0 : i32
        %add3A_254 = arith.addi %mul3A_252, %add3A_253 : i32
        %dma_start3A_255 = arith.constant 0 : i32
        %dma_start3A_256 = tpu.memref_slice %arg8[%add3A_254, %dma_start3A_255] : memref<160x128xi32, #tpu.memory_space<vmem>> -> memref<1x128xi32, #tpu.memory_space<vmem>>
        %dma_start3A_257 = tpu.memref_squeeze %dma_start3A_256 : memref<1x128xi32, #tpu.memory_space<vmem>> -> memref<128xi32, #tpu.memory_space<vmem>>
        %dma_start3A_258 = arith.constant 0 : i32
        %dma_start3A_259 = arith.constant 0 : i32
        %dma_start3A_260 = tpu.memref_slice %arg14[%dma_start3A_258, %dma_start3A_259] : memref<10240x64xf32, #tpu.memory_space<vmem_shared>> -> memref<10240x64xf32, #tpu.memory_space<vmem_shared>>
        tpu.enqueue_indirect_dma source(%arg9 : memref<128x64xf32, #tpu.memory_space<vmem>>) target(%dma_start3A_260 : memref<10240x64xf32, #tpu.memory_space<vmem_shared>>) offsets(%dma_start3A_257 : memref<128xi32, #tpu.memory_space<vmem>>) semaphore(%arg16 : memref<!tpu.dma_semaphore, #tpu.memory_space<semaphore_mem>>) {add = true}
        %mul3A_261 = arith.constant 2 : i32
        %mul3A_262 = arith.muli %mul3A_179, %mul3A_261 : i32
        %add3A_263 = arith.constant 1 : i32
        %add3A_264 = arith.addi %mul3A_262, %add3A_263 : i32
        %dma_start3A_265 = arith.constant 0 : i32
        %dma_start3A_266 = tpu.memref_slice %arg8[%add3A_264, %dma_start3A_265] : memref<160x128xi32, #tpu.memory_space<vmem>> -> memref<1x128xi32, #tpu.memory_space<vmem>>
        %dma_start3A_267 = tpu.memref_squeeze %dma_start3A_266 : memref<1x128xi32, #tpu.memory_space<vmem>> -> memref<128xi32, #tpu.memory_space<vmem>>
        %dma_start3A_268 = arith.constant 0 : i32
        %dma_start3A_269 = arith.constant 0 : i32
        %dma_start3A_270 = tpu.memref_slice %arg14[%dma_start3A_268, %dma_start3A_269] : memref<10240x64xf32, #tpu.memory_space<vmem_shared>> -> memref<10240x64xf32, #tpu.memory_space<vmem_shared>>
        tpu.enqueue_indirect_dma source(%arg10 : memref<128x64xf32, #tpu.memory_space<vmem>>) target(%dma_start3A_270 : memref<10240x64xf32, #tpu.memory_space<vmem_shared>>) offsets(%dma_start3A_267 : memref<128xi32, #tpu.memory_space<vmem>>) semaphore(%arg16 : memref<!tpu.dma_semaphore, #tpu.memory_space<semaphore_mem>>) {add = true}
        %mul3A_271 = arith.constant 2 : i32
        %mul3A_272 = arith.muli %add3A_183, %mul3A_271 : i32
        %add3A_273 = arith.constant 0 : i32
        %add3A_274 = arith.addi %mul3A_272, %add3A_273 : i32
        %mul3A_275 = arith.constant 2 : i32
        %mul3A_276 = arith.muli %add3A_274, %mul3A_275 : i32
        %add3A_277 = arith.constant 0 : i32
        %add3A_278 = arith.addi %mul3A_276, %add3A_277 : i32
        %dma_wait3A_279 = arith.constant 0 : i32
        %dma_wait3A_280 = arith.constant 0 : i32
        %dma_wait3A_281 = tpu.memref_slice %arg11[%dma_wait3A_279, %dma_wait3A_280] : memref<128x64xf32, #tpu.memory_space<vmem>> -> memref<64x64xf32, #tpu.memory_space<vmem>>
        %dma_wait3A_282 = arith.constant 0 : i32
        %dma_wait3A_283 = tpu.memref_slice %arg7[%add3A_278, %dma_wait3A_282] : memref<320x64xi32, #tpu.memory_space<vmem>> -> memref<1x64xi32, #tpu.memory_space<vmem>>
        %dma_wait3A_284 = tpu.memref_squeeze %dma_wait3A_283 : memref<1x64xi32, #tpu.memory_space<vmem>> -> memref<64xi32, #tpu.memory_space<vmem>>
        %dma_wait3A_285 = arith.constant 0 : i32
        %dma_wait3A_286 = arith.constant 0 : i32
        %dma_wait3A_287 = tpu.memref_slice %arg2[%dma_wait3A_285, %dma_wait3A_286] : memref<10000x64xf32, #tpu.memory_space<hbm>> -> memref<10000x64xf32, #tpu.memory_space<hbm>>
        tpu.wait_indirect_dma semaphore(%arg15 : memref<!tpu.dma_semaphore, #tpu.memory_space<semaphore_mem>>) src(%dma_wait3A_287 : memref<10000x64xf32, #tpu.memory_space<hbm>>) dst(%dma_wait3A_281 : memref<64x64xf32, #tpu.memory_space<vmem>>)
        %mul3A_288 = arith.constant 2 : i32
        %mul3A_289 = arith.muli %add3A_183, %mul3A_288 : i32
        %add3A_290 = arith.constant 0 : i32
        %add3A_291 = arith.addi %mul3A_289, %add3A_290 : i32
        %mul3A_292 = arith.constant 2 : i32
        %mul3A_293 = arith.muli %add3A_291, %mul3A_292 : i32
        %add3A_294 = arith.constant 1 : i32
        %add3A_295 = arith.addi %mul3A_293, %add3A_294 : i32
        %dma_wait3A_296 = arith.constant 64 : i32
        %dma_wait3A_297 = arith.constant 0 : i32
        %dma_wait3A_298 = tpu.memref_slice %arg11[%dma_wait3A_296, %dma_wait3A_297] : memref<128x64xf32, #tpu.memory_space<vmem>> -> memref<64x64xf32, #tpu.memory_space<vmem>>
        %dma_wait3A_299 = arith.constant 0 : i32
        %dma_wait3A_300 = tpu.memref_slice %arg7[%add3A_295, %dma_wait3A_299] : memref<320x64xi32, #tpu.memory_space<vmem>> -> memref<1x64xi32, #tpu.memory_space<vmem>>
        %dma_wait3A_301 = tpu.memref_squeeze %dma_wait3A_300 : memref<1x64xi32, #tpu.memory_space<vmem>> -> memref<64xi32, #tpu.memory_space<vmem>>
        %dma_wait3A_302 = arith.constant 0 : i32
        %dma_wait3A_303 = arith.constant 0 : i32
        %dma_wait3A_304 = tpu.memref_slice %arg2[%dma_wait3A_302, %dma_wait3A_303] : memref<10000x64xf32, #tpu.memory_space<hbm>> -> memref<10000x64xf32, #tpu.memory_space<hbm>>
        tpu.wait_indirect_dma semaphore(%arg15 : memref<!tpu.dma_semaphore, #tpu.memory_space<semaphore_mem>>) src(%dma_wait3A_304 : memref<10000x64xf32, #tpu.memory_space<hbm>>) dst(%dma_wait3A_298 : memref<64x64xf32, #tpu.memory_space<vmem>>)
        %mul3A_305 = arith.constant 2 : i32
        %mul3A_306 = arith.muli %add3A_183, %mul3A_305 : i32
        %add3A_307 = arith.constant 1 : i32
        %add3A_308 = arith.addi %mul3A_306, %add3A_307 : i32
        %mul3A_309 = arith.constant 2 : i32
        %mul3A_310 = arith.muli %add3A_308, %mul3A_309 : i32
        %add3A_311 = arith.constant 0 : i32
        %add3A_312 = arith.addi %mul3A_310, %add3A_311 : i32
        %dma_wait3A_313 = arith.constant 0 : i32
        %dma_wait3A_314 = arith.constant 0 : i32
        %dma_wait3A_315 = tpu.memref_slice %arg12[%dma_wait3A_313, %dma_wait3A_314] : memref<128x64xf32, #tpu.memory_space<vmem>> -> memref<64x64xf32, #tpu.memory_space<vmem>>
        %dma_wait3A_316 = arith.constant 0 : i32
        %dma_wait3A_317 = tpu.memref_slice %arg7[%add3A_312, %dma_wait3A_316] : memref<320x64xi32, #tpu.memory_space<vmem>> -> memref<1x64xi32, #tpu.memory_space<vmem>>
        %dma_wait3A_318 = tpu.memref_squeeze %dma_wait3A_317 : memref<1x64xi32, #tpu.memory_space<vmem>> -> memref<64xi32, #tpu.memory_space<vmem>>
        %dma_wait3A_319 = arith.constant 0 : i32
        %dma_wait3A_320 = arith.constant 0 : i32
        %dma_wait3A_321 = tpu.memref_slice %arg2[%dma_wait3A_319, %dma_wait3A_320] : memref<10000x64xf32, #tpu.memory_space<hbm>> -> memref<10000x64xf32, #tpu.memory_space<hbm>>
        tpu.wait_indirect_dma semaphore(%arg15 : memref<!tpu.dma_semaphore, #tpu.memory_space<semaphore_mem>>) src(%dma_wait3A_321 : memref<10000x64xf32, #tpu.memory_space<hbm>>) dst(%dma_wait3A_315 : memref<64x64xf32, #tpu.memory_space<vmem>>)
        %mul3A_322 = arith.constant 2 : i32
        %mul3A_323 = arith.muli %add3A_183, %mul3A_322 : i32
        %add3A_324 = arith.constant 1 : i32
        %add3A_325 = arith.addi %mul3A_323, %add3A_324 : i32
        %mul3A_326 = arith.constant 2 : i32
        %mul3A_327 = arith.muli %add3A_325, %mul3A_326 : i32
        %add3A_328 = arith.constant 1 : i32
        %add3A_329 = arith.addi %mul3A_327, %add3A_328 : i32
        %dma_wait3A_330 = arith.constant 64 : i32
        %dma_wait3A_331 = arith.constant 0 : i32
        %dma_wait3A_332 = tpu.memref_slice %arg12[%dma_wait3A_330, %dma_wait3A_331] : memref<128x64xf32, #tpu.memory_space<vmem>> -> memref<64x64xf32, #tpu.memory_space<vmem>>
        %dma_wait3A_333 = arith.constant 0 : i32
        %dma_wait3A_334 = tpu.memref_slice %arg7[%add3A_329, %dma_wait3A_333] : memref<320x64xi32, #tpu.memory_space<vmem>> -> memref<1x64xi32, #tpu.memory_space<vmem>>
        %dma_wait3A_335 = tpu.memref_squeeze %dma_wait3A_334 : memref<1x64xi32, #tpu.memory_space<vmem>> -> memref<64xi32, #tpu.memory_space<vmem>>
        %dma_wait3A_336 = arith.constant 0 : i32
        %dma_wait3A_337 = arith.constant 0 : i32
        %dma_wait3A_338 = tpu.memref_slice %arg2[%dma_wait3A_336, %dma_wait3A_337] : memref<10000x64xf32, #tpu.memory_space<hbm>> -> memref<10000x64xf32, #tpu.memory_space<hbm>>
        tpu.wait_indirect_dma semaphore(%arg15 : memref<!tpu.dma_semaphore, #tpu.memory_space<semaphore_mem>>) src(%dma_wait3A_338 : memref<10000x64xf32, #tpu.memory_space<hbm>>) dst(%dma_wait3A_332 : memref<64x64xf32, #tpu.memory_space<vmem>>)
        %mul3A_339 = arith.constant 2 : i32
        %mul3A_340 = arith.muli %add3A_183, %mul3A_339 : i32
        %add3A_341 = arith.constant 0 : i32
        %add3A_342 = arith.addi %mul3A_340, %add3A_341 : i32
        %dma_start3A_343 = arith.constant 0 : i32
        %dma_start3A_344 = tpu.memref_slice %arg8[%add3A_342, %dma_start3A_343] : memref<160x128xi32, #tpu.memory_space<vmem>> -> memref<1x128xi32, #tpu.memory_space<vmem>>
        %dma_start3A_345 = tpu.memref_squeeze %dma_start3A_344 : memref<1x128xi32, #tpu.memory_space<vmem>> -> memref<128xi32, #tpu.memory_space<vmem>>
        %dma_start3A_346 = arith.constant 0 : i32
        %dma_start3A_347 = arith.constant 0 : i32
        %dma_start3A_348 = tpu.memref_slice %arg14[%dma_start3A_346, %dma_start3A_347] : memref<10240x64xf32, #tpu.memory_space<vmem_shared>> -> memref<10240x64xf32, #tpu.memory_space<vmem_shared>>
        tpu.enqueue_indirect_dma source(%arg11 : memref<128x64xf32, #tpu.memory_space<vmem>>) target(%dma_start3A_348 : memref<10240x64xf32, #tpu.memory_space<vmem_shared>>) offsets(%dma_start3A_345 : memref<128xi32, #tpu.memory_space<vmem>>) semaphore(%arg16 : memref<!tpu.dma_semaphore, #tpu.memory_space<semaphore_mem>>) {add = true}
        %mul3A_349 = arith.constant 2 : i32
        %mul3A_350 = arith.muli %add3A_183, %mul3A_349 : i32
        %add3A_351 = arith.constant 1 : i32
        %add3A_352 = arith.addi %mul3A_350, %add3A_351 : i32
        %dma_start3A_353 = arith.constant 0 : i32
        %dma_start3A_354 = tpu.memref_slice %arg8[%add3A_352, %dma_start3A_353] : memref<160x128xi32, #tpu.memory_space<vmem>> -> memref<1x128xi32, #tpu.memory_space<vmem>>
        %dma_start3A_355 = tpu.memref_squeeze %dma_start3A_354 : memref<1x128xi32, #tpu.memory_space<vmem>> -> memref<128xi32, #tpu.memory_space<vmem>>
        %dma_start3A_356 = arith.constant 0 : i32
        %dma_start3A_357 = arith.constant 0 : i32
        %dma_start3A_358 = tpu.memref_slice %arg14[%dma_start3A_356, %dma_start3A_357] : memref<10240x64xf32, #tpu.memory_space<vmem_shared>> -> memref<10240x64xf32, #tpu.memory_space<vmem_shared>>
        tpu.enqueue_indirect_dma source(%arg12 : memref<128x64xf32, #tpu.memory_space<vmem>>) target(%dma_start3A_358 : memref<10240x64xf32, #tpu.memory_space<vmem_shared>>) offsets(%dma_start3A_355 : memref<128xi32, #tpu.memory_space<vmem>>) semaphore(%arg16 : memref<!tpu.dma_semaphore, #tpu.memory_space<semaphore_mem>>) {add = true}
        %mul3A_359 = arith.constant 2 : i32
        %mul3A_360 = arith.muli %mul3A_179, %mul3A_359 : i32
        %add3A_361 = arith.constant 0 : i32
        %add3A_362 = arith.addi %mul3A_360, %add3A_361 : i32
        %dma_wait3A_363 = arith.constant 0 : i32
        %dma_wait3A_364 = tpu.memref_slice %arg8[%add3A_362, %dma_wait3A_363] : memref<160x128xi32, #tpu.memory_space<vmem>> -> memref<1x128xi32, #tpu.memory_space<vmem>>
        %dma_wait3A_365 = tpu.memref_squeeze %dma_wait3A_364 : memref<1x128xi32, #tpu.memory_space<vmem>> -> memref<128xi32, #tpu.memory_space<vmem>>
        %dma_wait3A_366 = arith.constant 0 : i32
        %dma_wait3A_367 = arith.constant 0 : i32
        %dma_wait3A_368 = tpu.memref_slice %arg14[%dma_wait3A_366, %dma_wait3A_367] : memref<10240x64xf32, #tpu.memory_space<vmem_shared>> -> memref<10240x64xf32, #tpu.memory_space<vmem_shared>>
        tpu.wait_indirect_dma semaphore(%arg16 : memref<!tpu.dma_semaphore, #tpu.memory_space<semaphore_mem>>) src(%arg9 : memref<128x64xf32, #tpu.memory_space<vmem>>) dst(%dma_wait3A_368 : memref<10240x64xf32, #tpu.memory_space<vmem_shared>>)
        %mul3A_369 = arith.constant 2 : i32
        %mul3A_370 = arith.muli %mul3A_179, %mul3A_369 : i32
        %add3A_371 = arith.constant 1 : i32
        %add3A_372 = arith.addi %mul3A_370, %add3A_371 : i32
        %dma_wait3A_373 = arith.constant 0 : i32
        %dma_wait3A_374 = tpu.memref_slice %arg8[%add3A_372, %dma_wait3A_373] : memref<160x128xi32, #tpu.memory_space<vmem>> -> memref<1x128xi32, #tpu.memory_space<vmem>>
        %dma_wait3A_375 = tpu.memref_squeeze %dma_wait3A_374 : memref<1x128xi32, #tpu.memory_space<vmem>> -> memref<128xi32, #tpu.memory_space<vmem>>
        %dma_wait3A_376 = arith.constant 0 : i32
        %dma_wait3A_377 = arith.constant 0 : i32
        %dma_wait3A_378 = tpu.memref_slice %arg14[%dma_wait3A_376, %dma_wait3A_377] : memref<10240x64xf32, #tpu.memory_space<vmem_shared>> -> memref<10240x64xf32, #tpu.memory_space<vmem_shared>>
        tpu.wait_indirect_dma semaphore(%arg16 : memref<!tpu.dma_semaphore, #tpu.memory_space<semaphore_mem>>) src(%arg10 : memref<128x64xf32, #tpu.memory_space<vmem>>) dst(%dma_wait3A_378 : memref<10240x64xf32, #tpu.memory_space<vmem_shared>>)
        %add3A_379 = arith.constant 2 : i32
        %add3A_380 = arith.addi %mul3A_179, %add3A_379 : i32
        %lt3A = arith.constant 80 : i32
        %lt3A_381 = arith.cmpi slt, %add3A_380, %lt3A : i32
        %convert_element_type3A_382 = arith.extui %lt3A_381 : i1 to i32
        %cond3A_383 = arith.constant 0 : i32
        %cond3A_384 = arith.cmpi ne, %convert_element_type3A_382, %cond3A_383 : i32
        scf.if %cond3A_384 {
          %add3A_412 = arith.constant 2 : i32
          %add3A_413 = arith.addi %mul3A_179, %add3A_412 : i32
          %mul3A_414 = arith.constant 2 : i32
          %mul3A_415 = arith.muli %add3A_413, %mul3A_414 : i32
          %add3A_416 = arith.constant 0 : i32
          %add3A_417 = arith.addi %mul3A_415, %add3A_416 : i32
          %mul3A_418 = arith.constant 2 : i32
          %mul3A_419 = arith.muli %add3A_417, %mul3A_418 : i32
          %add3A_420 = arith.constant 0 : i32
          %add3A_421 = arith.addi %mul3A_419, %add3A_420 : i32
          %dma_start3A_422 = arith.constant 0 : i32
          %dma_start3A_423 = arith.constant 0 : i32
          %dma_start3A_424 = tpu.memref_slice %arg9[%dma_start3A_422, %dma_start3A_423] : memref<128x64xf32, #tpu.memory_space<vmem>> -> memref<64x64xf32, #tpu.memory_space<vmem>>
          %dma_start3A_425 = arith.constant 0 : i32
          %dma_start3A_426 = tpu.memref_slice %arg7[%add3A_421, %dma_start3A_425] : memref<320x64xi32, #tpu.memory_space<vmem>> -> memref<1x64xi32, #tpu.memory_space<vmem>>
          %dma_start3A_427 = tpu.memref_squeeze %dma_start3A_426 : memref<1x64xi32, #tpu.memory_space<vmem>> -> memref<64xi32, #tpu.memory_space<vmem>>
          %dma_start3A_428 = arith.constant 0 : i32
          %dma_start3A_429 = arith.constant 0 : i32
          %dma_start3A_430 = tpu.memref_slice %arg2[%dma_start3A_428, %dma_start3A_429] : memref<10000x64xf32, #tpu.memory_space<hbm>> -> memref<10000x64xf32, #tpu.memory_space<hbm>>
          tpu.enqueue_indirect_dma source(%dma_start3A_430 : memref<10000x64xf32, #tpu.memory_space<hbm>>) target(%dma_start3A_424 : memref<64x64xf32, #tpu.memory_space<vmem>>) offsets(%dma_start3A_427 : memref<64xi32, #tpu.memory_space<vmem>>) semaphore(%arg15 : memref<!tpu.dma_semaphore, #tpu.memory_space<semaphore_mem>>)
          %mul3A_431 = arith.constant 2 : i32
          %mul3A_432 = arith.muli %add3A_413, %mul3A_431 : i32
          %add3A_433 = arith.constant 0 : i32
          %add3A_434 = arith.addi %mul3A_432, %add3A_433 : i32
          %mul3A_435 = arith.constant 2 : i32
          %mul3A_436 = arith.muli %add3A_434, %mul3A_435 : i32
          %add3A_437 = arith.constant 1 : i32
          %add3A_438 = arith.addi %mul3A_436, %add3A_437 : i32
          %dma_start3A_439 = arith.constant 64 : i32
          %dma_start3A_440 = arith.constant 0 : i32
          %dma_start3A_441 = tpu.memref_slice %arg9[%dma_start3A_439, %dma_start3A_440] : memref<128x64xf32, #tpu.memory_space<vmem>> -> memref<64x64xf32, #tpu.memory_space<vmem>>
          %dma_start3A_442 = arith.constant 0 : i32
          %dma_start3A_443 = tpu.memref_slice %arg7[%add3A_438, %dma_start3A_442] : memref<320x64xi32, #tpu.memory_space<vmem>> -> memref<1x64xi32, #tpu.memory_space<vmem>>
          %dma_start3A_444 = tpu.memref_squeeze %dma_start3A_443 : memref<1x64xi32, #tpu.memory_space<vmem>> -> memref<64xi32, #tpu.memory_space<vmem>>
          %dma_start3A_445 = arith.constant 0 : i32
          %dma_start3A_446 = arith.constant 0 : i32
          %dma_start3A_447 = tpu.memref_slice %arg2[%dma_start3A_445, %dma_start3A_446] : memref<10000x64xf32, #tpu.memory_space<hbm>> -> memref<10000x64xf32, #tpu.memory_space<hbm>>
          tpu.enqueue_indirect_dma source(%dma_start3A_447 : memref<10000x64xf32, #tpu.memory_space<hbm>>) target(%dma_start3A_441 : memref<64x64xf32, #tpu.memory_space<vmem>>) offsets(%dma_start3A_444 : memref<64xi32, #tpu.memory_space<vmem>>) semaphore(%arg15 : memref<!tpu.dma_semaphore, #tpu.memory_space<semaphore_mem>>)
          %mul3A_448 = arith.constant 2 : i32
          %mul3A_449 = arith.muli %add3A_413, %mul3A_448 : i32
          %add3A_450 = arith.constant 1 : i32
          %add3A_451 = arith.addi %mul3A_449, %add3A_450 : i32
          %mul3A_452 = arith.constant 2 : i32
          %mul3A_453 = arith.muli %add3A_451, %mul3A_452 : i32
          %add3A_454 = arith.constant 0 : i32
          %add3A_455 = arith.addi %mul3A_453, %add3A_454 : i32
          %dma_start3A_456 = arith.constant 0 : i32
          %dma_start3A_457 = arith.constant 0 : i32
          %dma_start3A_458 = tpu.memref_slice %arg10[%dma_start3A_456, %dma_start3A_457] : memref<128x64xf32, #tpu.memory_space<vmem>> -> memref<64x64xf32, #tpu.memory_space<vmem>>
          %dma_start3A_459 = arith.constant 0 : i32
          %dma_start3A_460 = tpu.memref_slice %arg7[%add3A_455, %dma_start3A_459] : memref<320x64xi32, #tpu.memory_space<vmem>> -> memref<1x64xi32, #tpu.memory_space<vmem>>
          %dma_start3A_461 = tpu.memref_squeeze %dma_start3A_460 : memref<1x64xi32, #tpu.memory_space<vmem>> -> memref<64xi32, #tpu.memory_space<vmem>>
          %dma_start3A_462 = arith.constant 0 : i32
          %dma_start3A_463 = arith.constant 0 : i32
          %dma_start3A_464 = tpu.memref_slice %arg2[%dma_start3A_462, %dma_start3A_463] : memref<10000x64xf32, #tpu.memory_space<hbm>> -> memref<10000x64xf32, #tpu.memory_space<hbm>>
          tpu.enqueue_indirect_dma source(%dma_start3A_464 : memref<10000x64xf32, #tpu.memory_space<hbm>>) target(%dma_start3A_458 : memref<64x64xf32, #tpu.memory_space<vmem>>) offsets(%dma_start3A_461 : memref<64xi32, #tpu.memory_space<vmem>>) semaphore(%arg15 : memref<!tpu.dma_semaphore, #tpu.memory_space<semaphore_mem>>)
          %mul3A_465 = arith.constant 2 : i32
          %mul3A_466 = arith.muli %add3A_413, %mul3A_465 : i32
          %add3A_467 = arith.constant 1 : i32
          %add3A_468 = arith.addi %mul3A_466, %add3A_467 : i32
          %mul3A_469 = arith.constant 2 : i32
          %mul3A_470 = arith.muli %add3A_468, %mul3A_469 : i32
          %add3A_471 = arith.constant 1 : i32
          %add3A_472 = arith.addi %mul3A_470, %add3A_471 : i32
          %dma_start3A_473 = arith.constant 64 : i32
          %dma_start3A_474 = arith.constant 0 : i32
          %dma_start3A_475 = tpu.memref_slice %arg10[%dma_start3A_473, %dma_start3A_474] : memref<128x64xf32, #tpu.memory_space<vmem>> -> memref<64x64xf32, #tpu.memory_space<vmem>>
          %dma_start3A_476 = arith.constant 0 : i32
          %dma_start3A_477 = tpu.memref_slice %arg7[%add3A_472, %dma_start3A_476] : memref<320x64xi32, #tpu.memory_space<vmem>> -> memref<1x64xi32, #tpu.memory_space<vmem>>
          %dma_start3A_478 = tpu.memref_squeeze %dma_start3A_477 : memref<1x64xi32, #tpu.memory_space<vmem>> -> memref<64xi32, #tpu.memory_space<vmem>>
          %dma_start3A_479 = arith.constant 0 : i32
          %dma_start3A_480 = arith.constant 0 : i32
          %dma_start3A_481 = tpu.memref_slice %arg2[%dma_start3A_479, %dma_start3A_480] : memref<10000x64xf32, #tpu.memory_space<hbm>> -> memref<10000x64xf32, #tpu.memory_space<hbm>>
          tpu.enqueue_indirect_dma source(%dma_start3A_481 : memref<10000x64xf32, #tpu.memory_space<hbm>>) target(%dma_start3A_475 : memref<64x64xf32, #tpu.memory_space<vmem>>) offsets(%dma_start3A_478 : memref<64xi32, #tpu.memory_space<vmem>>) semaphore(%arg15 : memref<!tpu.dma_semaphore, #tpu.memory_space<semaphore_mem>>)
        } else {
        }
        %mul3A_385 = arith.constant 2 : i32
        %mul3A_386 = arith.muli %add3A_183, %mul3A_385 : i32
        %add3A_387 = arith.constant 0 : i32
        %add3A_388 = arith.addi %mul3A_386, %add3A_387 : i32
        %dma_wait3A_389 = arith.constant 0 : i32
        %dma_wait3A_390 = tpu.memref_slice %arg8[%add3A_388, %dma_wait3A_389] : memref<160x128xi32, #tpu.memory_space<vmem>> -> memref<1x128xi32, #tpu.memory_space<vmem>>
        %dma_wait3A_391 = tpu.memref_squeeze %dma_wait3A_390 : memref<1x128xi32, #tpu.memory_space<vmem>> -> memref<128xi32, #tpu.memory_space<vmem>>
        %dma_wait3A_392 = arith.constant 0 : i32
        %dma_wait3A_393 = arith.constant 0 : i32
        %dma_wait3A_394 = tpu.memref_slice %arg14[%dma_wait3A_392, %dma_wait3A_393] : memref<10240x64xf32, #tpu.memory_space<vmem_shared>> -> memref<10240x64xf32, #tpu.memory_space<vmem_shared>>
        tpu.wait_indirect_dma semaphore(%arg16 : memref<!tpu.dma_semaphore, #tpu.memory_space<semaphore_mem>>) src(%arg11 : memref<128x64xf32, #tpu.memory_space<vmem>>) dst(%dma_wait3A_394 : memref<10240x64xf32, #tpu.memory_space<vmem_shared>>)
        %mul3A_395 = arith.constant 2 : i32
        %mul3A_396 = arith.muli %add3A_183, %mul3A_395 : i32
        %add3A_397 = arith.constant 1 : i32
        %add3A_398 = arith.addi %mul3A_396, %add3A_397 : i32
        %dma_wait3A_399 = arith.constant 0 : i32
        %dma_wait3A_400 = tpu.memref_slice %arg8[%add3A_398, %dma_wait3A_399] : memref<160x128xi32, #tpu.memory_space<vmem>> -> memref<1x128xi32, #tpu.memory_space<vmem>>
        %dma_wait3A_401 = tpu.memref_squeeze %dma_wait3A_400 : memref<1x128xi32, #tpu.memory_space<vmem>> -> memref<128xi32, #tpu.memory_space<vmem>>
        %dma_wait3A_402 = arith.constant 0 : i32
        %dma_wait3A_403 = arith.constant 0 : i32
        %dma_wait3A_404 = tpu.memref_slice %arg14[%dma_wait3A_402, %dma_wait3A_403] : memref<10240x64xf32, #tpu.memory_space<vmem_shared>> -> memref<10240x64xf32, #tpu.memory_space<vmem_shared>>
        tpu.wait_indirect_dma semaphore(%arg16 : memref<!tpu.dma_semaphore, #tpu.memory_space<semaphore_mem>>) src(%arg12 : memref<128x64xf32, #tpu.memory_space<vmem>>) dst(%dma_wait3A_404 : memref<10240x64xf32, #tpu.memory_space<vmem_shared>>)
        %add3A_405 = arith.constant 2 : i32
        %add3A_406 = arith.addi %add3A_183, %add3A_405 : i32
        %lt3A_407 = arith.constant 80 : i32
        %lt3A_408 = arith.cmpi slt, %add3A_406, %lt3A_407 : i32
        %convert_element_type3A_409 = arith.extui %lt3A_408 : i1 to i32
        %cond3A_410 = arith.constant 0 : i32
        %cond3A_411 = arith.cmpi ne, %convert_element_type3A_409, %cond3A_410 : i32
        scf.if %cond3A_411 {
          %add3A_412 = arith.constant 2 : i32
          %add3A_413 = arith.addi %add3A_183, %add3A_412 : i32
          %mul3A_414 = arith.constant 2 : i32
          %mul3A_415 = arith.muli %add3A_413, %mul3A_414 : i32
          %add3A_416 = arith.constant 0 : i32
          %add3A_417 = arith.addi %mul3A_415, %add3A_416 : i32
          %mul3A_418 = arith.constant 2 : i32
          %mul3A_419 = arith.muli %add3A_417, %mul3A_418 : i32
          %add3A_420 = arith.constant 0 : i32
          %add3A_421 = arith.addi %mul3A_419, %add3A_420 : i32
          %dma_start3A_422 = arith.constant 0 : i32
          %dma_start3A_423 = arith.constant 0 : i32
          %dma_start3A_424 = tpu.memref_slice %arg11[%dma_start3A_422, %dma_start3A_423] : memref<128x64xf32, #tpu.memory_space<vmem>> -> memref<64x64xf32, #tpu.memory_space<vmem>>
          %dma_start3A_425 = arith.constant 0 : i32
          %dma_start3A_426 = tpu.memref_slice %arg7[%add3A_421, %dma_start3A_425] : memref<320x64xi32, #tpu.memory_space<vmem>> -> memref<1x64xi32, #tpu.memory_space<vmem>>
          %dma_start3A_427 = tpu.memref_squeeze %dma_start3A_426 : memref<1x64xi32, #tpu.memory_space<vmem>> -> memref<64xi32, #tpu.memory_space<vmem>>
          %dma_start3A_428 = arith.constant 0 : i32
          %dma_start3A_429 = arith.constant 0 : i32
          %dma_start3A_430 = tpu.memref_slice %arg2[%dma_start3A_428, %dma_start3A_429] : memref<10000x64xf32, #tpu.memory_space<hbm>> -> memref<10000x64xf32, #tpu.memory_space<hbm>>
          tpu.enqueue_indirect_dma source(%dma_start3A_430 : memref<10000x64xf32, #tpu.memory_space<hbm>>) target(%dma_start3A_424 : memref<64x64xf32, #tpu.memory_space<vmem>>) offsets(%dma_start3A_427 : memref<64xi32, #tpu.memory_space<vmem>>) semaphore(%arg15 : memref<!tpu.dma_semaphore, #tpu.memory_space<semaphore_mem>>)
          %mul3A_431 = arith.constant 2 : i32
          %mul3A_432 = arith.muli %add3A_413, %mul3A_431 : i32
          %add3A_433 = arith.constant 0 : i32
          %add3A_434 = arith.addi %mul3A_432, %add3A_433 : i32
          %mul3A_435 = arith.constant 2 : i32
          %mul3A_436 = arith.muli %add3A_434, %mul3A_435 : i32
          %add3A_437 = arith.constant 1 : i32
          %add3A_438 = arith.addi %mul3A_436, %add3A_437 : i32
          %dma_start3A_439 = arith.constant 64 : i32
          %dma_start3A_440 = arith.constant 0 : i32
          %dma_start3A_441 = tpu.memref_slice %arg11[%dma_start3A_439, %dma_start3A_440] : memref<128x64xf32, #tpu.memory_space<vmem>> -> memref<64x64xf32, #tpu.memory_space<vmem>>
          %dma_start3A_442 = arith.constant 0 : i32
          %dma_start3A_443 = tpu.memref_slice %arg7[%add3A_438, %dma_start3A_442] : memref<320x64xi32, #tpu.memory_space<vmem>> -> memref<1x64xi32, #tpu.memory_space<vmem>>
          %dma_start3A_444 = tpu.memref_squeeze %dma_start3A_443 : memref<1x64xi32, #tpu.memory_space<vmem>> -> memref<64xi32, #tpu.memory_space<vmem>>
          %dma_start3A_445 = arith.constant 0 : i32
          %dma_start3A_446 = arith.constant 0 : i32
          %dma_start3A_447 = tpu.memref_slice %arg2[%dma_start3A_445, %dma_start3A_446] : memref<10000x64xf32, #tpu.memory_space<hbm>> -> memref<10000x64xf32, #tpu.memory_space<hbm>>
          tpu.enqueue_indirect_dma source(%dma_start3A_447 : memref<10000x64xf32, #tpu.memory_space<hbm>>) target(%dma_start3A_441 : memref<64x64xf32, #tpu.memory_space<vmem>>) offsets(%dma_start3A_444 : memref<64xi32, #tpu.memory_space<vmem>>) semaphore(%arg15 : memref<!tpu.dma_semaphore, #tpu.memory_space<semaphore_mem>>)
          %mul3A_448 = arith.constant 2 : i32
          %mul3A_449 = arith.muli %add3A_413, %mul3A_448 : i32
          %add3A_450 = arith.constant 1 : i32
          %add3A_451 = arith.addi %mul3A_449, %add3A_450 : i32
          %mul3A_452 = arith.constant 2 : i32
          %mul3A_453 = arith.muli %add3A_451, %mul3A_452 : i32
          %add3A_454 = arith.constant 0 : i32
          %add3A_455 = arith.addi %mul3A_453, %add3A_454 : i32
          %dma_start3A_456 = arith.constant 0 : i32
          %dma_start3A_457 = arith.constant 0 : i32
          %dma_start3A_458 = tpu.memref_slice %arg12[%dma_start3A_456, %dma_start3A_457] : memref<128x64xf32, #tpu.memory_space<vmem>> -> memref<64x64xf32, #tpu.memory_space<vmem>>
          %dma_start3A_459 = arith.constant 0 : i32
          %dma_start3A_460 = tpu.memref_slice %arg7[%add3A_455, %dma_start3A_459] : memref<320x64xi32, #tpu.memory_space<vmem>> -> memref<1x64xi32, #tpu.memory_space<vmem>>
          %dma_start3A_461 = tpu.memref_squeeze %dma_start3A_460 : memref<1x64xi32, #tpu.memory_space<vmem>> -> memref<64xi32, #tpu.memory_space<vmem>>
          %dma_start3A_462 = arith.constant 0 : i32
          %dma_start3A_463 = arith.constant 0 : i32
          %dma_start3A_464 = tpu.memref_slice %arg2[%dma_start3A_462, %dma_start3A_463] : memref<10000x64xf32, #tpu.memory_space<hbm>> -> memref<10000x64xf32, #tpu.memory_space<hbm>>
          tpu.enqueue_indirect_dma source(%dma_start3A_464 : memref<10000x64xf32, #tpu.memory_space<hbm>>) target(%dma_start3A_458 : memref<64x64xf32, #tpu.memory_space<vmem>>) offsets(%dma_start3A_461 : memref<64xi32, #tpu.memory_space<vmem>>) semaphore(%arg15 : memref<!tpu.dma_semaphore, #tpu.memory_space<semaphore_mem>>)
          %mul3A_465 = arith.constant 2 : i32
          %mul3A_466 = arith.muli %add3A_413, %mul3A_465 : i32
          %add3A_467 = arith.constant 1 : i32
          %add3A_468 = arith.addi %mul3A_466, %add3A_467 : i32
          %mul3A_469 = arith.constant 2 : i32
          %mul3A_470 = arith.muli %add3A_468, %mul3A_469 : i32
          %add3A_471 = arith.constant 1 : i32
          %add3A_472 = arith.addi %mul3A_470, %add3A_471 : i32
          %dma_start3A_473 = arith.constant 64 : i32
          %dma_start3A_474 = arith.constant 0 : i32
          %dma_start3A_475 = tpu.memref_slice %arg12[%dma_start3A_473, %dma_start3A_474] : memref<128x64xf32, #tpu.memory_space<vmem>> -> memref<64x64xf32, #tpu.memory_space<vmem>>
          %dma_start3A_476 = arith.constant 0 : i32
          %dma_start3A_477 = tpu.memref_slice %arg7[%add3A_472, %dma_start3A_476] : memref<320x64xi32, #tpu.memory_space<vmem>> -> memref<1x64xi32, #tpu.memory_space<vmem>>
          %dma_start3A_478 = tpu.memref_squeeze %dma_start3A_477 : memref<1x64xi32, #tpu.memory_space<vmem>> -> memref<64xi32, #tpu.memory_space<vmem>>
          %dma_start3A_479 = arith.constant 0 : i32
          %dma_start3A_480 = arith.constant 0 : i32
          %dma_start3A_481 = tpu.memref_slice %arg2[%dma_start3A_479, %dma_start3A_480] : memref<10000x64xf32, #tpu.memory_space<hbm>> -> memref<10000x64xf32, #tpu.memory_space<hbm>>
          tpu.enqueue_indirect_dma source(%dma_start3A_481 : memref<10000x64xf32, #tpu.memory_space<hbm>>) target(%dma_start3A_475 : memref<64x64xf32, #tpu.memory_space<vmem>>) offsets(%dma_start3A_478 : memref<64xi32, #tpu.memory_space<vmem>>) semaphore(%arg15 : memref<!tpu.dma_semaphore, #tpu.memory_space<semaphore_mem>>)
        } else {
        }
      }
      %scan3A_176 = arith.constant 40 : i32
    } else {
    }
    %eq3A_31 = arith.constant 1 : i32
    %eq3A_32 = arith.cmpi eq, %arg0, %eq3A_31 : i32
    %convert_element_type3A_33 = arith.extui %eq3A_32 : i1 to i32
    %cond3A_34 = arith.constant 0 : i32
    %cond3A_35 = arith.cmpi ne, %convert_element_type3A_33, %cond3A_34 : i32
    scf.if %cond3A_35 {
      %dma_start3A = arith.constant 0 : i32
      %dma_start3A_92 = arith.constant 0 : i32
      %dma_start3A_93 = arith.constant 0 : i32
      %dma_start3A_94 = tpu.memref_slice %arg9[%dma_start3A_92, %dma_start3A_93] : memref<128x64xf32, #tpu.memory_space<vmem>> -> memref<64x64xf32, #tpu.memory_space<vmem>>
      %dma_start3A_95 = arith.constant 0 : i32
      %dma_start3A_96 = tpu.memref_slice %arg7[%dma_start3A, %dma_start3A_95] : memref<320x64xi32, #tpu.memory_space<vmem>> -> memref<1x64xi32, #tpu.memory_space<vmem>>
      %dma_start3A_97 = tpu.memref_squeeze %dma_start3A_96 : memref<1x64xi32, #tpu.memory_space<vmem>> -> memref<64xi32, #tpu.memory_space<vmem>>
      %dma_start3A_98 = arith.constant 0 : i32
      %dma_start3A_99 = arith.constant 0 : i32
      %dma_start3A_100 = tpu.memref_slice %arg3[%dma_start3A_98, %dma_start3A_99] : memref<10000x64xf32, #tpu.memory_space<hbm>> -> memref<10000x64xf32, #tpu.memory_space<hbm>>
      tpu.enqueue_indirect_dma source(%dma_start3A_100 : memref<10000x64xf32, #tpu.memory_space<hbm>>) target(%dma_start3A_94 : memref<64x64xf32, #tpu.memory_space<vmem>>) offsets(%dma_start3A_97 : memref<64xi32, #tpu.memory_space<vmem>>) semaphore(%arg15 : memref<!tpu.dma_semaphore, #tpu.memory_space<semaphore_mem>>)
      %dma_start3A_101 = arith.constant 1 : i32
      %dma_start3A_102 = arith.constant 64 : i32
      %dma_start3A_103 = arith.constant 0 : i32
      %dma_start3A_104 = tpu.memref_slice %arg9[%dma_start3A_102, %dma_start3A_103] : memref<128x64xf32, #tpu.memory_space<vmem>> -> memref<64x64xf32, #tpu.memory_space<vmem>>
      %dma_start3A_105 = arith.constant 0 : i32
      %dma_start3A_106 = tpu.memref_slice %arg7[%dma_start3A_101, %dma_start3A_105] : memref<320x64xi32, #tpu.memory_space<vmem>> -> memref<1x64xi32, #tpu.memory_space<vmem>>
      %dma_start3A_107 = tpu.memref_squeeze %dma_start3A_106 : memref<1x64xi32, #tpu.memory_space<vmem>> -> memref<64xi32, #tpu.memory_space<vmem>>
      %dma_start3A_108 = arith.constant 0 : i32
      %dma_start3A_109 = arith.constant 0 : i32
      %dma_start3A_110 = tpu.memref_slice %arg3[%dma_start3A_108, %dma_start3A_109] : memref<10000x64xf32, #tpu.memory_space<hbm>> -> memref<10000x64xf32, #tpu.memory_space<hbm>>
      tpu.enqueue_indirect_dma source(%dma_start3A_110 : memref<10000x64xf32, #tpu.memory_space<hbm>>) target(%dma_start3A_104 : memref<64x64xf32, #tpu.memory_space<vmem>>) offsets(%dma_start3A_107 : memref<64xi32, #tpu.memory_space<vmem>>) semaphore(%arg15 : memref<!tpu.dma_semaphore, #tpu.memory_space<semaphore_mem>>)
      %dma_start3A_111 = arith.constant 2 : i32
      %dma_start3A_112 = arith.constant 0 : i32
      %dma_start3A_113 = arith.constant 0 : i32
      %dma_start3A_114 = tpu.memref_slice %arg10[%dma_start3A_112, %dma_start3A_113] : memref<128x64xf32, #tpu.memory_space<vmem>> -> memref<64x64xf32, #tpu.memory_space<vmem>>
      %dma_start3A_115 = arith.constant 0 : i32
      %dma_start3A_116 = tpu.memref_slice %arg7[%dma_start3A_111, %dma_start3A_115] : memref<320x64xi32, #tpu.memory_space<vmem>> -> memref<1x64xi32, #tpu.memory_space<vmem>>
      %dma_start3A_117 = tpu.memref_squeeze %dma_start3A_116 : memref<1x64xi32, #tpu.memory_space<vmem>> -> memref<64xi32, #tpu.memory_space<vmem>>
      %dma_start3A_118 = arith.constant 0 : i32
      %dma_start3A_119 = arith.constant 0 : i32
      %dma_start3A_120 = tpu.memref_slice %arg3[%dma_start3A_118, %dma_start3A_119] : memref<10000x64xf32, #tpu.memory_space<hbm>> -> memref<10000x64xf32, #tpu.memory_space<hbm>>
      tpu.enqueue_indirect_dma source(%dma_start3A_120 : memref<10000x64xf32, #tpu.memory_space<hbm>>) target(%dma_start3A_114 : memref<64x64xf32, #tpu.memory_space<vmem>>) offsets(%dma_start3A_117 : memref<64xi32, #tpu.memory_space<vmem>>) semaphore(%arg15 : memref<!tpu.dma_semaphore, #tpu.memory_space<semaphore_mem>>)
      %dma_start3A_121 = arith.constant 3 : i32
      %dma_start3A_122 = arith.constant 64 : i32
      %dma_start3A_123 = arith.constant 0 : i32
      %dma_start3A_124 = tpu.memref_slice %arg10[%dma_start3A_122, %dma_start3A_123] : memref<128x64xf32, #tpu.memory_space<vmem>> -> memref<64x64xf32, #tpu.memory_space<vmem>>
      %dma_start3A_125 = arith.constant 0 : i32
      %dma_start3A_126 = tpu.memref_slice %arg7[%dma_start3A_121, %dma_start3A_125] : memref<320x64xi32, #tpu.memory_space<vmem>> -> memref<1x64xi32, #tpu.memory_space<vmem>>
      %dma_start3A_127 = tpu.memref_squeeze %dma_start3A_126 : memref<1x64xi32, #tpu.memory_space<vmem>> -> memref<64xi32, #tpu.memory_space<vmem>>
      %dma_start3A_128 = arith.constant 0 : i32
      %dma_start3A_129 = arith.constant 0 : i32
      %dma_start3A_130 = tpu.memref_slice %arg3[%dma_start3A_128, %dma_start3A_129] : memref<10000x64xf32, #tpu.memory_space<hbm>> -> memref<10000x64xf32, #tpu.memory_space<hbm>>
      tpu.enqueue_indirect_dma source(%dma_start3A_130 : memref<10000x64xf32, #tpu.memory_space<hbm>>) target(%dma_start3A_124 : memref<64x64xf32, #tpu.memory_space<vmem>>) offsets(%dma_start3A_127 : memref<64xi32, #tpu.memory_space<vmem>>) semaphore(%arg15 : memref<!tpu.dma_semaphore, #tpu.memory_space<semaphore_mem>>)
      %dma_start3A_131 = arith.constant 4 : i32
      %dma_start3A_132 = arith.constant 0 : i32
      %dma_start3A_133 = arith.constant 0 : i32
      %dma_start3A_134 = tpu.memref_slice %arg11[%dma_start3A_132, %dma_start3A_133] : memref<128x64xf32, #tpu.memory_space<vmem>> -> memref<64x64xf32, #tpu.memory_space<vmem>>
      %dma_start3A_135 = arith.constant 0 : i32
      %dma_start3A_136 = tpu.memref_slice %arg7[%dma_start3A_131, %dma_start3A_135] : memref<320x64xi32, #tpu.memory_space<vmem>> -> memref<1x64xi32, #tpu.memory_space<vmem>>
      %dma_start3A_137 = tpu.memref_squeeze %dma_start3A_136 : memref<1x64xi32, #tpu.memory_space<vmem>> -> memref<64xi32, #tpu.memory_space<vmem>>
      %dma_start3A_138 = arith.constant 0 : i32
      %dma_start3A_139 = arith.constant 0 : i32
      %dma_start3A_140 = tpu.memref_slice %arg3[%dma_start3A_138, %dma_start3A_139] : memref<10000x64xf32, #tpu.memory_space<hbm>> -> memref<10000x64xf32, #tpu.memory_space<hbm>>
      tpu.enqueue_indirect_dma source(%dma_start3A_140 : memref<10000x64xf32, #tpu.memory_space<hbm>>) target(%dma_start3A_134 : memref<64x64xf32, #tpu.memory_space<vmem>>) offsets(%dma_start3A_137 : memref<64xi32, #tpu.memory_space<vmem>>) semaphore(%arg15 : memref<!tpu.dma_semaphore, #tpu.memory_space<semaphore_mem>>)
      %dma_start3A_141 = arith.constant 5 : i32
      %dma_start3A_142 = arith.constant 64 : i32
      %dma_start3A_143 = arith.constant 0 : i32
      %dma_start3A_144 = tpu.memref_slice %arg11[%dma_start3A_142, %dma_start3A_143] : memref<128x64xf32, #tpu.memory_space<vmem>> -> memref<64x64xf32, #tpu.memory_space<vmem>>
      %dma_start3A_145 = arith.constant 0 : i32
      %dma_start3A_146 = tpu.memref_slice %arg7[%dma_start3A_141, %dma_start3A_145] : memref<320x64xi32, #tpu.memory_space<vmem>> -> memref<1x64xi32, #tpu.memory_space<vmem>>
      %dma_start3A_147 = tpu.memref_squeeze %dma_start3A_146 : memref<1x64xi32, #tpu.memory_space<vmem>> -> memref<64xi32, #tpu.memory_space<vmem>>
      %dma_start3A_148 = arith.constant 0 : i32
      %dma_start3A_149 = arith.constant 0 : i32
      %dma_start3A_150 = tpu.memref_slice %arg3[%dma_start3A_148, %dma_start3A_149] : memref<10000x64xf32, #tpu.memory_space<hbm>> -> memref<10000x64xf32, #tpu.memory_space<hbm>>
      tpu.enqueue_indirect_dma source(%dma_start3A_150 : memref<10000x64xf32, #tpu.memory_space<hbm>>) target(%dma_start3A_144 : memref<64x64xf32, #tpu.memory_space<vmem>>) offsets(%dma_start3A_147 : memref<64xi32, #tpu.memory_space<vmem>>) semaphore(%arg15 : memref<!tpu.dma_semaphore, #tpu.memory_space<semaphore_mem>>)
      %dma_start3A_151 = arith.constant 6 : i32
      %dma_start3A_152 = arith.constant 0 : i32
      %dma_start3A_153 = arith.constant 0 : i32
      %dma_start3A_154 = tpu.memref_slice %arg12[%dma_start3A_152, %dma_start3A_153] : memref<128x64xf32, #tpu.memory_space<vmem>> -> memref<64x64xf32, #tpu.memory_space<vmem>>
      %dma_start3A_155 = arith.constant 0 : i32
      %dma_start3A_156 = tpu.memref_slice %arg7[%dma_start3A_151, %dma_start3A_155] : memref<320x64xi32, #tpu.memory_space<vmem>> -> memref<1x64xi32, #tpu.memory_space<vmem>>
      %dma_start3A_157 = tpu.memref_squeeze %dma_start3A_156 : memref<1x64xi32, #tpu.memory_space<vmem>> -> memref<64xi32, #tpu.memory_space<vmem>>
      %dma_start3A_158 = arith.constant 0 : i32
      %dma_start3A_159 = arith.constant 0 : i32
      %dma_start3A_160 = tpu.memref_slice %arg3[%dma_start3A_158, %dma_start3A_159] : memref<10000x64xf32, #tpu.memory_space<hbm>> -> memref<10000x64xf32, #tpu.memory_space<hbm>>
      tpu.enqueue_indirect_dma source(%dma_start3A_160 : memref<10000x64xf32, #tpu.memory_space<hbm>>) target(%dma_start3A_154 : memref<64x64xf32, #tpu.memory_space<vmem>>) offsets(%dma_start3A_157 : memref<64xi32, #tpu.memory_space<vmem>>) semaphore(%arg15 : memref<!tpu.dma_semaphore, #tpu.memory_space<semaphore_mem>>)
      %dma_start3A_161 = arith.constant 7 : i32
      %dma_start3A_162 = arith.constant 64 : i32
      %dma_start3A_163 = arith.constant 0 : i32
      %dma_start3A_164 = tpu.memref_slice %arg12[%dma_start3A_162, %dma_start3A_163] : memref<128x64xf32, #tpu.memory_space<vmem>> -> memref<64x64xf32, #tpu.memory_space<vmem>>
      %dma_start3A_165 = arith.constant 0 : i32
      %dma_start3A_166 = tpu.memref_slice %arg7[%dma_start3A_161, %dma_start3A_165] : memref<320x64xi32, #tpu.memory_space<vmem>> -> memref<1x64xi32, #tpu.memory_space<vmem>>
      %dma_start3A_167 = tpu.memref_squeeze %dma_start3A_166 : memref<1x64xi32, #tpu.memory_space<vmem>> -> memref<64xi32, #tpu.memory_space<vmem>>
      %dma_start3A_168 = arith.constant 0 : i32
      %dma_start3A_169 = arith.constant 0 : i32
      %dma_start3A_170 = tpu.memref_slice %arg3[%dma_start3A_168, %dma_start3A_169] : memref<10000x64xf32, #tpu.memory_space<hbm>> -> memref<10000x64xf32, #tpu.memory_space<hbm>>
      tpu.enqueue_indirect_dma source(%dma_start3A_170 : memref<10000x64xf32, #tpu.memory_space<hbm>>) target(%dma_start3A_164 : memref<64x64xf32, #tpu.memory_space<vmem>>) offsets(%dma_start3A_167 : memref<64xi32, #tpu.memory_space<vmem>>) semaphore(%arg15 : memref<!tpu.dma_semaphore, #tpu.memory_space<semaphore_mem>>)
      %scan3A_171 = arith.constant 0 : i32
      %scan3A_172 = arith.constant 0 : i32
      %scan3A_173 = arith.constant 40 : i32
      %scan3A_174 = arith.addi %scan3A_172, %scan3A_173 : i32
      %scan3A_175 = arith.constant 1 : i32
      scf.for %scan3A_177 = %scan3A_172 to %scan3A_174 step %scan3A_175  : i32 {
        %mul3A_178 = arith.constant 2 : i32
        %mul3A_179 = arith.muli %mul3A_178, %scan3A_177 : i32
        %mul3A_180 = arith.constant 2 : i32
        %mul3A_181 = arith.muli %mul3A_180, %scan3A_177 : i32
        %add3A_182 = arith.constant 1 : i32
        %add3A_183 = arith.addi %mul3A_181, %add3A_182 : i32
        %mul3A_184 = arith.constant 2 : i32
        %mul3A_185 = arith.muli %mul3A_179, %mul3A_184 : i32
        %add3A_186 = arith.constant 0 : i32
        %add3A_187 = arith.addi %mul3A_185, %add3A_186 : i32
        %mul3A_188 = arith.constant 2 : i32
        %mul3A_189 = arith.muli %add3A_187, %mul3A_188 : i32
        %add3A_190 = arith.constant 0 : i32
        %add3A_191 = arith.addi %mul3A_189, %add3A_190 : i32
        %dma_wait3A = arith.constant 0 : i32
        %dma_wait3A_192 = arith.constant 0 : i32
        %dma_wait3A_193 = tpu.memref_slice %arg9[%dma_wait3A, %dma_wait3A_192] : memref<128x64xf32, #tpu.memory_space<vmem>> -> memref<64x64xf32, #tpu.memory_space<vmem>>
        %dma_wait3A_194 = arith.constant 0 : i32
        %dma_wait3A_195 = tpu.memref_slice %arg7[%add3A_191, %dma_wait3A_194] : memref<320x64xi32, #tpu.memory_space<vmem>> -> memref<1x64xi32, #tpu.memory_space<vmem>>
        %dma_wait3A_196 = tpu.memref_squeeze %dma_wait3A_195 : memref<1x64xi32, #tpu.memory_space<vmem>> -> memref<64xi32, #tpu.memory_space<vmem>>
        %dma_wait3A_197 = arith.constant 0 : i32
        %dma_wait3A_198 = arith.constant 0 : i32
        %dma_wait3A_199 = tpu.memref_slice %arg3[%dma_wait3A_197, %dma_wait3A_198] : memref<10000x64xf32, #tpu.memory_space<hbm>> -> memref<10000x64xf32, #tpu.memory_space<hbm>>
        tpu.wait_indirect_dma semaphore(%arg15 : memref<!tpu.dma_semaphore, #tpu.memory_space<semaphore_mem>>) src(%dma_wait3A_199 : memref<10000x64xf32, #tpu.memory_space<hbm>>) dst(%dma_wait3A_193 : memref<64x64xf32, #tpu.memory_space<vmem>>)
        %mul3A_200 = arith.constant 2 : i32
        %mul3A_201 = arith.muli %mul3A_179, %mul3A_200 : i32
        %add3A_202 = arith.constant 0 : i32
        %add3A_203 = arith.addi %mul3A_201, %add3A_202 : i32
        %mul3A_204 = arith.constant 2 : i32
        %mul3A_205 = arith.muli %add3A_203, %mul3A_204 : i32
        %add3A_206 = arith.constant 1 : i32
        %add3A_207 = arith.addi %mul3A_205, %add3A_206 : i32
        %dma_wait3A_208 = arith.constant 64 : i32
        %dma_wait3A_209 = arith.constant 0 : i32
        %dma_wait3A_210 = tpu.memref_slice %arg9[%dma_wait3A_208, %dma_wait3A_209] : memref<128x64xf32, #tpu.memory_space<vmem>> -> memref<64x64xf32, #tpu.memory_space<vmem>>
        %dma_wait3A_211 = arith.constant 0 : i32
        %dma_wait3A_212 = tpu.memref_slice %arg7[%add3A_207, %dma_wait3A_211] : memref<320x64xi32, #tpu.memory_space<vmem>> -> memref<1x64xi32, #tpu.memory_space<vmem>>
        %dma_wait3A_213 = tpu.memref_squeeze %dma_wait3A_212 : memref<1x64xi32, #tpu.memory_space<vmem>> -> memref<64xi32, #tpu.memory_space<vmem>>
        %dma_wait3A_214 = arith.constant 0 : i32
        %dma_wait3A_215 = arith.constant 0 : i32
        %dma_wait3A_216 = tpu.memref_slice %arg3[%dma_wait3A_214, %dma_wait3A_215] : memref<10000x64xf32, #tpu.memory_space<hbm>> -> memref<10000x64xf32, #tpu.memory_space<hbm>>
        tpu.wait_indirect_dma semaphore(%arg15 : memref<!tpu.dma_semaphore, #tpu.memory_space<semaphore_mem>>) src(%dma_wait3A_216 : memref<10000x64xf32, #tpu.memory_space<hbm>>) dst(%dma_wait3A_210 : memref<64x64xf32, #tpu.memory_space<vmem>>)
        %mul3A_217 = arith.constant 2 : i32
        %mul3A_218 = arith.muli %mul3A_179, %mul3A_217 : i32
        %add3A_219 = arith.constant 1 : i32
        %add3A_220 = arith.addi %mul3A_218, %add3A_219 : i32
        %mul3A_221 = arith.constant 2 : i32
        %mul3A_222 = arith.muli %add3A_220, %mul3A_221 : i32
        %add3A_223 = arith.constant 0 : i32
        %add3A_224 = arith.addi %mul3A_222, %add3A_223 : i32
        %dma_wait3A_225 = arith.constant 0 : i32
        %dma_wait3A_226 = arith.constant 0 : i32
        %dma_wait3A_227 = tpu.memref_slice %arg10[%dma_wait3A_225, %dma_wait3A_226] : memref<128x64xf32, #tpu.memory_space<vmem>> -> memref<64x64xf32, #tpu.memory_space<vmem>>
        %dma_wait3A_228 = arith.constant 0 : i32
        %dma_wait3A_229 = tpu.memref_slice %arg7[%add3A_224, %dma_wait3A_228] : memref<320x64xi32, #tpu.memory_space<vmem>> -> memref<1x64xi32, #tpu.memory_space<vmem>>
        %dma_wait3A_230 = tpu.memref_squeeze %dma_wait3A_229 : memref<1x64xi32, #tpu.memory_space<vmem>> -> memref<64xi32, #tpu.memory_space<vmem>>
        %dma_wait3A_231 = arith.constant 0 : i32
        %dma_wait3A_232 = arith.constant 0 : i32
        %dma_wait3A_233 = tpu.memref_slice %arg3[%dma_wait3A_231, %dma_wait3A_232] : memref<10000x64xf32, #tpu.memory_space<hbm>> -> memref<10000x64xf32, #tpu.memory_space<hbm>>
        tpu.wait_indirect_dma semaphore(%arg15 : memref<!tpu.dma_semaphore, #tpu.memory_space<semaphore_mem>>) src(%dma_wait3A_233 : memref<10000x64xf32, #tpu.memory_space<hbm>>) dst(%dma_wait3A_227 : memref<64x64xf32, #tpu.memory_space<vmem>>)
        %mul3A_234 = arith.constant 2 : i32
        %mul3A_235 = arith.muli %mul3A_179, %mul3A_234 : i32
        %add3A_236 = arith.constant 1 : i32
        %add3A_237 = arith.addi %mul3A_235, %add3A_236 : i32
        %mul3A_238 = arith.constant 2 : i32
        %mul3A_239 = arith.muli %add3A_237, %mul3A_238 : i32
        %add3A_240 = arith.constant 1 : i32
        %add3A_241 = arith.addi %mul3A_239, %add3A_240 : i32
        %dma_wait3A_242 = arith.constant 64 : i32
        %dma_wait3A_243 = arith.constant 0 : i32
        %dma_wait3A_244 = tpu.memref_slice %arg10[%dma_wait3A_242, %dma_wait3A_243] : memref<128x64xf32, #tpu.memory_space<vmem>> -> memref<64x64xf32, #tpu.memory_space<vmem>>
        %dma_wait3A_245 = arith.constant 0 : i32
        %dma_wait3A_246 = tpu.memref_slice %arg7[%add3A_241, %dma_wait3A_245] : memref<320x64xi32, #tpu.memory_space<vmem>> -> memref<1x64xi32, #tpu.memory_space<vmem>>
        %dma_wait3A_247 = tpu.memref_squeeze %dma_wait3A_246 : memref<1x64xi32, #tpu.memory_space<vmem>> -> memref<64xi32, #tpu.memory_space<vmem>>
        %dma_wait3A_248 = arith.constant 0 : i32
        %dma_wait3A_249 = arith.constant 0 : i32
        %dma_wait3A_250 = tpu.memref_slice %arg3[%dma_wait3A_248, %dma_wait3A_249] : memref<10000x64xf32, #tpu.memory_space<hbm>> -> memref<10000x64xf32, #tpu.memory_space<hbm>>
        tpu.wait_indirect_dma semaphore(%arg15 : memref<!tpu.dma_semaphore, #tpu.memory_space<semaphore_mem>>) src(%dma_wait3A_250 : memref<10000x64xf32, #tpu.memory_space<hbm>>) dst(%dma_wait3A_244 : memref<64x64xf32, #tpu.memory_space<vmem>>)
        %mul3A_251 = arith.constant 2 : i32
        %mul3A_252 = arith.muli %mul3A_179, %mul3A_251 : i32
        %add3A_253 = arith.constant 0 : i32
        %add3A_254 = arith.addi %mul3A_252, %add3A_253 : i32
        %dma_start3A_255 = arith.constant 0 : i32
        %dma_start3A_256 = tpu.memref_slice %arg8[%add3A_254, %dma_start3A_255] : memref<160x128xi32, #tpu.memory_space<vmem>> -> memref<1x128xi32, #tpu.memory_space<vmem>>
        %dma_start3A_257 = tpu.memref_squeeze %dma_start3A_256 : memref<1x128xi32, #tpu.memory_space<vmem>> -> memref<128xi32, #tpu.memory_space<vmem>>
        %dma_start3A_258 = arith.constant 0 : i32
        %dma_start3A_259 = arith.constant 0 : i32
        %dma_start3A_260 = tpu.memref_slice %arg14[%dma_start3A_258, %dma_start3A_259] : memref<10240x64xf32, #tpu.memory_space<vmem_shared>> -> memref<10240x64xf32, #tpu.memory_space<vmem_shared>>
        tpu.enqueue_indirect_dma source(%arg9 : memref<128x64xf32, #tpu.memory_space<vmem>>) target(%dma_start3A_260 : memref<10240x64xf32, #tpu.memory_space<vmem_shared>>) offsets(%dma_start3A_257 : memref<128xi32, #tpu.memory_space<vmem>>) semaphore(%arg16 : memref<!tpu.dma_semaphore, #tpu.memory_space<semaphore_mem>>) {add = true}
        %mul3A_261 = arith.constant 2 : i32
        %mul3A_262 = arith.muli %mul3A_179, %mul3A_261 : i32
        %add3A_263 = arith.constant 1 : i32
        %add3A_264 = arith.addi %mul3A_262, %add3A_263 : i32
        %dma_start3A_265 = arith.constant 0 : i32
        %dma_start3A_266 = tpu.memref_slice %arg8[%add3A_264, %dma_start3A_265] : memref<160x128xi32, #tpu.memory_space<vmem>> -> memref<1x128xi32, #tpu.memory_space<vmem>>
        %dma_start3A_267 = tpu.memref_squeeze %dma_start3A_266 : memref<1x128xi32, #tpu.memory_space<vmem>> -> memref<128xi32, #tpu.memory_space<vmem>>
        %dma_start3A_268 = arith.constant 0 : i32
        %dma_start3A_269 = arith.constant 0 : i32
        %dma_start3A_270 = tpu.memref_slice %arg14[%dma_start3A_268, %dma_start3A_269] : memref<10240x64xf32, #tpu.memory_space<vmem_shared>> -> memref<10240x64xf32, #tpu.memory_space<vmem_shared>>
        tpu.enqueue_indirect_dma source(%arg10 : memref<128x64xf32, #tpu.memory_space<vmem>>) target(%dma_start3A_270 : memref<10240x64xf32, #tpu.memory_space<vmem_shared>>) offsets(%dma_start3A_267 : memref<128xi32, #tpu.memory_space<vmem>>) semaphore(%arg16 : memref<!tpu.dma_semaphore, #tpu.memory_space<semaphore_mem>>) {add = true}
        %mul3A_271 = arith.constant 2 : i32
        %mul3A_272 = arith.muli %add3A_183, %mul3A_271 : i32
        %add3A_273 = arith.constant 0 : i32
        %add3A_274 = arith.addi %mul3A_272, %add3A_273 : i32
        %mul3A_275 = arith.constant 2 : i32
        %mul3A_276 = arith.muli %add3A_274, %mul3A_275 : i32
        %add3A_277 = arith.constant 0 : i32
        %add3A_278 = arith.addi %mul3A_276, %add3A_277 : i32
        %dma_wait3A_279 = arith.constant 0 : i32
        %dma_wait3A_280 = arith.constant 0 : i32
        %dma_wait3A_281 = tpu.memref_slice %arg11[%dma_wait3A_279, %dma_wait3A_280] : memref<128x64xf32, #tpu.memory_space<vmem>> -> memref<64x64xf32, #tpu.memory_space<vmem>>
        %dma_wait3A_282 = arith.constant 0 : i32
        %dma_wait3A_283 = tpu.memref_slice %arg7[%add3A_278, %dma_wait3A_282] : memref<320x64xi32, #tpu.memory_space<vmem>> -> memref<1x64xi32, #tpu.memory_space<vmem>>
        %dma_wait3A_284 = tpu.memref_squeeze %dma_wait3A_283 : memref<1x64xi32, #tpu.memory_space<vmem>> -> memref<64xi32, #tpu.memory_space<vmem>>
        %dma_wait3A_285 = arith.constant 0 : i32
        %dma_wait3A_286 = arith.constant 0 : i32
        %dma_wait3A_287 = tpu.memref_slice %arg3[%dma_wait3A_285, %dma_wait3A_286] : memref<10000x64xf32, #tpu.memory_space<hbm>> -> memref<10000x64xf32, #tpu.memory_space<hbm>>
        tpu.wait_indirect_dma semaphore(%arg15 : memref<!tpu.dma_semaphore, #tpu.memory_space<semaphore_mem>>) src(%dma_wait3A_287 : memref<10000x64xf32, #tpu.memory_space<hbm>>) dst(%dma_wait3A_281 : memref<64x64xf32, #tpu.memory_space<vmem>>)
        %mul3A_288 = arith.constant 2 : i32
        %mul3A_289 = arith.muli %add3A_183, %mul3A_288 : i32
        %add3A_290 = arith.constant 0 : i32
        %add3A_291 = arith.addi %mul3A_289, %add3A_290 : i32
        %mul3A_292 = arith.constant 2 : i32
        %mul3A_293 = arith.muli %add3A_291, %mul3A_292 : i32
        %add3A_294 = arith.constant 1 : i32
        %add3A_295 = arith.addi %mul3A_293, %add3A_294 : i32
        %dma_wait3A_296 = arith.constant 64 : i32
        %dma_wait3A_297 = arith.constant 0 : i32
        %dma_wait3A_298 = tpu.memref_slice %arg11[%dma_wait3A_296, %dma_wait3A_297] : memref<128x64xf32, #tpu.memory_space<vmem>> -> memref<64x64xf32, #tpu.memory_space<vmem>>
        %dma_wait3A_299 = arith.constant 0 : i32
        %dma_wait3A_300 = tpu.memref_slice %arg7[%add3A_295, %dma_wait3A_299] : memref<320x64xi32, #tpu.memory_space<vmem>> -> memref<1x64xi32, #tpu.memory_space<vmem>>
        %dma_wait3A_301 = tpu.memref_squeeze %dma_wait3A_300 : memref<1x64xi32, #tpu.memory_space<vmem>> -> memref<64xi32, #tpu.memory_space<vmem>>
        %dma_wait3A_302 = arith.constant 0 : i32
        %dma_wait3A_303 = arith.constant 0 : i32
        %dma_wait3A_304 = tpu.memref_slice %arg3[%dma_wait3A_302, %dma_wait3A_303] : memref<10000x64xf32, #tpu.memory_space<hbm>> -> memref<10000x64xf32, #tpu.memory_space<hbm>>
        tpu.wait_indirect_dma semaphore(%arg15 : memref<!tpu.dma_semaphore, #tpu.memory_space<semaphore_mem>>) src(%dma_wait3A_304 : memref<10000x64xf32, #tpu.memory_space<hbm>>) dst(%dma_wait3A_298 : memref<64x64xf32, #tpu.memory_space<vmem>>)
        %mul3A_305 = arith.constant 2 : i32
        %mul3A_306 = arith.muli %add3A_183, %mul3A_305 : i32
        %add3A_307 = arith.constant 1 : i32
        %add3A_308 = arith.addi %mul3A_306, %add3A_307 : i32
        %mul3A_309 = arith.constant 2 : i32
        %mul3A_310 = arith.muli %add3A_308, %mul3A_309 : i32
        %add3A_311 = arith.constant 0 : i32
        %add3A_312 = arith.addi %mul3A_310, %add3A_311 : i32
        %dma_wait3A_313 = arith.constant 0 : i32
        %dma_wait3A_314 = arith.constant 0 : i32
        %dma_wait3A_315 = tpu.memref_slice %arg12[%dma_wait3A_313, %dma_wait3A_314] : memref<128x64xf32, #tpu.memory_space<vmem>> -> memref<64x64xf32, #tpu.memory_space<vmem>>
        %dma_wait3A_316 = arith.constant 0 : i32
        %dma_wait3A_317 = tpu.memref_slice %arg7[%add3A_312, %dma_wait3A_316] : memref<320x64xi32, #tpu.memory_space<vmem>> -> memref<1x64xi32, #tpu.memory_space<vmem>>
        %dma_wait3A_318 = tpu.memref_squeeze %dma_wait3A_317 : memref<1x64xi32, #tpu.memory_space<vmem>> -> memref<64xi32, #tpu.memory_space<vmem>>
        %dma_wait3A_319 = arith.constant 0 : i32
        %dma_wait3A_320 = arith.constant 0 : i32
        %dma_wait3A_321 = tpu.memref_slice %arg3[%dma_wait3A_319, %dma_wait3A_320] : memref<10000x64xf32, #tpu.memory_space<hbm>> -> memref<10000x64xf32, #tpu.memory_space<hbm>>
        tpu.wait_indirect_dma semaphore(%arg15 : memref<!tpu.dma_semaphore, #tpu.memory_space<semaphore_mem>>) src(%dma_wait3A_321 : memref<10000x64xf32, #tpu.memory_space<hbm>>) dst(%dma_wait3A_315 : memref<64x64xf32, #tpu.memory_space<vmem>>)
        %mul3A_322 = arith.constant 2 : i32
        %mul3A_323 = arith.muli %add3A_183, %mul3A_322 : i32
        %add3A_324 = arith.constant 1 : i32
        %add3A_325 = arith.addi %mul3A_323, %add3A_324 : i32
        %mul3A_326 = arith.constant 2 : i32
        %mul3A_327 = arith.muli %add3A_325, %mul3A_326 : i32
        %add3A_328 = arith.constant 1 : i32
        %add3A_329 = arith.addi %mul3A_327, %add3A_328 : i32
        %dma_wait3A_330 = arith.constant 64 : i32
        %dma_wait3A_331 = arith.constant 0 : i32
        %dma_wait3A_332 = tpu.memref_slice %arg12[%dma_wait3A_330, %dma_wait3A_331] : memref<128x64xf32, #tpu.memory_space<vmem>> -> memref<64x64xf32, #tpu.memory_space<vmem>>
        %dma_wait3A_333 = arith.constant 0 : i32
        %dma_wait3A_334 = tpu.memref_slice %arg7[%add3A_329, %dma_wait3A_333] : memref<320x64xi32, #tpu.memory_space<vmem>> -> memref<1x64xi32, #tpu.memory_space<vmem>>
        %dma_wait3A_335 = tpu.memref_squeeze %dma_wait3A_334 : memref<1x64xi32, #tpu.memory_space<vmem>> -> memref<64xi32, #tpu.memory_space<vmem>>
        %dma_wait3A_336 = arith.constant 0 : i32
        %dma_wait3A_337 = arith.constant 0 : i32
        %dma_wait3A_338 = tpu.memref_slice %arg3[%dma_wait3A_336, %dma_wait3A_337] : memref<10000x64xf32, #tpu.memory_space<hbm>> -> memref<10000x64xf32, #tpu.memory_space<hbm>>
        tpu.wait_indirect_dma semaphore(%arg15 : memref<!tpu.dma_semaphore, #tpu.memory_space<semaphore_mem>>) src(%dma_wait3A_338 : memref<10000x64xf32, #tpu.memory_space<hbm>>) dst(%dma_wait3A_332 : memref<64x64xf32, #tpu.memory_space<vmem>>)
        %mul3A_339 = arith.constant 2 : i32
        %mul3A_340 = arith.muli %add3A_183, %mul3A_339 : i32
        %add3A_341 = arith.constant 0 : i32
        %add3A_342 = arith.addi %mul3A_340, %add3A_341 : i32
        %dma_start3A_343 = arith.constant 0 : i32
        %dma_start3A_344 = tpu.memref_slice %arg8[%add3A_342, %dma_start3A_343] : memref<160x128xi32, #tpu.memory_space<vmem>> -> memref<1x128xi32, #tpu.memory_space<vmem>>
        %dma_start3A_345 = tpu.memref_squeeze %dma_start3A_344 : memref<1x128xi32, #tpu.memory_space<vmem>> -> memref<128xi32, #tpu.memory_space<vmem>>
        %dma_start3A_346 = arith.constant 0 : i32
        %dma_start3A_347 = arith.constant 0 : i32
        %dma_start3A_348 = tpu.memref_slice %arg14[%dma_start3A_346, %dma_start3A_347] : memref<10240x64xf32, #tpu.memory_space<vmem_shared>> -> memref<10240x64xf32, #tpu.memory_space<vmem_shared>>
        tpu.enqueue_indirect_dma source(%arg11 : memref<128x64xf32, #tpu.memory_space<vmem>>) target(%dma_start3A_348 : memref<10240x64xf32, #tpu.memory_space<vmem_shared>>) offsets(%dma_start3A_345 : memref<128xi32, #tpu.memory_space<vmem>>) semaphore(%arg16 : memref<!tpu.dma_semaphore, #tpu.memory_space<semaphore_mem>>) {add = true}
        %mul3A_349 = arith.constant 2 : i32
        %mul3A_350 = arith.muli %add3A_183, %mul3A_349 : i32
        %add3A_351 = arith.constant 1 : i32
        %add3A_352 = arith.addi %mul3A_350, %add3A_351 : i32
        %dma_start3A_353 = arith.constant 0 : i32
        %dma_start3A_354 = tpu.memref_slice %arg8[%add3A_352, %dma_start3A_353] : memref<160x128xi32, #tpu.memory_space<vmem>> -> memref<1x128xi32, #tpu.memory_space<vmem>>
        %dma_start3A_355 = tpu.memref_squeeze %dma_start3A_354 : memref<1x128xi32, #tpu.memory_space<vmem>> -> memref<128xi32, #tpu.memory_space<vmem>>
        %dma_start3A_356 = arith.constant 0 : i32
        %dma_start3A_357 = arith.constant 0 : i32
        %dma_start3A_358 = tpu.memref_slice %arg14[%dma_start3A_356, %dma_start3A_357] : memref<10240x64xf32, #tpu.memory_space<vmem_shared>> -> memref<10240x64xf32, #tpu.memory_space<vmem_shared>>
        tpu.enqueue_indirect_dma source(%arg12 : memref<128x64xf32, #tpu.memory_space<vmem>>) target(%dma_start3A_358 : memref<10240x64xf32, #tpu.memory_space<vmem_shared>>) offsets(%dma_start3A_355 : memref<128xi32, #tpu.memory_space<vmem>>) semaphore(%arg16 : memref<!tpu.dma_semaphore, #tpu.memory_space<semaphore_mem>>) {add = true}
        %mul3A_359 = arith.constant 2 : i32
        %mul3A_360 = arith.muli %mul3A_179, %mul3A_359 : i32
        %add3A_361 = arith.constant 0 : i32
        %add3A_362 = arith.addi %mul3A_360, %add3A_361 : i32
        %dma_wait3A_363 = arith.constant 0 : i32
        %dma_wait3A_364 = tpu.memref_slice %arg8[%add3A_362, %dma_wait3A_363] : memref<160x128xi32, #tpu.memory_space<vmem>> -> memref<1x128xi32, #tpu.memory_space<vmem>>
        %dma_wait3A_365 = tpu.memref_squeeze %dma_wait3A_364 : memref<1x128xi32, #tpu.memory_space<vmem>> -> memref<128xi32, #tpu.memory_space<vmem>>
        %dma_wait3A_366 = arith.constant 0 : i32
        %dma_wait3A_367 = arith.constant 0 : i32
        %dma_wait3A_368 = tpu.memref_slice %arg14[%dma_wait3A_366, %dma_wait3A_367] : memref<10240x64xf32, #tpu.memory_space<vmem_shared>> -> memref<10240x64xf32, #tpu.memory_space<vmem_shared>>
        tpu.wait_indirect_dma semaphore(%arg16 : memref<!tpu.dma_semaphore, #tpu.memory_space<semaphore_mem>>) src(%arg9 : memref<128x64xf32, #tpu.memory_space<vmem>>) dst(%dma_wait3A_368 : memref<10240x64xf32, #tpu.memory_space<vmem_shared>>)
        %mul3A_369 = arith.constant 2 : i32
        %mul3A_370 = arith.muli %mul3A_179, %mul3A_369 : i32
        %add3A_371 = arith.constant 1 : i32
        %add3A_372 = arith.addi %mul3A_370, %add3A_371 : i32
        %dma_wait3A_373 = arith.constant 0 : i32
        %dma_wait3A_374 = tpu.memref_slice %arg8[%add3A_372, %dma_wait3A_373] : memref<160x128xi32, #tpu.memory_space<vmem>> -> memref<1x128xi32, #tpu.memory_space<vmem>>
        %dma_wait3A_375 = tpu.memref_squeeze %dma_wait3A_374 : memref<1x128xi32, #tpu.memory_space<vmem>> -> memref<128xi32, #tpu.memory_space<vmem>>
        %dma_wait3A_376 = arith.constant 0 : i32
        %dma_wait3A_377 = arith.constant 0 : i32
        %dma_wait3A_378 = tpu.memref_slice %arg14[%dma_wait3A_376, %dma_wait3A_377] : memref<10240x64xf32, #tpu.memory_space<vmem_shared>> -> memref<10240x64xf32, #tpu.memory_space<vmem_shared>>
        tpu.wait_indirect_dma semaphore(%arg16 : memref<!tpu.dma_semaphore, #tpu.memory_space<semaphore_mem>>) src(%arg10 : memref<128x64xf32, #tpu.memory_space<vmem>>) dst(%dma_wait3A_378 : memref<10240x64xf32, #tpu.memory_space<vmem_shared>>)
        %add3A_379 = arith.constant 2 : i32
        %add3A_380 = arith.addi %mul3A_179, %add3A_379 : i32
        %lt3A = arith.constant 80 : i32
        %lt3A_381 = arith.cmpi slt, %add3A_380, %lt3A : i32
        %convert_element_type3A_382 = arith.extui %lt3A_381 : i1 to i32
        %cond3A_383 = arith.constant 0 : i32
        %cond3A_384 = arith.cmpi ne, %convert_element_type3A_382, %cond3A_383 : i32
        scf.if %cond3A_384 {
          %add3A_412 = arith.constant 2 : i32
          %add3A_413 = arith.addi %mul3A_179, %add3A_412 : i32
          %mul3A_414 = arith.constant 2 : i32
          %mul3A_415 = arith.muli %add3A_413, %mul3A_414 : i32
          %add3A_416 = arith.constant 0 : i32
          %add3A_417 = arith.addi %mul3A_415, %add3A_416 : i32
          %mul3A_418 = arith.constant 2 : i32
          %mul3A_419 = arith.muli %add3A_417, %mul3A_418 : i32
          %add3A_420 = arith.constant 0 : i32
          %add3A_421 = arith.addi %mul3A_419, %add3A_420 : i32
          %dma_start3A_422 = arith.constant 0 : i32
          %dma_start3A_423 = arith.constant 0 : i32
          %dma_start3A_424 = tpu.memref_slice %arg9[%dma_start3A_422, %dma_start3A_423] : memref<128x64xf32, #tpu.memory_space<vmem>> -> memref<64x64xf32, #tpu.memory_space<vmem>>
          %dma_start3A_425 = arith.constant 0 : i32
          %dma_start3A_426 = tpu.memref_slice %arg7[%add3A_421, %dma_start3A_425] : memref<320x64xi32, #tpu.memory_space<vmem>> -> memref<1x64xi32, #tpu.memory_space<vmem>>
          %dma_start3A_427 = tpu.memref_squeeze %dma_start3A_426 : memref<1x64xi32, #tpu.memory_space<vmem>> -> memref<64xi32, #tpu.memory_space<vmem>>
          %dma_start3A_428 = arith.constant 0 : i32
          %dma_start3A_429 = arith.constant 0 : i32
          %dma_start3A_430 = tpu.memref_slice %arg3[%dma_start3A_428, %dma_start3A_429] : memref<10000x64xf32, #tpu.memory_space<hbm>> -> memref<10000x64xf32, #tpu.memory_space<hbm>>
          tpu.enqueue_indirect_dma source(%dma_start3A_430 : memref<10000x64xf32, #tpu.memory_space<hbm>>) target(%dma_start3A_424 : memref<64x64xf32, #tpu.memory_space<vmem>>) offsets(%dma_start3A_427 : memref<64xi32, #tpu.memory_space<vmem>>) semaphore(%arg15 : memref<!tpu.dma_semaphore, #tpu.memory_space<semaphore_mem>>)
          %mul3A_431 = arith.constant 2 : i32
          %mul3A_432 = arith.muli %add3A_413, %mul3A_431 : i32
          %add3A_433 = arith.constant 0 : i32
          %add3A_434 = arith.addi %mul3A_432, %add3A_433 : i32
          %mul3A_435 = arith.constant 2 : i32
          %mul3A_436 = arith.muli %add3A_434, %mul3A_435 : i32
          %add3A_437 = arith.constant 1 : i32
          %add3A_438 = arith.addi %mul3A_436, %add3A_437 : i32
          %dma_start3A_439 = arith.constant 64 : i32
          %dma_start3A_440 = arith.constant 0 : i32
          %dma_start3A_441 = tpu.memref_slice %arg9[%dma_start3A_439, %dma_start3A_440] : memref<128x64xf32, #tpu.memory_space<vmem>> -> memref<64x64xf32, #tpu.memory_space<vmem>>
          %dma_start3A_442 = arith.constant 0 : i32
          %dma_start3A_443 = tpu.memref_slice %arg7[%add3A_438, %dma_start3A_442] : memref<320x64xi32, #tpu.memory_space<vmem>> -> memref<1x64xi32, #tpu.memory_space<vmem>>
          %dma_start3A_444 = tpu.memref_squeeze %dma_start3A_443 : memref<1x64xi32, #tpu.memory_space<vmem>> -> memref<64xi32, #tpu.memory_space<vmem>>
          %dma_start3A_445 = arith.constant 0 : i32
          %dma_start3A_446 = arith.constant 0 : i32
          %dma_start3A_447 = tpu.memref_slice %arg3[%dma_start3A_445, %dma_start3A_446] : memref<10000x64xf32, #tpu.memory_space<hbm>> -> memref<10000x64xf32, #tpu.memory_space<hbm>>
          tpu.enqueue_indirect_dma source(%dma_start3A_447 : memref<10000x64xf32, #tpu.memory_space<hbm>>) target(%dma_start3A_441 : memref<64x64xf32, #tpu.memory_space<vmem>>) offsets(%dma_start3A_444 : memref<64xi32, #tpu.memory_space<vmem>>) semaphore(%arg15 : memref<!tpu.dma_semaphore, #tpu.memory_space<semaphore_mem>>)
          %mul3A_448 = arith.constant 2 : i32
          %mul3A_449 = arith.muli %add3A_413, %mul3A_448 : i32
          %add3A_450 = arith.constant 1 : i32
          %add3A_451 = arith.addi %mul3A_449, %add3A_450 : i32
          %mul3A_452 = arith.constant 2 : i32
          %mul3A_453 = arith.muli %add3A_451, %mul3A_452 : i32
          %add3A_454 = arith.constant 0 : i32
          %add3A_455 = arith.addi %mul3A_453, %add3A_454 : i32
          %dma_start3A_456 = arith.constant 0 : i32
          %dma_start3A_457 = arith.constant 0 : i32
          %dma_start3A_458 = tpu.memref_slice %arg10[%dma_start3A_456, %dma_start3A_457] : memref<128x64xf32, #tpu.memory_space<vmem>> -> memref<64x64xf32, #tpu.memory_space<vmem>>
          %dma_start3A_459 = arith.constant 0 : i32
          %dma_start3A_460 = tpu.memref_slice %arg7[%add3A_455, %dma_start3A_459] : memref<320x64xi32, #tpu.memory_space<vmem>> -> memref<1x64xi32, #tpu.memory_space<vmem>>
          %dma_start3A_461 = tpu.memref_squeeze %dma_start3A_460 : memref<1x64xi32, #tpu.memory_space<vmem>> -> memref<64xi32, #tpu.memory_space<vmem>>
          %dma_start3A_462 = arith.constant 0 : i32
          %dma_start3A_463 = arith.constant 0 : i32
          %dma_start3A_464 = tpu.memref_slice %arg3[%dma_start3A_462, %dma_start3A_463] : memref<10000x64xf32, #tpu.memory_space<hbm>> -> memref<10000x64xf32, #tpu.memory_space<hbm>>
          tpu.enqueue_indirect_dma source(%dma_start3A_464 : memref<10000x64xf32, #tpu.memory_space<hbm>>) target(%dma_start3A_458 : memref<64x64xf32, #tpu.memory_space<vmem>>) offsets(%dma_start3A_461 : memref<64xi32, #tpu.memory_space<vmem>>) semaphore(%arg15 : memref<!tpu.dma_semaphore, #tpu.memory_space<semaphore_mem>>)
          %mul3A_465 = arith.constant 2 : i32
          %mul3A_466 = arith.muli %add3A_413, %mul3A_465 : i32
          %add3A_467 = arith.constant 1 : i32
          %add3A_468 = arith.addi %mul3A_466, %add3A_467 : i32
          %mul3A_469 = arith.constant 2 : i32
          %mul3A_470 = arith.muli %add3A_468, %mul3A_469 : i32
          %add3A_471 = arith.constant 1 : i32
          %add3A_472 = arith.addi %mul3A_470, %add3A_471 : i32
          %dma_start3A_473 = arith.constant 64 : i32
          %dma_start3A_474 = arith.constant 0 : i32
          %dma_start3A_475 = tpu.memref_slice %arg10[%dma_start3A_473, %dma_start3A_474] : memref<128x64xf32, #tpu.memory_space<vmem>> -> memref<64x64xf32, #tpu.memory_space<vmem>>
          %dma_start3A_476 = arith.constant 0 : i32
          %dma_start3A_477 = tpu.memref_slice %arg7[%add3A_472, %dma_start3A_476] : memref<320x64xi32, #tpu.memory_space<vmem>> -> memref<1x64xi32, #tpu.memory_space<vmem>>
          %dma_start3A_478 = tpu.memref_squeeze %dma_start3A_477 : memref<1x64xi32, #tpu.memory_space<vmem>> -> memref<64xi32, #tpu.memory_space<vmem>>
          %dma_start3A_479 = arith.constant 0 : i32
          %dma_start3A_480 = arith.constant 0 : i32
          %dma_start3A_481 = tpu.memref_slice %arg3[%dma_start3A_479, %dma_start3A_480] : memref<10000x64xf32, #tpu.memory_space<hbm>> -> memref<10000x64xf32, #tpu.memory_space<hbm>>
          tpu.enqueue_indirect_dma source(%dma_start3A_481 : memref<10000x64xf32, #tpu.memory_space<hbm>>) target(%dma_start3A_475 : memref<64x64xf32, #tpu.memory_space<vmem>>) offsets(%dma_start3A_478 : memref<64xi32, #tpu.memory_space<vmem>>) semaphore(%arg15 : memref<!tpu.dma_semaphore, #tpu.memory_space<semaphore_mem>>)
        } else {
        }
        %mul3A_385 = arith.constant 2 : i32
        %mul3A_386 = arith.muli %add3A_183, %mul3A_385 : i32
        %add3A_387 = arith.constant 0 : i32
        %add3A_388 = arith.addi %mul3A_386, %add3A_387 : i32
        %dma_wait3A_389 = arith.constant 0 : i32
        %dma_wait3A_390 = tpu.memref_slice %arg8[%add3A_388, %dma_wait3A_389] : memref<160x128xi32, #tpu.memory_space<vmem>> -> memref<1x128xi32, #tpu.memory_space<vmem>>
        %dma_wait3A_391 = tpu.memref_squeeze %dma_wait3A_390 : memref<1x128xi32, #tpu.memory_space<vmem>> -> memref<128xi32, #tpu.memory_space<vmem>>
        %dma_wait3A_392 = arith.constant 0 : i32
        %dma_wait3A_393 = arith.constant 0 : i32
        %dma_wait3A_394 = tpu.memref_slice %arg14[%dma_wait3A_392, %dma_wait3A_393] : memref<10240x64xf32, #tpu.memory_space<vmem_shared>> -> memref<10240x64xf32, #tpu.memory_space<vmem_shared>>
        tpu.wait_indirect_dma semaphore(%arg16 : memref<!tpu.dma_semaphore, #tpu.memory_space<semaphore_mem>>) src(%arg11 : memref<128x64xf32, #tpu.memory_space<vmem>>) dst(%dma_wait3A_394 : memref<10240x64xf32, #tpu.memory_space<vmem_shared>>)
        %mul3A_395 = arith.constant 2 : i32
        %mul3A_396 = arith.muli %add3A_183, %mul3A_395 : i32
        %add3A_397 = arith.constant 1 : i32
        %add3A_398 = arith.addi %mul3A_396, %add3A_397 : i32
        %dma_wait3A_399 = arith.constant 0 : i32
        %dma_wait3A_400 = tpu.memref_slice %arg8[%add3A_398, %dma_wait3A_399] : memref<160x128xi32, #tpu.memory_space<vmem>> -> memref<1x128xi32, #tpu.memory_space<vmem>>
        %dma_wait3A_401 = tpu.memref_squeeze %dma_wait3A_400 : memref<1x128xi32, #tpu.memory_space<vmem>> -> memref<128xi32, #tpu.memory_space<vmem>>
        %dma_wait3A_402 = arith.constant 0 : i32
        %dma_wait3A_403 = arith.constant 0 : i32
        %dma_wait3A_404 = tpu.memref_slice %arg14[%dma_wait3A_402, %dma_wait3A_403] : memref<10240x64xf32, #tpu.memory_space<vmem_shared>> -> memref<10240x64xf32, #tpu.memory_space<vmem_shared>>
        tpu.wait_indirect_dma semaphore(%arg16 : memref<!tpu.dma_semaphore, #tpu.memory_space<semaphore_mem>>) src(%arg12 : memref<128x64xf32, #tpu.memory_space<vmem>>) dst(%dma_wait3A_404 : memref<10240x64xf32, #tpu.memory_space<vmem_shared>>)
        %add3A_405 = arith.constant 2 : i32
        %add3A_406 = arith.addi %add3A_183, %add3A_405 : i32
        %lt3A_407 = arith.constant 80 : i32
        %lt3A_408 = arith.cmpi slt, %add3A_406, %lt3A_407 : i32
        %convert_element_type3A_409 = arith.extui %lt3A_408 : i1 to i32
        %cond3A_410 = arith.constant 0 : i32
        %cond3A_411 = arith.cmpi ne, %convert_element_type3A_409, %cond3A_410 : i32
        scf.if %cond3A_411 {
          %add3A_412 = arith.constant 2 : i32
          %add3A_413 = arith.addi %add3A_183, %add3A_412 : i32
          %mul3A_414 = arith.constant 2 : i32
          %mul3A_415 = arith.muli %add3A_413, %mul3A_414 : i32
          %add3A_416 = arith.constant 0 : i32
          %add3A_417 = arith.addi %mul3A_415, %add3A_416 : i32
          %mul3A_418 = arith.constant 2 : i32
          %mul3A_419 = arith.muli %add3A_417, %mul3A_418 : i32
          %add3A_420 = arith.constant 0 : i32
          %add3A_421 = arith.addi %mul3A_419, %add3A_420 : i32
          %dma_start3A_422 = arith.constant 0 : i32
          %dma_start3A_423 = arith.constant 0 : i32
          %dma_start3A_424 = tpu.memref_slice %arg11[%dma_start3A_422, %dma_start3A_423] : memref<128x64xf32, #tpu.memory_space<vmem>> -> memref<64x64xf32, #tpu.memory_space<vmem>>
          %dma_start3A_425 = arith.constant 0 : i32
          %dma_start3A_426 = tpu.memref_slice %arg7[%add3A_421, %dma_start3A_425] : memref<320x64xi32, #tpu.memory_space<vmem>> -> memref<1x64xi32, #tpu.memory_space<vmem>>
          %dma_start3A_427 = tpu.memref_squeeze %dma_start3A_426 : memref<1x64xi32, #tpu.memory_space<vmem>> -> memref<64xi32, #tpu.memory_space<vmem>>
          %dma_start3A_428 = arith.constant 0 : i32
          %dma_start3A_429 = arith.constant 0 : i32
          %dma_start3A_430 = tpu.memref_slice %arg3[%dma_start3A_428, %dma_start3A_429] : memref<10000x64xf32, #tpu.memory_space<hbm>> -> memref<10000x64xf32, #tpu.memory_space<hbm>>
          tpu.enqueue_indirect_dma source(%dma_start3A_430 : memref<10000x64xf32, #tpu.memory_space<hbm>>) target(%dma_start3A_424 : memref<64x64xf32, #tpu.memory_space<vmem>>) offsets(%dma_start3A_427 : memref<64xi32, #tpu.memory_space<vmem>>) semaphore(%arg15 : memref<!tpu.dma_semaphore, #tpu.memory_space<semaphore_mem>>)
          %mul3A_431 = arith.constant 2 : i32
          %mul3A_432 = arith.muli %add3A_413, %mul3A_431 : i32
          %add3A_433 = arith.constant 0 : i32
          %add3A_434 = arith.addi %mul3A_432, %add3A_433 : i32
          %mul3A_435 = arith.constant 2 : i32
          %mul3A_436 = arith.muli %add3A_434, %mul3A_435 : i32
          %add3A_437 = arith.constant 1 : i32
          %add3A_438 = arith.addi %mul3A_436, %add3A_437 : i32
          %dma_start3A_439 = arith.constant 64 : i32
          %dma_start3A_440 = arith.constant 0 : i32
          %dma_start3A_441 = tpu.memref_slice %arg11[%dma_start3A_439, %dma_start3A_440] : memref<128x64xf32, #tpu.memory_space<vmem>> -> memref<64x64xf32, #tpu.memory_space<vmem>>
          %dma_start3A_442 = arith.constant 0 : i32
          %dma_start3A_443 = tpu.memref_slice %arg7[%add3A_438, %dma_start3A_442] : memref<320x64xi32, #tpu.memory_space<vmem>> -> memref<1x64xi32, #tpu.memory_space<vmem>>
          %dma_start3A_444 = tpu.memref_squeeze %dma_start3A_443 : memref<1x64xi32, #tpu.memory_space<vmem>> -> memref<64xi32, #tpu.memory_space<vmem>>
          %dma_start3A_445 = arith.constant 0 : i32
          %dma_start3A_446 = arith.constant 0 : i32
          %dma_start3A_447 = tpu.memref_slice %arg3[%dma_start3A_445, %dma_start3A_446] : memref<10000x64xf32, #tpu.memory_space<hbm>> -> memref<10000x64xf32, #tpu.memory_space<hbm>>
          tpu.enqueue_indirect_dma source(%dma_start3A_447 : memref<10000x64xf32, #tpu.memory_space<hbm>>) target(%dma_start3A_441 : memref<64x64xf32, #tpu.memory_space<vmem>>) offsets(%dma_start3A_444 : memref<64xi32, #tpu.memory_space<vmem>>) semaphore(%arg15 : memref<!tpu.dma_semaphore, #tpu.memory_space<semaphore_mem>>)
          %mul3A_448 = arith.constant 2 : i32
          %mul3A_449 = arith.muli %add3A_413, %mul3A_448 : i32
          %add3A_450 = arith.constant 1 : i32
          %add3A_451 = arith.addi %mul3A_449, %add3A_450 : i32
          %mul3A_452 = arith.constant 2 : i32
          %mul3A_453 = arith.muli %add3A_451, %mul3A_452 : i32
          %add3A_454 = arith.constant 0 : i32
          %add3A_455 = arith.addi %mul3A_453, %add3A_454 : i32
          %dma_start3A_456 = arith.constant 0 : i32
          %dma_start3A_457 = arith.constant 0 : i32
          %dma_start3A_458 = tpu.memref_slice %arg12[%dma_start3A_456, %dma_start3A_457] : memref<128x64xf32, #tpu.memory_space<vmem>> -> memref<64x64xf32, #tpu.memory_space<vmem>>
          %dma_start3A_459 = arith.constant 0 : i32
          %dma_start3A_460 = tpu.memref_slice %arg7[%add3A_455, %dma_start3A_459] : memref<320x64xi32, #tpu.memory_space<vmem>> -> memref<1x64xi32, #tpu.memory_space<vmem>>
          %dma_start3A_461 = tpu.memref_squeeze %dma_start3A_460 : memref<1x64xi32, #tpu.memory_space<vmem>> -> memref<64xi32, #tpu.memory_space<vmem>>
          %dma_start3A_462 = arith.constant 0 : i32
          %dma_start3A_463 = arith.constant 0 : i32
          %dma_start3A_464 = tpu.memref_slice %arg3[%dma_start3A_462, %dma_start3A_463] : memref<10000x64xf32, #tpu.memory_space<hbm>> -> memref<10000x64xf32, #tpu.memory_space<hbm>>
          tpu.enqueue_indirect_dma source(%dma_start3A_464 : memref<10000x64xf32, #tpu.memory_space<hbm>>) target(%dma_start3A_458 : memref<64x64xf32, #tpu.memory_space<vmem>>) offsets(%dma_start3A_461 : memref<64xi32, #tpu.memory_space<vmem>>) semaphore(%arg15 : memref<!tpu.dma_semaphore, #tpu.memory_space<semaphore_mem>>)
          %mul3A_465 = arith.constant 2 : i32
          %mul3A_466 = arith.muli %add3A_413, %mul3A_465 : i32
          %add3A_467 = arith.constant 1 : i32
          %add3A_468 = arith.addi %mul3A_466, %add3A_467 : i32
          %mul3A_469 = arith.constant 2 : i32
          %mul3A_470 = arith.muli %add3A_468, %mul3A_469 : i32
          %add3A_471 = arith.constant 1 : i32
          %add3A_472 = arith.addi %mul3A_470, %add3A_471 : i32
          %dma_start3A_473 = arith.constant 64 : i32
          %dma_start3A_474 = arith.constant 0 : i32
          %dma_start3A_475 = tpu.memref_slice %arg12[%dma_start3A_473, %dma_start3A_474] : memref<128x64xf32, #tpu.memory_space<vmem>> -> memref<64x64xf32, #tpu.memory_space<vmem>>
          %dma_start3A_476 = arith.constant 0 : i32
          %dma_start3A_477 = tpu.memref_slice %arg7[%add3A_472, %dma_start3A_476] : memref<320x64xi32, #tpu.memory_space<vmem>> -> memref<1x64xi32, #tpu.memory_space<vmem>>
          %dma_start3A_478 = tpu.memref_squeeze %dma_start3A_477 : memref<1x64xi32, #tpu.memory_space<vmem>> -> memref<64xi32, #tpu.memory_space<vmem>>
          %dma_start3A_479 = arith.constant 0 : i32
          %dma_start3A_480 = arith.constant 0 : i32
          %dma_start3A_481 = tpu.memref_slice %arg3[%dma_start3A_479, %dma_start3A_480] : memref<10000x64xf32, #tpu.memory_space<hbm>> -> memref<10000x64xf32, #tpu.memory_space<hbm>>
          tpu.enqueue_indirect_dma source(%dma_start3A_481 : memref<10000x64xf32, #tpu.memory_space<hbm>>) target(%dma_start3A_475 : memref<64x64xf32, #tpu.memory_space<vmem>>) offsets(%dma_start3A_478 : memref<64xi32, #tpu.memory_space<vmem>>) semaphore(%arg15 : memref<!tpu.dma_semaphore, #tpu.memory_space<semaphore_mem>>)
        } else {
        }
      }
      %scan3A_176 = arith.constant 40 : i32
    } else {
    }
    %barrier3A_36 = arith.constant 0 : index
    tpu.barrier barrier_id(%barrier3A_36)
    %mul3A_37 = arith.constant 640 : i32
    %mul3A_38 = arith.muli %arg1, %mul3A_37 : i32
    %add3A_39 = arith.constant 0 : i32
    %add3A_40 = arith.addi %mul3A_38, %add3A_39 : i32
    "tpu.region"() ({
      %run_scoped3A = tpu.sem_alloc : memref<!tpu.dma_semaphore, #tpu.memory_space<semaphore_mem>>
      %dma_start3A = arith.constant 0 : i32
      %dma_start3A_92 = tpu.memref_slice %arg14[%add3A_40, %dma_start3A] : memref<10240x64xf32, #tpu.memory_space<vmem_shared>> -> memref<128x64xf32, #tpu.memory_space<vmem_shared>>
      %dma_start3A_93 = arith.constant 0 : i32
      %dma_start3A_94 = tpu.memref_slice %arg14[%add3A_40, %dma_start3A_93] : memref<10240x64xf32, #tpu.memory_space<vmem_shared>> -> memref<128x64xf32, #tpu.memory_space<vmem_shared>>
      tpu.enqueue_dma source(%dma_start3A_94 : memref<128x64xf32, #tpu.memory_space<vmem_shared>>) target(%arg13 : memref<128x64xf32, #tpu.memory_space<vmem>>) target_semaphore(%run_scoped3A : memref<!tpu.dma_semaphore, #tpu.memory_space<semaphore_mem>>)
      %dma_wait3A = arith.constant 0 : i32
      %dma_wait3A_95 = tpu.memref_slice %arg14[%add3A_40, %dma_wait3A] : memref<10240x64xf32, #tpu.memory_space<vmem_shared>> -> memref<128x64xf32, #tpu.memory_space<vmem_shared>>
      %dma_wait3A_96 = arith.constant 0 : i32
      %dma_wait3A_97 = tpu.memref_slice %arg14[%add3A_40, %dma_wait3A_96] : memref<10240x64xf32, #tpu.memory_space<vmem_shared>> -> memref<128x64xf32, #tpu.memory_space<vmem_shared>>
      tpu.wait_dma2 semaphore(%run_scoped3A : memref<!tpu.dma_semaphore, #tpu.memory_space<semaphore_mem>>) src(%dma_wait3A_97 : memref<128x64xf32, #tpu.memory_space<vmem_shared>>) dst(%arg13 : memref<128x64xf32, #tpu.memory_space<vmem>>)
      tpu.yield
    }) : () -> ()
    %mul3A_41 = arith.constant 10240 : i32
    %mul3A_42 = arith.muli %arg0, %mul3A_41 : i32
    %mul3A_43 = arith.constant 640 : i32
    %mul3A_44 = arith.muli %arg1, %mul3A_43 : i32
    %add3A_45 = arith.addi %mul3A_42, %mul3A_44 : i32
    %add3A_46 = arith.constant 0 : i32
    %add3A_47 = arith.addi %add3A_45, %add3A_46 : i32
    "tpu.region"() ({
      %run_scoped3A = tpu.sem_alloc : memref<!tpu.dma_semaphore, #tpu.memory_space<semaphore_mem>>
      %dma_start3A = arith.constant 0 : i32
      %dma_start3A_92 = tpu.memref_slice %arg6[%add3A_47, %dma_start3A] : memref<20480x64xf32, #tpu.memory_space<hbm>> -> memref<128x64xf32, #tpu.memory_space<hbm>>
      %dma_start3A_93 = arith.constant 0 : i32
      %dma_start3A_94 = tpu.memref_slice %arg6[%add3A_47, %dma_start3A_93] : memref<20480x64xf32, #tpu.memory_space<hbm>> -> memref<128x64xf32, #tpu.memory_space<hbm>>
      tpu.enqueue_dma source(%arg13 : memref<128x64xf32, #tpu.memory_space<vmem>>) target(%dma_start3A_94 : memref<128x64xf32, #tpu.memory_space<hbm>>) target_semaphore(%run_scoped3A : memref<!tpu.dma_semaphore, #tpu.memory_space<semaphore_mem>>)
      %dma_wait3A = arith.constant 0 : i32
      %dma_wait3A_95 = tpu.memref_slice %arg6[%add3A_47, %dma_wait3A] : memref<20480x64xf32, #tpu.memory_space<hbm>> -> memref<128x64xf32, #tpu.memory_space<hbm>>
      %dma_wait3A_96 = arith.constant 0 : i32
      %dma_wait3A_97 = tpu.memref_slice %arg6[%add3A_47, %dma_wait3A_96] : memref<20480x64xf32, #tpu.memory_space<hbm>> -> memref<128x64xf32, #tpu.memory_space<hbm>>
      tpu.wait_dma2 semaphore(%run_scoped3A : memref<!tpu.dma_semaphore, #tpu.memory_space<semaphore_mem>>) src(%arg13 : memref<128x64xf32, #tpu.memory_space<vmem>>) dst(%dma_wait3A_97 : memref<128x64xf32, #tpu.memory_space<hbm>>)
      tpu.yield
    }) : () -> ()
    %mul3A_48 = arith.constant 640 : i32
    %mul3A_49 = arith.muli %arg1, %mul3A_48 : i32
    %add3A_50 = arith.constant 128 : i32
    %add3A_51 = arith.addi %mul3A_49, %add3A_50 : i32
    "tpu.region"() ({
      %run_scoped3A = tpu.sem_alloc : memref<!tpu.dma_semaphore, #tpu.memory_space<semaphore_mem>>
      %dma_start3A = arith.constant 0 : i32
      %dma_start3A_92 = tpu.memref_slice %arg14[%add3A_51, %dma_start3A] : memref<10240x64xf32, #tpu.memory_space<vmem_shared>> -> memref<128x64xf32, #tpu.memory_space<vmem_shared>>
      %dma_start3A_93 = arith.constant 0 : i32
      %dma_start3A_94 = tpu.memref_slice %arg14[%add3A_51, %dma_start3A_93] : memref<10240x64xf32, #tpu.memory_space<vmem_shared>> -> memref<128x64xf32, #tpu.memory_space<vmem_shared>>
      tpu.enqueue_dma source(%dma_start3A_94 : memref<128x64xf32, #tpu.memory_space<vmem_shared>>) target(%arg13 : memref<128x64xf32, #tpu.memory_space<vmem>>) target_semaphore(%run_scoped3A : memref<!tpu.dma_semaphore, #tpu.memory_space<semaphore_mem>>)
      %dma_wait3A = arith.constant 0 : i32
      %dma_wait3A_95 = tpu.memref_slice %arg14[%add3A_51, %dma_wait3A] : memref<10240x64xf32, #tpu.memory_space<vmem_shared>> -> memref<128x64xf32, #tpu.memory_space<vmem_shared>>
      %dma_wait3A_96 = arith.constant 0 : i32
      %dma_wait3A_97 = tpu.memref_slice %arg14[%add3A_51, %dma_wait3A_96] : memref<10240x64xf32, #tpu.memory_space<vmem_shared>> -> memref<128x64xf32, #tpu.memory_space<vmem_shared>>
      tpu.wait_dma2 semaphore(%run_scoped3A : memref<!tpu.dma_semaphore, #tpu.memory_space<semaphore_mem>>) src(%dma_wait3A_97 : memref<128x64xf32, #tpu.memory_space<vmem_shared>>) dst(%arg13 : memref<128x64xf32, #tpu.memory_space<vmem>>)
      tpu.yield
    }) : () -> ()
    %mul3A_52 = arith.constant 10240 : i32
    %mul3A_53 = arith.muli %arg0, %mul3A_52 : i32
    %mul3A_54 = arith.constant 640 : i32
    %mul3A_55 = arith.muli %arg1, %mul3A_54 : i32
    %add3A_56 = arith.addi %mul3A_53, %mul3A_55 : i32
    %add3A_57 = arith.constant 128 : i32
    %add3A_58 = arith.addi %add3A_56, %add3A_57 : i32
    "tpu.region"() ({
      %run_scoped3A = tpu.sem_alloc : memref<!tpu.dma_semaphore, #tpu.memory_space<semaphore_mem>>
      %dma_start3A = arith.constant 0 : i32
      %dma_start3A_92 = tpu.memref_slice %arg6[%add3A_58, %dma_start3A] : memref<20480x64xf32, #tpu.memory_space<hbm>> -> memref<128x64xf32, #tpu.memory_space<hbm>>
      %dma_start3A_93 = arith.constant 0 : i32
      %dma_start3A_94 = tpu.memref_slice %arg6[%add3A_58, %dma_start3A_93] : memref<20480x64xf32, #tpu.memory_space<hbm>> -> memref<128x64xf32, #tpu.memory_space<hbm>>
      tpu.enqueue_dma source(%arg13 : memref<128x64xf32, #tpu.memory_space<vmem>>) target(%dma_start3A_94 : memref<128x64xf32, #tpu.memory_space<hbm>>) target_semaphore(%run_scoped3A : memref<!tpu.dma_semaphore, #tpu.memory_space<semaphore_mem>>)
      %dma_wait3A = arith.constant 0 : i32
      %dma_wait3A_95 = tpu.memref_slice %arg6[%add3A_58, %dma_wait3A] : memref<20480x64xf32, #tpu.memory_space<hbm>> -> memref<128x64xf32, #tpu.memory_space<hbm>>
      %dma_wait3A_96 = arith.constant 0 : i32
      %dma_wait3A_97 = tpu.memref_slice %arg6[%add3A_58, %dma_wait3A_96] : memref<20480x64xf32, #tpu.memory_space<hbm>> -> memref<128x64xf32, #tpu.memory_space<hbm>>
      tpu.wait_dma2 semaphore(%run_scoped3A : memref<!tpu.dma_semaphore, #tpu.memory_space<semaphore_mem>>) src(%arg13 : memref<128x64xf32, #tpu.memory_space<vmem>>) dst(%dma_wait3A_97 : memref<128x64xf32, #tpu.memory_space<hbm>>)
      tpu.yield
    }) : () -> ()
    %mul3A_59 = arith.constant 640 : i32
    %mul3A_60 = arith.muli %arg1, %mul3A_59 : i32
    %add3A_61 = arith.constant 256 : i32
    %add3A_62 = arith.addi %mul3A_60, %add3A_61 : i32
    "tpu.region"() ({
      %run_scoped3A = tpu.sem_alloc : memref<!tpu.dma_semaphore, #tpu.memory_space<semaphore_mem>>
      %dma_start3A = arith.constant 0 : i32
      %dma_start3A_92 = tpu.memref_slice %arg14[%add3A_62, %dma_start3A] : memref<10240x64xf32, #tpu.memory_space<vmem_shared>> -> memref<128x64xf32, #tpu.memory_space<vmem_shared>>
      %dma_start3A_93 = arith.constant 0 : i32
      %dma_start3A_94 = tpu.memref_slice %arg14[%add3A_62, %dma_start3A_93] : memref<10240x64xf32, #tpu.memory_space<vmem_shared>> -> memref<128x64xf32, #tpu.memory_space<vmem_shared>>
      tpu.enqueue_dma source(%dma_start3A_94 : memref<128x64xf32, #tpu.memory_space<vmem_shared>>) target(%arg13 : memref<128x64xf32, #tpu.memory_space<vmem>>) target_semaphore(%run_scoped3A : memref<!tpu.dma_semaphore, #tpu.memory_space<semaphore_mem>>)
      %dma_wait3A = arith.constant 0 : i32
      %dma_wait3A_95 = tpu.memref_slice %arg14[%add3A_62, %dma_wait3A] : memref<10240x64xf32, #tpu.memory_space<vmem_shared>> -> memref<128x64xf32, #tpu.memory_space<vmem_shared>>
      %dma_wait3A_96 = arith.constant 0 : i32
      %dma_wait3A_97 = tpu.memref_slice %arg14[%add3A_62, %dma_wait3A_96] : memref<10240x64xf32, #tpu.memory_space<vmem_shared>> -> memref<128x64xf32, #tpu.memory_space<vmem_shared>>
      tpu.wait_dma2 semaphore(%run_scoped3A : memref<!tpu.dma_semaphore, #tpu.memory_space<semaphore_mem>>) src(%dma_wait3A_97 : memref<128x64xf32, #tpu.memory_space<vmem_shared>>) dst(%arg13 : memref<128x64xf32, #tpu.memory_space<vmem>>)
      tpu.yield
    }) : () -> ()
    %mul3A_63 = arith.constant 10240 : i32
    %mul3A_64 = arith.muli %arg0, %mul3A_63 : i32
    %mul3A_65 = arith.constant 640 : i32
    %mul3A_66 = arith.muli %arg1, %mul3A_65 : i32
    %add3A_67 = arith.addi %mul3A_64, %mul3A_66 : i32
    %add3A_68 = arith.constant 256 : i32
    %add3A_69 = arith.addi %add3A_67, %add3A_68 : i32
    "tpu.region"() ({
      %run_scoped3A = tpu.sem_alloc : memref<!tpu.dma_semaphore, #tpu.memory_space<semaphore_mem>>
      %dma_start3A = arith.constant 0 : i32
      %dma_start3A_92 = tpu.memref_slice %arg6[%add3A_69, %dma_start3A] : memref<20480x64xf32, #tpu.memory_space<hbm>> -> memref<128x64xf32, #tpu.memory_space<hbm>>
      %dma_start3A_93 = arith.constant 0 : i32
      %dma_start3A_94 = tpu.memref_slice %arg6[%add3A_69, %dma_start3A_93] : memref<20480x64xf32, #tpu.memory_space<hbm>> -> memref<128x64xf32, #tpu.memory_space<hbm>>
      tpu.enqueue_dma source(%arg13 : memref<128x64xf32, #tpu.memory_space<vmem>>) target(%dma_start3A_94 : memref<128x64xf32, #tpu.memory_space<hbm>>) target_semaphore(%run_scoped3A : memref<!tpu.dma_semaphore, #tpu.memory_space<semaphore_mem>>)
      %dma_wait3A = arith.constant 0 : i32
      %dma_wait3A_95 = tpu.memref_slice %arg6[%add3A_69, %dma_wait3A] : memref<20480x64xf32, #tpu.memory_space<hbm>> -> memref<128x64xf32, #tpu.memory_space<hbm>>
      %dma_wait3A_96 = arith.constant 0 : i32
      %dma_wait3A_97 = tpu.memref_slice %arg6[%add3A_69, %dma_wait3A_96] : memref<20480x64xf32, #tpu.memory_space<hbm>> -> memref<128x64xf32, #tpu.memory_space<hbm>>
      tpu.wait_dma2 semaphore(%run_scoped3A : memref<!tpu.dma_semaphore, #tpu.memory_space<semaphore_mem>>) src(%arg13 : memref<128x64xf32, #tpu.memory_space<vmem>>) dst(%dma_wait3A_97 : memref<128x64xf32, #tpu.memory_space<hbm>>)
      tpu.yield
    }) : () -> ()
    %mul3A_70 = arith.constant 640 : i32
    %mul3A_71 = arith.muli %arg1, %mul3A_70 : i32
    %add3A_72 = arith.constant 384 : i32
    %add3A_73 = arith.addi %mul3A_71, %add3A_72 : i32
    "tpu.region"() ({
      %run_scoped3A = tpu.sem_alloc : memref<!tpu.dma_semaphore, #tpu.memory_space<semaphore_mem>>
      %dma_start3A = arith.constant 0 : i32
      %dma_start3A_92 = tpu.memref_slice %arg14[%add3A_73, %dma_start3A] : memref<10240x64xf32, #tpu.memory_space<vmem_shared>> -> memref<128x64xf32, #tpu.memory_space<vmem_shared>>
      %dma_start3A_93 = arith.constant 0 : i32
      %dma_start3A_94 = tpu.memref_slice %arg14[%add3A_73, %dma_start3A_93] : memref<10240x64xf32, #tpu.memory_space<vmem_shared>> -> memref<128x64xf32, #tpu.memory_space<vmem_shared>>
      tpu.enqueue_dma source(%dma_start3A_94 : memref<128x64xf32, #tpu.memory_space<vmem_shared>>) target(%arg13 : memref<128x64xf32, #tpu.memory_space<vmem>>) target_semaphore(%run_scoped3A : memref<!tpu.dma_semaphore, #tpu.memory_space<semaphore_mem>>)
      %dma_wait3A = arith.constant 0 : i32
      %dma_wait3A_95 = tpu.memref_slice %arg14[%add3A_73, %dma_wait3A] : memref<10240x64xf32, #tpu.memory_space<vmem_shared>> -> memref<128x64xf32, #tpu.memory_space<vmem_shared>>
      %dma_wait3A_96 = arith.constant 0 : i32
      %dma_wait3A_97 = tpu.memref_slice %arg14[%add3A_73, %dma_wait3A_96] : memref<10240x64xf32, #tpu.memory_space<vmem_shared>> -> memref<128x64xf32, #tpu.memory_space<vmem_shared>>
      tpu.wait_dma2 semaphore(%run_scoped3A : memref<!tpu.dma_semaphore, #tpu.memory_space<semaphore_mem>>) src(%dma_wait3A_97 : memref<128x64xf32, #tpu.memory_space<vmem_shared>>) dst(%arg13 : memref<128x64xf32, #tpu.memory_space<vmem>>)
      tpu.yield
    }) : () -> ()
    %mul3A_74 = arith.constant 10240 : i32
    %mul3A_75 = arith.muli %arg0, %mul3A_74 : i32
    %mul3A_76 = arith.constant 640 : i32
    %mul3A_77 = arith.muli %arg1, %mul3A_76 : i32
    %add3A_78 = arith.addi %mul3A_75, %mul3A_77 : i32
    %add3A_79 = arith.constant 384 : i32
    %add3A_80 = arith.addi %add3A_78, %add3A_79 : i32
    "tpu.region"() ({
      %run_scoped3A = tpu.sem_alloc : memref<!tpu.dma_semaphore, #tpu.memory_space<semaphore_mem>>
      %dma_start3A = arith.constant 0 : i32
      %dma_start3A_92 = tpu.memref_slice %arg6[%add3A_80, %dma_start3A] : memref<20480x64xf32, #tpu.memory_space<hbm>> -> memref<128x64xf32, #tpu.memory_space<hbm>>
      %dma_start3A_93 = arith.constant 0 : i32
      %dma_start3A_94 = tpu.memref_slice %arg6[%add3A_80, %dma_start3A_93] : memref<20480x64xf32, #tpu.memory_space<hbm>> -> memref<128x64xf32, #tpu.memory_space<hbm>>
      tpu.enqueue_dma source(%arg13 : memref<128x64xf32, #tpu.memory_space<vmem>>) target(%dma_start3A_94 : memref<128x64xf32, #tpu.memory_space<hbm>>) target_semaphore(%run_scoped3A : memref<!tpu.dma_semaphore, #tpu.memory_space<semaphore_mem>>)
      %dma_wait3A = arith.constant 0 : i32
      %dma_wait3A_95 = tpu.memref_slice %arg6[%add3A_80, %dma_wait3A] : memref<20480x64xf32, #tpu.memory_space<hbm>> -> memref<128x64xf32, #tpu.memory_space<hbm>>
      %dma_wait3A_96 = arith.constant 0 : i32
      %dma_wait3A_97 = tpu.memref_slice %arg6[%add3A_80, %dma_wait3A_96] : memref<20480x64xf32, #tpu.memory_space<hbm>> -> memref<128x64xf32, #tpu.memory_space<hbm>>
      tpu.wait_dma2 semaphore(%run_scoped3A : memref<!tpu.dma_semaphore, #tpu.memory_space<semaphore_mem>>) src(%arg13 : memref<128x64xf32, #tpu.memory_space<vmem>>) dst(%dma_wait3A_97 : memref<128x64xf32, #tpu.memory_space<hbm>>)
      tpu.yield
    }) : () -> ()
    %mul3A_81 = arith.constant 640 : i32
    %mul3A_82 = arith.muli %arg1, %mul3A_81 : i32
    %add3A_83 = arith.constant 512 : i32
    %add3A_84 = arith.addi %mul3A_82, %add3A_83 : i32
    "tpu.region"() ({
      %run_scoped3A = tpu.sem_alloc : memref<!tpu.dma_semaphore, #tpu.memory_space<semaphore_mem>>
      %dma_start3A = arith.constant 0 : i32
      %dma_start3A_92 = tpu.memref_slice %arg14[%add3A_84, %dma_start3A] : memref<10240x64xf32, #tpu.memory_space<vmem_shared>> -> memref<128x64xf32, #tpu.memory_space<vmem_shared>>
      %dma_start3A_93 = arith.constant 0 : i32
      %dma_start3A_94 = tpu.memref_slice %arg14[%add3A_84, %dma_start3A_93] : memref<10240x64xf32, #tpu.memory_space<vmem_shared>> -> memref<128x64xf32, #tpu.memory_space<vmem_shared>>
      tpu.enqueue_dma source(%dma_start3A_94 : memref<128x64xf32, #tpu.memory_space<vmem_shared>>) target(%arg13 : memref<128x64xf32, #tpu.memory_space<vmem>>) target_semaphore(%run_scoped3A : memref<!tpu.dma_semaphore, #tpu.memory_space<semaphore_mem>>)
      %dma_wait3A = arith.constant 0 : i32
      %dma_wait3A_95 = tpu.memref_slice %arg14[%add3A_84, %dma_wait3A] : memref<10240x64xf32, #tpu.memory_space<vmem_shared>> -> memref<128x64xf32, #tpu.memory_space<vmem_shared>>
      %dma_wait3A_96 = arith.constant 0 : i32
      %dma_wait3A_97 = tpu.memref_slice %arg14[%add3A_84, %dma_wait3A_96] : memref<10240x64xf32, #tpu.memory_space<vmem_shared>> -> memref<128x64xf32, #tpu.memory_space<vmem_shared>>
      tpu.wait_dma2 semaphore(%run_scoped3A : memref<!tpu.dma_semaphore, #tpu.memory_space<semaphore_mem>>) src(%dma_wait3A_97 : memref<128x64xf32, #tpu.memory_space<vmem_shared>>) dst(%arg13 : memref<128x64xf32, #tpu.memory_space<vmem>>)
      tpu.yield
    }) : () -> ()
    %mul3A_85 = arith.constant 10240 : i32
    %mul3A_86 = arith.muli %arg0, %mul3A_85 : i32
    %mul3A_87 = arith.constant 640 : i32
    %mul3A_88 = arith.muli %arg1, %mul3A_87 : i32
    %add3A_89 = arith.addi %mul3A_86, %mul3A_88 : i32
    %add3A_90 = arith.constant 512 : i32
    %add3A_91 = arith.addi %add3A_89, %add3A_90 : i32
    "tpu.region"() ({
      %run_scoped3A = tpu.sem_alloc : memref<!tpu.dma_semaphore, #tpu.memory_space<semaphore_mem>>
      %dma_start3A = arith.constant 0 : i32
      %dma_start3A_92 = tpu.memref_slice %arg6[%add3A_91, %dma_start3A] : memref<20480x64xf32, #tpu.memory_space<hbm>> -> memref<128x64xf32, #tpu.memory_space<hbm>>
      %dma_start3A_93 = arith.constant 0 : i32
      %dma_start3A_94 = tpu.memref_slice %arg6[%add3A_91, %dma_start3A_93] : memref<20480x64xf32, #tpu.memory_space<hbm>> -> memref<128x64xf32, #tpu.memory_space<hbm>>
      tpu.enqueue_dma source(%arg13 : memref<128x64xf32, #tpu.memory_space<vmem>>) target(%dma_start3A_94 : memref<128x64xf32, #tpu.memory_space<hbm>>) target_semaphore(%run_scoped3A : memref<!tpu.dma_semaphore, #tpu.memory_space<semaphore_mem>>)
      %dma_wait3A = arith.constant 0 : i32
      %dma_wait3A_95 = tpu.memref_slice %arg6[%add3A_91, %dma_wait3A] : memref<20480x64xf32, #tpu.memory_space<hbm>> -> memref<128x64xf32, #tpu.memory_space<hbm>>
      %dma_wait3A_96 = arith.constant 0 : i32
      %dma_wait3A_97 = tpu.memref_slice %arg6[%add3A_91, %dma_wait3A_96] : memref<20480x64xf32, #tpu.memory_space<hbm>> -> memref<128x64xf32, #tpu.memory_space<hbm>>
      tpu.wait_dma2 semaphore(%run_scoped3A : memref<!tpu.dma_semaphore, #tpu.memory_space<semaphore_mem>>) src(%arg13 : memref<128x64xf32, #tpu.memory_space<vmem>>) dst(%dma_wait3A_97 : memref<128x64xf32, #tpu.memory_space<hbm>>)
      tpu.yield
    }) : () -> ()
    return
  }
}

#map = affine_map<(d0, d1) -> (0, 0)>
module attributes {stable_mosaic.version = 14 : i64} {
  func.func @_hist(%arg0: i32, %arg1: i32, %arg2: memref<2560x128xi32, #tpu.memory_space<hbm>>, %arg3: memref<20480x16xf32, #tpu.memory_space<hbm>>, %arg4: memref<80x128xi32, #tpu.memory_space<vmem>>, %arg5: memref<128x16xf32, #tpu.memory_space<vmem>>, %arg6: memref<128x16xf32, #tpu.memory_space<vmem>>, %arg7: memref<10240x16xf32, #tpu.memory_space<vmem_shared>>, %arg8: memref<!tpu.dma_semaphore, #tpu.memory_space<semaphore_mem>>) attributes {dimension_semantics = [#tpu.dimension_semantics<core_parallel>, #tpu.dimension_semantics<subcore_parallel>], iteration_bounds = array<i64: 2, 16>, scalar_prefetch = 0 : i64, scratch_operands = 5 : i64, tpu.core_type = #tpu.core_type<sc_vector_subcore>, window_params = [{transform_indices = #map}, {transform_indices = #map}]} {
    %mul3A = arith.constant 2 : i32
    %mul3A_0 = arith.muli %arg1, %mul3A : i32
    %add3A = arith.addi %mul3A_0, %arg0 : i32
    %scan3A = arith.constant 0 : i32
    %scan3A_1 = arith.constant 0 : i32
    %scan3A_2 = arith.constant 128 : i32
    %scan3A_3 = arith.addi %scan3A_1, %scan3A_2 : i32
    %scan3A_4 = arith.constant 1 : i32
    scf.for %scan3A_96 = %scan3A_1 to %scan3A_3 step %scan3A_4  : i32 {
      %broadcast_in_dim3A = arith.constant 1.000000e+00 : f32
      %broadcast_in_dim3A_97 = vector.broadcast %broadcast_in_dim3A : f32 to vector<16xf32>
      %swap3A = arith.index_cast %scan3A_96 : i32 to index
      %swap3A_98 = arith.constant 0 : index
      %swap3A_99 = tpu.vector_load %arg5[%swap3A, %swap3A_98] {strides = array<i32>} : memref<128x16xf32, #tpu.memory_space<vmem>>, vector<1x16xf32>,
      %swap3A_100 = vector.shape_cast %swap3A_99 : vector<1x16xf32> to vector<16xf32>
      %swap3A_101 = vector.shape_cast %broadcast_in_dim3A_97 : vector<16xf32> to vector<1x16xf32>
      tpu.vector_store %arg5[%swap3A, %swap3A_98], %swap3A_101 {strides = array<i32>} : memref<128x16xf32, #tpu.memory_space<vmem>>, vector<1x16xf32>,
    }
    %scan3A_5 = arith.constant 128 : i32
    %mul3A_6 = arith.constant 80 : i32
    %mul3A_7 = arith.muli %add3A, %mul3A_6 : i32
    "tpu.region"() ({
      %run_scoped3A = tpu.sem_alloc : memref<!tpu.dma_semaphore, #tpu.memory_space<semaphore_mem>>
      %dma_start3A = arith.constant 0 : i32
      %dma_start3A_96 = tpu.memref_slice %arg2[%mul3A_7, %dma_start3A] : memref<2560x128xi32, #tpu.memory_space<hbm>> -> memref<80x128xi32, #tpu.memory_space<hbm>>
      %dma_start3A_97 = arith.constant 0 : i32
      %dma_start3A_98 = tpu.memref_slice %arg2[%mul3A_7, %dma_start3A_97] : memref<2560x128xi32, #tpu.memory_space<hbm>> -> memref<80x128xi32, #tpu.memory_space<hbm>>
      tpu.enqueue_dma source(%dma_start3A_98 : memref<80x128xi32, #tpu.memory_space<hbm>>) target(%arg4 : memref<80x128xi32, #tpu.memory_space<vmem>>) target_semaphore(%run_scoped3A : memref<!tpu.dma_semaphore, #tpu.memory_space<semaphore_mem>>)
      %dma_wait3A = arith.constant 0 : i32
      %dma_wait3A_99 = tpu.memref_slice %arg2[%mul3A_7, %dma_wait3A] : memref<2560x128xi32, #tpu.memory_space<hbm>> -> memref<80x128xi32, #tpu.memory_space<hbm>>
      %dma_wait3A_100 = arith.constant 0 : i32
      %dma_wait3A_101 = tpu.memref_slice %arg2[%mul3A_7, %dma_wait3A_100] : memref<2560x128xi32, #tpu.memory_space<hbm>> -> memref<80x128xi32, #tpu.memory_space<hbm>>
      tpu.wait_dma2 semaphore(%run_scoped3A : memref<!tpu.dma_semaphore, #tpu.memory_space<semaphore_mem>>) src(%dma_wait3A_101 : memref<80x128xi32, #tpu.memory_space<hbm>>) dst(%arg4 : memref<80x128xi32, #tpu.memory_space<vmem>>)
      tpu.yield
    }) : () -> ()
    %scan3A_8 = arith.constant 0 : i32
    %scan3A_9 = arith.constant 0 : i32
    %scan3A_10 = arith.constant 128 : i32
    %scan3A_11 = arith.addi %scan3A_9, %scan3A_10 : i32
    %scan3A_12 = arith.constant 1 : i32
    scf.for %scan3A_96 = %scan3A_9 to %scan3A_11 step %scan3A_12  : i32 {
      %scan3A_97 = arith.constant 0 : i32
      %broadcast_in_dim3A = arith.constant 0.000000e+00 : f32
      %broadcast_in_dim3A_98 = vector.broadcast %broadcast_in_dim3A : f32 to vector<16xf32>
      %mul3A_99 = arith.constant 16 : i32
      %mul3A_100 = arith.muli %scan3A_97, %mul3A_99 : i32
      %swap3A = arith.index_cast %scan3A_96 : i32 to index
      %swap3A_101 = arith.index_cast %mul3A_100 : i32 to index
      %swap3A_102 = tpu.vector_load %arg6[%swap3A, %swap3A_101] {strides = array<i32>} : memref<128x16xf32, #tpu.memory_space<vmem>>, vector<1x16xf32>,
      %swap3A_103 = vector.shape_cast %swap3A_102 : vector<1x16xf32> to vector<16xf32>
      %swap3A_104 = vector.shape_cast %broadcast_in_dim3A_98 : vector<16xf32> to vector<1x16xf32>
      tpu.vector_store %arg6[%swap3A, %swap3A_101], %swap3A_104 {strides = array<i32>} : memref<128x16xf32, #tpu.memory_space<vmem>>, vector<1x16xf32>,
      %scan3A_105 = arith.constant 1 : i32
    }
    %scan3A_13 = arith.constant 128 : i32
    %mul3A_14 = arith.constant 640 : i32
    %mul3A_15 = arith.muli %arg1, %mul3A_14 : i32
    %add3A_16 = arith.constant 0 : i32
    %add3A_17 = arith.addi %mul3A_15, %add3A_16 : i32
    "tpu.region"() ({
      %run_scoped3A = tpu.sem_alloc : memref<!tpu.dma_semaphore, #tpu.memory_space<semaphore_mem>>
      %dma_start3A = arith.constant 0 : i32
      %dma_start3A_96 = tpu.memref_slice %arg7[%add3A_17, %dma_start3A] : memref<10240x16xf32, #tpu.memory_space<vmem_shared>> -> memref<128x16xf32, #tpu.memory_space<vmem_shared>>
      %dma_start3A_97 = arith.constant 0 : i32
      %dma_start3A_98 = tpu.memref_slice %arg7[%add3A_17, %dma_start3A_97] : memref<10240x16xf32, #tpu.memory_space<vmem_shared>> -> memref<128x16xf32, #tpu.memory_space<vmem_shared>>
      tpu.enqueue_dma source(%arg6 : memref<128x16xf32, #tpu.memory_space<vmem>>) target(%dma_start3A_98 : memref<128x16xf32, #tpu.memory_space<vmem_shared>>) target_semaphore(%run_scoped3A : memref<!tpu.dma_semaphore, #tpu.memory_space<semaphore_mem>>)
      %dma_wait3A = arith.constant 0 : i32
      %dma_wait3A_99 = tpu.memref_slice %arg7[%add3A_17, %dma_wait3A] : memref<10240x16xf32, #tpu.memory_space<vmem_shared>> -> memref<128x16xf32, #tpu.memory_space<vmem_shared>>
      %dma_wait3A_100 = arith.constant 0 : i32
      %dma_wait3A_101 = tpu.memref_slice %arg7[%add3A_17, %dma_wait3A_100] : memref<10240x16xf32, #tpu.memory_space<vmem_shared>> -> memref<128x16xf32, #tpu.memory_space<vmem_shared>>
      tpu.wait_dma2 semaphore(%run_scoped3A : memref<!tpu.dma_semaphore, #tpu.memory_space<semaphore_mem>>) src(%arg6 : memref<128x16xf32, #tpu.memory_space<vmem>>) dst(%dma_wait3A_101 : memref<128x16xf32, #tpu.memory_space<vmem_shared>>)
      tpu.yield
    }) : () -> ()
    %mul3A_18 = arith.constant 640 : i32
    %mul3A_19 = arith.muli %arg1, %mul3A_18 : i32
    %add3A_20 = arith.constant 128 : i32
    %add3A_21 = arith.addi %mul3A_19, %add3A_20 : i32
    "tpu.region"() ({
      %run_scoped3A = tpu.sem_alloc : memref<!tpu.dma_semaphore, #tpu.memory_space<semaphore_mem>>
      %dma_start3A = arith.constant 0 : i32
      %dma_start3A_96 = tpu.memref_slice %arg7[%add3A_21, %dma_start3A] : memref<10240x16xf32, #tpu.memory_space<vmem_shared>> -> memref<128x16xf32, #tpu.memory_space<vmem_shared>>
      %dma_start3A_97 = arith.constant 0 : i32
      %dma_start3A_98 = tpu.memref_slice %arg7[%add3A_21, %dma_start3A_97] : memref<10240x16xf32, #tpu.memory_space<vmem_shared>> -> memref<128x16xf32, #tpu.memory_space<vmem_shared>>
      tpu.enqueue_dma source(%arg6 : memref<128x16xf32, #tpu.memory_space<vmem>>) target(%dma_start3A_98 : memref<128x16xf32, #tpu.memory_space<vmem_shared>>) target_semaphore(%run_scoped3A : memref<!tpu.dma_semaphore, #tpu.memory_space<semaphore_mem>>)
      %dma_wait3A = arith.constant 0 : i32
      %dma_wait3A_99 = tpu.memref_slice %arg7[%add3A_21, %dma_wait3A] : memref<10240x16xf32, #tpu.memory_space<vmem_shared>> -> memref<128x16xf32, #tpu.memory_space<vmem_shared>>
      %dma_wait3A_100 = arith.constant 0 : i32
      %dma_wait3A_101 = tpu.memref_slice %arg7[%add3A_21, %dma_wait3A_100] : memref<10240x16xf32, #tpu.memory_space<vmem_shared>> -> memref<128x16xf32, #tpu.memory_space<vmem_shared>>
      tpu.wait_dma2 semaphore(%run_scoped3A : memref<!tpu.dma_semaphore, #tpu.memory_space<semaphore_mem>>) src(%arg6 : memref<128x16xf32, #tpu.memory_space<vmem>>) dst(%dma_wait3A_101 : memref<128x16xf32, #tpu.memory_space<vmem_shared>>)
      tpu.yield
    }) : () -> ()
    %mul3A_22 = arith.constant 640 : i32
    %mul3A_23 = arith.muli %arg1, %mul3A_22 : i32
    %add3A_24 = arith.constant 256 : i32
    %add3A_25 = arith.addi %mul3A_23, %add3A_24 : i32
    "tpu.region"() ({
      %run_scoped3A = tpu.sem_alloc : memref<!tpu.dma_semaphore, #tpu.memory_space<semaphore_mem>>
      %dma_start3A = arith.constant 0 : i32
      %dma_start3A_96 = tpu.memref_slice %arg7[%add3A_25, %dma_start3A] : memref<10240x16xf32, #tpu.memory_space<vmem_shared>> -> memref<128x16xf32, #tpu.memory_space<vmem_shared>>
      %dma_start3A_97 = arith.constant 0 : i32
      %dma_start3A_98 = tpu.memref_slice %arg7[%add3A_25, %dma_start3A_97] : memref<10240x16xf32, #tpu.memory_space<vmem_shared>> -> memref<128x16xf32, #tpu.memory_space<vmem_shared>>
      tpu.enqueue_dma source(%arg6 : memref<128x16xf32, #tpu.memory_space<vmem>>) target(%dma_start3A_98 : memref<128x16xf32, #tpu.memory_space<vmem_shared>>) target_semaphore(%run_scoped3A : memref<!tpu.dma_semaphore, #tpu.memory_space<semaphore_mem>>)
      %dma_wait3A = arith.constant 0 : i32
      %dma_wait3A_99 = tpu.memref_slice %arg7[%add3A_25, %dma_wait3A] : memref<10240x16xf32, #tpu.memory_space<vmem_shared>> -> memref<128x16xf32, #tpu.memory_space<vmem_shared>>
      %dma_wait3A_100 = arith.constant 0 : i32
      %dma_wait3A_101 = tpu.memref_slice %arg7[%add3A_25, %dma_wait3A_100] : memref<10240x16xf32, #tpu.memory_space<vmem_shared>> -> memref<128x16xf32, #tpu.memory_space<vmem_shared>>
      tpu.wait_dma2 semaphore(%run_scoped3A : memref<!tpu.dma_semaphore, #tpu.memory_space<semaphore_mem>>) src(%arg6 : memref<128x16xf32, #tpu.memory_space<vmem>>) dst(%dma_wait3A_101 : memref<128x16xf32, #tpu.memory_space<vmem_shared>>)
      tpu.yield
    }) : () -> ()
    %mul3A_26 = arith.constant 640 : i32
    %mul3A_27 = arith.muli %arg1, %mul3A_26 : i32
    %add3A_28 = arith.constant 384 : i32
    %add3A_29 = arith.addi %mul3A_27, %add3A_28 : i32
    "tpu.region"() ({
      %run_scoped3A = tpu.sem_alloc : memref<!tpu.dma_semaphore, #tpu.memory_space<semaphore_mem>>
      %dma_start3A = arith.constant 0 : i32
      %dma_start3A_96 = tpu.memref_slice %arg7[%add3A_29, %dma_start3A] : memref<10240x16xf32, #tpu.memory_space<vmem_shared>> -> memref<128x16xf32, #tpu.memory_space<vmem_shared>>
      %dma_start3A_97 = arith.constant 0 : i32
      %dma_start3A_98 = tpu.memref_slice %arg7[%add3A_29, %dma_start3A_97] : memref<10240x16xf32, #tpu.memory_space<vmem_shared>> -> memref<128x16xf32, #tpu.memory_space<vmem_shared>>
      tpu.enqueue_dma source(%arg6 : memref<128x16xf32, #tpu.memory_space<vmem>>) target(%dma_start3A_98 : memref<128x16xf32, #tpu.memory_space<vmem_shared>>) target_semaphore(%run_scoped3A : memref<!tpu.dma_semaphore, #tpu.memory_space<semaphore_mem>>)
      %dma_wait3A = arith.constant 0 : i32
      %dma_wait3A_99 = tpu.memref_slice %arg7[%add3A_29, %dma_wait3A] : memref<10240x16xf32, #tpu.memory_space<vmem_shared>> -> memref<128x16xf32, #tpu.memory_space<vmem_shared>>
      %dma_wait3A_100 = arith.constant 0 : i32
      %dma_wait3A_101 = tpu.memref_slice %arg7[%add3A_29, %dma_wait3A_100] : memref<10240x16xf32, #tpu.memory_space<vmem_shared>> -> memref<128x16xf32, #tpu.memory_space<vmem_shared>>
      tpu.wait_dma2 semaphore(%run_scoped3A : memref<!tpu.dma_semaphore, #tpu.memory_space<semaphore_mem>>) src(%arg6 : memref<128x16xf32, #tpu.memory_space<vmem>>) dst(%dma_wait3A_101 : memref<128x16xf32, #tpu.memory_space<vmem_shared>>)
      tpu.yield
    }) : () -> ()
    %mul3A_30 = arith.constant 640 : i32
    %mul3A_31 = arith.muli %arg1, %mul3A_30 : i32
    %add3A_32 = arith.constant 512 : i32
    %add3A_33 = arith.addi %mul3A_31, %add3A_32 : i32
    "tpu.region"() ({
      %run_scoped3A = tpu.sem_alloc : memref<!tpu.dma_semaphore, #tpu.memory_space<semaphore_mem>>
      %dma_start3A = arith.constant 0 : i32
      %dma_start3A_96 = tpu.memref_slice %arg7[%add3A_33, %dma_start3A] : memref<10240x16xf32, #tpu.memory_space<vmem_shared>> -> memref<128x16xf32, #tpu.memory_space<vmem_shared>>
      %dma_start3A_97 = arith.constant 0 : i32
      %dma_start3A_98 = tpu.memref_slice %arg7[%add3A_33, %dma_start3A_97] : memref<10240x16xf32, #tpu.memory_space<vmem_shared>> -> memref<128x16xf32, #tpu.memory_space<vmem_shared>>
      tpu.enqueue_dma source(%arg6 : memref<128x16xf32, #tpu.memory_space<vmem>>) target(%dma_start3A_98 : memref<128x16xf32, #tpu.memory_space<vmem_shared>>) target_semaphore(%run_scoped3A : memref<!tpu.dma_semaphore, #tpu.memory_space<semaphore_mem>>)
      %dma_wait3A = arith.constant 0 : i32
      %dma_wait3A_99 = tpu.memref_slice %arg7[%add3A_33, %dma_wait3A] : memref<10240x16xf32, #tpu.memory_space<vmem_shared>> -> memref<128x16xf32, #tpu.memory_space<vmem_shared>>
      %dma_wait3A_100 = arith.constant 0 : i32
      %dma_wait3A_101 = tpu.memref_slice %arg7[%add3A_33, %dma_wait3A_100] : memref<10240x16xf32, #tpu.memory_space<vmem_shared>> -> memref<128x16xf32, #tpu.memory_space<vmem_shared>>
      tpu.wait_dma2 semaphore(%run_scoped3A : memref<!tpu.dma_semaphore, #tpu.memory_space<semaphore_mem>>) src(%arg6 : memref<128x16xf32, #tpu.memory_space<vmem>>) dst(%dma_wait3A_101 : memref<128x16xf32, #tpu.memory_space<vmem_shared>>)
      tpu.yield
    }) : () -> ()
    %barrier3A = arith.constant 0 : index
    tpu.barrier barrier_id(%barrier3A)
    %scan3A_34 = arith.constant 0 : i32
    %scan3A_35 = arith.constant 0 : i32
    %scan3A_36 = arith.constant 10 : i32
    %scan3A_37 = arith.addi %scan3A_35, %scan3A_36 : i32
    %scan3A_38 = arith.constant 1 : i32
    scf.for %scan3A_96 = %scan3A_35 to %scan3A_37 step %scan3A_38  : i32 {
      %mul3A_97 = arith.constant 8 : i32
      %mul3A_98 = arith.muli %scan3A_96, %mul3A_97 : i32
      %add3A_99 = arith.constant 0 : i32
      %add3A_100 = arith.addi %mul3A_98, %add3A_99 : i32
      %dma_start3A = arith.constant 0 : i32
      %dma_start3A_101 = tpu.memref_slice %arg4[%add3A_100, %dma_start3A] : memref<80x128xi32, #tpu.memory_space<vmem>> -> memref<1x128xi32, #tpu.memory_space<vmem>>
      %dma_start3A_102 = tpu.memref_squeeze %dma_start3A_101 : memref<1x128xi32, #tpu.memory_space<vmem>> -> memref<128xi32, #tpu.memory_space<vmem>>
      %dma_start3A_103 = arith.constant 0 : i32
      %dma_start3A_104 = arith.constant 0 : i32
      %dma_start3A_105 = tpu.memref_slice %arg7[%dma_start3A_103, %dma_start3A_104] : memref<10240x16xf32, #tpu.memory_space<vmem_shared>> -> memref<10240x16xf32, #tpu.memory_space<vmem_shared>>
      tpu.enqueue_indirect_dma source(%arg5 : memref<128x16xf32, #tpu.memory_space<vmem>>) target(%dma_start3A_105 : memref<10240x16xf32, #tpu.memory_space<vmem_shared>>) offsets(%dma_start3A_102 : memref<128xi32, #tpu.memory_space<vmem>>) semaphore(%arg8 : memref<!tpu.dma_semaphore, #tpu.memory_space<semaphore_mem>>) {add = true}
      %add3A_106 = arith.constant 1 : i32
      %add3A_107 = arith.addi %mul3A_98, %add3A_106 : i32
      %dma_start3A_108 = arith.constant 0 : i32
      %dma_start3A_109 = tpu.memref_slice %arg4[%add3A_107, %dma_start3A_108] : memref<80x128xi32, #tpu.memory_space<vmem>> -> memref<1x128xi32, #tpu.memory_space<vmem>>
      %dma_start3A_110 = tpu.memref_squeeze %dma_start3A_109 : memref<1x128xi32, #tpu.memory_space<vmem>> -> memref<128xi32, #tpu.memory_space<vmem>>
      %dma_start3A_111 = arith.constant 0 : i32
      %dma_start3A_112 = arith.constant 0 : i32
      %dma_start3A_113 = tpu.memref_slice %arg7[%dma_start3A_111, %dma_start3A_112] : memref<10240x16xf32, #tpu.memory_space<vmem_shared>> -> memref<10240x16xf32, #tpu.memory_space<vmem_shared>>
      tpu.enqueue_indirect_dma source(%arg5 : memref<128x16xf32, #tpu.memory_space<vmem>>) target(%dma_start3A_113 : memref<10240x16xf32, #tpu.memory_space<vmem_shared>>) offsets(%dma_start3A_110 : memref<128xi32, #tpu.memory_space<vmem>>) semaphore(%arg8 : memref<!tpu.dma_semaphore, #tpu.memory_space<semaphore_mem>>) {add = true}
      %add3A_114 = arith.constant 2 : i32
      %add3A_115 = arith.addi %mul3A_98, %add3A_114 : i32
      %dma_start3A_116 = arith.constant 0 : i32
      %dma_start3A_117 = tpu.memref_slice %arg4[%add3A_115, %dma_start3A_116] : memref<80x128xi32, #tpu.memory_space<vmem>> -> memref<1x128xi32, #tpu.memory_space<vmem>>
      %dma_start3A_118 = tpu.memref_squeeze %dma_start3A_117 : memref<1x128xi32, #tpu.memory_space<vmem>> -> memref<128xi32, #tpu.memory_space<vmem>>
      %dma_start3A_119 = arith.constant 0 : i32
      %dma_start3A_120 = arith.constant 0 : i32
      %dma_start3A_121 = tpu.memref_slice %arg7[%dma_start3A_119, %dma_start3A_120] : memref<10240x16xf32, #tpu.memory_space<vmem_shared>> -> memref<10240x16xf32, #tpu.memory_space<vmem_shared>>
      tpu.enqueue_indirect_dma source(%arg5 : memref<128x16xf32, #tpu.memory_space<vmem>>) target(%dma_start3A_121 : memref<10240x16xf32, #tpu.memory_space<vmem_shared>>) offsets(%dma_start3A_118 : memref<128xi32, #tpu.memory_space<vmem>>) semaphore(%arg8 : memref<!tpu.dma_semaphore, #tpu.memory_space<semaphore_mem>>) {add = true}
      %add3A_122 = arith.constant 3 : i32
      %add3A_123 = arith.addi %mul3A_98, %add3A_122 : i32
      %dma_start3A_124 = arith.constant 0 : i32
      %dma_start3A_125 = tpu.memref_slice %arg4[%add3A_123, %dma_start3A_124] : memref<80x128xi32, #tpu.memory_space<vmem>> -> memref<1x128xi32, #tpu.memory_space<vmem>>
      %dma_start3A_126 = tpu.memref_squeeze %dma_start3A_125 : memref<1x128xi32, #tpu.memory_space<vmem>> -> memref<128xi32, #tpu.memory_space<vmem>>
      %dma_start3A_127 = arith.constant 0 : i32
      %dma_start3A_128 = arith.constant 0 : i32
      %dma_start3A_129 = tpu.memref_slice %arg7[%dma_start3A_127, %dma_start3A_128] : memref<10240x16xf32, #tpu.memory_space<vmem_shared>> -> memref<10240x16xf32, #tpu.memory_space<vmem_shared>>
      tpu.enqueue_indirect_dma source(%arg5 : memref<128x16xf32, #tpu.memory_space<vmem>>) target(%dma_start3A_129 : memref<10240x16xf32, #tpu.memory_space<vmem_shared>>) offsets(%dma_start3A_126 : memref<128xi32, #tpu.memory_space<vmem>>) semaphore(%arg8 : memref<!tpu.dma_semaphore, #tpu.memory_space<semaphore_mem>>) {add = true}
      %add3A_130 = arith.constant 4 : i32
      %add3A_131 = arith.addi %mul3A_98, %add3A_130 : i32
      %dma_start3A_132 = arith.constant 0 : i32
      %dma_start3A_133 = tpu.memref_slice %arg4[%add3A_131, %dma_start3A_132] : memref<80x128xi32, #tpu.memory_space<vmem>> -> memref<1x128xi32, #tpu.memory_space<vmem>>
      %dma_start3A_134 = tpu.memref_squeeze %dma_start3A_133 : memref<1x128xi32, #tpu.memory_space<vmem>> -> memref<128xi32, #tpu.memory_space<vmem>>
      %dma_start3A_135 = arith.constant 0 : i32
      %dma_start3A_136 = arith.constant 0 : i32
      %dma_start3A_137 = tpu.memref_slice %arg7[%dma_start3A_135, %dma_start3A_136] : memref<10240x16xf32, #tpu.memory_space<vmem_shared>> -> memref<10240x16xf32, #tpu.memory_space<vmem_shared>>
      tpu.enqueue_indirect_dma source(%arg5 : memref<128x16xf32, #tpu.memory_space<vmem>>) target(%dma_start3A_137 : memref<10240x16xf32, #tpu.memory_space<vmem_shared>>) offsets(%dma_start3A_134 : memref<128xi32, #tpu.memory_space<vmem>>) semaphore(%arg8 : memref<!tpu.dma_semaphore, #tpu.memory_space<semaphore_mem>>) {add = true}
      %add3A_138 = arith.constant 5 : i32
      %add3A_139 = arith.addi %mul3A_98, %add3A_138 : i32
      %dma_start3A_140 = arith.constant 0 : i32
      %dma_start3A_141 = tpu.memref_slice %arg4[%add3A_139, %dma_start3A_140] : memref<80x128xi32, #tpu.memory_space<vmem>> -> memref<1x128xi32, #tpu.memory_space<vmem>>
      %dma_start3A_142 = tpu.memref_squeeze %dma_start3A_141 : memref<1x128xi32, #tpu.memory_space<vmem>> -> memref<128xi32, #tpu.memory_space<vmem>>
      %dma_start3A_143 = arith.constant 0 : i32
      %dma_start3A_144 = arith.constant 0 : i32
      %dma_start3A_145 = tpu.memref_slice %arg7[%dma_start3A_143, %dma_start3A_144] : memref<10240x16xf32, #tpu.memory_space<vmem_shared>> -> memref<10240x16xf32, #tpu.memory_space<vmem_shared>>
      tpu.enqueue_indirect_dma source(%arg5 : memref<128x16xf32, #tpu.memory_space<vmem>>) target(%dma_start3A_145 : memref<10240x16xf32, #tpu.memory_space<vmem_shared>>) offsets(%dma_start3A_142 : memref<128xi32, #tpu.memory_space<vmem>>) semaphore(%arg8 : memref<!tpu.dma_semaphore, #tpu.memory_space<semaphore_mem>>) {add = true}
      %add3A_146 = arith.constant 6 : i32
      %add3A_147 = arith.addi %mul3A_98, %add3A_146 : i32
      %dma_start3A_148 = arith.constant 0 : i32
      %dma_start3A_149 = tpu.memref_slice %arg4[%add3A_147, %dma_start3A_148] : memref<80x128xi32, #tpu.memory_space<vmem>> -> memref<1x128xi32, #tpu.memory_space<vmem>>
      %dma_start3A_150 = tpu.memref_squeeze %dma_start3A_149 : memref<1x128xi32, #tpu.memory_space<vmem>> -> memref<128xi32, #tpu.memory_space<vmem>>
      %dma_start3A_151 = arith.constant 0 : i32
      %dma_start3A_152 = arith.constant 0 : i32
      %dma_start3A_153 = tpu.memref_slice %arg7[%dma_start3A_151, %dma_start3A_152] : memref<10240x16xf32, #tpu.memory_space<vmem_shared>> -> memref<10240x16xf32, #tpu.memory_space<vmem_shared>>
      tpu.enqueue_indirect_dma source(%arg5 : memref<128x16xf32, #tpu.memory_space<vmem>>) target(%dma_start3A_153 : memref<10240x16xf32, #tpu.memory_space<vmem_shared>>) offsets(%dma_start3A_150 : memref<128xi32, #tpu.memory_space<vmem>>) semaphore(%arg8 : memref<!tpu.dma_semaphore, #tpu.memory_space<semaphore_mem>>) {add = true}
      %add3A_154 = arith.constant 7 : i32
      %add3A_155 = arith.addi %mul3A_98, %add3A_154 : i32
      %dma_start3A_156 = arith.constant 0 : i32
      %dma_start3A_157 = tpu.memref_slice %arg4[%add3A_155, %dma_start3A_156] : memref<80x128xi32, #tpu.memory_space<vmem>> -> memref<1x128xi32, #tpu.memory_space<vmem>>
      %dma_start3A_158 = tpu.memref_squeeze %dma_start3A_157 : memref<1x128xi32, #tpu.memory_space<vmem>> -> memref<128xi32, #tpu.memory_space<vmem>>
      %dma_start3A_159 = arith.constant 0 : i32
      %dma_start3A_160 = arith.constant 0 : i32
      %dma_start3A_161 = tpu.memref_slice %arg7[%dma_start3A_159, %dma_start3A_160] : memref<10240x16xf32, #tpu.memory_space<vmem_shared>> -> memref<10240x16xf32, #tpu.memory_space<vmem_shared>>
      tpu.enqueue_indirect_dma source(%arg5 : memref<128x16xf32, #tpu.memory_space<vmem>>) target(%dma_start3A_161 : memref<10240x16xf32, #tpu.memory_space<vmem_shared>>) offsets(%dma_start3A_158 : memref<128xi32, #tpu.memory_space<vmem>>) semaphore(%arg8 : memref<!tpu.dma_semaphore, #tpu.memory_space<semaphore_mem>>) {add = true}
      %add3A_162 = arith.constant 0 : i32
      %add3A_163 = arith.addi %mul3A_98, %add3A_162 : i32
      %dma_wait3A = arith.constant 0 : i32
      %dma_wait3A_164 = tpu.memref_slice %arg4[%add3A_163, %dma_wait3A] : memref<80x128xi32, #tpu.memory_space<vmem>> -> memref<1x128xi32, #tpu.memory_space<vmem>>
      %dma_wait3A_165 = tpu.memref_squeeze %dma_wait3A_164 : memref<1x128xi32, #tpu.memory_space<vmem>> -> memref<128xi32, #tpu.memory_space<vmem>>
      %dma_wait3A_166 = arith.constant 0 : i32
      %dma_wait3A_167 = arith.constant 0 : i32
      %dma_wait3A_168 = tpu.memref_slice %arg7[%dma_wait3A_166, %dma_wait3A_167] : memref<10240x16xf32, #tpu.memory_space<vmem_shared>> -> memref<10240x16xf32, #tpu.memory_space<vmem_shared>>
      tpu.wait_indirect_dma semaphore(%arg8 : memref<!tpu.dma_semaphore, #tpu.memory_space<semaphore_mem>>) src(%arg5 : memref<128x16xf32, #tpu.memory_space<vmem>>) dst(%dma_wait3A_168 : memref<10240x16xf32, #tpu.memory_space<vmem_shared>>)
      %add3A_169 = arith.constant 1 : i32
      %add3A_170 = arith.addi %mul3A_98, %add3A_169 : i32
      %dma_wait3A_171 = arith.constant 0 : i32
      %dma_wait3A_172 = tpu.memref_slice %arg4[%add3A_170, %dma_wait3A_171] : memref<80x128xi32, #tpu.memory_space<vmem>> -> memref<1x128xi32, #tpu.memory_space<vmem>>
      %dma_wait3A_173 = tpu.memref_squeeze %dma_wait3A_172 : memref<1x128xi32, #tpu.memory_space<vmem>> -> memref<128xi32, #tpu.memory_space<vmem>>
      %dma_wait3A_174 = arith.constant 0 : i32
      %dma_wait3A_175 = arith.constant 0 : i32
      %dma_wait3A_176 = tpu.memref_slice %arg7[%dma_wait3A_174, %dma_wait3A_175] : memref<10240x16xf32, #tpu.memory_space<vmem_shared>> -> memref<10240x16xf32, #tpu.memory_space<vmem_shared>>
      tpu.wait_indirect_dma semaphore(%arg8 : memref<!tpu.dma_semaphore, #tpu.memory_space<semaphore_mem>>) src(%arg5 : memref<128x16xf32, #tpu.memory_space<vmem>>) dst(%dma_wait3A_176 : memref<10240x16xf32, #tpu.memory_space<vmem_shared>>)
      %add3A_177 = arith.constant 2 : i32
      %add3A_178 = arith.addi %mul3A_98, %add3A_177 : i32
      %dma_wait3A_179 = arith.constant 0 : i32
      %dma_wait3A_180 = tpu.memref_slice %arg4[%add3A_178, %dma_wait3A_179] : memref<80x128xi32, #tpu.memory_space<vmem>> -> memref<1x128xi32, #tpu.memory_space<vmem>>
      %dma_wait3A_181 = tpu.memref_squeeze %dma_wait3A_180 : memref<1x128xi32, #tpu.memory_space<vmem>> -> memref<128xi32, #tpu.memory_space<vmem>>
      %dma_wait3A_182 = arith.constant 0 : i32
      %dma_wait3A_183 = arith.constant 0 : i32
      %dma_wait3A_184 = tpu.memref_slice %arg7[%dma_wait3A_182, %dma_wait3A_183] : memref<10240x16xf32, #tpu.memory_space<vmem_shared>> -> memref<10240x16xf32, #tpu.memory_space<vmem_shared>>
      tpu.wait_indirect_dma semaphore(%arg8 : memref<!tpu.dma_semaphore, #tpu.memory_space<semaphore_mem>>) src(%arg5 : memref<128x16xf32, #tpu.memory_space<vmem>>) dst(%dma_wait3A_184 : memref<10240x16xf32, #tpu.memory_space<vmem_shared>>)
      %add3A_185 = arith.constant 3 : i32
      %add3A_186 = arith.addi %mul3A_98, %add3A_185 : i32
      %dma_wait3A_187 = arith.constant 0 : i32
      %dma_wait3A_188 = tpu.memref_slice %arg4[%add3A_186, %dma_wait3A_187] : memref<80x128xi32, #tpu.memory_space<vmem>> -> memref<1x128xi32, #tpu.memory_space<vmem>>
      %dma_wait3A_189 = tpu.memref_squeeze %dma_wait3A_188 : memref<1x128xi32, #tpu.memory_space<vmem>> -> memref<128xi32, #tpu.memory_space<vmem>>
      %dma_wait3A_190 = arith.constant 0 : i32
      %dma_wait3A_191 = arith.constant 0 : i32
      %dma_wait3A_192 = tpu.memref_slice %arg7[%dma_wait3A_190, %dma_wait3A_191] : memref<10240x16xf32, #tpu.memory_space<vmem_shared>> -> memref<10240x16xf32, #tpu.memory_space<vmem_shared>>
      tpu.wait_indirect_dma semaphore(%arg8 : memref<!tpu.dma_semaphore, #tpu.memory_space<semaphore_mem>>) src(%arg5 : memref<128x16xf32, #tpu.memory_space<vmem>>) dst(%dma_wait3A_192 : memref<10240x16xf32, #tpu.memory_space<vmem_shared>>)
      %add3A_193 = arith.constant 4 : i32
      %add3A_194 = arith.addi %mul3A_98, %add3A_193 : i32
      %dma_wait3A_195 = arith.constant 0 : i32
      %dma_wait3A_196 = tpu.memref_slice %arg4[%add3A_194, %dma_wait3A_195] : memref<80x128xi32, #tpu.memory_space<vmem>> -> memref<1x128xi32, #tpu.memory_space<vmem>>
      %dma_wait3A_197 = tpu.memref_squeeze %dma_wait3A_196 : memref<1x128xi32, #tpu.memory_space<vmem>> -> memref<128xi32, #tpu.memory_space<vmem>>
      %dma_wait3A_198 = arith.constant 0 : i32
      %dma_wait3A_199 = arith.constant 0 : i32
      %dma_wait3A_200 = tpu.memref_slice %arg7[%dma_wait3A_198, %dma_wait3A_199] : memref<10240x16xf32, #tpu.memory_space<vmem_shared>> -> memref<10240x16xf32, #tpu.memory_space<vmem_shared>>
      tpu.wait_indirect_dma semaphore(%arg8 : memref<!tpu.dma_semaphore, #tpu.memory_space<semaphore_mem>>) src(%arg5 : memref<128x16xf32, #tpu.memory_space<vmem>>) dst(%dma_wait3A_200 : memref<10240x16xf32, #tpu.memory_space<vmem_shared>>)
      %add3A_201 = arith.constant 5 : i32
      %add3A_202 = arith.addi %mul3A_98, %add3A_201 : i32
      %dma_wait3A_203 = arith.constant 0 : i32
      %dma_wait3A_204 = tpu.memref_slice %arg4[%add3A_202, %dma_wait3A_203] : memref<80x128xi32, #tpu.memory_space<vmem>> -> memref<1x128xi32, #tpu.memory_space<vmem>>
      %dma_wait3A_205 = tpu.memref_squeeze %dma_wait3A_204 : memref<1x128xi32, #tpu.memory_space<vmem>> -> memref<128xi32, #tpu.memory_space<vmem>>
      %dma_wait3A_206 = arith.constant 0 : i32
      %dma_wait3A_207 = arith.constant 0 : i32
      %dma_wait3A_208 = tpu.memref_slice %arg7[%dma_wait3A_206, %dma_wait3A_207] : memref<10240x16xf32, #tpu.memory_space<vmem_shared>> -> memref<10240x16xf32, #tpu.memory_space<vmem_shared>>
      tpu.wait_indirect_dma semaphore(%arg8 : memref<!tpu.dma_semaphore, #tpu.memory_space<semaphore_mem>>) src(%arg5 : memref<128x16xf32, #tpu.memory_space<vmem>>) dst(%dma_wait3A_208 : memref<10240x16xf32, #tpu.memory_space<vmem_shared>>)
      %add3A_209 = arith.constant 6 : i32
      %add3A_210 = arith.addi %mul3A_98, %add3A_209 : i32
      %dma_wait3A_211 = arith.constant 0 : i32
      %dma_wait3A_212 = tpu.memref_slice %arg4[%add3A_210, %dma_wait3A_211] : memref<80x128xi32, #tpu.memory_space<vmem>> -> memref<1x128xi32, #tpu.memory_space<vmem>>
      %dma_wait3A_213 = tpu.memref_squeeze %dma_wait3A_212 : memref<1x128xi32, #tpu.memory_space<vmem>> -> memref<128xi32, #tpu.memory_space<vmem>>
      %dma_wait3A_214 = arith.constant 0 : i32
      %dma_wait3A_215 = arith.constant 0 : i32
      %dma_wait3A_216 = tpu.memref_slice %arg7[%dma_wait3A_214, %dma_wait3A_215] : memref<10240x16xf32, #tpu.memory_space<vmem_shared>> -> memref<10240x16xf32, #tpu.memory_space<vmem_shared>>
      tpu.wait_indirect_dma semaphore(%arg8 : memref<!tpu.dma_semaphore, #tpu.memory_space<semaphore_mem>>) src(%arg5 : memref<128x16xf32, #tpu.memory_space<vmem>>) dst(%dma_wait3A_216 : memref<10240x16xf32, #tpu.memory_space<vmem_shared>>)
      %add3A_217 = arith.constant 7 : i32
      %add3A_218 = arith.addi %mul3A_98, %add3A_217 : i32
      %dma_wait3A_219 = arith.constant 0 : i32
      %dma_wait3A_220 = tpu.memref_slice %arg4[%add3A_218, %dma_wait3A_219] : memref<80x128xi32, #tpu.memory_space<vmem>> -> memref<1x128xi32, #tpu.memory_space<vmem>>
      %dma_wait3A_221 = tpu.memref_squeeze %dma_wait3A_220 : memref<1x128xi32, #tpu.memory_space<vmem>> -> memref<128xi32, #tpu.memory_space<vmem>>
      %dma_wait3A_222 = arith.constant 0 : i32
      %dma_wait3A_223 = arith.constant 0 : i32
      %dma_wait3A_224 = tpu.memref_slice %arg7[%dma_wait3A_222, %dma_wait3A_223] : memref<10240x16xf32, #tpu.memory_space<vmem_shared>> -> memref<10240x16xf32, #tpu.memory_space<vmem_shared>>
      tpu.wait_indirect_dma semaphore(%arg8 : memref<!tpu.dma_semaphore, #tpu.memory_space<semaphore_mem>>) src(%arg5 : memref<128x16xf32, #tpu.memory_space<vmem>>) dst(%dma_wait3A_224 : memref<10240x16xf32, #tpu.memory_space<vmem_shared>>)
    }
    %scan3A_39 = arith.constant 10 : i32
    %barrier3A_40 = arith.constant 0 : index
    tpu.barrier barrier_id(%barrier3A_40)
    %mul3A_41 = arith.constant 640 : i32
    %mul3A_42 = arith.muli %arg1, %mul3A_41 : i32
    %add3A_43 = arith.constant 0 : i32
    %add3A_44 = arith.addi %mul3A_42, %add3A_43 : i32
    "tpu.region"() ({
      %run_scoped3A = tpu.sem_alloc : memref<!tpu.dma_semaphore, #tpu.memory_space<semaphore_mem>>
      %dma_start3A = arith.constant 0 : i32
      %dma_start3A_96 = tpu.memref_slice %arg7[%add3A_44, %dma_start3A] : memref<10240x16xf32, #tpu.memory_space<vmem_shared>> -> memref<128x16xf32, #tpu.memory_space<vmem_shared>>
      %dma_start3A_97 = arith.constant 0 : i32
      %dma_start3A_98 = tpu.memref_slice %arg7[%add3A_44, %dma_start3A_97] : memref<10240x16xf32, #tpu.memory_space<vmem_shared>> -> memref<128x16xf32, #tpu.memory_space<vmem_shared>>
      tpu.enqueue_dma source(%dma_start3A_98 : memref<128x16xf32, #tpu.memory_space<vmem_shared>>) target(%arg6 : memref<128x16xf32, #tpu.memory_space<vmem>>) target_semaphore(%run_scoped3A : memref<!tpu.dma_semaphore, #tpu.memory_space<semaphore_mem>>)
      %dma_wait3A = arith.constant 0 : i32
      %dma_wait3A_99 = tpu.memref_slice %arg7[%add3A_44, %dma_wait3A] : memref<10240x16xf32, #tpu.memory_space<vmem_shared>> -> memref<128x16xf32, #tpu.memory_space<vmem_shared>>
      %dma_wait3A_100 = arith.constant 0 : i32
      %dma_wait3A_101 = tpu.memref_slice %arg7[%add3A_44, %dma_wait3A_100] : memref<10240x16xf32, #tpu.memory_space<vmem_shared>> -> memref<128x16xf32, #tpu.memory_space<vmem_shared>>
      tpu.wait_dma2 semaphore(%run_scoped3A : memref<!tpu.dma_semaphore, #tpu.memory_space<semaphore_mem>>) src(%dma_wait3A_101 : memref<128x16xf32, #tpu.memory_space<vmem_shared>>) dst(%arg6 : memref<128x16xf32, #tpu.memory_space<vmem>>)
      tpu.yield
    }) : () -> ()
    %mul3A_45 = arith.constant 10240 : i32
    %mul3A_46 = arith.muli %arg0, %mul3A_45 : i32
    %mul3A_47 = arith.constant 640 : i32
    %mul3A_48 = arith.muli %arg1, %mul3A_47 : i32
    %add3A_49 = arith.addi %mul3A_46, %mul3A_48 : i32
    %add3A_50 = arith.constant 0 : i32
    %add3A_51 = arith.addi %add3A_49, %add3A_50 : i32
    "tpu.region"() ({
      %run_scoped3A = tpu.sem_alloc : memref<!tpu.dma_semaphore, #tpu.memory_space<semaphore_mem>>
      %dma_start3A = arith.constant 0 : i32
      %dma_start3A_96 = tpu.memref_slice %arg3[%add3A_51, %dma_start3A] : memref<20480x16xf32, #tpu.memory_space<hbm>> -> memref<128x16xf32, #tpu.memory_space<hbm>>
      %dma_start3A_97 = arith.constant 0 : i32
      %dma_start3A_98 = tpu.memref_slice %arg3[%add3A_51, %dma_start3A_97] : memref<20480x16xf32, #tpu.memory_space<hbm>> -> memref<128x16xf32, #tpu.memory_space<hbm>>
      tpu.enqueue_dma source(%arg6 : memref<128x16xf32, #tpu.memory_space<vmem>>) target(%dma_start3A_98 : memref<128x16xf32, #tpu.memory_space<hbm>>) target_semaphore(%run_scoped3A : memref<!tpu.dma_semaphore, #tpu.memory_space<semaphore_mem>>)
      %dma_wait3A = arith.constant 0 : i32
      %dma_wait3A_99 = tpu.memref_slice %arg3[%add3A_51, %dma_wait3A] : memref<20480x16xf32, #tpu.memory_space<hbm>> -> memref<128x16xf32, #tpu.memory_space<hbm>>
      %dma_wait3A_100 = arith.constant 0 : i32
      %dma_wait3A_101 = tpu.memref_slice %arg3[%add3A_51, %dma_wait3A_100] : memref<20480x16xf32, #tpu.memory_space<hbm>> -> memref<128x16xf32, #tpu.memory_space<hbm>>
      tpu.wait_dma2 semaphore(%run_scoped3A : memref<!tpu.dma_semaphore, #tpu.memory_space<semaphore_mem>>) src(%arg6 : memref<128x16xf32, #tpu.memory_space<vmem>>) dst(%dma_wait3A_101 : memref<128x16xf32, #tpu.memory_space<hbm>>)
      tpu.yield
    }) : () -> ()
    %mul3A_52 = arith.constant 640 : i32
    %mul3A_53 = arith.muli %arg1, %mul3A_52 : i32
    %add3A_54 = arith.constant 128 : i32
    %add3A_55 = arith.addi %mul3A_53, %add3A_54 : i32
    "tpu.region"() ({
      %run_scoped3A = tpu.sem_alloc : memref<!tpu.dma_semaphore, #tpu.memory_space<semaphore_mem>>
      %dma_start3A = arith.constant 0 : i32
      %dma_start3A_96 = tpu.memref_slice %arg7[%add3A_55, %dma_start3A] : memref<10240x16xf32, #tpu.memory_space<vmem_shared>> -> memref<128x16xf32, #tpu.memory_space<vmem_shared>>
      %dma_start3A_97 = arith.constant 0 : i32
      %dma_start3A_98 = tpu.memref_slice %arg7[%add3A_55, %dma_start3A_97] : memref<10240x16xf32, #tpu.memory_space<vmem_shared>> -> memref<128x16xf32, #tpu.memory_space<vmem_shared>>
      tpu.enqueue_dma source(%dma_start3A_98 : memref<128x16xf32, #tpu.memory_space<vmem_shared>>) target(%arg6 : memref<128x16xf32, #tpu.memory_space<vmem>>) target_semaphore(%run_scoped3A : memref<!tpu.dma_semaphore, #tpu.memory_space<semaphore_mem>>)
      %dma_wait3A = arith.constant 0 : i32
      %dma_wait3A_99 = tpu.memref_slice %arg7[%add3A_55, %dma_wait3A] : memref<10240x16xf32, #tpu.memory_space<vmem_shared>> -> memref<128x16xf32, #tpu.memory_space<vmem_shared>>
      %dma_wait3A_100 = arith.constant 0 : i32
      %dma_wait3A_101 = tpu.memref_slice %arg7[%add3A_55, %dma_wait3A_100] : memref<10240x16xf32, #tpu.memory_space<vmem_shared>> -> memref<128x16xf32, #tpu.memory_space<vmem_shared>>
      tpu.wait_dma2 semaphore(%run_scoped3A : memref<!tpu.dma_semaphore, #tpu.memory_space<semaphore_mem>>) src(%dma_wait3A_101 : memref<128x16xf32, #tpu.memory_space<vmem_shared>>) dst(%arg6 : memref<128x16xf32, #tpu.memory_space<vmem>>)
      tpu.yield
    }) : () -> ()
    %mul3A_56 = arith.constant 10240 : i32
    %mul3A_57 = arith.muli %arg0, %mul3A_56 : i32
    %mul3A_58 = arith.constant 640 : i32
    %mul3A_59 = arith.muli %arg1, %mul3A_58 : i32
    %add3A_60 = arith.addi %mul3A_57, %mul3A_59 : i32
    %add3A_61 = arith.constant 128 : i32
    %add3A_62 = arith.addi %add3A_60, %add3A_61 : i32
    "tpu.region"() ({
      %run_scoped3A = tpu.sem_alloc : memref<!tpu.dma_semaphore, #tpu.memory_space<semaphore_mem>>
      %dma_start3A = arith.constant 0 : i32
      %dma_start3A_96 = tpu.memref_slice %arg3[%add3A_62, %dma_start3A] : memref<20480x16xf32, #tpu.memory_space<hbm>> -> memref<128x16xf32, #tpu.memory_space<hbm>>
      %dma_start3A_97 = arith.constant 0 : i32
      %dma_start3A_98 = tpu.memref_slice %arg3[%add3A_62, %dma_start3A_97] : memref<20480x16xf32, #tpu.memory_space<hbm>> -> memref<128x16xf32, #tpu.memory_space<hbm>>
      tpu.enqueue_dma source(%arg6 : memref<128x16xf32, #tpu.memory_space<vmem>>) target(%dma_start3A_98 : memref<128x16xf32, #tpu.memory_space<hbm>>) target_semaphore(%run_scoped3A : memref<!tpu.dma_semaphore, #tpu.memory_space<semaphore_mem>>)
      %dma_wait3A = arith.constant 0 : i32
      %dma_wait3A_99 = tpu.memref_slice %arg3[%add3A_62, %dma_wait3A] : memref<20480x16xf32, #tpu.memory_space<hbm>> -> memref<128x16xf32, #tpu.memory_space<hbm>>
      %dma_wait3A_100 = arith.constant 0 : i32
      %dma_wait3A_101 = tpu.memref_slice %arg3[%add3A_62, %dma_wait3A_100] : memref<20480x16xf32, #tpu.memory_space<hbm>> -> memref<128x16xf32, #tpu.memory_space<hbm>>
      tpu.wait_dma2 semaphore(%run_scoped3A : memref<!tpu.dma_semaphore, #tpu.memory_space<semaphore_mem>>) src(%arg6 : memref<128x16xf32, #tpu.memory_space<vmem>>) dst(%dma_wait3A_101 : memref<128x16xf32, #tpu.memory_space<hbm>>)
      tpu.yield
    }) : () -> ()
    %mul3A_63 = arith.constant 640 : i32
    %mul3A_64 = arith.muli %arg1, %mul3A_63 : i32
    %add3A_65 = arith.constant 256 : i32
    %add3A_66 = arith.addi %mul3A_64, %add3A_65 : i32
    "tpu.region"() ({
      %run_scoped3A = tpu.sem_alloc : memref<!tpu.dma_semaphore, #tpu.memory_space<semaphore_mem>>
      %dma_start3A = arith.constant 0 : i32
      %dma_start3A_96 = tpu.memref_slice %arg7[%add3A_66, %dma_start3A] : memref<10240x16xf32, #tpu.memory_space<vmem_shared>> -> memref<128x16xf32, #tpu.memory_space<vmem_shared>>
      %dma_start3A_97 = arith.constant 0 : i32
      %dma_start3A_98 = tpu.memref_slice %arg7[%add3A_66, %dma_start3A_97] : memref<10240x16xf32, #tpu.memory_space<vmem_shared>> -> memref<128x16xf32, #tpu.memory_space<vmem_shared>>
      tpu.enqueue_dma source(%dma_start3A_98 : memref<128x16xf32, #tpu.memory_space<vmem_shared>>) target(%arg6 : memref<128x16xf32, #tpu.memory_space<vmem>>) target_semaphore(%run_scoped3A : memref<!tpu.dma_semaphore, #tpu.memory_space<semaphore_mem>>)
      %dma_wait3A = arith.constant 0 : i32
      %dma_wait3A_99 = tpu.memref_slice %arg7[%add3A_66, %dma_wait3A] : memref<10240x16xf32, #tpu.memory_space<vmem_shared>> -> memref<128x16xf32, #tpu.memory_space<vmem_shared>>
      %dma_wait3A_100 = arith.constant 0 : i32
      %dma_wait3A_101 = tpu.memref_slice %arg7[%add3A_66, %dma_wait3A_100] : memref<10240x16xf32, #tpu.memory_space<vmem_shared>> -> memref<128x16xf32, #tpu.memory_space<vmem_shared>>
      tpu.wait_dma2 semaphore(%run_scoped3A : memref<!tpu.dma_semaphore, #tpu.memory_space<semaphore_mem>>) src(%dma_wait3A_101 : memref<128x16xf32, #tpu.memory_space<vmem_shared>>) dst(%arg6 : memref<128x16xf32, #tpu.memory_space<vmem>>)
      tpu.yield
    }) : () -> ()
    %mul3A_67 = arith.constant 10240 : i32
    %mul3A_68 = arith.muli %arg0, %mul3A_67 : i32
    %mul3A_69 = arith.constant 640 : i32
    %mul3A_70 = arith.muli %arg1, %mul3A_69 : i32
    %add3A_71 = arith.addi %mul3A_68, %mul3A_70 : i32
    %add3A_72 = arith.constant 256 : i32
    %add3A_73 = arith.addi %add3A_71, %add3A_72 : i32
    "tpu.region"() ({
      %run_scoped3A = tpu.sem_alloc : memref<!tpu.dma_semaphore, #tpu.memory_space<semaphore_mem>>
      %dma_start3A = arith.constant 0 : i32
      %dma_start3A_96 = tpu.memref_slice %arg3[%add3A_73, %dma_start3A] : memref<20480x16xf32, #tpu.memory_space<hbm>> -> memref<128x16xf32, #tpu.memory_space<hbm>>
      %dma_start3A_97 = arith.constant 0 : i32
      %dma_start3A_98 = tpu.memref_slice %arg3[%add3A_73, %dma_start3A_97] : memref<20480x16xf32, #tpu.memory_space<hbm>> -> memref<128x16xf32, #tpu.memory_space<hbm>>
      tpu.enqueue_dma source(%arg6 : memref<128x16xf32, #tpu.memory_space<vmem>>) target(%dma_start3A_98 : memref<128x16xf32, #tpu.memory_space<hbm>>) target_semaphore(%run_scoped3A : memref<!tpu.dma_semaphore, #tpu.memory_space<semaphore_mem>>)
      %dma_wait3A = arith.constant 0 : i32
      %dma_wait3A_99 = tpu.memref_slice %arg3[%add3A_73, %dma_wait3A] : memref<20480x16xf32, #tpu.memory_space<hbm>> -> memref<128x16xf32, #tpu.memory_space<hbm>>
      %dma_wait3A_100 = arith.constant 0 : i32
      %dma_wait3A_101 = tpu.memref_slice %arg3[%add3A_73, %dma_wait3A_100] : memref<20480x16xf32, #tpu.memory_space<hbm>> -> memref<128x16xf32, #tpu.memory_space<hbm>>
      tpu.wait_dma2 semaphore(%run_scoped3A : memref<!tpu.dma_semaphore, #tpu.memory_space<semaphore_mem>>) src(%arg6 : memref<128x16xf32, #tpu.memory_space<vmem>>) dst(%dma_wait3A_101 : memref<128x16xf32, #tpu.memory_space<hbm>>)
      tpu.yield
    }) : () -> ()
    %mul3A_74 = arith.constant 640 : i32
    %mul3A_75 = arith.muli %arg1, %mul3A_74 : i32
    %add3A_76 = arith.constant 384 : i32
    %add3A_77 = arith.addi %mul3A_75, %add3A_76 : i32
    "tpu.region"() ({
      %run_scoped3A = tpu.sem_alloc : memref<!tpu.dma_semaphore, #tpu.memory_space<semaphore_mem>>
      %dma_start3A = arith.constant 0 : i32
      %dma_start3A_96 = tpu.memref_slice %arg7[%add3A_77, %dma_start3A] : memref<10240x16xf32, #tpu.memory_space<vmem_shared>> -> memref<128x16xf32, #tpu.memory_space<vmem_shared>>
      %dma_start3A_97 = arith.constant 0 : i32
      %dma_start3A_98 = tpu.memref_slice %arg7[%add3A_77, %dma_start3A_97] : memref<10240x16xf32, #tpu.memory_space<vmem_shared>> -> memref<128x16xf32, #tpu.memory_space<vmem_shared>>
      tpu.enqueue_dma source(%dma_start3A_98 : memref<128x16xf32, #tpu.memory_space<vmem_shared>>) target(%arg6 : memref<128x16xf32, #tpu.memory_space<vmem>>) target_semaphore(%run_scoped3A : memref<!tpu.dma_semaphore, #tpu.memory_space<semaphore_mem>>)
      %dma_wait3A = arith.constant 0 : i32
      %dma_wait3A_99 = tpu.memref_slice %arg7[%add3A_77, %dma_wait3A] : memref<10240x16xf32, #tpu.memory_space<vmem_shared>> -> memref<128x16xf32, #tpu.memory_space<vmem_shared>>
      %dma_wait3A_100 = arith.constant 0 : i32
      %dma_wait3A_101 = tpu.memref_slice %arg7[%add3A_77, %dma_wait3A_100] : memref<10240x16xf32, #tpu.memory_space<vmem_shared>> -> memref<128x16xf32, #tpu.memory_space<vmem_shared>>
      tpu.wait_dma2 semaphore(%run_scoped3A : memref<!tpu.dma_semaphore, #tpu.memory_space<semaphore_mem>>) src(%dma_wait3A_101 : memref<128x16xf32, #tpu.memory_space<vmem_shared>>) dst(%arg6 : memref<128x16xf32, #tpu.memory_space<vmem>>)
      tpu.yield
    }) : () -> ()
    %mul3A_78 = arith.constant 10240 : i32
    %mul3A_79 = arith.muli %arg0, %mul3A_78 : i32
    %mul3A_80 = arith.constant 640 : i32
    %mul3A_81 = arith.muli %arg1, %mul3A_80 : i32
    %add3A_82 = arith.addi %mul3A_79, %mul3A_81 : i32
    %add3A_83 = arith.constant 384 : i32
    %add3A_84 = arith.addi %add3A_82, %add3A_83 : i32
    "tpu.region"() ({
      %run_scoped3A = tpu.sem_alloc : memref<!tpu.dma_semaphore, #tpu.memory_space<semaphore_mem>>
      %dma_start3A = arith.constant 0 : i32
      %dma_start3A_96 = tpu.memref_slice %arg3[%add3A_84, %dma_start3A] : memref<20480x16xf32, #tpu.memory_space<hbm>> -> memref<128x16xf32, #tpu.memory_space<hbm>>
      %dma_start3A_97 = arith.constant 0 : i32
      %dma_start3A_98 = tpu.memref_slice %arg3[%add3A_84, %dma_start3A_97] : memref<20480x16xf32, #tpu.memory_space<hbm>> -> memref<128x16xf32, #tpu.memory_space<hbm>>
      tpu.enqueue_dma source(%arg6 : memref<128x16xf32, #tpu.memory_space<vmem>>) target(%dma_start3A_98 : memref<128x16xf32, #tpu.memory_space<hbm>>) target_semaphore(%run_scoped3A : memref<!tpu.dma_semaphore, #tpu.memory_space<semaphore_mem>>)
      %dma_wait3A = arith.constant 0 : i32
      %dma_wait3A_99 = tpu.memref_slice %arg3[%add3A_84, %dma_wait3A] : memref<20480x16xf32, #tpu.memory_space<hbm>> -> memref<128x16xf32, #tpu.memory_space<hbm>>
      %dma_wait3A_100 = arith.constant 0 : i32
      %dma_wait3A_101 = tpu.memref_slice %arg3[%add3A_84, %dma_wait3A_100] : memref<20480x16xf32, #tpu.memory_space<hbm>> -> memref<128x16xf32, #tpu.memory_space<hbm>>
      tpu.wait_dma2 semaphore(%run_scoped3A : memref<!tpu.dma_semaphore, #tpu.memory_space<semaphore_mem>>) src(%arg6 : memref<128x16xf32, #tpu.memory_space<vmem>>) dst(%dma_wait3A_101 : memref<128x16xf32, #tpu.memory_space<hbm>>)
      tpu.yield
    }) : () -> ()
    %mul3A_85 = arith.constant 640 : i32
    %mul3A_86 = arith.muli %arg1, %mul3A_85 : i32
    %add3A_87 = arith.constant 512 : i32
    %add3A_88 = arith.addi %mul3A_86, %add3A_87 : i32
    "tpu.region"() ({
      %run_scoped3A = tpu.sem_alloc : memref<!tpu.dma_semaphore, #tpu.memory_space<semaphore_mem>>
      %dma_start3A = arith.constant 0 : i32
      %dma_start3A_96 = tpu.memref_slice %arg7[%add3A_88, %dma_start3A] : memref<10240x16xf32, #tpu.memory_space<vmem_shared>> -> memref<128x16xf32, #tpu.memory_space<vmem_shared>>
      %dma_start3A_97 = arith.constant 0 : i32
      %dma_start3A_98 = tpu.memref_slice %arg7[%add3A_88, %dma_start3A_97] : memref<10240x16xf32, #tpu.memory_space<vmem_shared>> -> memref<128x16xf32, #tpu.memory_space<vmem_shared>>
      tpu.enqueue_dma source(%dma_start3A_98 : memref<128x16xf32, #tpu.memory_space<vmem_shared>>) target(%arg6 : memref<128x16xf32, #tpu.memory_space<vmem>>) target_semaphore(%run_scoped3A : memref<!tpu.dma_semaphore, #tpu.memory_space<semaphore_mem>>)
      %dma_wait3A = arith.constant 0 : i32
      %dma_wait3A_99 = tpu.memref_slice %arg7[%add3A_88, %dma_wait3A] : memref<10240x16xf32, #tpu.memory_space<vmem_shared>> -> memref<128x16xf32, #tpu.memory_space<vmem_shared>>
      %dma_wait3A_100 = arith.constant 0 : i32
      %dma_wait3A_101 = tpu.memref_slice %arg7[%add3A_88, %dma_wait3A_100] : memref<10240x16xf32, #tpu.memory_space<vmem_shared>> -> memref<128x16xf32, #tpu.memory_space<vmem_shared>>
      tpu.wait_dma2 semaphore(%run_scoped3A : memref<!tpu.dma_semaphore, #tpu.memory_space<semaphore_mem>>) src(%dma_wait3A_101 : memref<128x16xf32, #tpu.memory_space<vmem_shared>>) dst(%arg6 : memref<128x16xf32, #tpu.memory_space<vmem>>)
      tpu.yield
    }) : () -> ()
    %mul3A_89 = arith.constant 10240 : i32
    %mul3A_90 = arith.muli %arg0, %mul3A_89 : i32
    %mul3A_91 = arith.constant 640 : i32
    %mul3A_92 = arith.muli %arg1, %mul3A_91 : i32
    %add3A_93 = arith.addi %mul3A_90, %mul3A_92 : i32
    %add3A_94 = arith.constant 512 : i32
    %add3A_95 = arith.addi %add3A_93, %add3A_94 : i32
    "tpu.region"() ({
      %run_scoped3A = tpu.sem_alloc : memref<!tpu.dma_semaphore, #tpu.memory_space<semaphore_mem>>
      %dma_start3A = arith.constant 0 : i32
      %dma_start3A_96 = tpu.memref_slice %arg3[%add3A_95, %dma_start3A] : memref<20480x16xf32, #tpu.memory_space<hbm>> -> memref<128x16xf32, #tpu.memory_space<hbm>>
      %dma_start3A_97 = arith.constant 0 : i32
      %dma_start3A_98 = tpu.memref_slice %arg3[%add3A_95, %dma_start3A_97] : memref<20480x16xf32, #tpu.memory_space<hbm>> -> memref<128x16xf32, #tpu.memory_space<hbm>>
      tpu.enqueue_dma source(%arg6 : memref<128x16xf32, #tpu.memory_space<vmem>>) target(%dma_start3A_98 : memref<128x16xf32, #tpu.memory_space<hbm>>) target_semaphore(%run_scoped3A : memref<!tpu.dma_semaphore, #tpu.memory_space<semaphore_mem>>)
      %dma_wait3A = arith.constant 0 : i32
      %dma_wait3A_99 = tpu.memref_slice %arg3[%add3A_95, %dma_wait3A] : memref<20480x16xf32, #tpu.memory_space<hbm>> -> memref<128x16xf32, #tpu.memory_space<hbm>>
      %dma_wait3A_100 = arith.constant 0 : i32
      %dma_wait3A_101 = tpu.memref_slice %arg3[%add3A_95, %dma_wait3A_100] : memref<20480x16xf32, #tpu.memory_space<hbm>> -> memref<128x16xf32, #tpu.memory_space<hbm>>
      tpu.wait_dma2 semaphore(%run_scoped3A : memref<!tpu.dma_semaphore, #tpu.memory_space<semaphore_mem>>) src(%arg6 : memref<128x16xf32, #tpu.memory_space<vmem>>) dst(%dma_wait3A_101 : memref<128x16xf32, #tpu.memory_space<hbm>>)
      tpu.yield
    }) : () -> ()
    return
  }
}

#map = affine_map<(d0, d1) -> (0, 0)>
module attributes {stable_mosaic.version = 14 : i64} {
  func.func @k(%arg0: i32, %arg1: i32, %arg2: memref<10000x32xf32, #tpu.memory_space<hbm>>, %arg3: memref<10000x32xf32, #tpu.memory_space<hbm>>, %arg4: memref<5120x64xi32, #tpu.memory_space<hbm>>, %arg5: memref<2560x128xi32, #tpu.memory_space<hbm>>, %arg6: memref<20480x32xf32, #tpu.memory_space<hbm>>, %arg7: memref<320x64xi32, #tpu.memory_space<vmem>>, %arg8: memref<160x128xi32, #tpu.memory_space<vmem>>, %arg9: memref<128x32xf32, #tpu.memory_space<vmem>>, %arg10: memref<128x32xf32, #tpu.memory_space<vmem>>, %arg11: memref<128x32xf32, #tpu.memory_space<vmem>>, %arg12: memref<128x32xf32, #tpu.memory_space<vmem>>, %arg13: memref<128x32xf32, #tpu.memory_space<vmem>>, %arg14: memref<10240x32xf32, #tpu.memory_space<vmem_shared>>, %arg15: memref<!tpu.dma_semaphore, #tpu.memory_space<semaphore_mem>>, %arg16: memref<!tpu.dma_semaphore, #tpu.memory_space<semaphore_mem>>) attributes {dimension_semantics = [#tpu.dimension_semantics<core_parallel>, #tpu.dimension_semantics<subcore_parallel>], iteration_bounds = array<i64: 2, 16>, scalar_prefetch = 0 : i64, scratch_operands = 10 : i64, tpu.core_type = #tpu.core_type<sc_vector_subcore>, window_params = [{transform_indices = #map}, {transform_indices = #map}, {transform_indices = #map}, {transform_indices = #map}, {transform_indices = #map}]} {
    %mul3A = arith.constant 160 : i32
    %mul3A_0 = arith.muli %arg1, %mul3A : i32
    %mul3A_1 = arith.constant 2 : i32
    %mul3A_2 = arith.muli %mul3A_0, %mul3A_1 : i32
    "tpu.region"() ({
      %run_scoped3A = tpu.sem_alloc : memref<!tpu.dma_semaphore, #tpu.memory_space<semaphore_mem>>
      %dma_start3A = arith.constant 0 : i32
      %dma_start3A_92 = tpu.memref_slice %arg4[%mul3A_2, %dma_start3A] : memref<5120x64xi32, #tpu.memory_space<hbm>> -> memref<320x64xi32, #tpu.memory_space<hbm>>
      %dma_start3A_93 = arith.constant 0 : i32
      %dma_start3A_94 = tpu.memref_slice %arg4[%mul3A_2, %dma_start3A_93] : memref<5120x64xi32, #tpu.memory_space<hbm>> -> memref<320x64xi32, #tpu.memory_space<hbm>>
      tpu.enqueue_dma source(%dma_start3A_94 : memref<320x64xi32, #tpu.memory_space<hbm>>) target(%arg7 : memref<320x64xi32, #tpu.memory_space<vmem>>) target_semaphore(%run_scoped3A : memref<!tpu.dma_semaphore, #tpu.memory_space<semaphore_mem>>)
      %dma_wait3A = arith.constant 0 : i32
      %dma_wait3A_95 = tpu.memref_slice %arg4[%mul3A_2, %dma_wait3A] : memref<5120x64xi32, #tpu.memory_space<hbm>> -> memref<320x64xi32, #tpu.memory_space<hbm>>
      %dma_wait3A_96 = arith.constant 0 : i32
      %dma_wait3A_97 = tpu.memref_slice %arg4[%mul3A_2, %dma_wait3A_96] : memref<5120x64xi32, #tpu.memory_space<hbm>> -> memref<320x64xi32, #tpu.memory_space<hbm>>
      tpu.wait_dma2 semaphore(%run_scoped3A : memref<!tpu.dma_semaphore, #tpu.memory_space<semaphore_mem>>) src(%dma_wait3A_97 : memref<320x64xi32, #tpu.memory_space<hbm>>) dst(%arg7 : memref<320x64xi32, #tpu.memory_space<vmem>>)
      tpu.yield
    }) : () -> ()
    %mul3A_3 = arith.constant 160 : i32
    %mul3A_4 = arith.muli %arg1, %mul3A_3 : i32
    "tpu.region"() ({
      %run_scoped3A = tpu.sem_alloc : memref<!tpu.dma_semaphore, #tpu.memory_space<semaphore_mem>>
      %dma_start3A = arith.constant 0 : i32
      %dma_start3A_92 = tpu.memref_slice %arg5[%mul3A_4, %dma_start3A] : memref<2560x128xi32, #tpu.memory_space<hbm>> -> memref<160x128xi32, #tpu.memory_space<hbm>>
      %dma_start3A_93 = arith.constant 0 : i32
      %dma_start3A_94 = tpu.memref_slice %arg5[%mul3A_4, %dma_start3A_93] : memref<2560x128xi32, #tpu.memory_space<hbm>> -> memref<160x128xi32, #tpu.memory_space<hbm>>
      tpu.enqueue_dma source(%dma_start3A_94 : memref<160x128xi32, #tpu.memory_space<hbm>>) target(%arg8 : memref<160x128xi32, #tpu.memory_space<vmem>>) target_semaphore(%run_scoped3A : memref<!tpu.dma_semaphore, #tpu.memory_space<semaphore_mem>>)
      %dma_wait3A = arith.constant 0 : i32
      %dma_wait3A_95 = tpu.memref_slice %arg5[%mul3A_4, %dma_wait3A] : memref<2560x128xi32, #tpu.memory_space<hbm>> -> memref<160x128xi32, #tpu.memory_space<hbm>>
      %dma_wait3A_96 = arith.constant 0 : i32
      %dma_wait3A_97 = tpu.memref_slice %arg5[%mul3A_4, %dma_wait3A_96] : memref<2560x128xi32, #tpu.memory_space<hbm>> -> memref<160x128xi32, #tpu.memory_space<hbm>>
      tpu.wait_dma2 semaphore(%run_scoped3A : memref<!tpu.dma_semaphore, #tpu.memory_space<semaphore_mem>>) src(%dma_wait3A_97 : memref<160x128xi32, #tpu.memory_space<hbm>>) dst(%arg8 : memref<160x128xi32, #tpu.memory_space<vmem>>)
      tpu.yield
    }) : () -> ()
    %scan3A = arith.constant 0 : i32
    %scan3A_5 = arith.constant 0 : i32
    %scan3A_6 = arith.constant 128 : i32
    %scan3A_7 = arith.addi %scan3A_5, %scan3A_6 : i32
    %scan3A_8 = arith.constant 1 : i32
    scf.for %scan3A_92 = %scan3A_5 to %scan3A_7 step %scan3A_8  : i32 {
      %scan3A_93 = arith.constant 0 : i32
      %scan3A_94 = arith.constant 2 : i32
      %scan3A_95 = arith.addi %scan3A_93, %scan3A_94 : i32
      %scan3A_96 = arith.constant 1 : i32
      scf.for %scan3A_98 = %scan3A_93 to %scan3A_95 step %scan3A_96  : i32 {
        %broadcast_in_dim3A = arith.constant 0.000000e+00 : f32
        %broadcast_in_dim3A_99 = vector.broadcast %broadcast_in_dim3A : f32 to vector<16xf32>
        %mul3A_100 = arith.constant 16 : i32
        %mul3A_101 = arith.muli %scan3A_98, %mul3A_100 : i32
        %swap3A = arith.index_cast %scan3A_92 : i32 to index
        %swap3A_102 = arith.index_cast %mul3A_101 : i32 to index
        %swap3A_103 = tpu.vector_load %arg13[%swap3A, %swap3A_102] {strides = array<i32>} : memref<128x32xf32, #tpu.memory_space<vmem>>, vector<1x16xf32>,
        %swap3A_104 = vector.shape_cast %swap3A_103 : vector<1x16xf32> to vector<16xf32>
        %swap3A_105 = vector.shape_cast %broadcast_in_dim3A_99 : vector<16xf32> to vector<1x16xf32>
        tpu.vector_store %arg13[%swap3A, %swap3A_102], %swap3A_105 {strides = array<i32>} : memref<128x32xf32, #tpu.memory_space<vmem>>, vector<1x16xf32>,
      }
      %scan3A_97 = arith.constant 2 : i32
    }
    %scan3A_9 = arith.constant 128 : i32
    %mul3A_10 = arith.constant 640 : i32
    %mul3A_11 = arith.muli %arg1, %mul3A_10 : i32
    %add3A = arith.constant 0 : i32
    %add3A_12 = arith.addi %mul3A_11, %add3A : i32
    "tpu.region"() ({
      %run_scoped3A = tpu.sem_alloc : memref<!tpu.dma_semaphore, #tpu.memory_space<semaphore_mem>>
      %dma_start3A = arith.constant 0 : i32
      %dma_start3A_92 = tpu.memref_slice %arg14[%add3A_12, %dma_start3A] : memref<10240x32xf32, #tpu.memory_space<vmem_shared>> -> memref<128x32xf32, #tpu.memory_space<vmem_shared>>
      %dma_start3A_93 = arith.constant 0 : i32
      %dma_start3A_94 = tpu.memref_slice %arg14[%add3A_12, %dma_start3A_93] : memref<10240x32xf32, #tpu.memory_space<vmem_shared>> -> memref<128x32xf32, #tpu.memory_space<vmem_shared>>
      tpu.enqueue_dma source(%arg13 : memref<128x32xf32, #tpu.memory_space<vmem>>) target(%dma_start3A_94 : memref<128x32xf32, #tpu.memory_space<vmem_shared>>) target_semaphore(%run_scoped3A : memref<!tpu.dma_semaphore, #tpu.memory_space<semaphore_mem>>)
      %dma_wait3A = arith.constant 0 : i32
      %dma_wait3A_95 = tpu.memref_slice %arg14[%add3A_12, %dma_wait3A] : memref<10240x32xf32, #tpu.memory_space<vmem_shared>> -> memref<128x32xf32, #tpu.memory_space<vmem_shared>>
      %dma_wait3A_96 = arith.constant 0 : i32
      %dma_wait3A_97 = tpu.memref_slice %arg14[%add3A_12, %dma_wait3A_96] : memref<10240x32xf32, #tpu.memory_space<vmem_shared>> -> memref<128x32xf32, #tpu.memory_space<vmem_shared>>
      tpu.wait_dma2 semaphore(%run_scoped3A : memref<!tpu.dma_semaphore, #tpu.memory_space<semaphore_mem>>) src(%arg13 : memref<128x32xf32, #tpu.memory_space<vmem>>) dst(%dma_wait3A_97 : memref<128x32xf32, #tpu.memory_space<vmem_shared>>)
      tpu.yield
    }) : () -> ()
    %mul3A_13 = arith.constant 640 : i32
    %mul3A_14 = arith.muli %arg1, %mul3A_13 : i32
    %add3A_15 = arith.constant 128 : i32
    %add3A_16 = arith.addi %mul3A_14, %add3A_15 : i32
    "tpu.region"() ({
      %run_scoped3A = tpu.sem_alloc : memref<!tpu.dma_semaphore, #tpu.memory_space<semaphore_mem>>
      %dma_start3A = arith.constant 0 : i32
      %dma_start3A_92 = tpu.memref_slice %arg14[%add3A_16, %dma_start3A] : memref<10240x32xf32, #tpu.memory_space<vmem_shared>> -> memref<128x32xf32, #tpu.memory_space<vmem_shared>>
      %dma_start3A_93 = arith.constant 0 : i32
      %dma_start3A_94 = tpu.memref_slice %arg14[%add3A_16, %dma_start3A_93] : memref<10240x32xf32, #tpu.memory_space<vmem_shared>> -> memref<128x32xf32, #tpu.memory_space<vmem_shared>>
      tpu.enqueue_dma source(%arg13 : memref<128x32xf32, #tpu.memory_space<vmem>>) target(%dma_start3A_94 : memref<128x32xf32, #tpu.memory_space<vmem_shared>>) target_semaphore(%run_scoped3A : memref<!tpu.dma_semaphore, #tpu.memory_space<semaphore_mem>>)
      %dma_wait3A = arith.constant 0 : i32
      %dma_wait3A_95 = tpu.memref_slice %arg14[%add3A_16, %dma_wait3A] : memref<10240x32xf32, #tpu.memory_space<vmem_shared>> -> memref<128x32xf32, #tpu.memory_space<vmem_shared>>
      %dma_wait3A_96 = arith.constant 0 : i32
      %dma_wait3A_97 = tpu.memref_slice %arg14[%add3A_16, %dma_wait3A_96] : memref<10240x32xf32, #tpu.memory_space<vmem_shared>> -> memref<128x32xf32, #tpu.memory_space<vmem_shared>>
      tpu.wait_dma2 semaphore(%run_scoped3A : memref<!tpu.dma_semaphore, #tpu.memory_space<semaphore_mem>>) src(%arg13 : memref<128x32xf32, #tpu.memory_space<vmem>>) dst(%dma_wait3A_97 : memref<128x32xf32, #tpu.memory_space<vmem_shared>>)
      tpu.yield
    }) : () -> ()
    %mul3A_17 = arith.constant 640 : i32
    %mul3A_18 = arith.muli %arg1, %mul3A_17 : i32
    %add3A_19 = arith.constant 256 : i32
    %add3A_20 = arith.addi %mul3A_18, %add3A_19 : i32
    "tpu.region"() ({
      %run_scoped3A = tpu.sem_alloc : memref<!tpu.dma_semaphore, #tpu.memory_space<semaphore_mem>>
      %dma_start3A = arith.constant 0 : i32
      %dma_start3A_92 = tpu.memref_slice %arg14[%add3A_20, %dma_start3A] : memref<10240x32xf32, #tpu.memory_space<vmem_shared>> -> memref<128x32xf32, #tpu.memory_space<vmem_shared>>
      %dma_start3A_93 = arith.constant 0 : i32
      %dma_start3A_94 = tpu.memref_slice %arg14[%add3A_20, %dma_start3A_93] : memref<10240x32xf32, #tpu.memory_space<vmem_shared>> -> memref<128x32xf32, #tpu.memory_space<vmem_shared>>
      tpu.enqueue_dma source(%arg13 : memref<128x32xf32, #tpu.memory_space<vmem>>) target(%dma_start3A_94 : memref<128x32xf32, #tpu.memory_space<vmem_shared>>) target_semaphore(%run_scoped3A : memref<!tpu.dma_semaphore, #tpu.memory_space<semaphore_mem>>)
      %dma_wait3A = arith.constant 0 : i32
      %dma_wait3A_95 = tpu.memref_slice %arg14[%add3A_20, %dma_wait3A] : memref<10240x32xf32, #tpu.memory_space<vmem_shared>> -> memref<128x32xf32, #tpu.memory_space<vmem_shared>>
      %dma_wait3A_96 = arith.constant 0 : i32
      %dma_wait3A_97 = tpu.memref_slice %arg14[%add3A_20, %dma_wait3A_96] : memref<10240x32xf32, #tpu.memory_space<vmem_shared>> -> memref<128x32xf32, #tpu.memory_space<vmem_shared>>
      tpu.wait_dma2 semaphore(%run_scoped3A : memref<!tpu.dma_semaphore, #tpu.memory_space<semaphore_mem>>) src(%arg13 : memref<128x32xf32, #tpu.memory_space<vmem>>) dst(%dma_wait3A_97 : memref<128x32xf32, #tpu.memory_space<vmem_shared>>)
      tpu.yield
    }) : () -> ()
    %mul3A_21 = arith.constant 640 : i32
    %mul3A_22 = arith.muli %arg1, %mul3A_21 : i32
    %add3A_23 = arith.constant 384 : i32
    %add3A_24 = arith.addi %mul3A_22, %add3A_23 : i32
    "tpu.region"() ({
      %run_scoped3A = tpu.sem_alloc : memref<!tpu.dma_semaphore, #tpu.memory_space<semaphore_mem>>
      %dma_start3A = arith.constant 0 : i32
      %dma_start3A_92 = tpu.memref_slice %arg14[%add3A_24, %dma_start3A] : memref<10240x32xf32, #tpu.memory_space<vmem_shared>> -> memref<128x32xf32, #tpu.memory_space<vmem_shared>>
      %dma_start3A_93 = arith.constant 0 : i32
      %dma_start3A_94 = tpu.memref_slice %arg14[%add3A_24, %dma_start3A_93] : memref<10240x32xf32, #tpu.memory_space<vmem_shared>> -> memref<128x32xf32, #tpu.memory_space<vmem_shared>>
      tpu.enqueue_dma source(%arg13 : memref<128x32xf32, #tpu.memory_space<vmem>>) target(%dma_start3A_94 : memref<128x32xf32, #tpu.memory_space<vmem_shared>>) target_semaphore(%run_scoped3A : memref<!tpu.dma_semaphore, #tpu.memory_space<semaphore_mem>>)
      %dma_wait3A = arith.constant 0 : i32
      %dma_wait3A_95 = tpu.memref_slice %arg14[%add3A_24, %dma_wait3A] : memref<10240x32xf32, #tpu.memory_space<vmem_shared>> -> memref<128x32xf32, #tpu.memory_space<vmem_shared>>
      %dma_wait3A_96 = arith.constant 0 : i32
      %dma_wait3A_97 = tpu.memref_slice %arg14[%add3A_24, %dma_wait3A_96] : memref<10240x32xf32, #tpu.memory_space<vmem_shared>> -> memref<128x32xf32, #tpu.memory_space<vmem_shared>>
      tpu.wait_dma2 semaphore(%run_scoped3A : memref<!tpu.dma_semaphore, #tpu.memory_space<semaphore_mem>>) src(%arg13 : memref<128x32xf32, #tpu.memory_space<vmem>>) dst(%dma_wait3A_97 : memref<128x32xf32, #tpu.memory_space<vmem_shared>>)
      tpu.yield
    }) : () -> ()
    %mul3A_25 = arith.constant 640 : i32
    %mul3A_26 = arith.muli %arg1, %mul3A_25 : i32
    %add3A_27 = arith.constant 512 : i32
    %add3A_28 = arith.addi %mul3A_26, %add3A_27 : i32
    "tpu.region"() ({
      %run_scoped3A = tpu.sem_alloc : memref<!tpu.dma_semaphore, #tpu.memory_space<semaphore_mem>>
      %dma_start3A = arith.constant 0 : i32
      %dma_start3A_92 = tpu.memref_slice %arg14[%add3A_28, %dma_start3A] : memref<10240x32xf32, #tpu.memory_space<vmem_shared>> -> memref<128x32xf32, #tpu.memory_space<vmem_shared>>
      %dma_start3A_93 = arith.constant 0 : i32
      %dma_start3A_94 = tpu.memref_slice %arg14[%add3A_28, %dma_start3A_93] : memref<10240x32xf32, #tpu.memory_space<vmem_shared>> -> memref<128x32xf32, #tpu.memory_space<vmem_shared>>
      tpu.enqueue_dma source(%arg13 : memref<128x32xf32, #tpu.memory_space<vmem>>) target(%dma_start3A_94 : memref<128x32xf32, #tpu.memory_space<vmem_shared>>) target_semaphore(%run_scoped3A : memref<!tpu.dma_semaphore, #tpu.memory_space<semaphore_mem>>)
      %dma_wait3A = arith.constant 0 : i32
      %dma_wait3A_95 = tpu.memref_slice %arg14[%add3A_28, %dma_wait3A] : memref<10240x32xf32, #tpu.memory_space<vmem_shared>> -> memref<128x32xf32, #tpu.memory_space<vmem_shared>>
      %dma_wait3A_96 = arith.constant 0 : i32
      %dma_wait3A_97 = tpu.memref_slice %arg14[%add3A_28, %dma_wait3A_96] : memref<10240x32xf32, #tpu.memory_space<vmem_shared>> -> memref<128x32xf32, #tpu.memory_space<vmem_shared>>
      tpu.wait_dma2 semaphore(%run_scoped3A : memref<!tpu.dma_semaphore, #tpu.memory_space<semaphore_mem>>) src(%arg13 : memref<128x32xf32, #tpu.memory_space<vmem>>) dst(%dma_wait3A_97 : memref<128x32xf32, #tpu.memory_space<vmem_shared>>)
      tpu.yield
    }) : () -> ()
    %barrier3A = arith.constant 0 : index
    tpu.barrier barrier_id(%barrier3A)
    %eq3A = arith.constant 0 : i32
    %eq3A_29 = arith.cmpi eq, %arg0, %eq3A : i32
    %convert_element_type3A = arith.extui %eq3A_29 : i1 to i32
    %cond3A = arith.constant 0 : i32
    %cond3A_30 = arith.cmpi ne, %convert_element_type3A, %cond3A : i32
    scf.if %cond3A_30 {
      %dma_start3A = arith.constant 0 : i32
      %dma_start3A_92 = arith.constant 0 : i32
      %dma_start3A_93 = arith.constant 0 : i32
      %dma_start3A_94 = tpu.memref_slice %arg9[%dma_start3A_92, %dma_start3A_93] : memref<128x32xf32, #tpu.memory_space<vmem>> -> memref<64x32xf32, #tpu.memory_space<vmem>>
      %dma_start3A_95 = arith.constant 0 : i32
      %dma_start3A_96 = tpu.memref_slice %arg7[%dma_start3A, %dma_start3A_95] : memref<320x64xi32, #tpu.memory_space<vmem>> -> memref<1x64xi32, #tpu.memory_space<vmem>>
      %dma_start3A_97 = tpu.memref_squeeze %dma_start3A_96 : memref<1x64xi32, #tpu.memory_space<vmem>> -> memref<64xi32, #tpu.memory_space<vmem>>
      %dma_start3A_98 = arith.constant 0 : i32
      %dma_start3A_99 = arith.constant 0 : i32
      %dma_start3A_100 = tpu.memref_slice %arg2[%dma_start3A_98, %dma_start3A_99] : memref<10000x32xf32, #tpu.memory_space<hbm>> -> memref<10000x32xf32, #tpu.memory_space<hbm>>
      tpu.enqueue_indirect_dma source(%dma_start3A_100 : memref<10000x32xf32, #tpu.memory_space<hbm>>) target(%dma_start3A_94 : memref<64x32xf32, #tpu.memory_space<vmem>>) offsets(%dma_start3A_97 : memref<64xi32, #tpu.memory_space<vmem>>) semaphore(%arg15 : memref<!tpu.dma_semaphore, #tpu.memory_space<semaphore_mem>>)
      %dma_start3A_101 = arith.constant 1 : i32
      %dma_start3A_102 = arith.constant 64 : i32
      %dma_start3A_103 = arith.constant 0 : i32
      %dma_start3A_104 = tpu.memref_slice %arg9[%dma_start3A_102, %dma_start3A_103] : memref<128x32xf32, #tpu.memory_space<vmem>> -> memref<64x32xf32, #tpu.memory_space<vmem>>
      %dma_start3A_105 = arith.constant 0 : i32
      %dma_start3A_106 = tpu.memref_slice %arg7[%dma_start3A_101, %dma_start3A_105] : memref<320x64xi32, #tpu.memory_space<vmem>> -> memref<1x64xi32, #tpu.memory_space<vmem>>
      %dma_start3A_107 = tpu.memref_squeeze %dma_start3A_106 : memref<1x64xi32, #tpu.memory_space<vmem>> -> memref<64xi32, #tpu.memory_space<vmem>>
      %dma_start3A_108 = arith.constant 0 : i32
      %dma_start3A_109 = arith.constant 0 : i32
      %dma_start3A_110 = tpu.memref_slice %arg2[%dma_start3A_108, %dma_start3A_109] : memref<10000x32xf32, #tpu.memory_space<hbm>> -> memref<10000x32xf32, #tpu.memory_space<hbm>>
      tpu.enqueue_indirect_dma source(%dma_start3A_110 : memref<10000x32xf32, #tpu.memory_space<hbm>>) target(%dma_start3A_104 : memref<64x32xf32, #tpu.memory_space<vmem>>) offsets(%dma_start3A_107 : memref<64xi32, #tpu.memory_space<vmem>>) semaphore(%arg15 : memref<!tpu.dma_semaphore, #tpu.memory_space<semaphore_mem>>)
      %dma_start3A_111 = arith.constant 2 : i32
      %dma_start3A_112 = arith.constant 0 : i32
      %dma_start3A_113 = arith.constant 0 : i32
      %dma_start3A_114 = tpu.memref_slice %arg10[%dma_start3A_112, %dma_start3A_113] : memref<128x32xf32, #tpu.memory_space<vmem>> -> memref<64x32xf32, #tpu.memory_space<vmem>>
      %dma_start3A_115 = arith.constant 0 : i32
      %dma_start3A_116 = tpu.memref_slice %arg7[%dma_start3A_111, %dma_start3A_115] : memref<320x64xi32, #tpu.memory_space<vmem>> -> memref<1x64xi32, #tpu.memory_space<vmem>>
      %dma_start3A_117 = tpu.memref_squeeze %dma_start3A_116 : memref<1x64xi32, #tpu.memory_space<vmem>> -> memref<64xi32, #tpu.memory_space<vmem>>
      %dma_start3A_118 = arith.constant 0 : i32
      %dma_start3A_119 = arith.constant 0 : i32
      %dma_start3A_120 = tpu.memref_slice %arg2[%dma_start3A_118, %dma_start3A_119] : memref<10000x32xf32, #tpu.memory_space<hbm>> -> memref<10000x32xf32, #tpu.memory_space<hbm>>
      tpu.enqueue_indirect_dma source(%dma_start3A_120 : memref<10000x32xf32, #tpu.memory_space<hbm>>) target(%dma_start3A_114 : memref<64x32xf32, #tpu.memory_space<vmem>>) offsets(%dma_start3A_117 : memref<64xi32, #tpu.memory_space<vmem>>) semaphore(%arg15 : memref<!tpu.dma_semaphore, #tpu.memory_space<semaphore_mem>>)
      %dma_start3A_121 = arith.constant 3 : i32
      %dma_start3A_122 = arith.constant 64 : i32
      %dma_start3A_123 = arith.constant 0 : i32
      %dma_start3A_124 = tpu.memref_slice %arg10[%dma_start3A_122, %dma_start3A_123] : memref<128x32xf32, #tpu.memory_space<vmem>> -> memref<64x32xf32, #tpu.memory_space<vmem>>
      %dma_start3A_125 = arith.constant 0 : i32
      %dma_start3A_126 = tpu.memref_slice %arg7[%dma_start3A_121, %dma_start3A_125] : memref<320x64xi32, #tpu.memory_space<vmem>> -> memref<1x64xi32, #tpu.memory_space<vmem>>
      %dma_start3A_127 = tpu.memref_squeeze %dma_start3A_126 : memref<1x64xi32, #tpu.memory_space<vmem>> -> memref<64xi32, #tpu.memory_space<vmem>>
      %dma_start3A_128 = arith.constant 0 : i32
      %dma_start3A_129 = arith.constant 0 : i32
      %dma_start3A_130 = tpu.memref_slice %arg2[%dma_start3A_128, %dma_start3A_129] : memref<10000x32xf32, #tpu.memory_space<hbm>> -> memref<10000x32xf32, #tpu.memory_space<hbm>>
      tpu.enqueue_indirect_dma source(%dma_start3A_130 : memref<10000x32xf32, #tpu.memory_space<hbm>>) target(%dma_start3A_124 : memref<64x32xf32, #tpu.memory_space<vmem>>) offsets(%dma_start3A_127 : memref<64xi32, #tpu.memory_space<vmem>>) semaphore(%arg15 : memref<!tpu.dma_semaphore, #tpu.memory_space<semaphore_mem>>)
      %dma_start3A_131 = arith.constant 4 : i32
      %dma_start3A_132 = arith.constant 0 : i32
      %dma_start3A_133 = arith.constant 0 : i32
      %dma_start3A_134 = tpu.memref_slice %arg11[%dma_start3A_132, %dma_start3A_133] : memref<128x32xf32, #tpu.memory_space<vmem>> -> memref<64x32xf32, #tpu.memory_space<vmem>>
      %dma_start3A_135 = arith.constant 0 : i32
      %dma_start3A_136 = tpu.memref_slice %arg7[%dma_start3A_131, %dma_start3A_135] : memref<320x64xi32, #tpu.memory_space<vmem>> -> memref<1x64xi32, #tpu.memory_space<vmem>>
      %dma_start3A_137 = tpu.memref_squeeze %dma_start3A_136 : memref<1x64xi32, #tpu.memory_space<vmem>> -> memref<64xi32, #tpu.memory_space<vmem>>
      %dma_start3A_138 = arith.constant 0 : i32
      %dma_start3A_139 = arith.constant 0 : i32
      %dma_start3A_140 = tpu.memref_slice %arg2[%dma_start3A_138, %dma_start3A_139] : memref<10000x32xf32, #tpu.memory_space<hbm>> -> memref<10000x32xf32, #tpu.memory_space<hbm>>
      tpu.enqueue_indirect_dma source(%dma_start3A_140 : memref<10000x32xf32, #tpu.memory_space<hbm>>) target(%dma_start3A_134 : memref<64x32xf32, #tpu.memory_space<vmem>>) offsets(%dma_start3A_137 : memref<64xi32, #tpu.memory_space<vmem>>) semaphore(%arg15 : memref<!tpu.dma_semaphore, #tpu.memory_space<semaphore_mem>>)
      %dma_start3A_141 = arith.constant 5 : i32
      %dma_start3A_142 = arith.constant 64 : i32
      %dma_start3A_143 = arith.constant 0 : i32
      %dma_start3A_144 = tpu.memref_slice %arg11[%dma_start3A_142, %dma_start3A_143] : memref<128x32xf32, #tpu.memory_space<vmem>> -> memref<64x32xf32, #tpu.memory_space<vmem>>
      %dma_start3A_145 = arith.constant 0 : i32
      %dma_start3A_146 = tpu.memref_slice %arg7[%dma_start3A_141, %dma_start3A_145] : memref<320x64xi32, #tpu.memory_space<vmem>> -> memref<1x64xi32, #tpu.memory_space<vmem>>
      %dma_start3A_147 = tpu.memref_squeeze %dma_start3A_146 : memref<1x64xi32, #tpu.memory_space<vmem>> -> memref<64xi32, #tpu.memory_space<vmem>>
      %dma_start3A_148 = arith.constant 0 : i32
      %dma_start3A_149 = arith.constant 0 : i32
      %dma_start3A_150 = tpu.memref_slice %arg2[%dma_start3A_148, %dma_start3A_149] : memref<10000x32xf32, #tpu.memory_space<hbm>> -> memref<10000x32xf32, #tpu.memory_space<hbm>>
      tpu.enqueue_indirect_dma source(%dma_start3A_150 : memref<10000x32xf32, #tpu.memory_space<hbm>>) target(%dma_start3A_144 : memref<64x32xf32, #tpu.memory_space<vmem>>) offsets(%dma_start3A_147 : memref<64xi32, #tpu.memory_space<vmem>>) semaphore(%arg15 : memref<!tpu.dma_semaphore, #tpu.memory_space<semaphore_mem>>)
      %dma_start3A_151 = arith.constant 6 : i32
      %dma_start3A_152 = arith.constant 0 : i32
      %dma_start3A_153 = arith.constant 0 : i32
      %dma_start3A_154 = tpu.memref_slice %arg12[%dma_start3A_152, %dma_start3A_153] : memref<128x32xf32, #tpu.memory_space<vmem>> -> memref<64x32xf32, #tpu.memory_space<vmem>>
      %dma_start3A_155 = arith.constant 0 : i32
      %dma_start3A_156 = tpu.memref_slice %arg7[%dma_start3A_151, %dma_start3A_155] : memref<320x64xi32, #tpu.memory_space<vmem>> -> memref<1x64xi32, #tpu.memory_space<vmem>>
      %dma_start3A_157 = tpu.memref_squeeze %dma_start3A_156 : memref<1x64xi32, #tpu.memory_space<vmem>> -> memref<64xi32, #tpu.memory_space<vmem>>
      %dma_start3A_158 = arith.constant 0 : i32
      %dma_start3A_159 = arith.constant 0 : i32
      %dma_start3A_160 = tpu.memref_slice %arg2[%dma_start3A_158, %dma_start3A_159] : memref<10000x32xf32, #tpu.memory_space<hbm>> -> memref<10000x32xf32, #tpu.memory_space<hbm>>
      tpu.enqueue_indirect_dma source(%dma_start3A_160 : memref<10000x32xf32, #tpu.memory_space<hbm>>) target(%dma_start3A_154 : memref<64x32xf32, #tpu.memory_space<vmem>>) offsets(%dma_start3A_157 : memref<64xi32, #tpu.memory_space<vmem>>) semaphore(%arg15 : memref<!tpu.dma_semaphore, #tpu.memory_space<semaphore_mem>>)
      %dma_start3A_161 = arith.constant 7 : i32
      %dma_start3A_162 = arith.constant 64 : i32
      %dma_start3A_163 = arith.constant 0 : i32
      %dma_start3A_164 = tpu.memref_slice %arg12[%dma_start3A_162, %dma_start3A_163] : memref<128x32xf32, #tpu.memory_space<vmem>> -> memref<64x32xf32, #tpu.memory_space<vmem>>
      %dma_start3A_165 = arith.constant 0 : i32
      %dma_start3A_166 = tpu.memref_slice %arg7[%dma_start3A_161, %dma_start3A_165] : memref<320x64xi32, #tpu.memory_space<vmem>> -> memref<1x64xi32, #tpu.memory_space<vmem>>
      %dma_start3A_167 = tpu.memref_squeeze %dma_start3A_166 : memref<1x64xi32, #tpu.memory_space<vmem>> -> memref<64xi32, #tpu.memory_space<vmem>>
      %dma_start3A_168 = arith.constant 0 : i32
      %dma_start3A_169 = arith.constant 0 : i32
      %dma_start3A_170 = tpu.memref_slice %arg2[%dma_start3A_168, %dma_start3A_169] : memref<10000x32xf32, #tpu.memory_space<hbm>> -> memref<10000x32xf32, #tpu.memory_space<hbm>>
      tpu.enqueue_indirect_dma source(%dma_start3A_170 : memref<10000x32xf32, #tpu.memory_space<hbm>>) target(%dma_start3A_164 : memref<64x32xf32, #tpu.memory_space<vmem>>) offsets(%dma_start3A_167 : memref<64xi32, #tpu.memory_space<vmem>>) semaphore(%arg15 : memref<!tpu.dma_semaphore, #tpu.memory_space<semaphore_mem>>)
      %scan3A_171 = arith.constant 0 : i32
      %scan3A_172 = arith.constant 0 : i32
      %scan3A_173 = arith.constant 40 : i32
      %scan3A_174 = arith.addi %scan3A_172, %scan3A_173 : i32
      %scan3A_175 = arith.constant 1 : i32
      scf.for %scan3A_177 = %scan3A_172 to %scan3A_174 step %scan3A_175  : i32 {
        %mul3A_178 = arith.constant 2 : i32
        %mul3A_179 = arith.muli %mul3A_178, %scan3A_177 : i32
        %mul3A_180 = arith.constant 2 : i32
        %mul3A_181 = arith.muli %mul3A_180, %scan3A_177 : i32
        %add3A_182 = arith.constant 1 : i32
        %add3A_183 = arith.addi %mul3A_181, %add3A_182 : i32
        %mul3A_184 = arith.constant 2 : i32
        %mul3A_185 = arith.muli %mul3A_179, %mul3A_184 : i32
        %add3A_186 = arith.constant 0 : i32
        %add3A_187 = arith.addi %mul3A_185, %add3A_186 : i32
        %mul3A_188 = arith.constant 2 : i32
        %mul3A_189 = arith.muli %add3A_187, %mul3A_188 : i32
        %add3A_190 = arith.constant 0 : i32
        %add3A_191 = arith.addi %mul3A_189, %add3A_190 : i32
        %dma_wait3A = arith.constant 0 : i32
        %dma_wait3A_192 = arith.constant 0 : i32
        %dma_wait3A_193 = tpu.memref_slice %arg9[%dma_wait3A, %dma_wait3A_192] : memref<128x32xf32, #tpu.memory_space<vmem>> -> memref<64x32xf32, #tpu.memory_space<vmem>>
        %dma_wait3A_194 = arith.constant 0 : i32
        %dma_wait3A_195 = tpu.memref_slice %arg7[%add3A_191, %dma_wait3A_194] : memref<320x64xi32, #tpu.memory_space<vmem>> -> memref<1x64xi32, #tpu.memory_space<vmem>>
        %dma_wait3A_196 = tpu.memref_squeeze %dma_wait3A_195 : memref<1x64xi32, #tpu.memory_space<vmem>> -> memref<64xi32, #tpu.memory_space<vmem>>
        %dma_wait3A_197 = arith.constant 0 : i32
        %dma_wait3A_198 = arith.constant 0 : i32
        %dma_wait3A_199 = tpu.memref_slice %arg2[%dma_wait3A_197, %dma_wait3A_198] : memref<10000x32xf32, #tpu.memory_space<hbm>> -> memref<10000x32xf32, #tpu.memory_space<hbm>>
        tpu.wait_indirect_dma semaphore(%arg15 : memref<!tpu.dma_semaphore, #tpu.memory_space<semaphore_mem>>) src(%dma_wait3A_199 : memref<10000x32xf32, #tpu.memory_space<hbm>>) dst(%dma_wait3A_193 : memref<64x32xf32, #tpu.memory_space<vmem>>)
        %mul3A_200 = arith.constant 2 : i32
        %mul3A_201 = arith.muli %mul3A_179, %mul3A_200 : i32
        %add3A_202 = arith.constant 0 : i32
        %add3A_203 = arith.addi %mul3A_201, %add3A_202 : i32
        %mul3A_204 = arith.constant 2 : i32
        %mul3A_205 = arith.muli %add3A_203, %mul3A_204 : i32
        %add3A_206 = arith.constant 1 : i32
        %add3A_207 = arith.addi %mul3A_205, %add3A_206 : i32
        %dma_wait3A_208 = arith.constant 64 : i32
        %dma_wait3A_209 = arith.constant 0 : i32
        %dma_wait3A_210 = tpu.memref_slice %arg9[%dma_wait3A_208, %dma_wait3A_209] : memref<128x32xf32, #tpu.memory_space<vmem>> -> memref<64x32xf32, #tpu.memory_space<vmem>>
        %dma_wait3A_211 = arith.constant 0 : i32
        %dma_wait3A_212 = tpu.memref_slice %arg7[%add3A_207, %dma_wait3A_211] : memref<320x64xi32, #tpu.memory_space<vmem>> -> memref<1x64xi32, #tpu.memory_space<vmem>>
        %dma_wait3A_213 = tpu.memref_squeeze %dma_wait3A_212 : memref<1x64xi32, #tpu.memory_space<vmem>> -> memref<64xi32, #tpu.memory_space<vmem>>
        %dma_wait3A_214 = arith.constant 0 : i32
        %dma_wait3A_215 = arith.constant 0 : i32
        %dma_wait3A_216 = tpu.memref_slice %arg2[%dma_wait3A_214, %dma_wait3A_215] : memref<10000x32xf32, #tpu.memory_space<hbm>> -> memref<10000x32xf32, #tpu.memory_space<hbm>>
        tpu.wait_indirect_dma semaphore(%arg15 : memref<!tpu.dma_semaphore, #tpu.memory_space<semaphore_mem>>) src(%dma_wait3A_216 : memref<10000x32xf32, #tpu.memory_space<hbm>>) dst(%dma_wait3A_210 : memref<64x32xf32, #tpu.memory_space<vmem>>)
        %mul3A_217 = arith.constant 2 : i32
        %mul3A_218 = arith.muli %mul3A_179, %mul3A_217 : i32
        %add3A_219 = arith.constant 1 : i32
        %add3A_220 = arith.addi %mul3A_218, %add3A_219 : i32
        %mul3A_221 = arith.constant 2 : i32
        %mul3A_222 = arith.muli %add3A_220, %mul3A_221 : i32
        %add3A_223 = arith.constant 0 : i32
        %add3A_224 = arith.addi %mul3A_222, %add3A_223 : i32
        %dma_wait3A_225 = arith.constant 0 : i32
        %dma_wait3A_226 = arith.constant 0 : i32
        %dma_wait3A_227 = tpu.memref_slice %arg10[%dma_wait3A_225, %dma_wait3A_226] : memref<128x32xf32, #tpu.memory_space<vmem>> -> memref<64x32xf32, #tpu.memory_space<vmem>>
        %dma_wait3A_228 = arith.constant 0 : i32
        %dma_wait3A_229 = tpu.memref_slice %arg7[%add3A_224, %dma_wait3A_228] : memref<320x64xi32, #tpu.memory_space<vmem>> -> memref<1x64xi32, #tpu.memory_space<vmem>>
        %dma_wait3A_230 = tpu.memref_squeeze %dma_wait3A_229 : memref<1x64xi32, #tpu.memory_space<vmem>> -> memref<64xi32, #tpu.memory_space<vmem>>
        %dma_wait3A_231 = arith.constant 0 : i32
        %dma_wait3A_232 = arith.constant 0 : i32
        %dma_wait3A_233 = tpu.memref_slice %arg2[%dma_wait3A_231, %dma_wait3A_232] : memref<10000x32xf32, #tpu.memory_space<hbm>> -> memref<10000x32xf32, #tpu.memory_space<hbm>>
        tpu.wait_indirect_dma semaphore(%arg15 : memref<!tpu.dma_semaphore, #tpu.memory_space<semaphore_mem>>) src(%dma_wait3A_233 : memref<10000x32xf32, #tpu.memory_space<hbm>>) dst(%dma_wait3A_227 : memref<64x32xf32, #tpu.memory_space<vmem>>)
        %mul3A_234 = arith.constant 2 : i32
        %mul3A_235 = arith.muli %mul3A_179, %mul3A_234 : i32
        %add3A_236 = arith.constant 1 : i32
        %add3A_237 = arith.addi %mul3A_235, %add3A_236 : i32
        %mul3A_238 = arith.constant 2 : i32
        %mul3A_239 = arith.muli %add3A_237, %mul3A_238 : i32
        %add3A_240 = arith.constant 1 : i32
        %add3A_241 = arith.addi %mul3A_239, %add3A_240 : i32
        %dma_wait3A_242 = arith.constant 64 : i32
        %dma_wait3A_243 = arith.constant 0 : i32
        %dma_wait3A_244 = tpu.memref_slice %arg10[%dma_wait3A_242, %dma_wait3A_243] : memref<128x32xf32, #tpu.memory_space<vmem>> -> memref<64x32xf32, #tpu.memory_space<vmem>>
        %dma_wait3A_245 = arith.constant 0 : i32
        %dma_wait3A_246 = tpu.memref_slice %arg7[%add3A_241, %dma_wait3A_245] : memref<320x64xi32, #tpu.memory_space<vmem>> -> memref<1x64xi32, #tpu.memory_space<vmem>>
        %dma_wait3A_247 = tpu.memref_squeeze %dma_wait3A_246 : memref<1x64xi32, #tpu.memory_space<vmem>> -> memref<64xi32, #tpu.memory_space<vmem>>
        %dma_wait3A_248 = arith.constant 0 : i32
        %dma_wait3A_249 = arith.constant 0 : i32
        %dma_wait3A_250 = tpu.memref_slice %arg2[%dma_wait3A_248, %dma_wait3A_249] : memref<10000x32xf32, #tpu.memory_space<hbm>> -> memref<10000x32xf32, #tpu.memory_space<hbm>>
        tpu.wait_indirect_dma semaphore(%arg15 : memref<!tpu.dma_semaphore, #tpu.memory_space<semaphore_mem>>) src(%dma_wait3A_250 : memref<10000x32xf32, #tpu.memory_space<hbm>>) dst(%dma_wait3A_244 : memref<64x32xf32, #tpu.memory_space<vmem>>)
        %mul3A_251 = arith.constant 2 : i32
        %mul3A_252 = arith.muli %mul3A_179, %mul3A_251 : i32
        %add3A_253 = arith.constant 0 : i32
        %add3A_254 = arith.addi %mul3A_252, %add3A_253 : i32
        %dma_start3A_255 = arith.constant 0 : i32
        %dma_start3A_256 = tpu.memref_slice %arg8[%add3A_254, %dma_start3A_255] : memref<160x128xi32, #tpu.memory_space<vmem>> -> memref<1x128xi32, #tpu.memory_space<vmem>>
        %dma_start3A_257 = tpu.memref_squeeze %dma_start3A_256 : memref<1x128xi32, #tpu.memory_space<vmem>> -> memref<128xi32, #tpu.memory_space<vmem>>
        %dma_start3A_258 = arith.constant 0 : i32
        %dma_start3A_259 = arith.constant 0 : i32
        %dma_start3A_260 = tpu.memref_slice %arg14[%dma_start3A_258, %dma_start3A_259] : memref<10240x32xf32, #tpu.memory_space<vmem_shared>> -> memref<10240x32xf32, #tpu.memory_space<vmem_shared>>
        tpu.enqueue_indirect_dma source(%arg9 : memref<128x32xf32, #tpu.memory_space<vmem>>) target(%dma_start3A_260 : memref<10240x32xf32, #tpu.memory_space<vmem_shared>>) offsets(%dma_start3A_257 : memref<128xi32, #tpu.memory_space<vmem>>) semaphore(%arg16 : memref<!tpu.dma_semaphore, #tpu.memory_space<semaphore_mem>>) {add = true}
        %mul3A_261 = arith.constant 2 : i32
        %mul3A_262 = arith.muli %mul3A_179, %mul3A_261 : i32
        %add3A_263 = arith.constant 1 : i32
        %add3A_264 = arith.addi %mul3A_262, %add3A_263 : i32
        %dma_start3A_265 = arith.constant 0 : i32
        %dma_start3A_266 = tpu.memref_slice %arg8[%add3A_264, %dma_start3A_265] : memref<160x128xi32, #tpu.memory_space<vmem>> -> memref<1x128xi32, #tpu.memory_space<vmem>>
        %dma_start3A_267 = tpu.memref_squeeze %dma_start3A_266 : memref<1x128xi32, #tpu.memory_space<vmem>> -> memref<128xi32, #tpu.memory_space<vmem>>
        %dma_start3A_268 = arith.constant 0 : i32
        %dma_start3A_269 = arith.constant 0 : i32
        %dma_start3A_270 = tpu.memref_slice %arg14[%dma_start3A_268, %dma_start3A_269] : memref<10240x32xf32, #tpu.memory_space<vmem_shared>> -> memref<10240x32xf32, #tpu.memory_space<vmem_shared>>
        tpu.enqueue_indirect_dma source(%arg10 : memref<128x32xf32, #tpu.memory_space<vmem>>) target(%dma_start3A_270 : memref<10240x32xf32, #tpu.memory_space<vmem_shared>>) offsets(%dma_start3A_267 : memref<128xi32, #tpu.memory_space<vmem>>) semaphore(%arg16 : memref<!tpu.dma_semaphore, #tpu.memory_space<semaphore_mem>>) {add = true}
        %mul3A_271 = arith.constant 2 : i32
        %mul3A_272 = arith.muli %add3A_183, %mul3A_271 : i32
        %add3A_273 = arith.constant 0 : i32
        %add3A_274 = arith.addi %mul3A_272, %add3A_273 : i32
        %mul3A_275 = arith.constant 2 : i32
        %mul3A_276 = arith.muli %add3A_274, %mul3A_275 : i32
        %add3A_277 = arith.constant 0 : i32
        %add3A_278 = arith.addi %mul3A_276, %add3A_277 : i32
        %dma_wait3A_279 = arith.constant 0 : i32
        %dma_wait3A_280 = arith.constant 0 : i32
        %dma_wait3A_281 = tpu.memref_slice %arg11[%dma_wait3A_279, %dma_wait3A_280] : memref<128x32xf32, #tpu.memory_space<vmem>> -> memref<64x32xf32, #tpu.memory_space<vmem>>
        %dma_wait3A_282 = arith.constant 0 : i32
        %dma_wait3A_283 = tpu.memref_slice %arg7[%add3A_278, %dma_wait3A_282] : memref<320x64xi32, #tpu.memory_space<vmem>> -> memref<1x64xi32, #tpu.memory_space<vmem>>
        %dma_wait3A_284 = tpu.memref_squeeze %dma_wait3A_283 : memref<1x64xi32, #tpu.memory_space<vmem>> -> memref<64xi32, #tpu.memory_space<vmem>>
        %dma_wait3A_285 = arith.constant 0 : i32
        %dma_wait3A_286 = arith.constant 0 : i32
        %dma_wait3A_287 = tpu.memref_slice %arg2[%dma_wait3A_285, %dma_wait3A_286] : memref<10000x32xf32, #tpu.memory_space<hbm>> -> memref<10000x32xf32, #tpu.memory_space<hbm>>
        tpu.wait_indirect_dma semaphore(%arg15 : memref<!tpu.dma_semaphore, #tpu.memory_space<semaphore_mem>>) src(%dma_wait3A_287 : memref<10000x32xf32, #tpu.memory_space<hbm>>) dst(%dma_wait3A_281 : memref<64x32xf32, #tpu.memory_space<vmem>>)
        %mul3A_288 = arith.constant 2 : i32
        %mul3A_289 = arith.muli %add3A_183, %mul3A_288 : i32
        %add3A_290 = arith.constant 0 : i32
        %add3A_291 = arith.addi %mul3A_289, %add3A_290 : i32
        %mul3A_292 = arith.constant 2 : i32
        %mul3A_293 = arith.muli %add3A_291, %mul3A_292 : i32
        %add3A_294 = arith.constant 1 : i32
        %add3A_295 = arith.addi %mul3A_293, %add3A_294 : i32
        %dma_wait3A_296 = arith.constant 64 : i32
        %dma_wait3A_297 = arith.constant 0 : i32
        %dma_wait3A_298 = tpu.memref_slice %arg11[%dma_wait3A_296, %dma_wait3A_297] : memref<128x32xf32, #tpu.memory_space<vmem>> -> memref<64x32xf32, #tpu.memory_space<vmem>>
        %dma_wait3A_299 = arith.constant 0 : i32
        %dma_wait3A_300 = tpu.memref_slice %arg7[%add3A_295, %dma_wait3A_299] : memref<320x64xi32, #tpu.memory_space<vmem>> -> memref<1x64xi32, #tpu.memory_space<vmem>>
        %dma_wait3A_301 = tpu.memref_squeeze %dma_wait3A_300 : memref<1x64xi32, #tpu.memory_space<vmem>> -> memref<64xi32, #tpu.memory_space<vmem>>
        %dma_wait3A_302 = arith.constant 0 : i32
        %dma_wait3A_303 = arith.constant 0 : i32
        %dma_wait3A_304 = tpu.memref_slice %arg2[%dma_wait3A_302, %dma_wait3A_303] : memref<10000x32xf32, #tpu.memory_space<hbm>> -> memref<10000x32xf32, #tpu.memory_space<hbm>>
        tpu.wait_indirect_dma semaphore(%arg15 : memref<!tpu.dma_semaphore, #tpu.memory_space<semaphore_mem>>) src(%dma_wait3A_304 : memref<10000x32xf32, #tpu.memory_space<hbm>>) dst(%dma_wait3A_298 : memref<64x32xf32, #tpu.memory_space<vmem>>)
        %mul3A_305 = arith.constant 2 : i32
        %mul3A_306 = arith.muli %add3A_183, %mul3A_305 : i32
        %add3A_307 = arith.constant 1 : i32
        %add3A_308 = arith.addi %mul3A_306, %add3A_307 : i32
        %mul3A_309 = arith.constant 2 : i32
        %mul3A_310 = arith.muli %add3A_308, %mul3A_309 : i32
        %add3A_311 = arith.constant 0 : i32
        %add3A_312 = arith.addi %mul3A_310, %add3A_311 : i32
        %dma_wait3A_313 = arith.constant 0 : i32
        %dma_wait3A_314 = arith.constant 0 : i32
        %dma_wait3A_315 = tpu.memref_slice %arg12[%dma_wait3A_313, %dma_wait3A_314] : memref<128x32xf32, #tpu.memory_space<vmem>> -> memref<64x32xf32, #tpu.memory_space<vmem>>
        %dma_wait3A_316 = arith.constant 0 : i32
        %dma_wait3A_317 = tpu.memref_slice %arg7[%add3A_312, %dma_wait3A_316] : memref<320x64xi32, #tpu.memory_space<vmem>> -> memref<1x64xi32, #tpu.memory_space<vmem>>
        %dma_wait3A_318 = tpu.memref_squeeze %dma_wait3A_317 : memref<1x64xi32, #tpu.memory_space<vmem>> -> memref<64xi32, #tpu.memory_space<vmem>>
        %dma_wait3A_319 = arith.constant 0 : i32
        %dma_wait3A_320 = arith.constant 0 : i32
        %dma_wait3A_321 = tpu.memref_slice %arg2[%dma_wait3A_319, %dma_wait3A_320] : memref<10000x32xf32, #tpu.memory_space<hbm>> -> memref<10000x32xf32, #tpu.memory_space<hbm>>
        tpu.wait_indirect_dma semaphore(%arg15 : memref<!tpu.dma_semaphore, #tpu.memory_space<semaphore_mem>>) src(%dma_wait3A_321 : memref<10000x32xf32, #tpu.memory_space<hbm>>) dst(%dma_wait3A_315 : memref<64x32xf32, #tpu.memory_space<vmem>>)
        %mul3A_322 = arith.constant 2 : i32
        %mul3A_323 = arith.muli %add3A_183, %mul3A_322 : i32
        %add3A_324 = arith.constant 1 : i32
        %add3A_325 = arith.addi %mul3A_323, %add3A_324 : i32
        %mul3A_326 = arith.constant 2 : i32
        %mul3A_327 = arith.muli %add3A_325, %mul3A_326 : i32
        %add3A_328 = arith.constant 1 : i32
        %add3A_329 = arith.addi %mul3A_327, %add3A_328 : i32
        %dma_wait3A_330 = arith.constant 64 : i32
        %dma_wait3A_331 = arith.constant 0 : i32
        %dma_wait3A_332 = tpu.memref_slice %arg12[%dma_wait3A_330, %dma_wait3A_331] : memref<128x32xf32, #tpu.memory_space<vmem>> -> memref<64x32xf32, #tpu.memory_space<vmem>>
        %dma_wait3A_333 = arith.constant 0 : i32
        %dma_wait3A_334 = tpu.memref_slice %arg7[%add3A_329, %dma_wait3A_333] : memref<320x64xi32, #tpu.memory_space<vmem>> -> memref<1x64xi32, #tpu.memory_space<vmem>>
        %dma_wait3A_335 = tpu.memref_squeeze %dma_wait3A_334 : memref<1x64xi32, #tpu.memory_space<vmem>> -> memref<64xi32, #tpu.memory_space<vmem>>
        %dma_wait3A_336 = arith.constant 0 : i32
        %dma_wait3A_337 = arith.constant 0 : i32
        %dma_wait3A_338 = tpu.memref_slice %arg2[%dma_wait3A_336, %dma_wait3A_337] : memref<10000x32xf32, #tpu.memory_space<hbm>> -> memref<10000x32xf32, #tpu.memory_space<hbm>>
        tpu.wait_indirect_dma semaphore(%arg15 : memref<!tpu.dma_semaphore, #tpu.memory_space<semaphore_mem>>) src(%dma_wait3A_338 : memref<10000x32xf32, #tpu.memory_space<hbm>>) dst(%dma_wait3A_332 : memref<64x32xf32, #tpu.memory_space<vmem>>)
        %mul3A_339 = arith.constant 2 : i32
        %mul3A_340 = arith.muli %add3A_183, %mul3A_339 : i32
        %add3A_341 = arith.constant 0 : i32
        %add3A_342 = arith.addi %mul3A_340, %add3A_341 : i32
        %dma_start3A_343 = arith.constant 0 : i32
        %dma_start3A_344 = tpu.memref_slice %arg8[%add3A_342, %dma_start3A_343] : memref<160x128xi32, #tpu.memory_space<vmem>> -> memref<1x128xi32, #tpu.memory_space<vmem>>
        %dma_start3A_345 = tpu.memref_squeeze %dma_start3A_344 : memref<1x128xi32, #tpu.memory_space<vmem>> -> memref<128xi32, #tpu.memory_space<vmem>>
        %dma_start3A_346 = arith.constant 0 : i32
        %dma_start3A_347 = arith.constant 0 : i32
        %dma_start3A_348 = tpu.memref_slice %arg14[%dma_start3A_346, %dma_start3A_347] : memref<10240x32xf32, #tpu.memory_space<vmem_shared>> -> memref<10240x32xf32, #tpu.memory_space<vmem_shared>>
        tpu.enqueue_indirect_dma source(%arg11 : memref<128x32xf32, #tpu.memory_space<vmem>>) target(%dma_start3A_348 : memref<10240x32xf32, #tpu.memory_space<vmem_shared>>) offsets(%dma_start3A_345 : memref<128xi32, #tpu.memory_space<vmem>>) semaphore(%arg16 : memref<!tpu.dma_semaphore, #tpu.memory_space<semaphore_mem>>) {add = true}
        %mul3A_349 = arith.constant 2 : i32
        %mul3A_350 = arith.muli %add3A_183, %mul3A_349 : i32
        %add3A_351 = arith.constant 1 : i32
        %add3A_352 = arith.addi %mul3A_350, %add3A_351 : i32
        %dma_start3A_353 = arith.constant 0 : i32
        %dma_start3A_354 = tpu.memref_slice %arg8[%add3A_352, %dma_start3A_353] : memref<160x128xi32, #tpu.memory_space<vmem>> -> memref<1x128xi32, #tpu.memory_space<vmem>>
        %dma_start3A_355 = tpu.memref_squeeze %dma_start3A_354 : memref<1x128xi32, #tpu.memory_space<vmem>> -> memref<128xi32, #tpu.memory_space<vmem>>
        %dma_start3A_356 = arith.constant 0 : i32
        %dma_start3A_357 = arith.constant 0 : i32
        %dma_start3A_358 = tpu.memref_slice %arg14[%dma_start3A_356, %dma_start3A_357] : memref<10240x32xf32, #tpu.memory_space<vmem_shared>> -> memref<10240x32xf32, #tpu.memory_space<vmem_shared>>
        tpu.enqueue_indirect_dma source(%arg12 : memref<128x32xf32, #tpu.memory_space<vmem>>) target(%dma_start3A_358 : memref<10240x32xf32, #tpu.memory_space<vmem_shared>>) offsets(%dma_start3A_355 : memref<128xi32, #tpu.memory_space<vmem>>) semaphore(%arg16 : memref<!tpu.dma_semaphore, #tpu.memory_space<semaphore_mem>>) {add = true}
        %mul3A_359 = arith.constant 2 : i32
        %mul3A_360 = arith.muli %mul3A_179, %mul3A_359 : i32
        %add3A_361 = arith.constant 0 : i32
        %add3A_362 = arith.addi %mul3A_360, %add3A_361 : i32
        %dma_wait3A_363 = arith.constant 0 : i32
        %dma_wait3A_364 = tpu.memref_slice %arg8[%add3A_362, %dma_wait3A_363] : memref<160x128xi32, #tpu.memory_space<vmem>> -> memref<1x128xi32, #tpu.memory_space<vmem>>
        %dma_wait3A_365 = tpu.memref_squeeze %dma_wait3A_364 : memref<1x128xi32, #tpu.memory_space<vmem>> -> memref<128xi32, #tpu.memory_space<vmem>>
        %dma_wait3A_366 = arith.constant 0 : i32
        %dma_wait3A_367 = arith.constant 0 : i32
        %dma_wait3A_368 = tpu.memref_slice %arg14[%dma_wait3A_366, %dma_wait3A_367] : memref<10240x32xf32, #tpu.memory_space<vmem_shared>> -> memref<10240x32xf32, #tpu.memory_space<vmem_shared>>
        tpu.wait_indirect_dma semaphore(%arg16 : memref<!tpu.dma_semaphore, #tpu.memory_space<semaphore_mem>>) src(%arg9 : memref<128x32xf32, #tpu.memory_space<vmem>>) dst(%dma_wait3A_368 : memref<10240x32xf32, #tpu.memory_space<vmem_shared>>)
        %mul3A_369 = arith.constant 2 : i32
        %mul3A_370 = arith.muli %mul3A_179, %mul3A_369 : i32
        %add3A_371 = arith.constant 1 : i32
        %add3A_372 = arith.addi %mul3A_370, %add3A_371 : i32
        %dma_wait3A_373 = arith.constant 0 : i32
        %dma_wait3A_374 = tpu.memref_slice %arg8[%add3A_372, %dma_wait3A_373] : memref<160x128xi32, #tpu.memory_space<vmem>> -> memref<1x128xi32, #tpu.memory_space<vmem>>
        %dma_wait3A_375 = tpu.memref_squeeze %dma_wait3A_374 : memref<1x128xi32, #tpu.memory_space<vmem>> -> memref<128xi32, #tpu.memory_space<vmem>>
        %dma_wait3A_376 = arith.constant 0 : i32
        %dma_wait3A_377 = arith.constant 0 : i32
        %dma_wait3A_378 = tpu.memref_slice %arg14[%dma_wait3A_376, %dma_wait3A_377] : memref<10240x32xf32, #tpu.memory_space<vmem_shared>> -> memref<10240x32xf32, #tpu.memory_space<vmem_shared>>
        tpu.wait_indirect_dma semaphore(%arg16 : memref<!tpu.dma_semaphore, #tpu.memory_space<semaphore_mem>>) src(%arg10 : memref<128x32xf32, #tpu.memory_space<vmem>>) dst(%dma_wait3A_378 : memref<10240x32xf32, #tpu.memory_space<vmem_shared>>)
        %add3A_379 = arith.constant 2 : i32
        %add3A_380 = arith.addi %mul3A_179, %add3A_379 : i32
        %lt3A = arith.constant 80 : i32
        %lt3A_381 = arith.cmpi slt, %add3A_380, %lt3A : i32
        %convert_element_type3A_382 = arith.extui %lt3A_381 : i1 to i32
        %cond3A_383 = arith.constant 0 : i32
        %cond3A_384 = arith.cmpi ne, %convert_element_type3A_382, %cond3A_383 : i32
        scf.if %cond3A_384 {
          %add3A_412 = arith.constant 2 : i32
          %add3A_413 = arith.addi %mul3A_179, %add3A_412 : i32
          %mul3A_414 = arith.constant 2 : i32
          %mul3A_415 = arith.muli %add3A_413, %mul3A_414 : i32
          %add3A_416 = arith.constant 0 : i32
          %add3A_417 = arith.addi %mul3A_415, %add3A_416 : i32
          %mul3A_418 = arith.constant 2 : i32
          %mul3A_419 = arith.muli %add3A_417, %mul3A_418 : i32
          %add3A_420 = arith.constant 0 : i32
          %add3A_421 = arith.addi %mul3A_419, %add3A_420 : i32
          %dma_start3A_422 = arith.constant 0 : i32
          %dma_start3A_423 = arith.constant 0 : i32
          %dma_start3A_424 = tpu.memref_slice %arg9[%dma_start3A_422, %dma_start3A_423] : memref<128x32xf32, #tpu.memory_space<vmem>> -> memref<64x32xf32, #tpu.memory_space<vmem>>
          %dma_start3A_425 = arith.constant 0 : i32
          %dma_start3A_426 = tpu.memref_slice %arg7[%add3A_421, %dma_start3A_425] : memref<320x64xi32, #tpu.memory_space<vmem>> -> memref<1x64xi32, #tpu.memory_space<vmem>>
          %dma_start3A_427 = tpu.memref_squeeze %dma_start3A_426 : memref<1x64xi32, #tpu.memory_space<vmem>> -> memref<64xi32, #tpu.memory_space<vmem>>
          %dma_start3A_428 = arith.constant 0 : i32
          %dma_start3A_429 = arith.constant 0 : i32
          %dma_start3A_430 = tpu.memref_slice %arg2[%dma_start3A_428, %dma_start3A_429] : memref<10000x32xf32, #tpu.memory_space<hbm>> -> memref<10000x32xf32, #tpu.memory_space<hbm>>
          tpu.enqueue_indirect_dma source(%dma_start3A_430 : memref<10000x32xf32, #tpu.memory_space<hbm>>) target(%dma_start3A_424 : memref<64x32xf32, #tpu.memory_space<vmem>>) offsets(%dma_start3A_427 : memref<64xi32, #tpu.memory_space<vmem>>) semaphore(%arg15 : memref<!tpu.dma_semaphore, #tpu.memory_space<semaphore_mem>>)
          %mul3A_431 = arith.constant 2 : i32
          %mul3A_432 = arith.muli %add3A_413, %mul3A_431 : i32
          %add3A_433 = arith.constant 0 : i32
          %add3A_434 = arith.addi %mul3A_432, %add3A_433 : i32
          %mul3A_435 = arith.constant 2 : i32
          %mul3A_436 = arith.muli %add3A_434, %mul3A_435 : i32
          %add3A_437 = arith.constant 1 : i32
          %add3A_438 = arith.addi %mul3A_436, %add3A_437 : i32
          %dma_start3A_439 = arith.constant 64 : i32
          %dma_start3A_440 = arith.constant 0 : i32
          %dma_start3A_441 = tpu.memref_slice %arg9[%dma_start3A_439, %dma_start3A_440] : memref<128x32xf32, #tpu.memory_space<vmem>> -> memref<64x32xf32, #tpu.memory_space<vmem>>
          %dma_start3A_442 = arith.constant 0 : i32
          %dma_start3A_443 = tpu.memref_slice %arg7[%add3A_438, %dma_start3A_442] : memref<320x64xi32, #tpu.memory_space<vmem>> -> memref<1x64xi32, #tpu.memory_space<vmem>>
          %dma_start3A_444 = tpu.memref_squeeze %dma_start3A_443 : memref<1x64xi32, #tpu.memory_space<vmem>> -> memref<64xi32, #tpu.memory_space<vmem>>
          %dma_start3A_445 = arith.constant 0 : i32
          %dma_start3A_446 = arith.constant 0 : i32
          %dma_start3A_447 = tpu.memref_slice %arg2[%dma_start3A_445, %dma_start3A_446] : memref<10000x32xf32, #tpu.memory_space<hbm>> -> memref<10000x32xf32, #tpu.memory_space<hbm>>
          tpu.enqueue_indirect_dma source(%dma_start3A_447 : memref<10000x32xf32, #tpu.memory_space<hbm>>) target(%dma_start3A_441 : memref<64x32xf32, #tpu.memory_space<vmem>>) offsets(%dma_start3A_444 : memref<64xi32, #tpu.memory_space<vmem>>) semaphore(%arg15 : memref<!tpu.dma_semaphore, #tpu.memory_space<semaphore_mem>>)
          %mul3A_448 = arith.constant 2 : i32
          %mul3A_449 = arith.muli %add3A_413, %mul3A_448 : i32
          %add3A_450 = arith.constant 1 : i32
          %add3A_451 = arith.addi %mul3A_449, %add3A_450 : i32
          %mul3A_452 = arith.constant 2 : i32
          %mul3A_453 = arith.muli %add3A_451, %mul3A_452 : i32
          %add3A_454 = arith.constant 0 : i32
          %add3A_455 = arith.addi %mul3A_453, %add3A_454 : i32
          %dma_start3A_456 = arith.constant 0 : i32
          %dma_start3A_457 = arith.constant 0 : i32
          %dma_start3A_458 = tpu.memref_slice %arg10[%dma_start3A_456, %dma_start3A_457] : memref<128x32xf32, #tpu.memory_space<vmem>> -> memref<64x32xf32, #tpu.memory_space<vmem>>
          %dma_start3A_459 = arith.constant 0 : i32
          %dma_start3A_460 = tpu.memref_slice %arg7[%add3A_455, %dma_start3A_459] : memref<320x64xi32, #tpu.memory_space<vmem>> -> memref<1x64xi32, #tpu.memory_space<vmem>>
          %dma_start3A_461 = tpu.memref_squeeze %dma_start3A_460 : memref<1x64xi32, #tpu.memory_space<vmem>> -> memref<64xi32, #tpu.memory_space<vmem>>
          %dma_start3A_462 = arith.constant 0 : i32
          %dma_start3A_463 = arith.constant 0 : i32
          %dma_start3A_464 = tpu.memref_slice %arg2[%dma_start3A_462, %dma_start3A_463] : memref<10000x32xf32, #tpu.memory_space<hbm>> -> memref<10000x32xf32, #tpu.memory_space<hbm>>
          tpu.enqueue_indirect_dma source(%dma_start3A_464 : memref<10000x32xf32, #tpu.memory_space<hbm>>) target(%dma_start3A_458 : memref<64x32xf32, #tpu.memory_space<vmem>>) offsets(%dma_start3A_461 : memref<64xi32, #tpu.memory_space<vmem>>) semaphore(%arg15 : memref<!tpu.dma_semaphore, #tpu.memory_space<semaphore_mem>>)
          %mul3A_465 = arith.constant 2 : i32
          %mul3A_466 = arith.muli %add3A_413, %mul3A_465 : i32
          %add3A_467 = arith.constant 1 : i32
          %add3A_468 = arith.addi %mul3A_466, %add3A_467 : i32
          %mul3A_469 = arith.constant 2 : i32
          %mul3A_470 = arith.muli %add3A_468, %mul3A_469 : i32
          %add3A_471 = arith.constant 1 : i32
          %add3A_472 = arith.addi %mul3A_470, %add3A_471 : i32
          %dma_start3A_473 = arith.constant 64 : i32
          %dma_start3A_474 = arith.constant 0 : i32
          %dma_start3A_475 = tpu.memref_slice %arg10[%dma_start3A_473, %dma_start3A_474] : memref<128x32xf32, #tpu.memory_space<vmem>> -> memref<64x32xf32, #tpu.memory_space<vmem>>
          %dma_start3A_476 = arith.constant 0 : i32
          %dma_start3A_477 = tpu.memref_slice %arg7[%add3A_472, %dma_start3A_476] : memref<320x64xi32, #tpu.memory_space<vmem>> -> memref<1x64xi32, #tpu.memory_space<vmem>>
          %dma_start3A_478 = tpu.memref_squeeze %dma_start3A_477 : memref<1x64xi32, #tpu.memory_space<vmem>> -> memref<64xi32, #tpu.memory_space<vmem>>
          %dma_start3A_479 = arith.constant 0 : i32
          %dma_start3A_480 = arith.constant 0 : i32
          %dma_start3A_481 = tpu.memref_slice %arg2[%dma_start3A_479, %dma_start3A_480] : memref<10000x32xf32, #tpu.memory_space<hbm>> -> memref<10000x32xf32, #tpu.memory_space<hbm>>
          tpu.enqueue_indirect_dma source(%dma_start3A_481 : memref<10000x32xf32, #tpu.memory_space<hbm>>) target(%dma_start3A_475 : memref<64x32xf32, #tpu.memory_space<vmem>>) offsets(%dma_start3A_478 : memref<64xi32, #tpu.memory_space<vmem>>) semaphore(%arg15 : memref<!tpu.dma_semaphore, #tpu.memory_space<semaphore_mem>>)
        } else {
        }
        %mul3A_385 = arith.constant 2 : i32
        %mul3A_386 = arith.muli %add3A_183, %mul3A_385 : i32
        %add3A_387 = arith.constant 0 : i32
        %add3A_388 = arith.addi %mul3A_386, %add3A_387 : i32
        %dma_wait3A_389 = arith.constant 0 : i32
        %dma_wait3A_390 = tpu.memref_slice %arg8[%add3A_388, %dma_wait3A_389] : memref<160x128xi32, #tpu.memory_space<vmem>> -> memref<1x128xi32, #tpu.memory_space<vmem>>
        %dma_wait3A_391 = tpu.memref_squeeze %dma_wait3A_390 : memref<1x128xi32, #tpu.memory_space<vmem>> -> memref<128xi32, #tpu.memory_space<vmem>>
        %dma_wait3A_392 = arith.constant 0 : i32
        %dma_wait3A_393 = arith.constant 0 : i32
        %dma_wait3A_394 = tpu.memref_slice %arg14[%dma_wait3A_392, %dma_wait3A_393] : memref<10240x32xf32, #tpu.memory_space<vmem_shared>> -> memref<10240x32xf32, #tpu.memory_space<vmem_shared>>
        tpu.wait_indirect_dma semaphore(%arg16 : memref<!tpu.dma_semaphore, #tpu.memory_space<semaphore_mem>>) src(%arg11 : memref<128x32xf32, #tpu.memory_space<vmem>>) dst(%dma_wait3A_394 : memref<10240x32xf32, #tpu.memory_space<vmem_shared>>)
        %mul3A_395 = arith.constant 2 : i32
        %mul3A_396 = arith.muli %add3A_183, %mul3A_395 : i32
        %add3A_397 = arith.constant 1 : i32
        %add3A_398 = arith.addi %mul3A_396, %add3A_397 : i32
        %dma_wait3A_399 = arith.constant 0 : i32
        %dma_wait3A_400 = tpu.memref_slice %arg8[%add3A_398, %dma_wait3A_399] : memref<160x128xi32, #tpu.memory_space<vmem>> -> memref<1x128xi32, #tpu.memory_space<vmem>>
        %dma_wait3A_401 = tpu.memref_squeeze %dma_wait3A_400 : memref<1x128xi32, #tpu.memory_space<vmem>> -> memref<128xi32, #tpu.memory_space<vmem>>
        %dma_wait3A_402 = arith.constant 0 : i32
        %dma_wait3A_403 = arith.constant 0 : i32
        %dma_wait3A_404 = tpu.memref_slice %arg14[%dma_wait3A_402, %dma_wait3A_403] : memref<10240x32xf32, #tpu.memory_space<vmem_shared>> -> memref<10240x32xf32, #tpu.memory_space<vmem_shared>>
        tpu.wait_indirect_dma semaphore(%arg16 : memref<!tpu.dma_semaphore, #tpu.memory_space<semaphore_mem>>) src(%arg12 : memref<128x32xf32, #tpu.memory_space<vmem>>) dst(%dma_wait3A_404 : memref<10240x32xf32, #tpu.memory_space<vmem_shared>>)
        %add3A_405 = arith.constant 2 : i32
        %add3A_406 = arith.addi %add3A_183, %add3A_405 : i32
        %lt3A_407 = arith.constant 80 : i32
        %lt3A_408 = arith.cmpi slt, %add3A_406, %lt3A_407 : i32
        %convert_element_type3A_409 = arith.extui %lt3A_408 : i1 to i32
        %cond3A_410 = arith.constant 0 : i32
        %cond3A_411 = arith.cmpi ne, %convert_element_type3A_409, %cond3A_410 : i32
        scf.if %cond3A_411 {
          %add3A_412 = arith.constant 2 : i32
          %add3A_413 = arith.addi %add3A_183, %add3A_412 : i32
          %mul3A_414 = arith.constant 2 : i32
          %mul3A_415 = arith.muli %add3A_413, %mul3A_414 : i32
          %add3A_416 = arith.constant 0 : i32
          %add3A_417 = arith.addi %mul3A_415, %add3A_416 : i32
          %mul3A_418 = arith.constant 2 : i32
          %mul3A_419 = arith.muli %add3A_417, %mul3A_418 : i32
          %add3A_420 = arith.constant 0 : i32
          %add3A_421 = arith.addi %mul3A_419, %add3A_420 : i32
          %dma_start3A_422 = arith.constant 0 : i32
          %dma_start3A_423 = arith.constant 0 : i32
          %dma_start3A_424 = tpu.memref_slice %arg11[%dma_start3A_422, %dma_start3A_423] : memref<128x32xf32, #tpu.memory_space<vmem>> -> memref<64x32xf32, #tpu.memory_space<vmem>>
          %dma_start3A_425 = arith.constant 0 : i32
          %dma_start3A_426 = tpu.memref_slice %arg7[%add3A_421, %dma_start3A_425] : memref<320x64xi32, #tpu.memory_space<vmem>> -> memref<1x64xi32, #tpu.memory_space<vmem>>
          %dma_start3A_427 = tpu.memref_squeeze %dma_start3A_426 : memref<1x64xi32, #tpu.memory_space<vmem>> -> memref<64xi32, #tpu.memory_space<vmem>>
          %dma_start3A_428 = arith.constant 0 : i32
          %dma_start3A_429 = arith.constant 0 : i32
          %dma_start3A_430 = tpu.memref_slice %arg2[%dma_start3A_428, %dma_start3A_429] : memref<10000x32xf32, #tpu.memory_space<hbm>> -> memref<10000x32xf32, #tpu.memory_space<hbm>>
          tpu.enqueue_indirect_dma source(%dma_start3A_430 : memref<10000x32xf32, #tpu.memory_space<hbm>>) target(%dma_start3A_424 : memref<64x32xf32, #tpu.memory_space<vmem>>) offsets(%dma_start3A_427 : memref<64xi32, #tpu.memory_space<vmem>>) semaphore(%arg15 : memref<!tpu.dma_semaphore, #tpu.memory_space<semaphore_mem>>)
          %mul3A_431 = arith.constant 2 : i32
          %mul3A_432 = arith.muli %add3A_413, %mul3A_431 : i32
          %add3A_433 = arith.constant 0 : i32
          %add3A_434 = arith.addi %mul3A_432, %add3A_433 : i32
          %mul3A_435 = arith.constant 2 : i32
          %mul3A_436 = arith.muli %add3A_434, %mul3A_435 : i32
          %add3A_437 = arith.constant 1 : i32
          %add3A_438 = arith.addi %mul3A_436, %add3A_437 : i32
          %dma_start3A_439 = arith.constant 64 : i32
          %dma_start3A_440 = arith.constant 0 : i32
          %dma_start3A_441 = tpu.memref_slice %arg11[%dma_start3A_439, %dma_start3A_440] : memref<128x32xf32, #tpu.memory_space<vmem>> -> memref<64x32xf32, #tpu.memory_space<vmem>>
          %dma_start3A_442 = arith.constant 0 : i32
          %dma_start3A_443 = tpu.memref_slice %arg7[%add3A_438, %dma_start3A_442] : memref<320x64xi32, #tpu.memory_space<vmem>> -> memref<1x64xi32, #tpu.memory_space<vmem>>
          %dma_start3A_444 = tpu.memref_squeeze %dma_start3A_443 : memref<1x64xi32, #tpu.memory_space<vmem>> -> memref<64xi32, #tpu.memory_space<vmem>>
          %dma_start3A_445 = arith.constant 0 : i32
          %dma_start3A_446 = arith.constant 0 : i32
          %dma_start3A_447 = tpu.memref_slice %arg2[%dma_start3A_445, %dma_start3A_446] : memref<10000x32xf32, #tpu.memory_space<hbm>> -> memref<10000x32xf32, #tpu.memory_space<hbm>>
          tpu.enqueue_indirect_dma source(%dma_start3A_447 : memref<10000x32xf32, #tpu.memory_space<hbm>>) target(%dma_start3A_441 : memref<64x32xf32, #tpu.memory_space<vmem>>) offsets(%dma_start3A_444 : memref<64xi32, #tpu.memory_space<vmem>>) semaphore(%arg15 : memref<!tpu.dma_semaphore, #tpu.memory_space<semaphore_mem>>)
          %mul3A_448 = arith.constant 2 : i32
          %mul3A_449 = arith.muli %add3A_413, %mul3A_448 : i32
          %add3A_450 = arith.constant 1 : i32
          %add3A_451 = arith.addi %mul3A_449, %add3A_450 : i32
          %mul3A_452 = arith.constant 2 : i32
          %mul3A_453 = arith.muli %add3A_451, %mul3A_452 : i32
          %add3A_454 = arith.constant 0 : i32
          %add3A_455 = arith.addi %mul3A_453, %add3A_454 : i32
          %dma_start3A_456 = arith.constant 0 : i32
          %dma_start3A_457 = arith.constant 0 : i32
          %dma_start3A_458 = tpu.memref_slice %arg12[%dma_start3A_456, %dma_start3A_457] : memref<128x32xf32, #tpu.memory_space<vmem>> -> memref<64x32xf32, #tpu.memory_space<vmem>>
          %dma_start3A_459 = arith.constant 0 : i32
          %dma_start3A_460 = tpu.memref_slice %arg7[%add3A_455, %dma_start3A_459] : memref<320x64xi32, #tpu.memory_space<vmem>> -> memref<1x64xi32, #tpu.memory_space<vmem>>
          %dma_start3A_461 = tpu.memref_squeeze %dma_start3A_460 : memref<1x64xi32, #tpu.memory_space<vmem>> -> memref<64xi32, #tpu.memory_space<vmem>>
          %dma_start3A_462 = arith.constant 0 : i32
          %dma_start3A_463 = arith.constant 0 : i32
          %dma_start3A_464 = tpu.memref_slice %arg2[%dma_start3A_462, %dma_start3A_463] : memref<10000x32xf32, #tpu.memory_space<hbm>> -> memref<10000x32xf32, #tpu.memory_space<hbm>>
          tpu.enqueue_indirect_dma source(%dma_start3A_464 : memref<10000x32xf32, #tpu.memory_space<hbm>>) target(%dma_start3A_458 : memref<64x32xf32, #tpu.memory_space<vmem>>) offsets(%dma_start3A_461 : memref<64xi32, #tpu.memory_space<vmem>>) semaphore(%arg15 : memref<!tpu.dma_semaphore, #tpu.memory_space<semaphore_mem>>)
          %mul3A_465 = arith.constant 2 : i32
          %mul3A_466 = arith.muli %add3A_413, %mul3A_465 : i32
          %add3A_467 = arith.constant 1 : i32
          %add3A_468 = arith.addi %mul3A_466, %add3A_467 : i32
          %mul3A_469 = arith.constant 2 : i32
          %mul3A_470 = arith.muli %add3A_468, %mul3A_469 : i32
          %add3A_471 = arith.constant 1 : i32
          %add3A_472 = arith.addi %mul3A_470, %add3A_471 : i32
          %dma_start3A_473 = arith.constant 64 : i32
          %dma_start3A_474 = arith.constant 0 : i32
          %dma_start3A_475 = tpu.memref_slice %arg12[%dma_start3A_473, %dma_start3A_474] : memref<128x32xf32, #tpu.memory_space<vmem>> -> memref<64x32xf32, #tpu.memory_space<vmem>>
          %dma_start3A_476 = arith.constant 0 : i32
          %dma_start3A_477 = tpu.memref_slice %arg7[%add3A_472, %dma_start3A_476] : memref<320x64xi32, #tpu.memory_space<vmem>> -> memref<1x64xi32, #tpu.memory_space<vmem>>
          %dma_start3A_478 = tpu.memref_squeeze %dma_start3A_477 : memref<1x64xi32, #tpu.memory_space<vmem>> -> memref<64xi32, #tpu.memory_space<vmem>>
          %dma_start3A_479 = arith.constant 0 : i32
          %dma_start3A_480 = arith.constant 0 : i32
          %dma_start3A_481 = tpu.memref_slice %arg2[%dma_start3A_479, %dma_start3A_480] : memref<10000x32xf32, #tpu.memory_space<hbm>> -> memref<10000x32xf32, #tpu.memory_space<hbm>>
          tpu.enqueue_indirect_dma source(%dma_start3A_481 : memref<10000x32xf32, #tpu.memory_space<hbm>>) target(%dma_start3A_475 : memref<64x32xf32, #tpu.memory_space<vmem>>) offsets(%dma_start3A_478 : memref<64xi32, #tpu.memory_space<vmem>>) semaphore(%arg15 : memref<!tpu.dma_semaphore, #tpu.memory_space<semaphore_mem>>)
        } else {
        }
      }
      %scan3A_176 = arith.constant 40 : i32
    } else {
    }
    %eq3A_31 = arith.constant 1 : i32
    %eq3A_32 = arith.cmpi eq, %arg0, %eq3A_31 : i32
    %convert_element_type3A_33 = arith.extui %eq3A_32 : i1 to i32
    %cond3A_34 = arith.constant 0 : i32
    %cond3A_35 = arith.cmpi ne, %convert_element_type3A_33, %cond3A_34 : i32
    scf.if %cond3A_35 {
      %dma_start3A = arith.constant 0 : i32
      %dma_start3A_92 = arith.constant 0 : i32
      %dma_start3A_93 = arith.constant 0 : i32
      %dma_start3A_94 = tpu.memref_slice %arg9[%dma_start3A_92, %dma_start3A_93] : memref<128x32xf32, #tpu.memory_space<vmem>> -> memref<64x32xf32, #tpu.memory_space<vmem>>
      %dma_start3A_95 = arith.constant 0 : i32
      %dma_start3A_96 = tpu.memref_slice %arg7[%dma_start3A, %dma_start3A_95] : memref<320x64xi32, #tpu.memory_space<vmem>> -> memref<1x64xi32, #tpu.memory_space<vmem>>
      %dma_start3A_97 = tpu.memref_squeeze %dma_start3A_96 : memref<1x64xi32, #tpu.memory_space<vmem>> -> memref<64xi32, #tpu.memory_space<vmem>>
      %dma_start3A_98 = arith.constant 0 : i32
      %dma_start3A_99 = arith.constant 0 : i32
      %dma_start3A_100 = tpu.memref_slice %arg3[%dma_start3A_98, %dma_start3A_99] : memref<10000x32xf32, #tpu.memory_space<hbm>> -> memref<10000x32xf32, #tpu.memory_space<hbm>>
      tpu.enqueue_indirect_dma source(%dma_start3A_100 : memref<10000x32xf32, #tpu.memory_space<hbm>>) target(%dma_start3A_94 : memref<64x32xf32, #tpu.memory_space<vmem>>) offsets(%dma_start3A_97 : memref<64xi32, #tpu.memory_space<vmem>>) semaphore(%arg15 : memref<!tpu.dma_semaphore, #tpu.memory_space<semaphore_mem>>)
      %dma_start3A_101 = arith.constant 1 : i32
      %dma_start3A_102 = arith.constant 64 : i32
      %dma_start3A_103 = arith.constant 0 : i32
      %dma_start3A_104 = tpu.memref_slice %arg9[%dma_start3A_102, %dma_start3A_103] : memref<128x32xf32, #tpu.memory_space<vmem>> -> memref<64x32xf32, #tpu.memory_space<vmem>>
      %dma_start3A_105 = arith.constant 0 : i32
      %dma_start3A_106 = tpu.memref_slice %arg7[%dma_start3A_101, %dma_start3A_105] : memref<320x64xi32, #tpu.memory_space<vmem>> -> memref<1x64xi32, #tpu.memory_space<vmem>>
      %dma_start3A_107 = tpu.memref_squeeze %dma_start3A_106 : memref<1x64xi32, #tpu.memory_space<vmem>> -> memref<64xi32, #tpu.memory_space<vmem>>
      %dma_start3A_108 = arith.constant 0 : i32
      %dma_start3A_109 = arith.constant 0 : i32
      %dma_start3A_110 = tpu.memref_slice %arg3[%dma_start3A_108, %dma_start3A_109] : memref<10000x32xf32, #tpu.memory_space<hbm>> -> memref<10000x32xf32, #tpu.memory_space<hbm>>
      tpu.enqueue_indirect_dma source(%dma_start3A_110 : memref<10000x32xf32, #tpu.memory_space<hbm>>) target(%dma_start3A_104 : memref<64x32xf32, #tpu.memory_space<vmem>>) offsets(%dma_start3A_107 : memref<64xi32, #tpu.memory_space<vmem>>) semaphore(%arg15 : memref<!tpu.dma_semaphore, #tpu.memory_space<semaphore_mem>>)
      %dma_start3A_111 = arith.constant 2 : i32
      %dma_start3A_112 = arith.constant 0 : i32
      %dma_start3A_113 = arith.constant 0 : i32
      %dma_start3A_114 = tpu.memref_slice %arg10[%dma_start3A_112, %dma_start3A_113] : memref<128x32xf32, #tpu.memory_space<vmem>> -> memref<64x32xf32, #tpu.memory_space<vmem>>
      %dma_start3A_115 = arith.constant 0 : i32
      %dma_start3A_116 = tpu.memref_slice %arg7[%dma_start3A_111, %dma_start3A_115] : memref<320x64xi32, #tpu.memory_space<vmem>> -> memref<1x64xi32, #tpu.memory_space<vmem>>
      %dma_start3A_117 = tpu.memref_squeeze %dma_start3A_116 : memref<1x64xi32, #tpu.memory_space<vmem>> -> memref<64xi32, #tpu.memory_space<vmem>>
      %dma_start3A_118 = arith.constant 0 : i32
      %dma_start3A_119 = arith.constant 0 : i32
      %dma_start3A_120 = tpu.memref_slice %arg3[%dma_start3A_118, %dma_start3A_119] : memref<10000x32xf32, #tpu.memory_space<hbm>> -> memref<10000x32xf32, #tpu.memory_space<hbm>>
      tpu.enqueue_indirect_dma source(%dma_start3A_120 : memref<10000x32xf32, #tpu.memory_space<hbm>>) target(%dma_start3A_114 : memref<64x32xf32, #tpu.memory_space<vmem>>) offsets(%dma_start3A_117 : memref<64xi32, #tpu.memory_space<vmem>>) semaphore(%arg15 : memref<!tpu.dma_semaphore, #tpu.memory_space<semaphore_mem>>)
      %dma_start3A_121 = arith.constant 3 : i32
      %dma_start3A_122 = arith.constant 64 : i32
      %dma_start3A_123 = arith.constant 0 : i32
      %dma_start3A_124 = tpu.memref_slice %arg10[%dma_start3A_122, %dma_start3A_123] : memref<128x32xf32, #tpu.memory_space<vmem>> -> memref<64x32xf32, #tpu.memory_space<vmem>>
      %dma_start3A_125 = arith.constant 0 : i32
      %dma_start3A_126 = tpu.memref_slice %arg7[%dma_start3A_121, %dma_start3A_125] : memref<320x64xi32, #tpu.memory_space<vmem>> -> memref<1x64xi32, #tpu.memory_space<vmem>>
      %dma_start3A_127 = tpu.memref_squeeze %dma_start3A_126 : memref<1x64xi32, #tpu.memory_space<vmem>> -> memref<64xi32, #tpu.memory_space<vmem>>
      %dma_start3A_128 = arith.constant 0 : i32
      %dma_start3A_129 = arith.constant 0 : i32
      %dma_start3A_130 = tpu.memref_slice %arg3[%dma_start3A_128, %dma_start3A_129] : memref<10000x32xf32, #tpu.memory_space<hbm>> -> memref<10000x32xf32, #tpu.memory_space<hbm>>
      tpu.enqueue_indirect_dma source(%dma_start3A_130 : memref<10000x32xf32, #tpu.memory_space<hbm>>) target(%dma_start3A_124 : memref<64x32xf32, #tpu.memory_space<vmem>>) offsets(%dma_start3A_127 : memref<64xi32, #tpu.memory_space<vmem>>) semaphore(%arg15 : memref<!tpu.dma_semaphore, #tpu.memory_space<semaphore_mem>>)
      %dma_start3A_131 = arith.constant 4 : i32
      %dma_start3A_132 = arith.constant 0 : i32
      %dma_start3A_133 = arith.constant 0 : i32
      %dma_start3A_134 = tpu.memref_slice %arg11[%dma_start3A_132, %dma_start3A_133] : memref<128x32xf32, #tpu.memory_space<vmem>> -> memref<64x32xf32, #tpu.memory_space<vmem>>
      %dma_start3A_135 = arith.constant 0 : i32
      %dma_start3A_136 = tpu.memref_slice %arg7[%dma_start3A_131, %dma_start3A_135] : memref<320x64xi32, #tpu.memory_space<vmem>> -> memref<1x64xi32, #tpu.memory_space<vmem>>
      %dma_start3A_137 = tpu.memref_squeeze %dma_start3A_136 : memref<1x64xi32, #tpu.memory_space<vmem>> -> memref<64xi32, #tpu.memory_space<vmem>>
      %dma_start3A_138 = arith.constant 0 : i32
      %dma_start3A_139 = arith.constant 0 : i32
      %dma_start3A_140 = tpu.memref_slice %arg3[%dma_start3A_138, %dma_start3A_139] : memref<10000x32xf32, #tpu.memory_space<hbm>> -> memref<10000x32xf32, #tpu.memory_space<hbm>>
      tpu.enqueue_indirect_dma source(%dma_start3A_140 : memref<10000x32xf32, #tpu.memory_space<hbm>>) target(%dma_start3A_134 : memref<64x32xf32, #tpu.memory_space<vmem>>) offsets(%dma_start3A_137 : memref<64xi32, #tpu.memory_space<vmem>>) semaphore(%arg15 : memref<!tpu.dma_semaphore, #tpu.memory_space<semaphore_mem>>)
      %dma_start3A_141 = arith.constant 5 : i32
      %dma_start3A_142 = arith.constant 64 : i32
      %dma_start3A_143 = arith.constant 0 : i32
      %dma_start3A_144 = tpu.memref_slice %arg11[%dma_start3A_142, %dma_start3A_143] : memref<128x32xf32, #tpu.memory_space<vmem>> -> memref<64x32xf32, #tpu.memory_space<vmem>>
      %dma_start3A_145 = arith.constant 0 : i32
      %dma_start3A_146 = tpu.memref_slice %arg7[%dma_start3A_141, %dma_start3A_145] : memref<320x64xi32, #tpu.memory_space<vmem>> -> memref<1x64xi32, #tpu.memory_space<vmem>>
      %dma_start3A_147 = tpu.memref_squeeze %dma_start3A_146 : memref<1x64xi32, #tpu.memory_space<vmem>> -> memref<64xi32, #tpu.memory_space<vmem>>
      %dma_start3A_148 = arith.constant 0 : i32
      %dma_start3A_149 = arith.constant 0 : i32
      %dma_start3A_150 = tpu.memref_slice %arg3[%dma_start3A_148, %dma_start3A_149] : memref<10000x32xf32, #tpu.memory_space<hbm>> -> memref<10000x32xf32, #tpu.memory_space<hbm>>
      tpu.enqueue_indirect_dma source(%dma_start3A_150 : memref<10000x32xf32, #tpu.memory_space<hbm>>) target(%dma_start3A_144 : memref<64x32xf32, #tpu.memory_space<vmem>>) offsets(%dma_start3A_147 : memref<64xi32, #tpu.memory_space<vmem>>) semaphore(%arg15 : memref<!tpu.dma_semaphore, #tpu.memory_space<semaphore_mem>>)
      %dma_start3A_151 = arith.constant 6 : i32
      %dma_start3A_152 = arith.constant 0 : i32
      %dma_start3A_153 = arith.constant 0 : i32
      %dma_start3A_154 = tpu.memref_slice %arg12[%dma_start3A_152, %dma_start3A_153] : memref<128x32xf32, #tpu.memory_space<vmem>> -> memref<64x32xf32, #tpu.memory_space<vmem>>
      %dma_start3A_155 = arith.constant 0 : i32
      %dma_start3A_156 = tpu.memref_slice %arg7[%dma_start3A_151, %dma_start3A_155] : memref<320x64xi32, #tpu.memory_space<vmem>> -> memref<1x64xi32, #tpu.memory_space<vmem>>
      %dma_start3A_157 = tpu.memref_squeeze %dma_start3A_156 : memref<1x64xi32, #tpu.memory_space<vmem>> -> memref<64xi32, #tpu.memory_space<vmem>>
      %dma_start3A_158 = arith.constant 0 : i32
      %dma_start3A_159 = arith.constant 0 : i32
      %dma_start3A_160 = tpu.memref_slice %arg3[%dma_start3A_158, %dma_start3A_159] : memref<10000x32xf32, #tpu.memory_space<hbm>> -> memref<10000x32xf32, #tpu.memory_space<hbm>>
      tpu.enqueue_indirect_dma source(%dma_start3A_160 : memref<10000x32xf32, #tpu.memory_space<hbm>>) target(%dma_start3A_154 : memref<64x32xf32, #tpu.memory_space<vmem>>) offsets(%dma_start3A_157 : memref<64xi32, #tpu.memory_space<vmem>>) semaphore(%arg15 : memref<!tpu.dma_semaphore, #tpu.memory_space<semaphore_mem>>)
      %dma_start3A_161 = arith.constant 7 : i32
      %dma_start3A_162 = arith.constant 64 : i32
      %dma_start3A_163 = arith.constant 0 : i32
      %dma_start3A_164 = tpu.memref_slice %arg12[%dma_start3A_162, %dma_start3A_163] : memref<128x32xf32, #tpu.memory_space<vmem>> -> memref<64x32xf32, #tpu.memory_space<vmem>>
      %dma_start3A_165 = arith.constant 0 : i32
      %dma_start3A_166 = tpu.memref_slice %arg7[%dma_start3A_161, %dma_start3A_165] : memref<320x64xi32, #tpu.memory_space<vmem>> -> memref<1x64xi32, #tpu.memory_space<vmem>>
      %dma_start3A_167 = tpu.memref_squeeze %dma_start3A_166 : memref<1x64xi32, #tpu.memory_space<vmem>> -> memref<64xi32, #tpu.memory_space<vmem>>
      %dma_start3A_168 = arith.constant 0 : i32
      %dma_start3A_169 = arith.constant 0 : i32
      %dma_start3A_170 = tpu.memref_slice %arg3[%dma_start3A_168, %dma_start3A_169] : memref<10000x32xf32, #tpu.memory_space<hbm>> -> memref<10000x32xf32, #tpu.memory_space<hbm>>
      tpu.enqueue_indirect_dma source(%dma_start3A_170 : memref<10000x32xf32, #tpu.memory_space<hbm>>) target(%dma_start3A_164 : memref<64x32xf32, #tpu.memory_space<vmem>>) offsets(%dma_start3A_167 : memref<64xi32, #tpu.memory_space<vmem>>) semaphore(%arg15 : memref<!tpu.dma_semaphore, #tpu.memory_space<semaphore_mem>>)
      %scan3A_171 = arith.constant 0 : i32
      %scan3A_172 = arith.constant 0 : i32
      %scan3A_173 = arith.constant 40 : i32
      %scan3A_174 = arith.addi %scan3A_172, %scan3A_173 : i32
      %scan3A_175 = arith.constant 1 : i32
      scf.for %scan3A_177 = %scan3A_172 to %scan3A_174 step %scan3A_175  : i32 {
        %mul3A_178 = arith.constant 2 : i32
        %mul3A_179 = arith.muli %mul3A_178, %scan3A_177 : i32
        %mul3A_180 = arith.constant 2 : i32
        %mul3A_181 = arith.muli %mul3A_180, %scan3A_177 : i32
        %add3A_182 = arith.constant 1 : i32
        %add3A_183 = arith.addi %mul3A_181, %add3A_182 : i32
        %mul3A_184 = arith.constant 2 : i32
        %mul3A_185 = arith.muli %mul3A_179, %mul3A_184 : i32
        %add3A_186 = arith.constant 0 : i32
        %add3A_187 = arith.addi %mul3A_185, %add3A_186 : i32
        %mul3A_188 = arith.constant 2 : i32
        %mul3A_189 = arith.muli %add3A_187, %mul3A_188 : i32
        %add3A_190 = arith.constant 0 : i32
        %add3A_191 = arith.addi %mul3A_189, %add3A_190 : i32
        %dma_wait3A = arith.constant 0 : i32
        %dma_wait3A_192 = arith.constant 0 : i32
        %dma_wait3A_193 = tpu.memref_slice %arg9[%dma_wait3A, %dma_wait3A_192] : memref<128x32xf32, #tpu.memory_space<vmem>> -> memref<64x32xf32, #tpu.memory_space<vmem>>
        %dma_wait3A_194 = arith.constant 0 : i32
        %dma_wait3A_195 = tpu.memref_slice %arg7[%add3A_191, %dma_wait3A_194] : memref<320x64xi32, #tpu.memory_space<vmem>> -> memref<1x64xi32, #tpu.memory_space<vmem>>
        %dma_wait3A_196 = tpu.memref_squeeze %dma_wait3A_195 : memref<1x64xi32, #tpu.memory_space<vmem>> -> memref<64xi32, #tpu.memory_space<vmem>>
        %dma_wait3A_197 = arith.constant 0 : i32
        %dma_wait3A_198 = arith.constant 0 : i32
        %dma_wait3A_199 = tpu.memref_slice %arg3[%dma_wait3A_197, %dma_wait3A_198] : memref<10000x32xf32, #tpu.memory_space<hbm>> -> memref<10000x32xf32, #tpu.memory_space<hbm>>
        tpu.wait_indirect_dma semaphore(%arg15 : memref<!tpu.dma_semaphore, #tpu.memory_space<semaphore_mem>>) src(%dma_wait3A_199 : memref<10000x32xf32, #tpu.memory_space<hbm>>) dst(%dma_wait3A_193 : memref<64x32xf32, #tpu.memory_space<vmem>>)
        %mul3A_200 = arith.constant 2 : i32
        %mul3A_201 = arith.muli %mul3A_179, %mul3A_200 : i32
        %add3A_202 = arith.constant 0 : i32
        %add3A_203 = arith.addi %mul3A_201, %add3A_202 : i32
        %mul3A_204 = arith.constant 2 : i32
        %mul3A_205 = arith.muli %add3A_203, %mul3A_204 : i32
        %add3A_206 = arith.constant 1 : i32
        %add3A_207 = arith.addi %mul3A_205, %add3A_206 : i32
        %dma_wait3A_208 = arith.constant 64 : i32
        %dma_wait3A_209 = arith.constant 0 : i32
        %dma_wait3A_210 = tpu.memref_slice %arg9[%dma_wait3A_208, %dma_wait3A_209] : memref<128x32xf32, #tpu.memory_space<vmem>> -> memref<64x32xf32, #tpu.memory_space<vmem>>
        %dma_wait3A_211 = arith.constant 0 : i32
        %dma_wait3A_212 = tpu.memref_slice %arg7[%add3A_207, %dma_wait3A_211] : memref<320x64xi32, #tpu.memory_space<vmem>> -> memref<1x64xi32, #tpu.memory_space<vmem>>
        %dma_wait3A_213 = tpu.memref_squeeze %dma_wait3A_212 : memref<1x64xi32, #tpu.memory_space<vmem>> -> memref<64xi32, #tpu.memory_space<vmem>>
        %dma_wait3A_214 = arith.constant 0 : i32
        %dma_wait3A_215 = arith.constant 0 : i32
        %dma_wait3A_216 = tpu.memref_slice %arg3[%dma_wait3A_214, %dma_wait3A_215] : memref<10000x32xf32, #tpu.memory_space<hbm>> -> memref<10000x32xf32, #tpu.memory_space<hbm>>
        tpu.wait_indirect_dma semaphore(%arg15 : memref<!tpu.dma_semaphore, #tpu.memory_space<semaphore_mem>>) src(%dma_wait3A_216 : memref<10000x32xf32, #tpu.memory_space<hbm>>) dst(%dma_wait3A_210 : memref<64x32xf32, #tpu.memory_space<vmem>>)
        %mul3A_217 = arith.constant 2 : i32
        %mul3A_218 = arith.muli %mul3A_179, %mul3A_217 : i32
        %add3A_219 = arith.constant 1 : i32
        %add3A_220 = arith.addi %mul3A_218, %add3A_219 : i32
        %mul3A_221 = arith.constant 2 : i32
        %mul3A_222 = arith.muli %add3A_220, %mul3A_221 : i32
        %add3A_223 = arith.constant 0 : i32
        %add3A_224 = arith.addi %mul3A_222, %add3A_223 : i32
        %dma_wait3A_225 = arith.constant 0 : i32
        %dma_wait3A_226 = arith.constant 0 : i32
        %dma_wait3A_227 = tpu.memref_slice %arg10[%dma_wait3A_225, %dma_wait3A_226] : memref<128x32xf32, #tpu.memory_space<vmem>> -> memref<64x32xf32, #tpu.memory_space<vmem>>
        %dma_wait3A_228 = arith.constant 0 : i32
        %dma_wait3A_229 = tpu.memref_slice %arg7[%add3A_224, %dma_wait3A_228] : memref<320x64xi32, #tpu.memory_space<vmem>> -> memref<1x64xi32, #tpu.memory_space<vmem>>
        %dma_wait3A_230 = tpu.memref_squeeze %dma_wait3A_229 : memref<1x64xi32, #tpu.memory_space<vmem>> -> memref<64xi32, #tpu.memory_space<vmem>>
        %dma_wait3A_231 = arith.constant 0 : i32
        %dma_wait3A_232 = arith.constant 0 : i32
        %dma_wait3A_233 = tpu.memref_slice %arg3[%dma_wait3A_231, %dma_wait3A_232] : memref<10000x32xf32, #tpu.memory_space<hbm>> -> memref<10000x32xf32, #tpu.memory_space<hbm>>
        tpu.wait_indirect_dma semaphore(%arg15 : memref<!tpu.dma_semaphore, #tpu.memory_space<semaphore_mem>>) src(%dma_wait3A_233 : memref<10000x32xf32, #tpu.memory_space<hbm>>) dst(%dma_wait3A_227 : memref<64x32xf32, #tpu.memory_space<vmem>>)
        %mul3A_234 = arith.constant 2 : i32
        %mul3A_235 = arith.muli %mul3A_179, %mul3A_234 : i32
        %add3A_236 = arith.constant 1 : i32
        %add3A_237 = arith.addi %mul3A_235, %add3A_236 : i32
        %mul3A_238 = arith.constant 2 : i32
        %mul3A_239 = arith.muli %add3A_237, %mul3A_238 : i32
        %add3A_240 = arith.constant 1 : i32
        %add3A_241 = arith.addi %mul3A_239, %add3A_240 : i32
        %dma_wait3A_242 = arith.constant 64 : i32
        %dma_wait3A_243 = arith.constant 0 : i32
        %dma_wait3A_244 = tpu.memref_slice %arg10[%dma_wait3A_242, %dma_wait3A_243] : memref<128x32xf32, #tpu.memory_space<vmem>> -> memref<64x32xf32, #tpu.memory_space<vmem>>
        %dma_wait3A_245 = arith.constant 0 : i32
        %dma_wait3A_246 = tpu.memref_slice %arg7[%add3A_241, %dma_wait3A_245] : memref<320x64xi32, #tpu.memory_space<vmem>> -> memref<1x64xi32, #tpu.memory_space<vmem>>
        %dma_wait3A_247 = tpu.memref_squeeze %dma_wait3A_246 : memref<1x64xi32, #tpu.memory_space<vmem>> -> memref<64xi32, #tpu.memory_space<vmem>>
        %dma_wait3A_248 = arith.constant 0 : i32
        %dma_wait3A_249 = arith.constant 0 : i32
        %dma_wait3A_250 = tpu.memref_slice %arg3[%dma_wait3A_248, %dma_wait3A_249] : memref<10000x32xf32, #tpu.memory_space<hbm>> -> memref<10000x32xf32, #tpu.memory_space<hbm>>
        tpu.wait_indirect_dma semaphore(%arg15 : memref<!tpu.dma_semaphore, #tpu.memory_space<semaphore_mem>>) src(%dma_wait3A_250 : memref<10000x32xf32, #tpu.memory_space<hbm>>) dst(%dma_wait3A_244 : memref<64x32xf32, #tpu.memory_space<vmem>>)
        %mul3A_251 = arith.constant 2 : i32
        %mul3A_252 = arith.muli %mul3A_179, %mul3A_251 : i32
        %add3A_253 = arith.constant 0 : i32
        %add3A_254 = arith.addi %mul3A_252, %add3A_253 : i32
        %dma_start3A_255 = arith.constant 0 : i32
        %dma_start3A_256 = tpu.memref_slice %arg8[%add3A_254, %dma_start3A_255] : memref<160x128xi32, #tpu.memory_space<vmem>> -> memref<1x128xi32, #tpu.memory_space<vmem>>
        %dma_start3A_257 = tpu.memref_squeeze %dma_start3A_256 : memref<1x128xi32, #tpu.memory_space<vmem>> -> memref<128xi32, #tpu.memory_space<vmem>>
        %dma_start3A_258 = arith.constant 0 : i32
        %dma_start3A_259 = arith.constant 0 : i32
        %dma_start3A_260 = tpu.memref_slice %arg14[%dma_start3A_258, %dma_start3A_259] : memref<10240x32xf32, #tpu.memory_space<vmem_shared>> -> memref<10240x32xf32, #tpu.memory_space<vmem_shared>>
        tpu.enqueue_indirect_dma source(%arg9 : memref<128x32xf32, #tpu.memory_space<vmem>>) target(%dma_start3A_260 : memref<10240x32xf32, #tpu.memory_space<vmem_shared>>) offsets(%dma_start3A_257 : memref<128xi32, #tpu.memory_space<vmem>>) semaphore(%arg16 : memref<!tpu.dma_semaphore, #tpu.memory_space<semaphore_mem>>) {add = true}
        %mul3A_261 = arith.constant 2 : i32
        %mul3A_262 = arith.muli %mul3A_179, %mul3A_261 : i32
        %add3A_263 = arith.constant 1 : i32
        %add3A_264 = arith.addi %mul3A_262, %add3A_263 : i32
        %dma_start3A_265 = arith.constant 0 : i32
        %dma_start3A_266 = tpu.memref_slice %arg8[%add3A_264, %dma_start3A_265] : memref<160x128xi32, #tpu.memory_space<vmem>> -> memref<1x128xi32, #tpu.memory_space<vmem>>
        %dma_start3A_267 = tpu.memref_squeeze %dma_start3A_266 : memref<1x128xi32, #tpu.memory_space<vmem>> -> memref<128xi32, #tpu.memory_space<vmem>>
        %dma_start3A_268 = arith.constant 0 : i32
        %dma_start3A_269 = arith.constant 0 : i32
        %dma_start3A_270 = tpu.memref_slice %arg14[%dma_start3A_268, %dma_start3A_269] : memref<10240x32xf32, #tpu.memory_space<vmem_shared>> -> memref<10240x32xf32, #tpu.memory_space<vmem_shared>>
        tpu.enqueue_indirect_dma source(%arg10 : memref<128x32xf32, #tpu.memory_space<vmem>>) target(%dma_start3A_270 : memref<10240x32xf32, #tpu.memory_space<vmem_shared>>) offsets(%dma_start3A_267 : memref<128xi32, #tpu.memory_space<vmem>>) semaphore(%arg16 : memref<!tpu.dma_semaphore, #tpu.memory_space<semaphore_mem>>) {add = true}
        %mul3A_271 = arith.constant 2 : i32
        %mul3A_272 = arith.muli %add3A_183, %mul3A_271 : i32
        %add3A_273 = arith.constant 0 : i32
        %add3A_274 = arith.addi %mul3A_272, %add3A_273 : i32
        %mul3A_275 = arith.constant 2 : i32
        %mul3A_276 = arith.muli %add3A_274, %mul3A_275 : i32
        %add3A_277 = arith.constant 0 : i32
        %add3A_278 = arith.addi %mul3A_276, %add3A_277 : i32
        %dma_wait3A_279 = arith.constant 0 : i32
        %dma_wait3A_280 = arith.constant 0 : i32
        %dma_wait3A_281 = tpu.memref_slice %arg11[%dma_wait3A_279, %dma_wait3A_280] : memref<128x32xf32, #tpu.memory_space<vmem>> -> memref<64x32xf32, #tpu.memory_space<vmem>>
        %dma_wait3A_282 = arith.constant 0 : i32
        %dma_wait3A_283 = tpu.memref_slice %arg7[%add3A_278, %dma_wait3A_282] : memref<320x64xi32, #tpu.memory_space<vmem>> -> memref<1x64xi32, #tpu.memory_space<vmem>>
        %dma_wait3A_284 = tpu.memref_squeeze %dma_wait3A_283 : memref<1x64xi32, #tpu.memory_space<vmem>> -> memref<64xi32, #tpu.memory_space<vmem>>
        %dma_wait3A_285 = arith.constant 0 : i32
        %dma_wait3A_286 = arith.constant 0 : i32
        %dma_wait3A_287 = tpu.memref_slice %arg3[%dma_wait3A_285, %dma_wait3A_286] : memref<10000x32xf32, #tpu.memory_space<hbm>> -> memref<10000x32xf32, #tpu.memory_space<hbm>>
        tpu.wait_indirect_dma semaphore(%arg15 : memref<!tpu.dma_semaphore, #tpu.memory_space<semaphore_mem>>) src(%dma_wait3A_287 : memref<10000x32xf32, #tpu.memory_space<hbm>>) dst(%dma_wait3A_281 : memref<64x32xf32, #tpu.memory_space<vmem>>)
        %mul3A_288 = arith.constant 2 : i32
        %mul3A_289 = arith.muli %add3A_183, %mul3A_288 : i32
        %add3A_290 = arith.constant 0 : i32
        %add3A_291 = arith.addi %mul3A_289, %add3A_290 : i32
        %mul3A_292 = arith.constant 2 : i32
        %mul3A_293 = arith.muli %add3A_291, %mul3A_292 : i32
        %add3A_294 = arith.constant 1 : i32
        %add3A_295 = arith.addi %mul3A_293, %add3A_294 : i32
        %dma_wait3A_296 = arith.constant 64 : i32
        %dma_wait3A_297 = arith.constant 0 : i32
        %dma_wait3A_298 = tpu.memref_slice %arg11[%dma_wait3A_296, %dma_wait3A_297] : memref<128x32xf32, #tpu.memory_space<vmem>> -> memref<64x32xf32, #tpu.memory_space<vmem>>
        %dma_wait3A_299 = arith.constant 0 : i32
        %dma_wait3A_300 = tpu.memref_slice %arg7[%add3A_295, %dma_wait3A_299] : memref<320x64xi32, #tpu.memory_space<vmem>> -> memref<1x64xi32, #tpu.memory_space<vmem>>
        %dma_wait3A_301 = tpu.memref_squeeze %dma_wait3A_300 : memref<1x64xi32, #tpu.memory_space<vmem>> -> memref<64xi32, #tpu.memory_space<vmem>>
        %dma_wait3A_302 = arith.constant 0 : i32
        %dma_wait3A_303 = arith.constant 0 : i32
        %dma_wait3A_304 = tpu.memref_slice %arg3[%dma_wait3A_302, %dma_wait3A_303] : memref<10000x32xf32, #tpu.memory_space<hbm>> -> memref<10000x32xf32, #tpu.memory_space<hbm>>
        tpu.wait_indirect_dma semaphore(%arg15 : memref<!tpu.dma_semaphore, #tpu.memory_space<semaphore_mem>>) src(%dma_wait3A_304 : memref<10000x32xf32, #tpu.memory_space<hbm>>) dst(%dma_wait3A_298 : memref<64x32xf32, #tpu.memory_space<vmem>>)
        %mul3A_305 = arith.constant 2 : i32
        %mul3A_306 = arith.muli %add3A_183, %mul3A_305 : i32
        %add3A_307 = arith.constant 1 : i32
        %add3A_308 = arith.addi %mul3A_306, %add3A_307 : i32
        %mul3A_309 = arith.constant 2 : i32
        %mul3A_310 = arith.muli %add3A_308, %mul3A_309 : i32
        %add3A_311 = arith.constant 0 : i32
        %add3A_312 = arith.addi %mul3A_310, %add3A_311 : i32
        %dma_wait3A_313 = arith.constant 0 : i32
        %dma_wait3A_314 = arith.constant 0 : i32
        %dma_wait3A_315 = tpu.memref_slice %arg12[%dma_wait3A_313, %dma_wait3A_314] : memref<128x32xf32, #tpu.memory_space<vmem>> -> memref<64x32xf32, #tpu.memory_space<vmem>>
        %dma_wait3A_316 = arith.constant 0 : i32
        %dma_wait3A_317 = tpu.memref_slice %arg7[%add3A_312, %dma_wait3A_316] : memref<320x64xi32, #tpu.memory_space<vmem>> -> memref<1x64xi32, #tpu.memory_space<vmem>>
        %dma_wait3A_318 = tpu.memref_squeeze %dma_wait3A_317 : memref<1x64xi32, #tpu.memory_space<vmem>> -> memref<64xi32, #tpu.memory_space<vmem>>
        %dma_wait3A_319 = arith.constant 0 : i32
        %dma_wait3A_320 = arith.constant 0 : i32
        %dma_wait3A_321 = tpu.memref_slice %arg3[%dma_wait3A_319, %dma_wait3A_320] : memref<10000x32xf32, #tpu.memory_space<hbm>> -> memref<10000x32xf32, #tpu.memory_space<hbm>>
        tpu.wait_indirect_dma semaphore(%arg15 : memref<!tpu.dma_semaphore, #tpu.memory_space<semaphore_mem>>) src(%dma_wait3A_321 : memref<10000x32xf32, #tpu.memory_space<hbm>>) dst(%dma_wait3A_315 : memref<64x32xf32, #tpu.memory_space<vmem>>)
        %mul3A_322 = arith.constant 2 : i32
        %mul3A_323 = arith.muli %add3A_183, %mul3A_322 : i32
        %add3A_324 = arith.constant 1 : i32
        %add3A_325 = arith.addi %mul3A_323, %add3A_324 : i32
        %mul3A_326 = arith.constant 2 : i32
        %mul3A_327 = arith.muli %add3A_325, %mul3A_326 : i32
        %add3A_328 = arith.constant 1 : i32
        %add3A_329 = arith.addi %mul3A_327, %add3A_328 : i32
        %dma_wait3A_330 = arith.constant 64 : i32
        %dma_wait3A_331 = arith.constant 0 : i32
        %dma_wait3A_332 = tpu.memref_slice %arg12[%dma_wait3A_330, %dma_wait3A_331] : memref<128x32xf32, #tpu.memory_space<vmem>> -> memref<64x32xf32, #tpu.memory_space<vmem>>
        %dma_wait3A_333 = arith.constant 0 : i32
        %dma_wait3A_334 = tpu.memref_slice %arg7[%add3A_329, %dma_wait3A_333] : memref<320x64xi32, #tpu.memory_space<vmem>> -> memref<1x64xi32, #tpu.memory_space<vmem>>
        %dma_wait3A_335 = tpu.memref_squeeze %dma_wait3A_334 : memref<1x64xi32, #tpu.memory_space<vmem>> -> memref<64xi32, #tpu.memory_space<vmem>>
        %dma_wait3A_336 = arith.constant 0 : i32
        %dma_wait3A_337 = arith.constant 0 : i32
        %dma_wait3A_338 = tpu.memref_slice %arg3[%dma_wait3A_336, %dma_wait3A_337] : memref<10000x32xf32, #tpu.memory_space<hbm>> -> memref<10000x32xf32, #tpu.memory_space<hbm>>
        tpu.wait_indirect_dma semaphore(%arg15 : memref<!tpu.dma_semaphore, #tpu.memory_space<semaphore_mem>>) src(%dma_wait3A_338 : memref<10000x32xf32, #tpu.memory_space<hbm>>) dst(%dma_wait3A_332 : memref<64x32xf32, #tpu.memory_space<vmem>>)
        %mul3A_339 = arith.constant 2 : i32
        %mul3A_340 = arith.muli %add3A_183, %mul3A_339 : i32
        %add3A_341 = arith.constant 0 : i32
        %add3A_342 = arith.addi %mul3A_340, %add3A_341 : i32
        %dma_start3A_343 = arith.constant 0 : i32
        %dma_start3A_344 = tpu.memref_slice %arg8[%add3A_342, %dma_start3A_343] : memref<160x128xi32, #tpu.memory_space<vmem>> -> memref<1x128xi32, #tpu.memory_space<vmem>>
        %dma_start3A_345 = tpu.memref_squeeze %dma_start3A_344 : memref<1x128xi32, #tpu.memory_space<vmem>> -> memref<128xi32, #tpu.memory_space<vmem>>
        %dma_start3A_346 = arith.constant 0 : i32
        %dma_start3A_347 = arith.constant 0 : i32
        %dma_start3A_348 = tpu.memref_slice %arg14[%dma_start3A_346, %dma_start3A_347] : memref<10240x32xf32, #tpu.memory_space<vmem_shared>> -> memref<10240x32xf32, #tpu.memory_space<vmem_shared>>
        tpu.enqueue_indirect_dma source(%arg11 : memref<128x32xf32, #tpu.memory_space<vmem>>) target(%dma_start3A_348 : memref<10240x32xf32, #tpu.memory_space<vmem_shared>>) offsets(%dma_start3A_345 : memref<128xi32, #tpu.memory_space<vmem>>) semaphore(%arg16 : memref<!tpu.dma_semaphore, #tpu.memory_space<semaphore_mem>>) {add = true}
        %mul3A_349 = arith.constant 2 : i32
        %mul3A_350 = arith.muli %add3A_183, %mul3A_349 : i32
        %add3A_351 = arith.constant 1 : i32
        %add3A_352 = arith.addi %mul3A_350, %add3A_351 : i32
        %dma_start3A_353 = arith.constant 0 : i32
        %dma_start3A_354 = tpu.memref_slice %arg8[%add3A_352, %dma_start3A_353] : memref<160x128xi32, #tpu.memory_space<vmem>> -> memref<1x128xi32, #tpu.memory_space<vmem>>
        %dma_start3A_355 = tpu.memref_squeeze %dma_start3A_354 : memref<1x128xi32, #tpu.memory_space<vmem>> -> memref<128xi32, #tpu.memory_space<vmem>>
        %dma_start3A_356 = arith.constant 0 : i32
        %dma_start3A_357 = arith.constant 0 : i32
        %dma_start3A_358 = tpu.memref_slice %arg14[%dma_start3A_356, %dma_start3A_357] : memref<10240x32xf32, #tpu.memory_space<vmem_shared>> -> memref<10240x32xf32, #tpu.memory_space<vmem_shared>>
        tpu.enqueue_indirect_dma source(%arg12 : memref<128x32xf32, #tpu.memory_space<vmem>>) target(%dma_start3A_358 : memref<10240x32xf32, #tpu.memory_space<vmem_shared>>) offsets(%dma_start3A_355 : memref<128xi32, #tpu.memory_space<vmem>>) semaphore(%arg16 : memref<!tpu.dma_semaphore, #tpu.memory_space<semaphore_mem>>) {add = true}
        %mul3A_359 = arith.constant 2 : i32
        %mul3A_360 = arith.muli %mul3A_179, %mul3A_359 : i32
        %add3A_361 = arith.constant 0 : i32
        %add3A_362 = arith.addi %mul3A_360, %add3A_361 : i32
        %dma_wait3A_363 = arith.constant 0 : i32
        %dma_wait3A_364 = tpu.memref_slice %arg8[%add3A_362, %dma_wait3A_363] : memref<160x128xi32, #tpu.memory_space<vmem>> -> memref<1x128xi32, #tpu.memory_space<vmem>>
        %dma_wait3A_365 = tpu.memref_squeeze %dma_wait3A_364 : memref<1x128xi32, #tpu.memory_space<vmem>> -> memref<128xi32, #tpu.memory_space<vmem>>
        %dma_wait3A_366 = arith.constant 0 : i32
        %dma_wait3A_367 = arith.constant 0 : i32
        %dma_wait3A_368 = tpu.memref_slice %arg14[%dma_wait3A_366, %dma_wait3A_367] : memref<10240x32xf32, #tpu.memory_space<vmem_shared>> -> memref<10240x32xf32, #tpu.memory_space<vmem_shared>>
        tpu.wait_indirect_dma semaphore(%arg16 : memref<!tpu.dma_semaphore, #tpu.memory_space<semaphore_mem>>) src(%arg9 : memref<128x32xf32, #tpu.memory_space<vmem>>) dst(%dma_wait3A_368 : memref<10240x32xf32, #tpu.memory_space<vmem_shared>>)
        %mul3A_369 = arith.constant 2 : i32
        %mul3A_370 = arith.muli %mul3A_179, %mul3A_369 : i32
        %add3A_371 = arith.constant 1 : i32
        %add3A_372 = arith.addi %mul3A_370, %add3A_371 : i32
        %dma_wait3A_373 = arith.constant 0 : i32
        %dma_wait3A_374 = tpu.memref_slice %arg8[%add3A_372, %dma_wait3A_373] : memref<160x128xi32, #tpu.memory_space<vmem>> -> memref<1x128xi32, #tpu.memory_space<vmem>>
        %dma_wait3A_375 = tpu.memref_squeeze %dma_wait3A_374 : memref<1x128xi32, #tpu.memory_space<vmem>> -> memref<128xi32, #tpu.memory_space<vmem>>
        %dma_wait3A_376 = arith.constant 0 : i32
        %dma_wait3A_377 = arith.constant 0 : i32
        %dma_wait3A_378 = tpu.memref_slice %arg14[%dma_wait3A_376, %dma_wait3A_377] : memref<10240x32xf32, #tpu.memory_space<vmem_shared>> -> memref<10240x32xf32, #tpu.memory_space<vmem_shared>>
        tpu.wait_indirect_dma semaphore(%arg16 : memref<!tpu.dma_semaphore, #tpu.memory_space<semaphore_mem>>) src(%arg10 : memref<128x32xf32, #tpu.memory_space<vmem>>) dst(%dma_wait3A_378 : memref<10240x32xf32, #tpu.memory_space<vmem_shared>>)
        %add3A_379 = arith.constant 2 : i32
        %add3A_380 = arith.addi %mul3A_179, %add3A_379 : i32
        %lt3A = arith.constant 80 : i32
        %lt3A_381 = arith.cmpi slt, %add3A_380, %lt3A : i32
        %convert_element_type3A_382 = arith.extui %lt3A_381 : i1 to i32
        %cond3A_383 = arith.constant 0 : i32
        %cond3A_384 = arith.cmpi ne, %convert_element_type3A_382, %cond3A_383 : i32
        scf.if %cond3A_384 {
          %add3A_412 = arith.constant 2 : i32
          %add3A_413 = arith.addi %mul3A_179, %add3A_412 : i32
          %mul3A_414 = arith.constant 2 : i32
          %mul3A_415 = arith.muli %add3A_413, %mul3A_414 : i32
          %add3A_416 = arith.constant 0 : i32
          %add3A_417 = arith.addi %mul3A_415, %add3A_416 : i32
          %mul3A_418 = arith.constant 2 : i32
          %mul3A_419 = arith.muli %add3A_417, %mul3A_418 : i32
          %add3A_420 = arith.constant 0 : i32
          %add3A_421 = arith.addi %mul3A_419, %add3A_420 : i32
          %dma_start3A_422 = arith.constant 0 : i32
          %dma_start3A_423 = arith.constant 0 : i32
          %dma_start3A_424 = tpu.memref_slice %arg9[%dma_start3A_422, %dma_start3A_423] : memref<128x32xf32, #tpu.memory_space<vmem>> -> memref<64x32xf32, #tpu.memory_space<vmem>>
          %dma_start3A_425 = arith.constant 0 : i32
          %dma_start3A_426 = tpu.memref_slice %arg7[%add3A_421, %dma_start3A_425] : memref<320x64xi32, #tpu.memory_space<vmem>> -> memref<1x64xi32, #tpu.memory_space<vmem>>
          %dma_start3A_427 = tpu.memref_squeeze %dma_start3A_426 : memref<1x64xi32, #tpu.memory_space<vmem>> -> memref<64xi32, #tpu.memory_space<vmem>>
          %dma_start3A_428 = arith.constant 0 : i32
          %dma_start3A_429 = arith.constant 0 : i32
          %dma_start3A_430 = tpu.memref_slice %arg3[%dma_start3A_428, %dma_start3A_429] : memref<10000x32xf32, #tpu.memory_space<hbm>> -> memref<10000x32xf32, #tpu.memory_space<hbm>>
          tpu.enqueue_indirect_dma source(%dma_start3A_430 : memref<10000x32xf32, #tpu.memory_space<hbm>>) target(%dma_start3A_424 : memref<64x32xf32, #tpu.memory_space<vmem>>) offsets(%dma_start3A_427 : memref<64xi32, #tpu.memory_space<vmem>>) semaphore(%arg15 : memref<!tpu.dma_semaphore, #tpu.memory_space<semaphore_mem>>)
          %mul3A_431 = arith.constant 2 : i32
          %mul3A_432 = arith.muli %add3A_413, %mul3A_431 : i32
          %add3A_433 = arith.constant 0 : i32
          %add3A_434 = arith.addi %mul3A_432, %add3A_433 : i32
          %mul3A_435 = arith.constant 2 : i32
          %mul3A_436 = arith.muli %add3A_434, %mul3A_435 : i32
          %add3A_437 = arith.constant 1 : i32
          %add3A_438 = arith.addi %mul3A_436, %add3A_437 : i32
          %dma_start3A_439 = arith.constant 64 : i32
          %dma_start3A_440 = arith.constant 0 : i32
          %dma_start3A_441 = tpu.memref_slice %arg9[%dma_start3A_439, %dma_start3A_440] : memref<128x32xf32, #tpu.memory_space<vmem>> -> memref<64x32xf32, #tpu.memory_space<vmem>>
          %dma_start3A_442 = arith.constant 0 : i32
          %dma_start3A_443 = tpu.memref_slice %arg7[%add3A_438, %dma_start3A_442] : memref<320x64xi32, #tpu.memory_space<vmem>> -> memref<1x64xi32, #tpu.memory_space<vmem>>
          %dma_start3A_444 = tpu.memref_squeeze %dma_start3A_443 : memref<1x64xi32, #tpu.memory_space<vmem>> -> memref<64xi32, #tpu.memory_space<vmem>>
          %dma_start3A_445 = arith.constant 0 : i32
          %dma_start3A_446 = arith.constant 0 : i32
          %dma_start3A_447 = tpu.memref_slice %arg3[%dma_start3A_445, %dma_start3A_446] : memref<10000x32xf32, #tpu.memory_space<hbm>> -> memref<10000x32xf32, #tpu.memory_space<hbm>>
          tpu.enqueue_indirect_dma source(%dma_start3A_447 : memref<10000x32xf32, #tpu.memory_space<hbm>>) target(%dma_start3A_441 : memref<64x32xf32, #tpu.memory_space<vmem>>) offsets(%dma_start3A_444 : memref<64xi32, #tpu.memory_space<vmem>>) semaphore(%arg15 : memref<!tpu.dma_semaphore, #tpu.memory_space<semaphore_mem>>)
          %mul3A_448 = arith.constant 2 : i32
          %mul3A_449 = arith.muli %add3A_413, %mul3A_448 : i32
          %add3A_450 = arith.constant 1 : i32
          %add3A_451 = arith.addi %mul3A_449, %add3A_450 : i32
          %mul3A_452 = arith.constant 2 : i32
          %mul3A_453 = arith.muli %add3A_451, %mul3A_452 : i32
          %add3A_454 = arith.constant 0 : i32
          %add3A_455 = arith.addi %mul3A_453, %add3A_454 : i32
          %dma_start3A_456 = arith.constant 0 : i32
          %dma_start3A_457 = arith.constant 0 : i32
          %dma_start3A_458 = tpu.memref_slice %arg10[%dma_start3A_456, %dma_start3A_457] : memref<128x32xf32, #tpu.memory_space<vmem>> -> memref<64x32xf32, #tpu.memory_space<vmem>>
          %dma_start3A_459 = arith.constant 0 : i32
          %dma_start3A_460 = tpu.memref_slice %arg7[%add3A_455, %dma_start3A_459] : memref<320x64xi32, #tpu.memory_space<vmem>> -> memref<1x64xi32, #tpu.memory_space<vmem>>
          %dma_start3A_461 = tpu.memref_squeeze %dma_start3A_460 : memref<1x64xi32, #tpu.memory_space<vmem>> -> memref<64xi32, #tpu.memory_space<vmem>>
          %dma_start3A_462 = arith.constant 0 : i32
          %dma_start3A_463 = arith.constant 0 : i32
          %dma_start3A_464 = tpu.memref_slice %arg3[%dma_start3A_462, %dma_start3A_463] : memref<10000x32xf32, #tpu.memory_space<hbm>> -> memref<10000x32xf32, #tpu.memory_space<hbm>>
          tpu.enqueue_indirect_dma source(%dma_start3A_464 : memref<10000x32xf32, #tpu.memory_space<hbm>>) target(%dma_start3A_458 : memref<64x32xf32, #tpu.memory_space<vmem>>) offsets(%dma_start3A_461 : memref<64xi32, #tpu.memory_space<vmem>>) semaphore(%arg15 : memref<!tpu.dma_semaphore, #tpu.memory_space<semaphore_mem>>)
          %mul3A_465 = arith.constant 2 : i32
          %mul3A_466 = arith.muli %add3A_413, %mul3A_465 : i32
          %add3A_467 = arith.constant 1 : i32
          %add3A_468 = arith.addi %mul3A_466, %add3A_467 : i32
          %mul3A_469 = arith.constant 2 : i32
          %mul3A_470 = arith.muli %add3A_468, %mul3A_469 : i32
          %add3A_471 = arith.constant 1 : i32
          %add3A_472 = arith.addi %mul3A_470, %add3A_471 : i32
          %dma_start3A_473 = arith.constant 64 : i32
          %dma_start3A_474 = arith.constant 0 : i32
          %dma_start3A_475 = tpu.memref_slice %arg10[%dma_start3A_473, %dma_start3A_474] : memref<128x32xf32, #tpu.memory_space<vmem>> -> memref<64x32xf32, #tpu.memory_space<vmem>>
          %dma_start3A_476 = arith.constant 0 : i32
          %dma_start3A_477 = tpu.memref_slice %arg7[%add3A_472, %dma_start3A_476] : memref<320x64xi32, #tpu.memory_space<vmem>> -> memref<1x64xi32, #tpu.memory_space<vmem>>
          %dma_start3A_478 = tpu.memref_squeeze %dma_start3A_477 : memref<1x64xi32, #tpu.memory_space<vmem>> -> memref<64xi32, #tpu.memory_space<vmem>>
          %dma_start3A_479 = arith.constant 0 : i32
          %dma_start3A_480 = arith.constant 0 : i32
          %dma_start3A_481 = tpu.memref_slice %arg3[%dma_start3A_479, %dma_start3A_480] : memref<10000x32xf32, #tpu.memory_space<hbm>> -> memref<10000x32xf32, #tpu.memory_space<hbm>>
          tpu.enqueue_indirect_dma source(%dma_start3A_481 : memref<10000x32xf32, #tpu.memory_space<hbm>>) target(%dma_start3A_475 : memref<64x32xf32, #tpu.memory_space<vmem>>) offsets(%dma_start3A_478 : memref<64xi32, #tpu.memory_space<vmem>>) semaphore(%arg15 : memref<!tpu.dma_semaphore, #tpu.memory_space<semaphore_mem>>)
        } else {
        }
        %mul3A_385 = arith.constant 2 : i32
        %mul3A_386 = arith.muli %add3A_183, %mul3A_385 : i32
        %add3A_387 = arith.constant 0 : i32
        %add3A_388 = arith.addi %mul3A_386, %add3A_387 : i32
        %dma_wait3A_389 = arith.constant 0 : i32
        %dma_wait3A_390 = tpu.memref_slice %arg8[%add3A_388, %dma_wait3A_389] : memref<160x128xi32, #tpu.memory_space<vmem>> -> memref<1x128xi32, #tpu.memory_space<vmem>>
        %dma_wait3A_391 = tpu.memref_squeeze %dma_wait3A_390 : memref<1x128xi32, #tpu.memory_space<vmem>> -> memref<128xi32, #tpu.memory_space<vmem>>
        %dma_wait3A_392 = arith.constant 0 : i32
        %dma_wait3A_393 = arith.constant 0 : i32
        %dma_wait3A_394 = tpu.memref_slice %arg14[%dma_wait3A_392, %dma_wait3A_393] : memref<10240x32xf32, #tpu.memory_space<vmem_shared>> -> memref<10240x32xf32, #tpu.memory_space<vmem_shared>>
        tpu.wait_indirect_dma semaphore(%arg16 : memref<!tpu.dma_semaphore, #tpu.memory_space<semaphore_mem>>) src(%arg11 : memref<128x32xf32, #tpu.memory_space<vmem>>) dst(%dma_wait3A_394 : memref<10240x32xf32, #tpu.memory_space<vmem_shared>>)
        %mul3A_395 = arith.constant 2 : i32
        %mul3A_396 = arith.muli %add3A_183, %mul3A_395 : i32
        %add3A_397 = arith.constant 1 : i32
        %add3A_398 = arith.addi %mul3A_396, %add3A_397 : i32
        %dma_wait3A_399 = arith.constant 0 : i32
        %dma_wait3A_400 = tpu.memref_slice %arg8[%add3A_398, %dma_wait3A_399] : memref<160x128xi32, #tpu.memory_space<vmem>> -> memref<1x128xi32, #tpu.memory_space<vmem>>
        %dma_wait3A_401 = tpu.memref_squeeze %dma_wait3A_400 : memref<1x128xi32, #tpu.memory_space<vmem>> -> memref<128xi32, #tpu.memory_space<vmem>>
        %dma_wait3A_402 = arith.constant 0 : i32
        %dma_wait3A_403 = arith.constant 0 : i32
        %dma_wait3A_404 = tpu.memref_slice %arg14[%dma_wait3A_402, %dma_wait3A_403] : memref<10240x32xf32, #tpu.memory_space<vmem_shared>> -> memref<10240x32xf32, #tpu.memory_space<vmem_shared>>
        tpu.wait_indirect_dma semaphore(%arg16 : memref<!tpu.dma_semaphore, #tpu.memory_space<semaphore_mem>>) src(%arg12 : memref<128x32xf32, #tpu.memory_space<vmem>>) dst(%dma_wait3A_404 : memref<10240x32xf32, #tpu.memory_space<vmem_shared>>)
        %add3A_405 = arith.constant 2 : i32
        %add3A_406 = arith.addi %add3A_183, %add3A_405 : i32
        %lt3A_407 = arith.constant 80 : i32
        %lt3A_408 = arith.cmpi slt, %add3A_406, %lt3A_407 : i32
        %convert_element_type3A_409 = arith.extui %lt3A_408 : i1 to i32
        %cond3A_410 = arith.constant 0 : i32
        %cond3A_411 = arith.cmpi ne, %convert_element_type3A_409, %cond3A_410 : i32
        scf.if %cond3A_411 {
          %add3A_412 = arith.constant 2 : i32
          %add3A_413 = arith.addi %add3A_183, %add3A_412 : i32
          %mul3A_414 = arith.constant 2 : i32
          %mul3A_415 = arith.muli %add3A_413, %mul3A_414 : i32
          %add3A_416 = arith.constant 0 : i32
          %add3A_417 = arith.addi %mul3A_415, %add3A_416 : i32
          %mul3A_418 = arith.constant 2 : i32
          %mul3A_419 = arith.muli %add3A_417, %mul3A_418 : i32
          %add3A_420 = arith.constant 0 : i32
          %add3A_421 = arith.addi %mul3A_419, %add3A_420 : i32
          %dma_start3A_422 = arith.constant 0 : i32
          %dma_start3A_423 = arith.constant 0 : i32
          %dma_start3A_424 = tpu.memref_slice %arg11[%dma_start3A_422, %dma_start3A_423] : memref<128x32xf32, #tpu.memory_space<vmem>> -> memref<64x32xf32, #tpu.memory_space<vmem>>
          %dma_start3A_425 = arith.constant 0 : i32
          %dma_start3A_426 = tpu.memref_slice %arg7[%add3A_421, %dma_start3A_425] : memref<320x64xi32, #tpu.memory_space<vmem>> -> memref<1x64xi32, #tpu.memory_space<vmem>>
          %dma_start3A_427 = tpu.memref_squeeze %dma_start3A_426 : memref<1x64xi32, #tpu.memory_space<vmem>> -> memref<64xi32, #tpu.memory_space<vmem>>
          %dma_start3A_428 = arith.constant 0 : i32
          %dma_start3A_429 = arith.constant 0 : i32
          %dma_start3A_430 = tpu.memref_slice %arg3[%dma_start3A_428, %dma_start3A_429] : memref<10000x32xf32, #tpu.memory_space<hbm>> -> memref<10000x32xf32, #tpu.memory_space<hbm>>
          tpu.enqueue_indirect_dma source(%dma_start3A_430 : memref<10000x32xf32, #tpu.memory_space<hbm>>) target(%dma_start3A_424 : memref<64x32xf32, #tpu.memory_space<vmem>>) offsets(%dma_start3A_427 : memref<64xi32, #tpu.memory_space<vmem>>) semaphore(%arg15 : memref<!tpu.dma_semaphore, #tpu.memory_space<semaphore_mem>>)
          %mul3A_431 = arith.constant 2 : i32
          %mul3A_432 = arith.muli %add3A_413, %mul3A_431 : i32
          %add3A_433 = arith.constant 0 : i32
          %add3A_434 = arith.addi %mul3A_432, %add3A_433 : i32
          %mul3A_435 = arith.constant 2 : i32
          %mul3A_436 = arith.muli %add3A_434, %mul3A_435 : i32
          %add3A_437 = arith.constant 1 : i32
          %add3A_438 = arith.addi %mul3A_436, %add3A_437 : i32
          %dma_start3A_439 = arith.constant 64 : i32
          %dma_start3A_440 = arith.constant 0 : i32
          %dma_start3A_441 = tpu.memref_slice %arg11[%dma_start3A_439, %dma_start3A_440] : memref<128x32xf32, #tpu.memory_space<vmem>> -> memref<64x32xf32, #tpu.memory_space<vmem>>
          %dma_start3A_442 = arith.constant 0 : i32
          %dma_start3A_443 = tpu.memref_slice %arg7[%add3A_438, %dma_start3A_442] : memref<320x64xi32, #tpu.memory_space<vmem>> -> memref<1x64xi32, #tpu.memory_space<vmem>>
          %dma_start3A_444 = tpu.memref_squeeze %dma_start3A_443 : memref<1x64xi32, #tpu.memory_space<vmem>> -> memref<64xi32, #tpu.memory_space<vmem>>
          %dma_start3A_445 = arith.constant 0 : i32
          %dma_start3A_446 = arith.constant 0 : i32
          %dma_start3A_447 = tpu.memref_slice %arg3[%dma_start3A_445, %dma_start3A_446] : memref<10000x32xf32, #tpu.memory_space<hbm>> -> memref<10000x32xf32, #tpu.memory_space<hbm>>
          tpu.enqueue_indirect_dma source(%dma_start3A_447 : memref<10000x32xf32, #tpu.memory_space<hbm>>) target(%dma_start3A_441 : memref<64x32xf32, #tpu.memory_space<vmem>>) offsets(%dma_start3A_444 : memref<64xi32, #tpu.memory_space<vmem>>) semaphore(%arg15 : memref<!tpu.dma_semaphore, #tpu.memory_space<semaphore_mem>>)
          %mul3A_448 = arith.constant 2 : i32
          %mul3A_449 = arith.muli %add3A_413, %mul3A_448 : i32
          %add3A_450 = arith.constant 1 : i32
          %add3A_451 = arith.addi %mul3A_449, %add3A_450 : i32
          %mul3A_452 = arith.constant 2 : i32
          %mul3A_453 = arith.muli %add3A_451, %mul3A_452 : i32
          %add3A_454 = arith.constant 0 : i32
          %add3A_455 = arith.addi %mul3A_453, %add3A_454 : i32
          %dma_start3A_456 = arith.constant 0 : i32
          %dma_start3A_457 = arith.constant 0 : i32
          %dma_start3A_458 = tpu.memref_slice %arg12[%dma_start3A_456, %dma_start3A_457] : memref<128x32xf32, #tpu.memory_space<vmem>> -> memref<64x32xf32, #tpu.memory_space<vmem>>
          %dma_start3A_459 = arith.constant 0 : i32
          %dma_start3A_460 = tpu.memref_slice %arg7[%add3A_455, %dma_start3A_459] : memref<320x64xi32, #tpu.memory_space<vmem>> -> memref<1x64xi32, #tpu.memory_space<vmem>>
          %dma_start3A_461 = tpu.memref_squeeze %dma_start3A_460 : memref<1x64xi32, #tpu.memory_space<vmem>> -> memref<64xi32, #tpu.memory_space<vmem>>
          %dma_start3A_462 = arith.constant 0 : i32
          %dma_start3A_463 = arith.constant 0 : i32
          %dma_start3A_464 = tpu.memref_slice %arg3[%dma_start3A_462, %dma_start3A_463] : memref<10000x32xf32, #tpu.memory_space<hbm>> -> memref<10000x32xf32, #tpu.memory_space<hbm>>
          tpu.enqueue_indirect_dma source(%dma_start3A_464 : memref<10000x32xf32, #tpu.memory_space<hbm>>) target(%dma_start3A_458 : memref<64x32xf32, #tpu.memory_space<vmem>>) offsets(%dma_start3A_461 : memref<64xi32, #tpu.memory_space<vmem>>) semaphore(%arg15 : memref<!tpu.dma_semaphore, #tpu.memory_space<semaphore_mem>>)
          %mul3A_465 = arith.constant 2 : i32
          %mul3A_466 = arith.muli %add3A_413, %mul3A_465 : i32
          %add3A_467 = arith.constant 1 : i32
          %add3A_468 = arith.addi %mul3A_466, %add3A_467 : i32
          %mul3A_469 = arith.constant 2 : i32
          %mul3A_470 = arith.muli %add3A_468, %mul3A_469 : i32
          %add3A_471 = arith.constant 1 : i32
          %add3A_472 = arith.addi %mul3A_470, %add3A_471 : i32
          %dma_start3A_473 = arith.constant 64 : i32
          %dma_start3A_474 = arith.constant 0 : i32
          %dma_start3A_475 = tpu.memref_slice %arg12[%dma_start3A_473, %dma_start3A_474] : memref<128x32xf32, #tpu.memory_space<vmem>> -> memref<64x32xf32, #tpu.memory_space<vmem>>
          %dma_start3A_476 = arith.constant 0 : i32
          %dma_start3A_477 = tpu.memref_slice %arg7[%add3A_472, %dma_start3A_476] : memref<320x64xi32, #tpu.memory_space<vmem>> -> memref<1x64xi32, #tpu.memory_space<vmem>>
          %dma_start3A_478 = tpu.memref_squeeze %dma_start3A_477 : memref<1x64xi32, #tpu.memory_space<vmem>> -> memref<64xi32, #tpu.memory_space<vmem>>
          %dma_start3A_479 = arith.constant 0 : i32
          %dma_start3A_480 = arith.constant 0 : i32
          %dma_start3A_481 = tpu.memref_slice %arg3[%dma_start3A_479, %dma_start3A_480] : memref<10000x32xf32, #tpu.memory_space<hbm>> -> memref<10000x32xf32, #tpu.memory_space<hbm>>
          tpu.enqueue_indirect_dma source(%dma_start3A_481 : memref<10000x32xf32, #tpu.memory_space<hbm>>) target(%dma_start3A_475 : memref<64x32xf32, #tpu.memory_space<vmem>>) offsets(%dma_start3A_478 : memref<64xi32, #tpu.memory_space<vmem>>) semaphore(%arg15 : memref<!tpu.dma_semaphore, #tpu.memory_space<semaphore_mem>>)
        } else {
        }
      }
      %scan3A_176 = arith.constant 40 : i32
    } else {
    }
    %barrier3A_36 = arith.constant 0 : index
    tpu.barrier barrier_id(%barrier3A_36)
    %mul3A_37 = arith.constant 640 : i32
    %mul3A_38 = arith.muli %arg1, %mul3A_37 : i32
    %add3A_39 = arith.constant 0 : i32
    %add3A_40 = arith.addi %mul3A_38, %add3A_39 : i32
    "tpu.region"() ({
      %run_scoped3A = tpu.sem_alloc : memref<!tpu.dma_semaphore, #tpu.memory_space<semaphore_mem>>
      %dma_start3A = arith.constant 0 : i32
      %dma_start3A_92 = tpu.memref_slice %arg14[%add3A_40, %dma_start3A] : memref<10240x32xf32, #tpu.memory_space<vmem_shared>> -> memref<128x32xf32, #tpu.memory_space<vmem_shared>>
      %dma_start3A_93 = arith.constant 0 : i32
      %dma_start3A_94 = tpu.memref_slice %arg14[%add3A_40, %dma_start3A_93] : memref<10240x32xf32, #tpu.memory_space<vmem_shared>> -> memref<128x32xf32, #tpu.memory_space<vmem_shared>>
      tpu.enqueue_dma source(%dma_start3A_94 : memref<128x32xf32, #tpu.memory_space<vmem_shared>>) target(%arg13 : memref<128x32xf32, #tpu.memory_space<vmem>>) target_semaphore(%run_scoped3A : memref<!tpu.dma_semaphore, #tpu.memory_space<semaphore_mem>>)
      %dma_wait3A = arith.constant 0 : i32
      %dma_wait3A_95 = tpu.memref_slice %arg14[%add3A_40, %dma_wait3A] : memref<10240x32xf32, #tpu.memory_space<vmem_shared>> -> memref<128x32xf32, #tpu.memory_space<vmem_shared>>
      %dma_wait3A_96 = arith.constant 0 : i32
      %dma_wait3A_97 = tpu.memref_slice %arg14[%add3A_40, %dma_wait3A_96] : memref<10240x32xf32, #tpu.memory_space<vmem_shared>> -> memref<128x32xf32, #tpu.memory_space<vmem_shared>>
      tpu.wait_dma2 semaphore(%run_scoped3A : memref<!tpu.dma_semaphore, #tpu.memory_space<semaphore_mem>>) src(%dma_wait3A_97 : memref<128x32xf32, #tpu.memory_space<vmem_shared>>) dst(%arg13 : memref<128x32xf32, #tpu.memory_space<vmem>>)
      tpu.yield
    }) : () -> ()
    %mul3A_41 = arith.constant 10240 : i32
    %mul3A_42 = arith.muli %arg0, %mul3A_41 : i32
    %mul3A_43 = arith.constant 640 : i32
    %mul3A_44 = arith.muli %arg1, %mul3A_43 : i32
    %add3A_45 = arith.addi %mul3A_42, %mul3A_44 : i32
    %add3A_46 = arith.constant 0 : i32
    %add3A_47 = arith.addi %add3A_45, %add3A_46 : i32
    "tpu.region"() ({
      %run_scoped3A = tpu.sem_alloc : memref<!tpu.dma_semaphore, #tpu.memory_space<semaphore_mem>>
      %dma_start3A = arith.constant 0 : i32
      %dma_start3A_92 = tpu.memref_slice %arg6[%add3A_47, %dma_start3A] : memref<20480x32xf32, #tpu.memory_space<hbm>> -> memref<128x32xf32, #tpu.memory_space<hbm>>
      %dma_start3A_93 = arith.constant 0 : i32
      %dma_start3A_94 = tpu.memref_slice %arg6[%add3A_47, %dma_start3A_93] : memref<20480x32xf32, #tpu.memory_space<hbm>> -> memref<128x32xf32, #tpu.memory_space<hbm>>
      tpu.enqueue_dma source(%arg13 : memref<128x32xf32, #tpu.memory_space<vmem>>) target(%dma_start3A_94 : memref<128x32xf32, #tpu.memory_space<hbm>>) target_semaphore(%run_scoped3A : memref<!tpu.dma_semaphore, #tpu.memory_space<semaphore_mem>>)
      %dma_wait3A = arith.constant 0 : i32
      %dma_wait3A_95 = tpu.memref_slice %arg6[%add3A_47, %dma_wait3A] : memref<20480x32xf32, #tpu.memory_space<hbm>> -> memref<128x32xf32, #tpu.memory_space<hbm>>
      %dma_wait3A_96 = arith.constant 0 : i32
      %dma_wait3A_97 = tpu.memref_slice %arg6[%add3A_47, %dma_wait3A_96] : memref<20480x32xf32, #tpu.memory_space<hbm>> -> memref<128x32xf32, #tpu.memory_space<hbm>>
      tpu.wait_dma2 semaphore(%run_scoped3A : memref<!tpu.dma_semaphore, #tpu.memory_space<semaphore_mem>>) src(%arg13 : memref<128x32xf32, #tpu.memory_space<vmem>>) dst(%dma_wait3A_97 : memref<128x32xf32, #tpu.memory_space<hbm>>)
      tpu.yield
    }) : () -> ()
    %mul3A_48 = arith.constant 640 : i32
    %mul3A_49 = arith.muli %arg1, %mul3A_48 : i32
    %add3A_50 = arith.constant 128 : i32
    %add3A_51 = arith.addi %mul3A_49, %add3A_50 : i32
    "tpu.region"() ({
      %run_scoped3A = tpu.sem_alloc : memref<!tpu.dma_semaphore, #tpu.memory_space<semaphore_mem>>
      %dma_start3A = arith.constant 0 : i32
      %dma_start3A_92 = tpu.memref_slice %arg14[%add3A_51, %dma_start3A] : memref<10240x32xf32, #tpu.memory_space<vmem_shared>> -> memref<128x32xf32, #tpu.memory_space<vmem_shared>>
      %dma_start3A_93 = arith.constant 0 : i32
      %dma_start3A_94 = tpu.memref_slice %arg14[%add3A_51, %dma_start3A_93] : memref<10240x32xf32, #tpu.memory_space<vmem_shared>> -> memref<128x32xf32, #tpu.memory_space<vmem_shared>>
      tpu.enqueue_dma source(%dma_start3A_94 : memref<128x32xf32, #tpu.memory_space<vmem_shared>>) target(%arg13 : memref<128x32xf32, #tpu.memory_space<vmem>>) target_semaphore(%run_scoped3A : memref<!tpu.dma_semaphore, #tpu.memory_space<semaphore_mem>>)
      %dma_wait3A = arith.constant 0 : i32
      %dma_wait3A_95 = tpu.memref_slice %arg14[%add3A_51, %dma_wait3A] : memref<10240x32xf32, #tpu.memory_space<vmem_shared>> -> memref<128x32xf32, #tpu.memory_space<vmem_shared>>
      %dma_wait3A_96 = arith.constant 0 : i32
      %dma_wait3A_97 = tpu.memref_slice %arg14[%add3A_51, %dma_wait3A_96] : memref<10240x32xf32, #tpu.memory_space<vmem_shared>> -> memref<128x32xf32, #tpu.memory_space<vmem_shared>>
      tpu.wait_dma2 semaphore(%run_scoped3A : memref<!tpu.dma_semaphore, #tpu.memory_space<semaphore_mem>>) src(%dma_wait3A_97 : memref<128x32xf32, #tpu.memory_space<vmem_shared>>) dst(%arg13 : memref<128x32xf32, #tpu.memory_space<vmem>>)
      tpu.yield
    }) : () -> ()
    %mul3A_52 = arith.constant 10240 : i32
    %mul3A_53 = arith.muli %arg0, %mul3A_52 : i32
    %mul3A_54 = arith.constant 640 : i32
    %mul3A_55 = arith.muli %arg1, %mul3A_54 : i32
    %add3A_56 = arith.addi %mul3A_53, %mul3A_55 : i32
    %add3A_57 = arith.constant 128 : i32
    %add3A_58 = arith.addi %add3A_56, %add3A_57 : i32
    "tpu.region"() ({
      %run_scoped3A = tpu.sem_alloc : memref<!tpu.dma_semaphore, #tpu.memory_space<semaphore_mem>>
      %dma_start3A = arith.constant 0 : i32
      %dma_start3A_92 = tpu.memref_slice %arg6[%add3A_58, %dma_start3A] : memref<20480x32xf32, #tpu.memory_space<hbm>> -> memref<128x32xf32, #tpu.memory_space<hbm>>
      %dma_start3A_93 = arith.constant 0 : i32
      %dma_start3A_94 = tpu.memref_slice %arg6[%add3A_58, %dma_start3A_93] : memref<20480x32xf32, #tpu.memory_space<hbm>> -> memref<128x32xf32, #tpu.memory_space<hbm>>
      tpu.enqueue_dma source(%arg13 : memref<128x32xf32, #tpu.memory_space<vmem>>) target(%dma_start3A_94 : memref<128x32xf32, #tpu.memory_space<hbm>>) target_semaphore(%run_scoped3A : memref<!tpu.dma_semaphore, #tpu.memory_space<semaphore_mem>>)
      %dma_wait3A = arith.constant 0 : i32
      %dma_wait3A_95 = tpu.memref_slice %arg6[%add3A_58, %dma_wait3A] : memref<20480x32xf32, #tpu.memory_space<hbm>> -> memref<128x32xf32, #tpu.memory_space<hbm>>
      %dma_wait3A_96 = arith.constant 0 : i32
      %dma_wait3A_97 = tpu.memref_slice %arg6[%add3A_58, %dma_wait3A_96] : memref<20480x32xf32, #tpu.memory_space<hbm>> -> memref<128x32xf32, #tpu.memory_space<hbm>>
      tpu.wait_dma2 semaphore(%run_scoped3A : memref<!tpu.dma_semaphore, #tpu.memory_space<semaphore_mem>>) src(%arg13 : memref<128x32xf32, #tpu.memory_space<vmem>>) dst(%dma_wait3A_97 : memref<128x32xf32, #tpu.memory_space<hbm>>)
      tpu.yield
    }) : () -> ()
    %mul3A_59 = arith.constant 640 : i32
    %mul3A_60 = arith.muli %arg1, %mul3A_59 : i32
    %add3A_61 = arith.constant 256 : i32
    %add3A_62 = arith.addi %mul3A_60, %add3A_61 : i32
    "tpu.region"() ({
      %run_scoped3A = tpu.sem_alloc : memref<!tpu.dma_semaphore, #tpu.memory_space<semaphore_mem>>
      %dma_start3A = arith.constant 0 : i32
      %dma_start3A_92 = tpu.memref_slice %arg14[%add3A_62, %dma_start3A] : memref<10240x32xf32, #tpu.memory_space<vmem_shared>> -> memref<128x32xf32, #tpu.memory_space<vmem_shared>>
      %dma_start3A_93 = arith.constant 0 : i32
      %dma_start3A_94 = tpu.memref_slice %arg14[%add3A_62, %dma_start3A_93] : memref<10240x32xf32, #tpu.memory_space<vmem_shared>> -> memref<128x32xf32, #tpu.memory_space<vmem_shared>>
      tpu.enqueue_dma source(%dma_start3A_94 : memref<128x32xf32, #tpu.memory_space<vmem_shared>>) target(%arg13 : memref<128x32xf32, #tpu.memory_space<vmem>>) target_semaphore(%run_scoped3A : memref<!tpu.dma_semaphore, #tpu.memory_space<semaphore_mem>>)
      %dma_wait3A = arith.constant 0 : i32
      %dma_wait3A_95 = tpu.memref_slice %arg14[%add3A_62, %dma_wait3A] : memref<10240x32xf32, #tpu.memory_space<vmem_shared>> -> memref<128x32xf32, #tpu.memory_space<vmem_shared>>
      %dma_wait3A_96 = arith.constant 0 : i32
      %dma_wait3A_97 = tpu.memref_slice %arg14[%add3A_62, %dma_wait3A_96] : memref<10240x32xf32, #tpu.memory_space<vmem_shared>> -> memref<128x32xf32, #tpu.memory_space<vmem_shared>>
      tpu.wait_dma2 semaphore(%run_scoped3A : memref<!tpu.dma_semaphore, #tpu.memory_space<semaphore_mem>>) src(%dma_wait3A_97 : memref<128x32xf32, #tpu.memory_space<vmem_shared>>) dst(%arg13 : memref<128x32xf32, #tpu.memory_space<vmem>>)
      tpu.yield
    }) : () -> ()
    %mul3A_63 = arith.constant 10240 : i32
    %mul3A_64 = arith.muli %arg0, %mul3A_63 : i32
    %mul3A_65 = arith.constant 640 : i32
    %mul3A_66 = arith.muli %arg1, %mul3A_65 : i32
    %add3A_67 = arith.addi %mul3A_64, %mul3A_66 : i32
    %add3A_68 = arith.constant 256 : i32
    %add3A_69 = arith.addi %add3A_67, %add3A_68 : i32
    "tpu.region"() ({
      %run_scoped3A = tpu.sem_alloc : memref<!tpu.dma_semaphore, #tpu.memory_space<semaphore_mem>>
      %dma_start3A = arith.constant 0 : i32
      %dma_start3A_92 = tpu.memref_slice %arg6[%add3A_69, %dma_start3A] : memref<20480x32xf32, #tpu.memory_space<hbm>> -> memref<128x32xf32, #tpu.memory_space<hbm>>
      %dma_start3A_93 = arith.constant 0 : i32
      %dma_start3A_94 = tpu.memref_slice %arg6[%add3A_69, %dma_start3A_93] : memref<20480x32xf32, #tpu.memory_space<hbm>> -> memref<128x32xf32, #tpu.memory_space<hbm>>
      tpu.enqueue_dma source(%arg13 : memref<128x32xf32, #tpu.memory_space<vmem>>) target(%dma_start3A_94 : memref<128x32xf32, #tpu.memory_space<hbm>>) target_semaphore(%run_scoped3A : memref<!tpu.dma_semaphore, #tpu.memory_space<semaphore_mem>>)
      %dma_wait3A = arith.constant 0 : i32
      %dma_wait3A_95 = tpu.memref_slice %arg6[%add3A_69, %dma_wait3A] : memref<20480x32xf32, #tpu.memory_space<hbm>> -> memref<128x32xf32, #tpu.memory_space<hbm>>
      %dma_wait3A_96 = arith.constant 0 : i32
      %dma_wait3A_97 = tpu.memref_slice %arg6[%add3A_69, %dma_wait3A_96] : memref<20480x32xf32, #tpu.memory_space<hbm>> -> memref<128x32xf32, #tpu.memory_space<hbm>>
      tpu.wait_dma2 semaphore(%run_scoped3A : memref<!tpu.dma_semaphore, #tpu.memory_space<semaphore_mem>>) src(%arg13 : memref<128x32xf32, #tpu.memory_space<vmem>>) dst(%dma_wait3A_97 : memref<128x32xf32, #tpu.memory_space<hbm>>)
      tpu.yield
    }) : () -> ()
    %mul3A_70 = arith.constant 640 : i32
    %mul3A_71 = arith.muli %arg1, %mul3A_70 : i32
    %add3A_72 = arith.constant 384 : i32
    %add3A_73 = arith.addi %mul3A_71, %add3A_72 : i32
    "tpu.region"() ({
      %run_scoped3A = tpu.sem_alloc : memref<!tpu.dma_semaphore, #tpu.memory_space<semaphore_mem>>
      %dma_start3A = arith.constant 0 : i32
      %dma_start3A_92 = tpu.memref_slice %arg14[%add3A_73, %dma_start3A] : memref<10240x32xf32, #tpu.memory_space<vmem_shared>> -> memref<128x32xf32, #tpu.memory_space<vmem_shared>>
      %dma_start3A_93 = arith.constant 0 : i32
      %dma_start3A_94 = tpu.memref_slice %arg14[%add3A_73, %dma_start3A_93] : memref<10240x32xf32, #tpu.memory_space<vmem_shared>> -> memref<128x32xf32, #tpu.memory_space<vmem_shared>>
      tpu.enqueue_dma source(%dma_start3A_94 : memref<128x32xf32, #tpu.memory_space<vmem_shared>>) target(%arg13 : memref<128x32xf32, #tpu.memory_space<vmem>>) target_semaphore(%run_scoped3A : memref<!tpu.dma_semaphore, #tpu.memory_space<semaphore_mem>>)
      %dma_wait3A = arith.constant 0 : i32
      %dma_wait3A_95 = tpu.memref_slice %arg14[%add3A_73, %dma_wait3A] : memref<10240x32xf32, #tpu.memory_space<vmem_shared>> -> memref<128x32xf32, #tpu.memory_space<vmem_shared>>
      %dma_wait3A_96 = arith.constant 0 : i32
      %dma_wait3A_97 = tpu.memref_slice %arg14[%add3A_73, %dma_wait3A_96] : memref<10240x32xf32, #tpu.memory_space<vmem_shared>> -> memref<128x32xf32, #tpu.memory_space<vmem_shared>>
      tpu.wait_dma2 semaphore(%run_scoped3A : memref<!tpu.dma_semaphore, #tpu.memory_space<semaphore_mem>>) src(%dma_wait3A_97 : memref<128x32xf32, #tpu.memory_space<vmem_shared>>) dst(%arg13 : memref<128x32xf32, #tpu.memory_space<vmem>>)
      tpu.yield
    }) : () -> ()
    %mul3A_74 = arith.constant 10240 : i32
    %mul3A_75 = arith.muli %arg0, %mul3A_74 : i32
    %mul3A_76 = arith.constant 640 : i32
    %mul3A_77 = arith.muli %arg1, %mul3A_76 : i32
    %add3A_78 = arith.addi %mul3A_75, %mul3A_77 : i32
    %add3A_79 = arith.constant 384 : i32
    %add3A_80 = arith.addi %add3A_78, %add3A_79 : i32
    "tpu.region"() ({
      %run_scoped3A = tpu.sem_alloc : memref<!tpu.dma_semaphore, #tpu.memory_space<semaphore_mem>>
      %dma_start3A = arith.constant 0 : i32
      %dma_start3A_92 = tpu.memref_slice %arg6[%add3A_80, %dma_start3A] : memref<20480x32xf32, #tpu.memory_space<hbm>> -> memref<128x32xf32, #tpu.memory_space<hbm>>
      %dma_start3A_93 = arith.constant 0 : i32
      %dma_start3A_94 = tpu.memref_slice %arg6[%add3A_80, %dma_start3A_93] : memref<20480x32xf32, #tpu.memory_space<hbm>> -> memref<128x32xf32, #tpu.memory_space<hbm>>
      tpu.enqueue_dma source(%arg13 : memref<128x32xf32, #tpu.memory_space<vmem>>) target(%dma_start3A_94 : memref<128x32xf32, #tpu.memory_space<hbm>>) target_semaphore(%run_scoped3A : memref<!tpu.dma_semaphore, #tpu.memory_space<semaphore_mem>>)
      %dma_wait3A = arith.constant 0 : i32
      %dma_wait3A_95 = tpu.memref_slice %arg6[%add3A_80, %dma_wait3A] : memref<20480x32xf32, #tpu.memory_space<hbm>> -> memref<128x32xf32, #tpu.memory_space<hbm>>
      %dma_wait3A_96 = arith.constant 0 : i32
      %dma_wait3A_97 = tpu.memref_slice %arg6[%add3A_80, %dma_wait3A_96] : memref<20480x32xf32, #tpu.memory_space<hbm>> -> memref<128x32xf32, #tpu.memory_space<hbm>>
      tpu.wait_dma2 semaphore(%run_scoped3A : memref<!tpu.dma_semaphore, #tpu.memory_space<semaphore_mem>>) src(%arg13 : memref<128x32xf32, #tpu.memory_space<vmem>>) dst(%dma_wait3A_97 : memref<128x32xf32, #tpu.memory_space<hbm>>)
      tpu.yield
    }) : () -> ()
    %mul3A_81 = arith.constant 640 : i32
    %mul3A_82 = arith.muli %arg1, %mul3A_81 : i32
    %add3A_83 = arith.constant 512 : i32
    %add3A_84 = arith.addi %mul3A_82, %add3A_83 : i32
    "tpu.region"() ({
      %run_scoped3A = tpu.sem_alloc : memref<!tpu.dma_semaphore, #tpu.memory_space<semaphore_mem>>
      %dma_start3A = arith.constant 0 : i32
      %dma_start3A_92 = tpu.memref_slice %arg14[%add3A_84, %dma_start3A] : memref<10240x32xf32, #tpu.memory_space<vmem_shared>> -> memref<128x32xf32, #tpu.memory_space<vmem_shared>>
      %dma_start3A_93 = arith.constant 0 : i32
      %dma_start3A_94 = tpu.memref_slice %arg14[%add3A_84, %dma_start3A_93] : memref<10240x32xf32, #tpu.memory_space<vmem_shared>> -> memref<128x32xf32, #tpu.memory_space<vmem_shared>>
      tpu.enqueue_dma source(%dma_start3A_94 : memref<128x32xf32, #tpu.memory_space<vmem_shared>>) target(%arg13 : memref<128x32xf32, #tpu.memory_space<vmem>>) target_semaphore(%run_scoped3A : memref<!tpu.dma_semaphore, #tpu.memory_space<semaphore_mem>>)
      %dma_wait3A = arith.constant 0 : i32
      %dma_wait3A_95 = tpu.memref_slice %arg14[%add3A_84, %dma_wait3A] : memref<10240x32xf32, #tpu.memory_space<vmem_shared>> -> memref<128x32xf32, #tpu.memory_space<vmem_shared>>
      %dma_wait3A_96 = arith.constant 0 : i32
      %dma_wait3A_97 = tpu.memref_slice %arg14[%add3A_84, %dma_wait3A_96] : memref<10240x32xf32, #tpu.memory_space<vmem_shared>> -> memref<128x32xf32, #tpu.memory_space<vmem_shared>>
      tpu.wait_dma2 semaphore(%run_scoped3A : memref<!tpu.dma_semaphore, #tpu.memory_space<semaphore_mem>>) src(%dma_wait3A_97 : memref<128x32xf32, #tpu.memory_space<vmem_shared>>) dst(%arg13 : memref<128x32xf32, #tpu.memory_space<vmem>>)
      tpu.yield
    }) : () -> ()
    %mul3A_85 = arith.constant 10240 : i32
    %mul3A_86 = arith.muli %arg0, %mul3A_85 : i32
    %mul3A_87 = arith.constant 640 : i32
    %mul3A_88 = arith.muli %arg1, %mul3A_87 : i32
    %add3A_89 = arith.addi %mul3A_86, %mul3A_88 : i32
    %add3A_90 = arith.constant 512 : i32
    %add3A_91 = arith.addi %add3A_89, %add3A_90 : i32
    "tpu.region"() ({
      %run_scoped3A = tpu.sem_alloc : memref<!tpu.dma_semaphore, #tpu.memory_space<semaphore_mem>>
      %dma_start3A = arith.constant 0 : i32
      %dma_start3A_92 = tpu.memref_slice %arg6[%add3A_91, %dma_start3A] : memref<20480x32xf32, #tpu.memory_space<hbm>> -> memref<128x32xf32, #tpu.memory_space<hbm>>
      %dma_start3A_93 = arith.constant 0 : i32
      %dma_start3A_94 = tpu.memref_slice %arg6[%add3A_91, %dma_start3A_93] : memref<20480x32xf32, #tpu.memory_space<hbm>> -> memref<128x32xf32, #tpu.memory_space<hbm>>
      tpu.enqueue_dma source(%arg13 : memref<128x32xf32, #tpu.memory_space<vmem>>) target(%dma_start3A_94 : memref<128x32xf32, #tpu.memory_space<hbm>>) target_semaphore(%run_scoped3A : memref<!tpu.dma_semaphore, #tpu.memory_space<semaphore_mem>>)
      %dma_wait3A = arith.constant 0 : i32
      %dma_wait3A_95 = tpu.memref_slice %arg6[%add3A_91, %dma_wait3A] : memref<20480x32xf32, #tpu.memory_space<hbm>> -> memref<128x32xf32, #tpu.memory_space<hbm>>
      %dma_wait3A_96 = arith.constant 0 : i32
      %dma_wait3A_97 = tpu.memref_slice %arg6[%add3A_91, %dma_wait3A_96] : memref<20480x32xf32, #tpu.memory_space<hbm>> -> memref<128x32xf32, #tpu.memory_space<hbm>>
      tpu.wait_dma2 semaphore(%run_scoped3A : memref<!tpu.dma_semaphore, #tpu.memory_space<semaphore_mem>>) src(%arg13 : memref<128x32xf32, #tpu.memory_space<vmem>>) dst(%dma_wait3A_97 : memref<128x32xf32, #tpu.memory_space<hbm>>)
      tpu.yield
    }) : () -> ()
    return
  }
}

module attributes {stable_mosaic.version = 14 : i64} {
  func.func @_k1_body(%arg0: i32, %arg1: memref<1000x128xf32, #tpu.memory_space<vmem>>, %arg2: memref<128x64xf32, #tpu.memory_space<vmem>>, %arg3: memref<1000x16xf32, #tpu.memory_space<vmem>>, %arg4: memref<1000x16xf32, #tpu.memory_space<vmem>>, %arg5: memref<1000x32xf32, #tpu.memory_space<vmem>>, %arg6: memref<1000x32xf32, #tpu.memory_space<vmem>>) attributes {dimension_semantics = [#tpu.dimension_semantics<arbitrary>], iteration_bounds = array<i64: 10>, scalar_prefetch = 0 : i64, scratch_operands = 0 : i64, tpu.core_type = #tpu.core_type<tc>, window_params = [{transform_indices = @transform_0, window_bounds = array<i64: 1000, 128>}, {pipeline_mode = #tpu.pipeline_mode<synchronous>, transform_indices = @transform_1, window_bounds = array<i64: 128, 64>}, {transform_indices = @transform_2, window_bounds = array<i64: 1000, 16>}, {transform_indices = @transform_3, window_bounds = array<i64: 1000, 16>}, {transform_indices = @transform_4, window_bounds = array<i64: 1000, 32>}, {transform_indices = @transform_5, window_bounds = array<i64: 1000, 32>}]} {
    %get3A = arith.constant 0 : index
    %get3A_0 = arith.constant 0 : index
    %get3A_1 = vector.load %arg3[%get3A, %get3A_0] : memref<1000x16xf32, #tpu.memory_space<vmem>>, vector<1000x16xf32>
    %get3A_2 = arith.constant 0 : index
    %get3A_3 = arith.constant 0 : index
    %get3A_4 = vector.load %arg4[%get3A_2, %get3A_3] : memref<1000x16xf32, #tpu.memory_space<vmem>>, vector<1000x16xf32>
    %slice3A = vector.extract_strided_slice %get3A_1 {offsets = [0, 0], sizes = [1000, 1], strides = [1, 1]} : vector<1000x16xf32> to vector<1000x1xf32>
    %slice3A_5 = vector.extract_strided_slice %get3A_4 {offsets = [0, 0], sizes = [1000, 1], strides = [1, 1]} : vector<1000x16xf32> to vector<1000x1xf32>
    %add3A = arith.addf %slice3A, %slice3A_5 : vector<1000x1xf32>
    %add3A_6 = arith.constant 1.000000e+00 : f32
    %add3A_7 = vector.broadcast %add3A_6 : f32 to vector<1000x1xf32>
    %add3A_8 = arith.addf %add3A, %add3A_7 : vector<1000x1xf32>
    %rsqrt3A = math.rsqrt %add3A_8 : vector<1000x1xf32>
    %get3A_9 = arith.constant 0 : index
    %get3A_10 = arith.constant 0 : index
    %get3A_11 = vector.load %arg1[%get3A_9, %get3A_10] : memref<1000x128xf32, #tpu.memory_space<vmem>>, vector<1000x128xf32>
    %get3A_12 = arith.constant 0 : index
    %get3A_13 = arith.constant 0 : index
    %get3A_14 = vector.load %arg2[%get3A_12, %get3A_13] : memref<128x64xf32, #tpu.memory_space<vmem>>, vector<128x64xf32>
    %dot_general3A = arith.constant dense<0.000000e+00> : vector<1000x64xf32>
    %dot_general3A_15 = tpu.matmul %get3A_11, %get3A_14, %dot_general3A {dimension_numbers = #tpu.dot_dimension_numbers<[1], [0], [0], [1], [0, 0, 1, 1], [], []>, transpose_lhs_hint = false} : vector<1000x128xf32>, vector<128x64xf32>, vector<1000x64xf32> -> vector<1000x64xf32>
    %mul3A = vector.broadcast %rsqrt3A : vector<1000x1xf32> to vector<1000x64xf32>
    %mul3A_16 = arith.mulf %dot_general3A_15, %mul3A : vector<1000x64xf32>
    %slice3A_17 = vector.extract_strided_slice %mul3A_16 {offsets = [0, 0], sizes = [1000, 32], strides = [1, 1]} : vector<1000x64xf32> to vector<1000x32xf32>
    %swap3A = arith.constant 0 : index
    %swap3A_18 = arith.constant 0 : index
    %swap3A_19 = vector.load %arg5[%swap3A, %swap3A_18] : memref<1000x32xf32, #tpu.memory_space<vmem>>, vector<1000x32xf32>
    tpu.vector_store %arg5[%swap3A, %swap3A_18], %slice3A_17 {strides = array<i32>} : memref<1000x32xf32, #tpu.memory_space<vmem>>, vector<1000x32xf32>,
    %slice3A_20 = vector.extract_strided_slice %mul3A_16 {offsets = [0, 32], sizes = [1000, 32], strides = [1, 1]} : vector<1000x64xf32> to vector<1000x32xf32>
    %swap3A_21 = arith.constant 0 : index
    %swap3A_22 = arith.constant 0 : index
    %swap3A_23 = vector.load %arg6[%swap3A_21, %swap3A_22] : memref<1000x32xf32, #tpu.memory_space<vmem>>, vector<1000x32xf32>
    tpu.vector_store %arg6[%swap3A_21, %swap3A_22], %slice3A_20 {strides = array<i32>} : memref<1000x32xf32, #tpu.memory_space<vmem>>, vector<1000x32xf32>,
    return
  }
  func.func @transform_0(%arg0: i32) -> (i32, i32) {
    %c0_i32 = arith.constant 0 : i32
    %c0_i32_0 = arith.constant 0 : i32
    return %arg0, %c0_i32 : i32, i32
  }
  func.func @transform_1(%arg0: i32) -> (i32, i32) {
    %c0_i32 = arith.constant 0 : i32
    %c0_i32_0 = arith.constant 0 : i32
    %c0_i32_1 = arith.constant 0 : i32
    return %c0_i32, %c0_i32_0 : i32, i32
  }
  func.func @transform_2(%arg0: i32) -> (i32, i32) {
    %c0_i32 = arith.constant 0 : i32
    %c0_i32_0 = arith.constant 0 : i32
    return %arg0, %c0_i32 : i32, i32
  }
  func.func @transform_3(%arg0: i32) -> (i32, i32) {
    %c0_i32 = arith.constant 0 : i32
    %c0_i32_0 = arith.constant 0 : i32
    return %arg0, %c0_i32 : i32, i32
  }
  func.func @transform_4(%arg0: i32) -> (i32, i32) {
    %c0_i32 = arith.constant 0 : i32
    %c0_i32_0 = arith.constant 0 : i32
    return %arg0, %c0_i32 : i32, i32
  }
  func.func @transform_5(%arg0: i32) -> (i32, i32) {
    %c0_i32 = arith.constant 0 : i32
    %c0_i32_0 = arith.constant 0 : i32
    return %arg0, %c0_i32 : i32, i32
  }
}

module attributes {stable_mosaic.version = 14 : i64} {
  func.func @_k2_body(%arg0: i32, %arg1: memref<1000x32xf32, #tpu.memory_space<vmem>>, %arg2: memref<1000x32xf32, #tpu.memory_space<vmem>>, %arg3: memref<1000x32xf32, #tpu.memory_space<vmem>>, %arg4: memref<1000x32xf32, #tpu.memory_space<vmem>>, %arg5: memref<1000x16xf32, #tpu.memory_space<vmem>>, %arg6: memref<1000x16xf32, #tpu.memory_space<vmem>>, %arg7: memref<64x128xf32, #tpu.memory_space<vmem>>, %arg8: memref<1x64xf32, #tpu.memory_space<vmem>>, %arg9: memref<1000x64xf32, #tpu.memory_space<vmem>>, %arg10: memref<1000x64xf32, #tpu.memory_space<vmem>>) attributes {dimension_semantics = [#tpu.dimension_semantics<arbitrary>], iteration_bounds = array<i64: 10>, scalar_prefetch = 0 : i64, scratch_operands = 0 : i64, tpu.core_type = #tpu.core_type<tc>, window_params = [{transform_indices = @transform_0, window_bounds = array<i64: 1000, 32>}, {transform_indices = @transform_1, window_bounds = array<i64: 1000, 32>}, {transform_indices = @transform_2, window_bounds = array<i64: 1000, 32>}, {transform_indices = @transform_3, window_bounds = array<i64: 1000, 32>}, {transform_indices = @transform_4, window_bounds = array<i64: 1000, 16>}, {transform_indices = @transform_5, window_bounds = array<i64: 1000, 16>}, {pipeline_mode = #tpu.pipeline_mode<synchronous>, transform_indices = @transform_6, window_bounds = array<i64: 64, 128>}, {pipeline_mode = #tpu.pipeline_mode<synchronous>, transform_indices = @transform_7, window_bounds = array<i64: 1, 64>}, {transform_indices = @transform_8, window_bounds = array<i64: 1000, 64>}, {transform_indices = @transform_9, window_bounds = array<i64: 1000, 64>}]} {
    %get3A = arith.constant 0 : index
    %get3A_0 = arith.constant 0 : index
    %get3A_1 = vector.load %arg5[%get3A, %get3A_0] : memref<1000x16xf32, #tpu.memory_space<vmem>>, vector<1000x16xf32>
    %get3A_2 = arith.constant 0 : index
    %get3A_3 = arith.constant 0 : index
    %get3A_4 = vector.load %arg6[%get3A_2, %get3A_3] : memref<1000x16xf32, #tpu.memory_space<vmem>>, vector<1000x16xf32>
    %slice3A = vector.extract_strided_slice %get3A_1 {offsets = [0, 0], sizes = [1000, 1], strides = [1, 1]} : vector<1000x16xf32> to vector<1000x1xf32>
    %slice3A_5 = vector.extract_strided_slice %get3A_4 {offsets = [0, 0], sizes = [1000, 1], strides = [1, 1]} : vector<1000x16xf32> to vector<1000x1xf32>
    %add3A = arith.addf %slice3A, %slice3A_5 : vector<1000x1xf32>
    %add3A_6 = arith.constant 1.000000e+00 : f32
    %add3A_7 = vector.broadcast %add3A_6 : f32 to vector<1000x1xf32>
    %add3A_8 = arith.addf %add3A, %add3A_7 : vector<1000x1xf32>
    %rsqrt3A = math.rsqrt %add3A_8 : vector<1000x1xf32>
    %get3A_9 = arith.constant 0 : index
    %get3A_10 = arith.constant 0 : index
    %get3A_11 = vector.load %arg1[%get3A_9, %get3A_10] : memref<1000x32xf32, #tpu.memory_space<vmem>>, vector<1000x32xf32>
    %get3A_12 = arith.constant 0 : index
    %get3A_13 = arith.constant 0 : index
    %get3A_14 = vector.load %arg3[%get3A_12, %get3A_13] : memref<1000x32xf32, #tpu.memory_space<vmem>>, vector<1000x32xf32>
    %add3A_15 = arith.addf %get3A_11, %get3A_14 : vector<1000x32xf32>
    %get3A_16 = arith.constant 0 : index
    %get3A_17 = arith.constant 0 : index
    %get3A_18 = vector.load %arg2[%get3A_16, %get3A_17] : memref<1000x32xf32, #tpu.memory_space<vmem>>, vector<1000x32xf32>
    %get3A_19 = arith.constant 0 : index
    %get3A_20 = arith.constant 0 : index
    %get3A_21 = vector.load %arg4[%get3A_19, %get3A_20] : memref<1000x32xf32, #tpu.memory_space<vmem>>, vector<1000x32xf32>
    %add3A_22 = arith.addf %get3A_18, %get3A_21 : vector<1000x32xf32>
    %concatenate3A = tpu.concatenate %add3A_15, %add3A_22 in 1 : vector<1000x32xf32>, vector<1000x32xf32> -> vector<1000x64xf32>
    %mul3A = vector.broadcast %rsqrt3A : vector<1000x1xf32> to vector<1000x64xf32>
    %mul3A_23 = arith.mulf %concatenate3A, %mul3A : vector<1000x64xf32>
    %get3A_24 = arith.constant 0 : index
    %get3A_25 = arith.constant 0 : index
    %get3A_26 = vector.load %arg8[%get3A_24, %get3A_25] : memref<1x64xf32, #tpu.memory_space<vmem>>, vector<1x64xf32>
    %add3A_27 = vector.broadcast %get3A_26 : vector<1x64xf32> to vector<1000x64xf32>
    %add3A_28 = arith.addf %mul3A_23, %add3A_27 : vector<1000x64xf32>
    %max3A = arith.constant 0.000000e+00 : f32
    %max3A_29 = vector.broadcast %max3A : f32 to vector<1000x64xf32>
    %max3A_30 = arith.maximumf %add3A_28, %max3A_29 : vector<1000x64xf32>
    %get3A_31 = arith.constant 0 : index
    %get3A_32 = arith.constant 0 : index
    %get3A_33 = vector.load %arg7[%get3A_31, %get3A_32] : memref<64x128xf32, #tpu.memory_space<vmem>>, vector<64x128xf32>
    %dot_general3A = arith.constant dense<0.000000e+00> : vector<1000x128xf32>
    %dot_general3A_34 = tpu.matmul %max3A_30, %get3A_33, %dot_general3A {dimension_numbers = #tpu.dot_dimension_numbers<[1], [0], [0], [1], [0, 0, 1, 1], [], []>, transpose_lhs_hint = false} : vector<1000x64xf32>, vector<64x128xf32>, vector<1000x128xf32> -> vector<1000x128xf32>
    %mul3A_35 = vector.broadcast %rsqrt3A : vector<1000x1xf32> to vector<1000x128xf32>
    %mul3A_36 = arith.mulf %dot_general3A_34, %mul3A_35 : vector<1000x128xf32>
    %slice3A_37 = vector.extract_strided_slice %mul3A_36 {offsets = [0, 0], sizes = [1000, 64], strides = [1, 1]} : vector<1000x128xf32> to vector<1000x64xf32>
    %swap3A = arith.constant 0 : index
    %swap3A_38 = arith.constant 0 : index
    %swap3A_39 = vector.load %arg9[%swap3A, %swap3A_38] : memref<1000x64xf32, #tpu.memory_space<vmem>>, vector<1000x64xf32>
    tpu.vector_store %arg9[%swap3A, %swap3A_38], %slice3A_37 {strides = array<i32>} : memref<1000x64xf32, #tpu.memory_space<vmem>>, vector<1000x64xf32>,
    %slice3A_40 = vector.extract_strided_slice %mul3A_36 {offsets = [0, 64], sizes = [1000, 64], strides = [1, 1]} : vector<1000x128xf32> to vector<1000x64xf32>
    %swap3A_41 = arith.constant 0 : index
    %swap3A_42 = arith.constant 0 : index
    %swap3A_43 = vector.load %arg10[%swap3A_41, %swap3A_42] : memref<1000x64xf32, #tpu.memory_space<vmem>>, vector<1000x64xf32>
    tpu.vector_store %arg10[%swap3A_41, %swap3A_42], %slice3A_40 {strides = array<i32>} : memref<1000x64xf32, #tpu.memory_space<vmem>>, vector<1000x64xf32>,
    return
  }
  func.func @transform_0(%arg0: i32) -> (i32, i32) {
    %c0_i32 = arith.constant 0 : i32
    %c0_i32_0 = arith.constant 0 : i32
    return %arg0, %c0_i32 : i32, i32
  }
  func.func @transform_1(%arg0: i32) -> (i32, i32) {
    %c0_i32 = arith.constant 0 : i32
    %c0_i32_0 = arith.constant 0 : i32
    return %arg0, %c0_i32 : i32, i32
  }
  func.func @transform_2(%arg0: i32) -> (i32, i32) {
    %c0_i32 = arith.constant 0 : i32
    %c0_i32_0 = arith.constant 0 : i32
    return %arg0, %c0_i32 : i32, i32
  }
  func.func @transform_3(%arg0: i32) -> (i32, i32) {
    %c0_i32 = arith.constant 0 : i32
    %c0_i32_0 = arith.constant 0 : i32
    return %arg0, %c0_i32 : i32, i32
  }
  func.func @transform_4(%arg0: i32) -> (i32, i32) {
    %c0_i32 = arith.constant 0 : i32
    %c0_i32_0 = arith.constant 0 : i32
    return %arg0, %c0_i32 : i32, i32
  }
  func.func @transform_5(%arg0: i32) -> (i32, i32) {
    %c0_i32 = arith.constant 0 : i32
    %c0_i32_0 = arith.constant 0 : i32
    return %arg0, %c0_i32 : i32, i32
  }
  func.func @transform_6(%arg0: i32) -> (i32, i32) {
    %c0_i32 = arith.constant 0 : i32
    %c0_i32_0 = arith.constant 0 : i32
    %c0_i32_1 = arith.constant 0 : i32
    return %c0_i32, %c0_i32_0 : i32, i32
  }
  func.func @transform_7(%arg0: i32) -> (i32, i32) {
    %c0_i32 = arith.constant 0 : i32
    %c0_i32_0 = arith.constant 0 : i32
    %c0_i32_1 = arith.constant 0 : i32
    return %c0_i32, %c0_i32_0 : i32, i32
  }
  func.func @transform_8(%arg0: i32) -> (i32, i32) {
    %c0_i32 = arith.constant 0 : i32
    %c0_i32_0 = arith.constant 0 : i32
    return %arg0, %c0_i32 : i32, i32
  }
  func.func @transform_9(%arg0: i32) -> (i32, i32) {
    %c0_i32 = arith.constant 0 : i32
    %c0_i32_0 = arith.constant 0 : i32
    return %arg0, %c0_i32 : i32, i32
  }
}

module attributes {stable_mosaic.version = 14 : i64} {
  func.func @_k3_body(%arg0: i32, %arg1: memref<1000x64xf32, #tpu.memory_space<vmem>>, %arg2: memref<1000x64xf32, #tpu.memory_space<vmem>>, %arg3: memref<1000x64xf32, #tpu.memory_space<vmem>>, %arg4: memref<1000x64xf32, #tpu.memory_space<vmem>>, %arg5: memref<1000x16xf32, #tpu.memory_space<vmem>>, %arg6: memref<1000x16xf32, #tpu.memory_space<vmem>>, %arg7: memref<1x128xf32, #tpu.memory_space<vmem>>, %arg8: memref<1000x1xi32, #tpu.memory_space<vmem>>, %arg9: memref<128x2xf32, #tpu.memory_space<vmem>>, %arg10: memref<1x2xf32, #tpu.memory_space<vmem>>, %arg11: memref<64x2xf32, #tpu.memory_space<vmem>>, %arg12: memref<64x128xf32, #tpu.memory_space<vmem>>, %arg13: memref<64x128xf32, #tpu.memory_space<vmem>>) attributes {dimension_semantics = [#tpu.dimension_semantics<arbitrary>], iteration_bounds = array<i64: 10>, scalar_prefetch = 0 : i64, scratch_operands = 2 : i64, tpu.core_type = #tpu.core_type<tc>, window_params = [{transform_indices = @transform_0, window_bounds = array<i64: 1000, 64>}, {transform_indices = @transform_1, window_bounds = array<i64: 1000, 64>}, {transform_indices = @transform_2, window_bounds = array<i64: 1000, 64>}, {transform_indices = @transform_3, window_bounds = array<i64: 1000, 64>}, {transform_indices = @transform_4, window_bounds = array<i64: 1000, 16>}, {transform_indices = @transform_5, window_bounds = array<i64: 1000, 16>}, {pipeline_mode = #tpu.pipeline_mode<synchronous>, transform_indices = @transform_6, window_bounds = array<i64: 1, 128>}, {transform_indices = @transform_7, window_bounds = array<i64: 1000, 1>}, {pipeline_mode = #tpu.pipeline_mode<synchronous>, transform_indices = @transform_8, window_bounds = array<i64: 128, 2>}, {pipeline_mode = #tpu.pipeline_mode<synchronous>, transform_indices = @transform_9, window_bounds = array<i64: 1, 2>}, {pipeline_mode = #tpu.pipeline_mode<synchronous>, transform_indices = @transform_10, window_bounds = array<i64: 64, 2>}]} {
    %eq3A = arith.constant 0 : i32
    %eq3A_0 = arith.cmpi eq, %arg0, %eq3A : i32
    %convert_element_type3A = arith.extui %eq3A_0 : i1 to i32
    %cond3A = arith.constant 0 : i32
    %cond3A_1 = arith.cmpi ne, %convert_element_type3A, %cond3A : i32
    scf.if %cond3A_1 {
      %broadcast_in_dim3A_72 = arith.constant 0.000000e+00 : f32
      %broadcast_in_dim3A_73 = vector.broadcast %broadcast_in_dim3A_72 : f32 to vector<64x128xf32>
      %swap3A_74 = arith.constant 0 : index
      %swap3A_75 = arith.constant 0 : index
      %swap3A_76 = vector.load %arg12[%swap3A_74, %swap3A_75] : memref<64x128xf32, #tpu.memory_space<vmem>>, vector<64x128xf32>
      tpu.vector_store %arg12[%swap3A_74, %swap3A_75], %broadcast_in_dim3A_73 {strides = array<i32>} : memref<64x128xf32, #tpu.memory_space<vmem>>, vector<64x128xf32>,
      %broadcast_in_dim3A_77 = arith.constant 0.000000e+00 : f32
      %broadcast_in_dim3A_78 = vector.broadcast %broadcast_in_dim3A_77 : f32 to vector<64x128xf32>
      %swap3A_79 = arith.constant 0 : index
      %swap3A_80 = arith.constant 0 : index
      %swap3A_81 = vector.load %arg13[%swap3A_79, %swap3A_80] : memref<64x128xf32, #tpu.memory_space<vmem>>, vector<64x128xf32>
      tpu.vector_store %arg13[%swap3A_79, %swap3A_80], %broadcast_in_dim3A_78 {strides = array<i32>} : memref<64x128xf32, #tpu.memory_space<vmem>>, vector<64x128xf32>,
    } else {
    }
    %get3A = arith.constant 0 : index
    %get3A_2 = arith.constant 0 : index
    %get3A_3 = vector.load %arg5[%get3A, %get3A_2] : memref<1000x16xf32, #tpu.memory_space<vmem>>, vector<1000x16xf32>
    %get3A_4 = arith.constant 0 : index
    %get3A_5 = arith.constant 0 : index
    %get3A_6 = vector.load %arg6[%get3A_4, %get3A_5] : memref<1000x16xf32, #tpu.memory_space<vmem>>, vector<1000x16xf32>
    %slice3A = vector.extract_strided_slice %get3A_3 {offsets = [0, 0], sizes = [1000, 1], strides = [1, 1]} : vector<1000x16xf32> to vector<1000x1xf32>
    %slice3A_7 = vector.extract_strided_slice %get3A_6 {offsets = [0, 0], sizes = [1000, 1], strides = [1, 1]} : vector<1000x16xf32> to vector<1000x1xf32>
    %add3A = arith.addf %slice3A, %slice3A_7 : vector<1000x1xf32>
    %add3A_8 = arith.constant 1.000000e+00 : f32
    %add3A_9 = vector.broadcast %add3A_8 : f32 to vector<1000x1xf32>
    %add3A_10 = arith.addf %add3A, %add3A_9 : vector<1000x1xf32>
    %rsqrt3A = math.rsqrt %add3A_10 : vector<1000x1xf32>
    %get3A_11 = arith.constant 0 : index
    %get3A_12 = arith.constant 0 : index
    %get3A_13 = vector.load %arg1[%get3A_11, %get3A_12] : memref<1000x64xf32, #tpu.memory_space<vmem>>, vector<1000x64xf32>
    %get3A_14 = arith.constant 0 : index
    %get3A_15 = arith.constant 0 : index
    %get3A_16 = vector.load %arg3[%get3A_14, %get3A_15] : memref<1000x64xf32, #tpu.memory_space<vmem>>, vector<1000x64xf32>
    %add3A_17 = arith.addf %get3A_13, %get3A_16 : vector<1000x64xf32>
    %mul3A = vector.broadcast %rsqrt3A : vector<1000x1xf32> to vector<1000x64xf32>
    %mul3A_18 = arith.mulf %add3A_17, %mul3A : vector<1000x64xf32>
    %get3A_19 = arith.constant 0 : index
    %get3A_20 = arith.constant 0 : index
    %get3A_21 = vector.load %arg7[%get3A_19, %get3A_20] : memref<1x128xf32, #tpu.memory_space<vmem>>, vector<1x64xf32>
    %add3A_22 = vector.broadcast %get3A_21 : vector<1x64xf32> to vector<1000x64xf32>
    %add3A_23 = arith.addf %mul3A_18, %add3A_22 : vector<1000x64xf32>
    %max3A = arith.constant 0.000000e+00 : f32
    %max3A_24 = vector.broadcast %max3A : f32 to vector<1000x64xf32>
    %max3A_25 = arith.maximumf %add3A_23, %max3A_24 : vector<1000x64xf32>
    %get3A_26 = arith.constant 0 : index
    %get3A_27 = arith.constant 0 : index
    %get3A_28 = vector.load %arg2[%get3A_26, %get3A_27] : memref<1000x64xf32, #tpu.memory_space<vmem>>, vector<1000x64xf32>
    %get3A_29 = arith.constant 0 : index
    %get3A_30 = arith.constant 0 : index
    %get3A_31 = vector.load %arg4[%get3A_29, %get3A_30] : memref<1000x64xf32, #tpu.memory_space<vmem>>, vector<1000x64xf32>
    %add3A_32 = arith.addf %get3A_28, %get3A_31 : vector<1000x64xf32>
    %mul3A_33 = vector.broadcast %rsqrt3A : vector<1000x1xf32> to vector<1000x64xf32>
    %mul3A_34 = arith.mulf %add3A_32, %mul3A_33 : vector<1000x64xf32>
    %get3A_35 = arith.constant 0 : index
    %get3A_36 = arith.constant 64 : index
    %get3A_37 = vector.load %arg7[%get3A_35, %get3A_36] : memref<1x128xf32, #tpu.memory_space<vmem>>, vector<1x64xf32>
    %add3A_38 = vector.broadcast %get3A_37 : vector<1x64xf32> to vector<1000x64xf32>
    %add3A_39 = arith.addf %mul3A_34, %add3A_38 : vector<1000x64xf32>
    %max3A_40 = arith.constant 0.000000e+00 : f32
    %max3A_41 = vector.broadcast %max3A_40 : f32 to vector<1000x64xf32>
    %max3A_42 = arith.maximumf %add3A_39, %max3A_41 : vector<1000x64xf32>
    %concatenate3A = tpu.concatenate %max3A_25, %max3A_42 in 1 : vector<1000x64xf32>, vector<1000x64xf32> -> vector<1000x128xf32>
    %iota3A = tpu.iota {dimensions = array<i32: 1>} : vector<1000x64xi32>
    %get3A_43 = arith.constant 0 : index
    %get3A_44 = arith.constant 0 : index
    %get3A_45 = vector.load %arg8[%get3A_43, %get3A_44] : memref<1000x1xi32, #tpu.memory_space<vmem>>, vector<1000x1xi32>
    %eq3A_46 = vector.broadcast %get3A_45 : vector<1000x1xi32> to vector<1000x64xi32>
    %eq3A_47 = arith.cmpi eq, %eq3A_46, %iota3A : vector<1000x64xi32>
    %convert_element_type3A_48 = arith.extui %eq3A_47 : vector<1000x64xi1> to vector<1000x64xi32>
    %convert_element_type3A_49 = arith.sitofp %convert_element_type3A_48 : vector<1000x64xi32> to vector<1000x64xf32>
    %get3A_50 = arith.constant 0 : index
    %get3A_51 = arith.constant 0 : index
    %get3A_52 = vector.load %arg12[%get3A_50, %get3A_51] : memref<64x128xf32, #tpu.memory_space<vmem>>, vector<64x128xf32>
    %dot_general3A = arith.constant dense<0.000000e+00> : vector<64x128xf32>
    %dot_general3A_53 = tpu.matmul %convert_element_type3A_49, %concatenate3A, %dot_general3A {dimension_numbers = #tpu.dot_dimension_numbers<[0], [0], [1], [1], [0, 1, 1, 1], [], []>, transpose_lhs_hint = false} : vector<1000x64xf32>, vector<1000x128xf32>, vector<64x128xf32> -> vector<64x128xf32>
    %add3A_54 = arith.addf %get3A_52, %dot_general3A_53 : vector<64x128xf32>
    %swap3A = arith.constant 0 : index
    %swap3A_55 = arith.constant 0 : index
    %swap3A_56 = vector.load %arg12[%swap3A, %swap3A_55] : memref<64x128xf32, #tpu.memory_space<vmem>>, vector<64x128xf32>
    tpu.vector_store %arg12[%swap3A, %swap3A_55], %add3A_54 {strides = array<i32>} : memref<64x128xf32, #tpu.memory_space<vmem>>, vector<64x128xf32>,
    %get3A_57 = arith.constant 0 : index
    %get3A_58 = arith.constant 0 : index
    %get3A_59 = vector.load %arg13[%get3A_57, %get3A_58] : memref<64x128xf32, #tpu.memory_space<vmem>>, vector<64x128xf32>
    %broadcast_in_dim3A = arith.constant 1.000000e+00 : f32
    %broadcast_in_dim3A_60 = vector.broadcast %broadcast_in_dim3A : f32 to vector<1000x128xf32>
    %dot_general3A_61 = arith.constant dense<0.000000e+00> : vector<64x128xf32>
    %dot_general3A_62 = tpu.matmul %convert_element_type3A_49, %broadcast_in_dim3A_60, %dot_general3A_61 {dimension_numbers = #tpu.dot_dimension_numbers<[0], [0], [1], [1], [0, 1, 1, 1], [], []>, transpose_lhs_hint = false} : vector<1000x64xf32>, vector<1000x128xf32>, vector<64x128xf32> -> vector<64x128xf32>
    %add3A_63 = arith.addf %get3A_59, %dot_general3A_62 : vector<64x128xf32>
    %swap3A_64 = arith.constant 0 : index
    %swap3A_65 = arith.constant 0 : index
    %swap3A_66 = vector.load %arg13[%swap3A_64, %swap3A_65] : memref<64x128xf32, #tpu.memory_space<vmem>>, vector<64x128xf32>
    tpu.vector_store %arg13[%swap3A_64, %swap3A_65], %add3A_63 {strides = array<i32>} : memref<64x128xf32, #tpu.memory_space<vmem>>, vector<64x128xf32>,
    %eq3A_67 = arith.constant 9 : i32
    %eq3A_68 = arith.cmpi eq, %arg0, %eq3A_67 : i32
    %convert_element_type3A_69 = arith.extui %eq3A_68 : i1 to i32
    %cond3A_70 = arith.constant 0 : i32
    %cond3A_71 = arith.cmpi ne, %convert_element_type3A_69, %cond3A_70 : i32
    scf.if %cond3A_71 {
      %get3A_72 = arith.constant 0 : index
      %get3A_73 = arith.constant 0 : index
      %get3A_74 = vector.load %arg12[%get3A_72, %get3A_73] : memref<64x128xf32, #tpu.memory_space<vmem>>, vector<64x128xf32>
      %get3A_75 = arith.constant 0 : index
      %get3A_76 = arith.constant 0 : index
      %get3A_77 = vector.load %arg13[%get3A_75, %get3A_76] : memref<64x128xf32, #tpu.memory_space<vmem>>, vector<64x128xf32>
      %max3A_78 = arith.constant 1.000000e+00 : f32
      %max3A_79 = vector.broadcast %max3A_78 : f32 to vector<64x128xf32>
      %max3A_80 = arith.maximumf %get3A_77, %max3A_79 : vector<64x128xf32>
      %div3A = arith.divf %get3A_74, %max3A_80 : vector<64x128xf32>
      %get3A_81 = arith.constant 0 : index
      %get3A_82 = arith.constant 0 : index
      %get3A_83 = vector.load %arg9[%get3A_81, %get3A_82] : memref<128x2xf32, #tpu.memory_space<vmem>>, vector<128x2xf32>
      %dot_general3A_84 = arith.constant dense<0.000000e+00> : vector<64x2xf32>
      %dot_general3A_85 = tpu.matmul %div3A, %get3A_83, %dot_general3A_84 {dimension_numbers = #tpu.dot_dimension_numbers<[1], [0], [0], [1], [0, 0, 1, 1], [], []>, transpose_lhs_hint = false} : vector<64x128xf32>, vector<128x2xf32>, vector<64x2xf32> -> vector<64x2xf32>
      %get3A_86 = arith.constant 0 : index
      %get3A_87 = arith.constant 0 : index
      %get3A_88 = vector.load %arg10[%get3A_86, %get3A_87] : memref<1x2xf32, #tpu.memory_space<vmem>>, vector<1x2xf32>
      %add3A_89 = vector.broadcast %get3A_88 : vector<1x2xf32> to vector<64x2xf32>
      %add3A_90 = arith.addf %dot_general3A_85, %add3A_89 : vector<64x2xf32>
      %swap3A_91 = arith.constant 0 : index
      %swap3A_92 = arith.constant 0 : index
      %swap3A_93 = vector.load %arg11[%swap3A_91, %swap3A_92] : memref<64x2xf32, #tpu.memory_space<vmem>>, vector<64x2xf32>
      tpu.vector_store %arg11[%swap3A_91, %swap3A_92], %add3A_90 {strides = array<i32>} : memref<64x2xf32, #tpu.memory_space<vmem>>, vector<64x2xf32>,
    } else {
    }
    return
  }
  func.func @transform_0(%arg0: i32) -> (i32, i32) {
    %c0_i32 = arith.constant 0 : i32
    %c0_i32_0 = arith.constant 0 : i32
    return %arg0, %c0_i32 : i32, i32
  }
  func.func @transform_1(%arg0: i32) -> (i32, i32) {
    %c0_i32 = arith.constant 0 : i32
    %c0_i32_0 = arith.constant 0 : i32
    return %arg0, %c0_i32 : i32, i32
  }
  func.func @transform_2(%arg0: i32) -> (i32, i32) {
    %c0_i32 = arith.constant 0 : i32
    %c0_i32_0 = arith.constant 0 : i32
    return %arg0, %c0_i32 : i32, i32
  }
  func.func @transform_3(%arg0: i32) -> (i32, i32) {
    %c0_i32 = arith.constant 0 : i32
    %c0_i32_0 = arith.constant 0 : i32
    return %arg0, %c0_i32 : i32, i32
  }
  func.func @transform_4(%arg0: i32) -> (i32, i32) {
    %c0_i32 = arith.constant 0 : i32
    %c0_i32_0 = arith.constant 0 : i32
    return %arg0, %c0_i32 : i32, i32
  }
  func.func @transform_5(%arg0: i32) -> (i32, i32) {
    %c0_i32 = arith.constant 0 : i32
    %c0_i32_0 = arith.constant 0 : i32
    return %arg0, %c0_i32 : i32, i32
  }
  func.func @transform_6(%arg0: i32) -> (i32, i32) {
    %c0_i32 = arith.constant 0 : i32
    %c0_i32_0 = arith.constant 0 : i32
    %c0_i32_1 = arith.constant 0 : i32
    return %c0_i32, %c0_i32_0 : i32, i32
  }
  func.func @transform_7(%arg0: i32) -> (i32, i32) {
    %c0_i32 = arith.constant 0 : i32
    %c0_i32_0 = arith.constant 0 : i32
    return %arg0, %c0_i32 : i32, i32
  }
  func.func @transform_8(%arg0: i32) -> (i32, i32) {
    %c0_i32 = arith.constant 0 : i32
    %c0_i32_0 = arith.constant 0 : i32
    %c0_i32_1 = arith.constant 0 : i32
    return %c0_i32, %c0_i32_0 : i32, i32
  }
  func.func @transform_9(%arg0: i32) -> (i32, i32) {
    %c0_i32 = arith.constant 0 : i32
    %c0_i32_0 = arith.constant 0 : i32
    %c0_i32_1 = arith.constant 0 : i32
    return %c0_i32, %c0_i32_0 : i32, i32
  }
  func.func @transform_10(%arg0: i32) -> (i32, i32) {
    %c0_i32 = arith.constant 0 : i32
    %c0_i32_0 = arith.constant 0 : i32
    %c0_i32_1 = arith.constant 0 : i32
    return %c0_i32, %c0_i32_0 : i32, i32
  }
}

</mosaic_0001>

<sc_bundles>
// kernel: kernel.11.cloned.1.call-start
scs
__scs_entry_jumppad:
0x0: {  	(pc) =	sbr.rel $0x88, $3  }
0x1: {  	(tag) =	ssettag $0x0;
	lr =	simm.s32 $0x1  }
0x2: {  	[smem:$0x3F98] =	sst lr;
	_ =	strace $0xD0000000  }
0x3: {  	_ = 	snop  }
0x4: {  	_ = 	snop  }
0x5: {  	_ = 	snop  }
0x6: {  	_ = 	snop  }
0x7: {  	_ = 	snop  }
__scs_overlays_trampoline_lowered:
0x8: {  	[smem:$0x3FA7] =	sst s0  }
0x9: {  	[smem:$0x3FA8] =	sst s1  }
0xa: {  	[smem:$0x3FA9] =	sst s2  }
0xb: {  	[smem:$0x3FAA] =	sst s3  }
0xc: {  	[smem:$0x3FAB] =	sst s4  }
0xd: {  	[smem:$0x3FAC] =	sst s5  }
0xe: {  	[smem:$0x3FAD] =	sst s6  }
0xf: {  	[smem:$0x3FAE] =	sst s7  }
0x10: {  	[smem:$0x3FAF] =	sst s8  }
0x11: {  	[smem:$0x3FB0] =	sst s9;
	s0 =	simm.s32 @!p0 $0x0  }
0x12: {  	s1 =	sld [smem:$0x3F96];
	s0 =	simm.s32 @p0 $0x1  }
0x13: {  	[smem:$0x3FB1] =	sst s0;
	s0 =	simm.s32 @!p1 $0x0  }
0x14: {  	s2 =	sld [smem:$0x3F95];
	s0 =	simm.s32 @p1 $0x1  }
0x15: {  	[smem:$0x3FB2] =	sst s0;
	s0 =	simm.s32 @!p2 $0x0  }
0x16: {  	s3 =	sld [smem:$0x3FDB];
	s0 =	simm.s32 @p2 $0x1  }
0x17: {  	s4 =	simm.s32 $0x1BF5;
	[smem:$0x3FB4] =	sst s0  }
0x18: {  	s0 =	sld [smem:$0x3F97];
	_ =	swait.ge [sflag:s4], $0x0  }
0x19: {  	s7 =	sld [smem:$0x3F98]  }
0x1a: {  	s8 =	sadd.s32 $0xFFFFE003, lr  }
0x1b: {  	s9 =	sadd.s32 $0xFFFFFEF7, lr;
	s5 =	simm.s32 $0xFFFFFFFF;
	p2 =	slt.u32 s8, $0xFFFFF086  }
0x1c: {  	p1 =	slt.u32 s9, $0xF7A;
	s5 =	simm.s32 @!p2 $0x0  }
0x1d: {  	s5 =	simm.s32 @p1 $0x1;
	p0 =	seq.s32 s7, s2  }
0x1e: {  	s7 =	smul.u32 @!p0 $0xF7A, s2;
	p2 =	seq.s32 @!p0 s5, $0x0  }
0x1f: {  	s9 =	smul.u32 $0xF7A, s1;
	s8 =	simm.s32 @!p0 $0x1BF5;
	p2 =	por !p2, p0  }
0x20: {  	[sflag:s8] =	ssyncset.s32 @!p0 $0xFFFFF086;
	s6 =	sadd.s32 @!p0 s3, s7;
	s7 =	simm.s32 @!p0 $0x108  }
0x21: {  	s3 =	sadd.s32 s3, s9;
	s6 =	sadd.s32 @!p0 $0x88, s6;
	s7 =	simm.s32 @p2 $0x1082  }
0x22: {  	[simem:s7], [sflag:s8] =	dma.local @!p0 [hbm:s6], $0xF7A  }
0x23: {  	s9 =	sor.u32 $0xD0000000, s2;
	s6 =	simm.s32 $0x108;
	_ =	swait.ge @!p0 [sflag:s8], $0x0  }
0x24: {  	s3 =	sadd.s32 $0x88, s3;
	s6 =	simm.s32 @!p1 $0x1082;
	[sflag:s4] =	ssyncset.s32 $0xFFFFF086  }
0x25: {  	[simem:s6], [sflag:s4] =	dma.local [hbm:s3], $0xF7A  }
0x26: {  	[smem:$0x3F98] =	sst s1;
	(tag) =	ssettag s2;
	_ =	strace s9  }
0x27: {  	s1 =	sld [smem:$0x3FA8]  }
0x28: {  	s2 =	sld [smem:$0x3FA9]  }
0x29: {  	s4 =	sld [smem:$0x3FAB]  }
0x2a: {  	p0 =	seq.s32 s5, $0x0;
	s5 =	sld [smem:$0x3FAC]  }
0x2b: {  	s6 =	sld [smem:$0x3FAD]  }
0x2c: {  	s7 =	sld [smem:$0x3FAE]  }
0x2d: {  	s3 =	simm.s32 $0x108;
	s8 =	sld [smem:$0x3FAF]  }
0x2e: {  	s3 =	simm.s32 @!p0 $0x1082;
	s9 =	sld [smem:$0x3FB0]  }
0x2f: {  	lr =	sadd.s32 s0, s3;
	s0 =	sld [smem:$0x3FA7]  }
0x30: {  	s3 =	sld [smem:$0x3FAA]  }
0x31: {  	[smem:$0x3FB3] =	sst s10  }
0x32: {  	s10 =	sld [smem:$0x3FB1];
	_ =	sdelay $0x3  }
0x33: {  	p0 =	seq.s32 s10, $0x1;
	s10 =	sld [smem:$0x3FB3];
	_ =	sdelay $0x3  }
0x34: {  	[smem:$0x3FB3] =	sst s10  }
0x35: {  	s10 =	sld [smem:$0x3FB2];
	_ =	sdelay $0x3  }
0x36: {  	p1 =	seq.s32 s10, $0x1;
	s10 =	sld [smem:$0x3FB3];
	_ =	sdelay $0x3  }
0x37: {  	[smem:$0x3FB3] =	sst s10  }
0x38: {  	s10 =	sld [smem:$0x3FB4]  }
0x39: {  	_ = 	snop;
	(pc) =	sbr.ind lr, $3  }
0x3a: {  	_ = 	snop  }
0x3b: {  	_ = 	snop  }
0x3c: {  	p2 =	seq.s32 s10, $0x1;
	s10 =	sld [smem:$0x3FB3]  }
0x3d: {  	_ =	shalt  }
0x3e: {  	_ =	shalt  }
0x3f: {  	_ =	shalt  }
0x40: {  	_ =	shalt  }
0x41: {  	_ =	shalt  }
0x42: {  	_ =	shalt  }
0x43: {  	_ =	shalt  }
0x44: {  	_ =	shalt  }
0x45: {  	_ =	shalt  }
0x46: {  	_ =	shalt  }
0x47: {  	_ =	shalt  }
0x48: {  	_ =	shalt  }
0x49: {  	_ =	shalt  }
0x4a: {  	_ =	shalt  }
0x4b: {  	_ =	shalt  }
0x4c: {  	_ =	shalt  }
0x4d: {  	_ =	shalt  }
0x4e: {  	_ =	shalt  }
0x4f: {  	_ =	shalt  }
0x50: {  	_ =	shalt  }
0x51: {  	_ =	shalt  }
0x52: {  	_ =	shalt  }
0x53: {  	_ =	shalt  }
0x54: {  	_ =	shalt  }
0x55: {  	_ =	shalt  }
0x56: {  	_ =	shalt  }
0x57: {  	_ =	shalt  }
0x58: {  	_ =	shalt  }
0x59: {  	_ =	shalt  }
0x5a: {  	_ =	shalt  }
0x5b: {  	_ =	shalt  }
0x5c: {  	_ =	shalt  }
0x5d: {  	_ =	shalt  }
0x5e: {  	_ =	shalt  }
0x5f: {  	_ =	shalt  }
0x60: {  	_ =	shalt  }
0x61: {  	_ =	shalt  }
0x62: {  	_ =	shalt  }
0x63: {  	_ =	shalt  }
0x64: {  	_ =	shalt  }
0x65: {  	_ =	shalt  }
0x66: {  	_ =	shalt  }
0x67: {  	_ =	shalt  }
0x68: {  	_ =	shalt  }
0x69: {  	_ =	shalt  }
0x6a: {  	_ =	shalt  }
0x6b: {  	_ =	shalt  }
0x6c: {  	_ =	shalt  }
0x6d: {  	_ =	shalt  }
0x6e: {  	_ =	shalt  }
0x6f: {  	_ =	shalt  }
0x70: {  	_ =	shalt  }
0x71: {  	_ =	shalt  }
0x72: {  	_ =	shalt  }
0x73: {  	_ =	shalt  }
0x74: {  	_ =	shalt  }
0x75: {  	_ =	shalt  }
0x76: {  	_ =	shalt  }
0x77: {  	_ =	shalt  }
0x78: {  	_ =	shalt  }
0x79: {  	_ =	shalt  }
0x7a: {  	_ =	shalt  }
0x7b: {  	_ =	shalt  }
0x7c: {  	_ =	shalt  }
0x7d: {  	_ =	shalt  }
0x7e: {  	_ =	shalt  }
0x7f: {  	_ =	shalt  }
0x80: {  	_ =	shalt  }
0x81: {  	_ =	shalt  }
0x82: {  	_ =	shalt  }
0x83: {  	_ =	shalt  }
0x84: {  	_ =	shalt  }
0x85: {  	_ =	shalt  }
0x86: {  	_ =	shalt  }
0x87: {  	_ =	shalt  }
.Lfunc_end0:
.L_simem_size_0:
called_computation.1_lowered:
.L_overlay_start_0:
0x88: {  	s2 =	sld [smem:$0x3FD9]  }
0x89: {  	s3 =	sld [smem:$0x3FFE];
	_ =	sdelay $0x1  }
0x8a: {  	s1 =	srdreg.scid  }
0x8b: {  	s0 =	sand.u32 $0x1, s1  }
0x8c: {  	s16 =	sshll.u32 s0, $0xA;
	s2 =	sadd.s32 s3, s2  }
0x8d: {  	s2 =	sadd.s32 s2, s16  }
0x8e: {  	[smem:$0x3FBF] =	sst s2  }
0x8f: {  	_ = 	snop  }
0x90: {  	(tm) =	ssettm $0x1  }
0x91: {  	s17 =	sld [smem:$0x3FFB];
	_ =	sdelay $0x3  }
0x92: {  	_ =	strace s17  }
0x93: {  	s2 =	sld [smem:$0x3FFC];
	_ =	sdelay $0x3  }
0x94: {  	_ =	strace s2  }
0x95: {  	s2 =	sld [smem:$0x3FFD];
	_ =	sdelay $0x3  }
0x96: {  	_ =	strace s2  }
0x97: {  	_ =	strace $0x8FFFFFFF  }
0x98: {  	s18 =	sld [smem:$0x3FDB];
	_ =	sdelay $0x1  }
0x99: {  	s19 =	simm.s32 $_scs_section_size  }
0x9a: {  	s4 =	simm.s32 $_size__tile_overlayer_lowered;
	s5 =	simm.s32 $_tile_overlayer_lowered  }
0x9b: {  	s22 =	simm.s32 $0x1BFF;
	s21 =	sshll.u32 s5, $0x1;
	s2 =	sadd.s32 s19, s18  }
0x9c: {  	s6 =	simm.s32 $0x0;
	s20 =	sshll.u32 s4, $0x1;
	s4 =	sadd.s32 s21, s2  }
0x9d: {  	[timem:s6], [sflag:s22] =	dma.local [hbm:s4], s20  }
0x9e: {  	_ =	swait.ge [sflag:s22], s20  }
0x9f: {  	s3 =	ssub.s32 $0x0, s20;
	[sflag:s22] =	ssyncset.done $0x0  }
0xa0: {  	[sflag:s22] =	ssyncadd.s32 s3;
	_ =	sdelay $0x1  }
0xa1: {  	s23 =	simm.s32 $0x1B8B  }
0xa2: {  	_ =	swait.ge [sflag:s23], $0x1  }
0xa3: {  	[sflag:s23] =	ssyncset.done $0x0  }
0xa4: {  	s25 =	simm.s32 $0x1B8E;
	s24 =	sld [smem:$0x3FFE];
	[sflag:s23] =	ssyncadd.s32 $0xFFFFFFFF  }
0xa5: {  	s26 =	simm.s32 $execute0_lowered;
	[smem:$0x3FD2] =	sst s25  }
0xa6: {  	s4 =	sshll.u32 s26, $0x1;
	_ =	strace $0x80000049;
	[dreg:$0x1] =	wrdreg $0xFFFFFFFF  }
0xa7: {  	s28 =	simm.s32 $_size_execute0_lowered;
	s2 =	sadd.s32 s2, s4;
	[dreg:$0x0] =	wrdreg $0x0  }
0xa8: {  	s4 =	sshll.u32 s28, $0x1;
	[dreg:$0x2] =	wrdreg s2  }
0xa9: {  	[dreg:$0x3] =	wrdreg s4  }
0xaa: {  	[dreg:$0x4] =	wrdreg $0xC0  }
0xab: {  	_ =	task [dreg:s6], $0x5FFFF  }
0xac: {  	[dreg:$0x1] =	wrdreg $0xFFFFFFFF  }
0xad: {  	[dreg:$0x0] =	wrdreg $0x60  }
0xae: {  	[dreg:$0x2] =	wrdreg s24  }
0xaf: {  	[dreg:$0x3] =	wrdreg $0xF0000  }
0xb0: {  	[dreg:$0x4] =	wrdreg $0x9  }
0xb1: {  	_ =	task.clear_ibuf [dreg:s6], $0x5FFFF;
	_ =	strace $0x90000049  }
0xb2: {  	s29 =	simm.s32 $0x9;
	_ =	strace $0x8000004B  }
0xb3: {  	_ =	swait.ge [sflag:s29], $0x1  }
0xb4: {  	[sflag:s29] =	ssyncadd.s32 $0xFFFFFFFF  }
0xb5: {  	_ =	strace $0x9000004B  }
0xb6: {  	_ =	sfence  }
0xb7: {  	s30 =	sld [smem:$0x0];
	_ =	sdelay $0x2  }
0xb8: {  	s31 =	sshll.u32 s1, $0xD;
	s1 =	sshrl.u32 s1, $0x2  }
0xb9: {  	s3 =	sand.u32 $0x4000, s31;
	s1 =	sadd.s32 s1, s30  }
0xba: {  	s0 =	sor.u32 s3, s0;
	s1 =	sshll.u32 s1, $0x11  }
0xbb: {  	s0 =	sor.u32 s1, s0  }
0xbc: {  	s0 =	sadd.s32 $0x8F2B, s0  }
0xbd: {  	[sflag:s0] =	ssyncadd.remote.s32 $0x1  }
0xbe: {  	_ =	sfence.sel $0xFFFF  }
0xbf: {  	[dreg:$0x0] =	wrdreg $0xFFFFFFFF;
	(pc) =	sbr.abs _section_cstart, $3  }
0xc0: {  	[dreg:$0x1] =	wrdreg $0xFFFFFFFF  }
0xc1: {  	_ =	task.clear_ibuf [dreg:s6], $0x2FFFF;
	_ =	strace $0x9FFFFFFF  }
0xc2: {  	(tm) =	ssettm $0x7FFFFFFF  }
0xc3: {  	_ =	shalt  }
tec
execute0_lowered:
.L_overlay_start_1:
0x0: {  	(tag) =	ssettag $0x1  }
0x1: {  	s0 =	rddreg [dreg:$0x0]  }
0x2: {  	s2 =	rddreg [dreg:$0x1]  }
0x3: {  	s3 =	simm.s32 $0x0;
	s9 =	stileid.u32;
	s1 =	srdreg.scid  }
0x4: {  	s19 =	simm.s32 $0x3;
	s29 =	simm.s32 $0xB800;
	s31 =	simm.s32 $0xC000  }
0x5: {  	s28 =	simm.s32 $0xD000;
	s20 =	simm.s32 $0x1;
	s6 =	smul.u32 $0x280, s9  }
0x6: {  	s30 =	simm.s32 $0x2;
	[smem:$0x7FF] =	sst s3;
	s8 =	smul.u32 $0xA00, s9  }
0x7: {  	s1 =	sand.u32 $0x1, s1;
	s4 =	sadd.s32 $0xBD200, s0;
	s9 =	smul.u32 $0x14000, s9  }
0x8: {  	s5 =	sadd.s32 $0xCA00, s0;
	_ =	strace $0x8000004A;
	s7 =	smul.u32 $0x2800, s1  }
0x9: {  	s21 =	ssub.s32 $0x2, s1;
	p0 =	seq.s32 s1, $0x1;
	s1 =	simm.s32 $0xC800  }
0xa: {  	s8 =	sadd.s32 s8, s0;
	s10 =	sshrl.u32 s21, $0x1;
	s23 =	sshrl.u32 s9, $0x2  }
0xb: {  	s6 =	sadd.s32 s6, s7;
	s22 =	ssub.s32 s21, s10;
	s24 =	sadd.s32 $0x16A00, s8  }
0xc: {  	s8 =	sadd.s32 $0x2A00, s8;
	s21 =	simm.s32 $0xE000;
	[dreg:$0x3] =	wrdreg s24  }
0xd: {  	s6 =	sshll.u32 s6, $0x2;
	[dreg:$0x4] =	wrdreg s8;
	s8 =	sadd.s32 s23, s2  }
0xe: {  	s18 =	smax.u32 s22, $0x1;
	s22 =	simm.s32 $0x40;
	s23 =	simm.s32 $0xA000  }
0xf: {  	s24 =	simm.s32 $0xA800;
	s0 =	sadd.s32 s6, s0;
	s9 =	sadd.s32 $0x1000, s8  }
.Ltmp0:
0x10: {  	s10 =	sadd.s32 $0x2000, s8;
	s11 =	sadd.s32 $0x3000, s8;
	(pc) =	sbr.rel .LBB2_1-.Ltmp0, $4  }
0x11: {  	s12 =	sadd.s32 $0x4000, s8;
	s6 =	simm.s32 $0x0;
	s25 =	sadd.s32 $0xC7000, s0  }
0x12: {  	s26 =	sadd.s32 $0xC7200, s0;
	s15 =	sadd.s32 $0xC7400, s0;
	s16 =	sadd.s32 $0xC7600, s0  }
0x13: {  	s17 =	sadd.s32 $0xC7800, s0;
	s0 =	simm.s32 $0xD800;
	[dreg:$0x5] =	wrdreg s25  }
0x14: {  	v0 =	vimm.f32 $0.0e+00;
	[dreg:$0x6] =	wrdreg s26;
	s25 =	simm.s32 $0x80;
	s26 =	simm.s32 $0xB000  }
.LBB2_6:
0x15: {  	[tilespmem:s0], [sflag:$0x1] =	stream.indirect.gather [hbm4b:s4+s22], $0x20, s13, s22, $0xb8;
	[tilespmem:$0x14000] =	vst v63  }
.LBB2_10:
0x16: {  	_ =	swait.ge [sflag:s20], $0x800  }
0x17: {  	[sflag:s20] =	ssyncset.done $0x0  }
0x18: {  	[sflag:s20] =	ssyncadd.s32 $0xFFFFF800  }
0x19: {  	_ =	swait.ge [sflag:s20], $0x800  }
0x1a: {  	[sflag:s20] =	ssyncset.done $0x0  }
0x1b: {  	[sflag:s20] =	ssyncadd.s32 $0xFFFFF800  }
0x1c: {  	_ =	swait.ge [sflag:s20], $0x800  }
0x1d: {  	[sflag:s20] =	ssyncset.done $0x0  }
0x1e: {  	[sflag:s20] =	ssyncadd.s32 $0xFFFFF800  }
0x1f: {  	_ =	swait.ge [sflag:s20], $0x800  }
0x20: {  	[sflag:s20] =	ssyncset.done $0x0  }
0x21: {  	s7 =	simm.s32 $0x9E00;
	[sflag:s20] =	ssyncadd.s32 $0xFFFFF800  }
0x22: {  	[spmem:s2] =	stream.indirect.scatter.add.f32 [tilespmem:s23], [sflag:$0x2], $0x20, s7, s25, $0xb8;
	[tilespmem:$0x14000] =	vst v63  }
0x23: {  	s14 =	simm.s32 $0x9E80  }
0x24: {  	[spmem:s2] =	stream.indirect.scatter.add.f32 [tilespmem:s26], [sflag:$0x2], $0x20, s14, s25, $0xb8;
	[tilespmem:$0x14000] =	vst v63  }
0x25: {  	_ =	swait.ge [sflag:s20], $0x800  }
0x26: {  	[sflag:s20] =	ssyncset.done $0x0  }
0x27: {  	[sflag:s20] =	ssyncadd.s32 $0xFFFFF800  }
0x28: {  	_ =	swait.ge [sflag:s20], $0x800  }
0x29: {  	[sflag:s20] =	ssyncset.done $0x0  }
0x2a: {  	[sflag:s20] =	ssyncadd.s32 $0xFFFFF800  }
0x2b: {  	_ =	swait.ge [sflag:s20], $0x800  }
0x2c: {  	[sflag:s20] =	ssyncset.done $0x0  }
0x2d: {  	[sflag:s20] =	ssyncadd.s32 $0xFFFFF800  }
0x2e: {  	_ =	swait.ge [sflag:s20], $0x800  }
0x2f: {  	[sflag:s20] =	ssyncset.done $0x0  }
0x30: {  	s13 =	simm.s32 $0x9F00;
	[sflag:s20] =	ssyncadd.s32 $0xFFFFF800  }
0x31: {  	[spmem:s2] =	stream.indirect.scatter.add.f32 [tilespmem:s31], [sflag:$0x2], $0x20, s13, s25, $0xb8;
	[tilespmem:$0x14000] =	vst v63  }
0x32: {  	s14 =	simm.s32 $0x9F80  }
0x33: {  	[spmem:s2] =	stream.indirect.scatter.add.f32 [tilespmem:s28], [sflag:$0x2], $0x20, s14, s25, $0xb8;
	[tilespmem:$0x14000] =	vst v63  }
0x34: {  	_ =	swait.ge [sflag:s30], $0x1000  }
0x35: {  	[sflag:s30] =	ssyncset.done $0x0  }
0x36: {  	[sflag:s30] =	ssyncadd.s32 $0xFFFFF000  }
0x37: {  	_ =	swait.ge [sflag:s30], $0x1000  }
0x38: {  	[sflag:s30] =	ssyncset.done $0x0  }
0x39: {  	[sflag:s30] =	ssyncadd.s32 $0xFFFFF000  }
0x3a: {  	_ =	swait.ge [sflag:s30], $0x1000  }
0x3b: {  	[sflag:s30] =	ssyncset.done $0x0  }
0x3c: {  	[sflag:s30] =	ssyncadd.s32 $0xFFFFF000  }
0x3d: {  	_ =	swait.ge [sflag:s30], $0x1000  }
0x3e: {  	[sflag:s30] =	ssyncset.done $0x0  }
0x3f: {  	[sflag:s30] =	ssyncadd.s32 $0xFFFFF000  }
0x40: {  	[bflag:$0x0] =	sbarrier.arrive $0xFFFF  }
0x41: {  	[tilespmem:s21], [sflag:$0x3] =	stream.linear.gather [spmem:s8], $0x1000, $0x38;
	[tilespmem:$0x14000] =	vst v63  }
0x42: {  	_ =	swait.ge [sflag:s19], $0x1000  }
0x43: {  	[sflag:s19] =	ssyncset.done $0x0  }
0x44: {  	s13 =	rddreg [dreg:$0x5];
	[sflag:s19] =	ssyncadd.s32 $0xFFFFF000  }
0x45: {  	[hbm4b:s13+s3] =	stream.linear.scatter [tilespmem:s21], [sflag:$0x3], $0x1000, $0x38;
	[tilespmem:$0x14000] =	vst v63  }
0x46: {  	_ =	swait.ge [sflag:s19], $0x1000  }
0x47: {  	[sflag:s19] =	ssyncset.done $0x0  }
0x48: {  	[sflag:s19] =	ssyncadd.s32 $0xFFFFF000  }
0x49: {  	[tilespmem:s21], [sflag:$0x3] =	stream.linear.gather [spmem:s9], $0x1000, $0x38;
	[tilespmem:$0x14000] =	vst v63  }
0x4a: {  	_ =	swait.ge [sflag:s19], $0x1000  }
0x4b: {  	[sflag:s19] =	ssyncset.done $0x0  }
0x4c: {  	s14 =	rddreg [dreg:$0x6];
	[sflag:s19] =	ssyncadd.s32 $0xFFFFF000  }
0x4d: {  	[hbm4b:s14+s3] =	stream.linear.scatter [tilespmem:s21], [sflag:$0x3], $0x1000, $0x38;
	[tilespmem:$0x14000] =	vst v63  }
0x4e: {  	_ =	swait.ge [sflag:s19], $0x1000  }
0x4f: {  	[sflag:s19] =	ssyncset.done $0x0  }
0x50: {  	[sflag:s19] =	ssyncadd.s32 $0xFFFFF000  }
0x51: {  	[tilespmem:s21], [sflag:$0x3] =	stream.linear.gather [spmem:s10], $0x1000, $0x38;
	[tilespmem:$0x14000] =	vst v63  }
0x52: {  	_ =	swait.ge [sflag:s19], $0x1000  }
0x53: {  	[sflag:s19] =	ssyncset.done $0x0  }
0x54: {  	[sflag:s19] =	ssyncadd.s32 $0xFFFFF000  }
0x55: {  	[hbm4b:s15+s3] =	stream.linear.scatter [tilespmem:s21], [sflag:$0x3], $0x1000, $0x38;
	[tilespmem:$0x14000] =	vst v63  }
0x56: {  	_ =	swait.ge [sflag:s19], $0x1000  }
0x57: {  	[sflag:s19] =	ssyncset.done $0x0  }
0x58: {  	[sflag:s19] =	ssyncadd.s32 $0xFFFFF000  }
0x59: {  	[tilespmem:s21], [sflag:$0x3] =	stream.linear.gather [spmem:s11], $0x1000, $0x38;
	[tilespmem:$0x14000] =	vst v63  }
0x5a: {  	_ =	swait.ge [sflag:s19], $0x1000  }
0x5b: {  	[sflag:s19] =	ssyncset.done $0x0  }
0x5c: {  	[sflag:s19] =	ssyncadd.s32 $0xFFFFF000  }
0x5d: {  	[hbm4b:s16+s3] =	stream.linear.scatter [tilespmem:s21], [sflag:$0x3], $0x1000, $0x38;
	[tilespmem:$0x14000] =	vst v63  }
0x5e: {  	_ =	swait.ge [sflag:s19], $0x1000  }
0x5f: {  	[sflag:s19] =	ssyncset.done $0x0  }
0x60: {  	[sflag:s19] =	ssyncadd.s32 $0xFFFFF000  }
0x61: {  	[tilespmem:s21], [sflag:$0x3] =	stream.linear.gather [spmem:s12], $0x1000, $0x38;
	[tilespmem:$0x14000] =	vst v63  }
0x62: {  	s6 =	sadd.s32 $0x1, s6;
	_ =	swait.ge [sflag:s19], $0x1000  }
0x63: {  	p1 =	sne.s32 s6, s18;
	[sflag:s19] =	ssyncset.done $0x0  }
.Ltmp1:
0x64: {  	[sflag:s19] =	ssyncadd.s32 $0xFFFFF000;
	(pc) =	sbr.rel @!p1 .LBB2_11-.Ltmp1, $4  }
0x65: {  	[hbm4b:s17+s3] =	stream.linear.scatter [tilespmem:s21], [sflag:$0x3], $0x1000, $0x38;
	[tilespmem:$0x14000] =	vst v63  }
0x66: {  	_ =	swait.ge [sflag:s19], $0x1000  }
0x67: {  	[sflag:s19] =	ssyncset.done $0x0  }
0x68: {  	[sflag:s19] =	ssyncadd.s32 $0xFFFFF000  }
.LBB2_1:
0x69: {  	s7 =	rddreg [dreg:$0x3]  }
0x6a: {  	[tilespmem:s3], [sflag:$0x3] =	stream.linear.gather [hbm4b:s7+s3], $0x5000, $0x38;
	[tilespmem:$0x14000] =	vst v63  }
0x6b: {  	_ =	swait.ge [sflag:s19], $0x5000  }
0x6c: {  	[sflag:s19] =	ssyncset.done $0x0  }
0x6d: {  	s13 =	simm.s32 $0x5000;
	s14 =	rddreg [dreg:$0x4];
	[sflag:s19] =	ssyncadd.s32 $0xFFFFB000  }
0x6e: {  	[tilespmem:s13], [sflag:$0x3] =	stream.linear.gather [hbm4b:s14+s3], $0x5000, $0x38;
	[tilespmem:$0x14000] =	vst v63  }
0x6f: {  	_ =	swait.ge [sflag:s19], $0x5000  }
0x70: {  	[sflag:s19] =	ssyncset.done $0x0  }
0x71: {  	s7 =	simm.s32 $0x80;
	s13 =	simm.s32 $0x0;
	[sflag:s19] =	ssyncadd.s32 $0xFFFFB000  }
.LBB2_2:
0x72: {  	p1 =	sne.s32 s7, $0x3F80;
	[tilespmem:s13+$0xE000] =	vst v0;
	s14 =	smov.u32 s7;
	s7 =	sadd.s32 $0x80, s7  }
.Ltmp2:
0x73: {  	[tilespmem:s13+$0xE010] =	vst v0;
	(pc) =	sbr.rel @p1 .LBB2_2-.Ltmp2, $2  }
0x74: {  	_ =	sdelay $0x2  }
0x75: {  	s13 =	sshra.s32 s14, $0x2  }
0x76: {  	[tilespmem:s13+$0xE000] =	vst v0  }
0x77: {  	[tilespmem:s13+$0xE010] =	vst v0  }
0x78: {  	[spmem:s8] =	stream.linear.scatter [tilespmem:s21], [sflag:$0x3], $0x1000, $0x38;
	[tilespmem:$0x14000] =	vst v63  }
0x79: {  	_ =	swait.ge [sflag:s19], $0x1000  }
0x7a: {  	[sflag:s19] =	ssyncset.done $0x0  }
0x7b: {  	[sflag:s19] =	ssyncadd.s32 $0xFFFFF000  }
0x7c: {  	[spmem:s9] =	stream.linear.scatter [tilespmem:s21], [sflag:$0x3], $0x1000, $0x38;
	[tilespmem:$0x14000] =	vst v63  }
0x7d: {  	_ =	swait.ge [sflag:s19], $0x1000  }
0x7e: {  	[sflag:s19] =	ssyncset.done $0x0  }
0x7f: {  	[sflag:s19] =	ssyncadd.s32 $0xFFFFF000  }
0x80: {  	[spmem:s10] =	stream.linear.scatter [tilespmem:s21], [sflag:$0x3], $0x1000, $0x38;
	[tilespmem:$0x14000] =	vst v63  }
0x81: {  	_ =	swait.ge [sflag:s19], $0x1000  }
0x82: {  	[sflag:s19] =	ssyncset.done $0x0  }
0x83: {  	[sflag:s19] =	ssyncadd.s32 $0xFFFFF000  }
0x84: {  	[spmem:s11] =	stream.linear.scatter [tilespmem:s21], [sflag:$0x3], $0x1000, $0x38;
	[tilespmem:$0x14000] =	vst v63  }
0x85: {  	_ =	swait.ge [sflag:s19], $0x1000  }
0x86: {  	[sflag:s19] =	ssyncset.done $0x0  }
0x87: {  	[sflag:s19] =	ssyncadd.s32 $0xFFFFF000  }
0x88: {  	[spmem:s12] =	stream.linear.scatter [tilespmem:s21], [sflag:$0x3], $0x1000, $0x38;
	[tilespmem:$0x14000] =	vst v63  }
.Ltmp3:
0x89: {  	_ =	swait.ge [sflag:s19], $0x1000;
	(pc) =	sbr.rel @!p0 .LBB2_4-.Ltmp3, $4  }
0x8a: {  	[sflag:s19] =	ssyncset.done $0x0  }
0x8b: {  	[sflag:s19] =	ssyncadd.s32 $0xFFFFF000  }
0x8c: {  	[bflag:$0x0] =	sbarrier.arrive $0xFFFF  }
0x8d: {  	s7 =	simm.s32 $0x0  }
0x8e: {  	[tilespmem:s23], [sflag:$0x1] =	stream.indirect.gather [hbm4b:s5+s22], $0x20, s7, s22, $0xb8;
	[tilespmem:$0x14000] =	vst v63  }
0x8f: {  	_ = 	snop  }
0x90: {  	[tilespmem:s24], [sflag:$0x1] =	stream.indirect.gather [hbm4b:s5+s22], $0x20, s22, s22, $0xb8;
	[tilespmem:$0x14000] =	vst v63  }
0x91: {  	_ = 	snop  }
0x92: {  	[tilespmem:s26], [sflag:$0x1] =	stream.indirect.gather [hbm4b:s5+s22], $0x20, s25, s22, $0xb8;
	[tilespmem:$0x14000] =	vst v63  }
0x93: {  	s13 =	simm.s32 $0xC0  }
0x94: {  	[tilespmem:s29], [sflag:$0x1] =	stream.indirect.gather [hbm4b:s5+s22], $0x20, s13, s22, $0xb8;
	[tilespmem:$0x14000] =	vst v63  }
0x95: {  	s14 =	simm.s32 $0x100  }
0x96: {  	[tilespmem:s31], [sflag:$0x1] =	stream.indirect.gather [hbm4b:s5+s22], $0x20, s14, s22, $0xb8;
	[tilespmem:$0x14000] =	vst v63  }
0x97: {  	s13 =	simm.s32 $0x140  }
0x98: {  	[tilespmem:s1], [sflag:$0x1] =	stream.indirect.gather [hbm4b:s5+s22], $0x20, s13, s22, $0xb8;
	[tilespmem:$0x14000] =	vst v63  }
0x99: {  	s14 =	simm.s32 $0x180  }
0x9a: {  	[tilespmem:s28], [sflag:$0x1] =	stream.indirect.gather [hbm4b:s5+s22], $0x20, s14, s22, $0xb8;
	[tilespmem:$0x14000] =	vst v63  }
0x9b: {  	s13 =	simm.s32 $0x1C0  }
0x9c: {  	[tilespmem:s0], [sflag:$0x1] =	stream.indirect.gather [hbm4b:s5+s22], $0x20, s13, s22, $0xb8;
	[tilespmem:$0x14000] =	vst v63  }
0x9d: {  	_ =	swait.ge [sflag:s20], $0x800  }
0x9e: {  	[sflag:s20] =	ssyncset.done $0x0  }
0x9f: {  	[sflag:s20] =	ssyncadd.s32 $0xFFFFF800  }
0xa0: {  	_ =	swait.ge [sflag:s20], $0x800  }
0xa1: {  	[sflag:s20] =	ssyncset.done $0x0  }
0xa2: {  	[sflag:s20] =	ssyncadd.s32 $0xFFFFF800  }
0xa3: {  	_ =	swait.ge [sflag:s20], $0x800  }
0xa4: {  	[sflag:s20] =	ssyncset.done $0x0  }
0xa5: {  	[sflag:s20] =	ssyncadd.s32 $0xFFFFF800  }
0xa6: {  	_ =	swait.ge [sflag:s20], $0x800  }
0xa7: {  	[sflag:s20] =	ssyncset.done $0x0  }
0xa8: {  	s14 =	simm.s32 $0x5000;
	[sflag:s20] =	ssyncadd.s32 $0xFFFFF800  }
0xa9: {  	[spmem:s2] =	stream.indirect.scatter.add.f32 [tilespmem:s23], [sflag:$0x2], $0x20, s14, s25, $0xb8;
	[tilespmem:$0x14000] =	vst v63  }
0xaa: {  	s13 =	simm.s32 $0x5080  }
0xab: {  	[spmem:s2] =	stream.indirect.scatter.add.f32 [tilespmem:s26], [sflag:$0x2], $0x20, s13, s25, $0xb8;
	[tilespmem:$0x14000] =	vst v63  }
0xac: {  	_ =	swait.ge [sflag:s20], $0x800  }
0xad: {  	[sflag:s20] =	ssyncset.done $0x0  }
0xae: {  	[sflag:s20] =	ssyncadd.s32 $0xFFFFF800  }
0xaf: {  	_ =	swait.ge [sflag:s20], $0x800  }
0xb0: {  	[sflag:s20] =	ssyncset.done $0x0  }
0xb1: {  	[sflag:s20] =	ssyncadd.s32 $0xFFFFF800  }
0xb2: {  	_ =	swait.ge [sflag:s20], $0x800  }
0xb3: {  	[sflag:s20] =	ssyncset.done $0x0  }
0xb4: {  	[sflag:s20] =	ssyncadd.s32 $0xFFFFF800  }
0xb5: {  	_ =	swait.ge [sflag:s20], $0x800  }
0xb6: {  	[sflag:s20] =	ssyncset.done $0x0  }
0xb7: {  	s14 =	simm.s32 $0x5100;
	[sflag:s20] =	ssyncadd.s32 $0xFFFFF800  }
0xb8: {  	[spmem:s2] =	stream.indirect.scatter.add.f32 [tilespmem:s31], [sflag:$0x2], $0x20, s14, s25, $0xb8;
	[tilespmem:$0x14000] =	vst v63  }
0xb9: {  	s13 =	simm.s32 $0x5180  }
0xba: {  	[spmem:s2] =	stream.indirect.scatter.add.f32 [tilespmem:s28], [sflag:$0x2], $0x20, s13, s25, $0xb8;
	[tilespmem:$0x14000] =	vst v63  }
0xbb: {  	_ =	swait.ge [sflag:s30], $0x1000  }
0xbc: {  	[sflag:s30] =	ssyncset.done $0x0  }
0xbd: {  	[sflag:s30] =	ssyncadd.s32 $0xFFFFF000  }
0xbe: {  	_ =	swait.ge [sflag:s30], $0x1000  }
0xbf: {  	[sflag:s30] =	ssyncset.done $0x0  }
0xc0: {  	s14 =	simm.s32 $0x200;
	[sflag:s30] =	ssyncadd.s32 $0xFFFFF000  }
0xc1: {  	[tilespmem:s23], [sflag:$0x1] =	stream.indirect.gather [hbm4b:s5+s22], $0x20, s14, s22, $0xb8;
	[tilespmem:$0x14000] =	vst v63  }
0xc2: {  	s13 =	simm.s32 $0x240  }
0xc3: {  	[tilespmem:s24], [sflag:$0x1] =	stream.indirect.gather [hbm4b:s5+s22], $0x20, s13, s22, $0xb8;
	[tilespmem:$0x14000] =	vst v63  }
0xc4: {  	s14 =	simm.s32 $0x280  }
0xc5: {  	[tilespmem:s26], [sflag:$0x1] =	stream.indirect.gather [hbm4b:s5+s22], $0x20, s14, s22, $0xb8;
	[tilespmem:$0x14000] =	vst v63  }
0xc6: {  	s13 =	simm.s32 $0x2C0  }
0xc7: {  	[tilespmem:s29], [sflag:$0x1] =	stream.indirect.gather [hbm4b:s5+s22], $0x20, s13, s22, $0xb8;
	[tilespmem:$0x14000] =	vst v63  }
0xc8: {  	_ =	swait.ge [sflag:s30], $0x1000  }
0xc9: {  	[sflag:s30] =	ssyncset.done $0x0  }
0xca: {  	[sflag:s30] =	ssyncadd.s32 $0xFFFFF000  }
0xcb: {  	_ =	swait.ge [sflag:s30], $0x1000  }
0xcc: {  	[sflag:s30] =	ssyncset.done $0x0  }
0xcd: {  	s14 =	simm.s32 $0x300;
	[sflag:s30] =	ssyncadd.s32 $0xFFFFF000  }
0xce: {  	[tilespmem:s31], [sflag:$0x1] =	stream.indirect.gather [hbm4b:s5+s22], $0x20, s14, s22, $0xb8;
	[tilespmem:$0x14000] =	vst v63  }
0xcf: {  	s13 =	simm.s32 $0x340  }
0xd0: {  	[tilespmem:s1], [sflag:$0x1] =	stream.indirect.gather [hbm4b:s5+s22], $0x20, s13, s22, $0xb8;
	[tilespmem:$0x14000] =	vst v63  }
0xd1: {  	s7 =	simm.s32 $0x800;
	s14 =	simm.s32 $0x380;
	s13 =	simm.s32 $0x3C0  }
0xd2: {  	[tilespmem:s28], [sflag:$0x1] =	stream.indirect.gather [hbm4b:s5+s22], $0x20, s14, s22, $0xb8;
	[tilespmem:$0x14000] =	vst v63  }
.LBB2_8:
0xd3: {  	[tilespmem:s0], [sflag:$0x1] =	stream.indirect.gather [hbm4b:s5+s22], $0x20, s13, s22, $0xb8;
	[tilespmem:$0x14000] =	vst v63  }
0xd4: {  	s13 =	smov.u32 s7  }
0xd5: {  	p1 =	sne.s32 s7, $0x13000;
	s7 =	sadd.s32 $0x800, s7;
	_ =	swait.ge [sflag:s20], $0x800  }
0xd6: {  	[sflag:s20] =	ssyncset.done $0x0  }
0xd7: {  	[sflag:s20] =	ssyncadd.s32 $0xFFFFF800  }
0xd8: {  	_ =	swait.ge [sflag:s20], $0x800  }
0xd9: {  	[sflag:s20] =	ssyncset.done $0x0  }
0xda: {  	[sflag:s20] =	ssyncadd.s32 $0xFFFFF800  }
0xdb: {  	_ =	swait.ge [sflag:s20], $0x800  }
0xdc: {  	[sflag:s20] =	ssyncset.done $0x0  }
0xdd: {  	[sflag:s20] =	ssyncadd.s32 $0xFFFFF800  }
0xde: {  	_ =	swait.ge [sflag:s20], $0x800  }
0xdf: {  	s13 =	sshra.s32 s13, $0x2;
	[sflag:s20] =	ssyncset.done $0x0  }
0xe0: {  	s14 =	sadd.s32 $0x5000, s13;
	[sflag:s20] =	ssyncadd.s32 $0xFFFFF800  }
0xe1: {  	[spmem:s2] =	stream.indirect.scatter.add.f32 [tilespmem:s23], [sflag:$0x2], $0x20, s14, s25, $0xb8;
	[tilespmem:$0x14000] =	vst v63  }
0xe2: {  	s14 =	sadd.s32 $0x5080, s13  }
0xe3: {  	[spmem:s2] =	stream.indirect.scatter.add.f32 [tilespmem:s26], [sflag:$0x2], $0x20, s14, s25, $0xb8;
	[tilespmem:$0x14000] =	vst v63  }
0xe4: {  	_ =	swait.ge [sflag:s20], $0x800  }
0xe5: {  	[sflag:s20] =	ssyncset.done $0x0  }
0xe6: {  	[sflag:s20] =	ssyncadd.s32 $0xFFFFF800  }
0xe7: {  	_ =	swait.ge [sflag:s20], $0x800  }
0xe8: {  	[sflag:s20] =	ssyncset.done $0x0  }
0xe9: {  	[sflag:s20] =	ssyncadd.s32 $0xFFFFF800  }
0xea: {  	_ =	swait.ge [sflag:s20], $0x800  }
0xeb: {  	[sflag:s20] =	ssyncset.done $0x0  }
0xec: {  	[sflag:s20] =	ssyncadd.s32 $0xFFFFF800  }
0xed: {  	_ =	swait.ge [sflag:s20], $0x800  }
0xee: {  	[sflag:s20] =	ssyncset.done $0x0  }
0xef: {  	s14 =	sadd.s32 $0x5100, s13;
	[sflag:s20] =	ssyncadd.s32 $0xFFFFF800  }
0xf0: {  	[spmem:s2] =	stream.indirect.scatter.add.f32 [tilespmem:s31], [sflag:$0x2], $0x20, s14, s25, $0xb8;
	[tilespmem:$0x14000] =	vst v63  }
0xf1: {  	s14 =	sadd.s32 $0x5180, s13  }
0xf2: {  	[spmem:s2] =	stream.indirect.scatter.add.f32 [tilespmem:s28], [sflag:$0x2], $0x20, s14, s25, $0xb8;
	[tilespmem:$0x14000] =	vst v63  }
0xf3: {  	_ =	swait.ge [sflag:s30], $0x1000  }
0xf4: {  	[sflag:s30] =	ssyncset.done $0x0  }
0xf5: {  	[sflag:s30] =	ssyncadd.s32 $0xFFFFF000  }
0xf6: {  	_ =	swait.ge [sflag:s30], $0x1000  }
0xf7: {  	[sflag:s30] =	ssyncset.done $0x0  }
0xf8: {  	s14 =	sadd.s32 $0x200, s13;
	[sflag:s30] =	ssyncadd.s32 $0xFFFFF000  }
0xf9: {  	[tilespmem:s23], [sflag:$0x1] =	stream.indirect.gather [hbm4b:s5+s22], $0x20, s14, s22, $0xb8;
	[tilespmem:$0x14000] =	vst v63  }
0xfa: {  	s14 =	sadd.s32 $0x240, s13  }
0xfb: {  	[tilespmem:s24], [sflag:$0x1] =	stream.indirect.gather [hbm4b:s5+s22], $0x20, s14, s22, $0xb8;
	[tilespmem:$0x14000] =	vst v63  }
0xfc: {  	s14 =	sadd.s32 $0x280, s13  }
0xfd: {  	[tilespmem:s26], [sflag:$0x1] =	stream.indirect.gather [hbm4b:s5+s22], $0x20, s14, s22, $0xb8;
	[tilespmem:$0x14000] =	vst v63  }
0xfe: {  	s14 =	sadd.s32 $0x2C0, s13  }
0xff: {  	[tilespmem:s29], [sflag:$0x1] =	stream.indirect.gather [hbm4b:s5+s22], $0x20, s14, s22, $0xb8;
	[tilespmem:$0x14000] =	vst v63  }
0x100: {  	_ =	swait.ge [sflag:s30], $0x1000  }
0x101: {  	[sflag:s30] =	ssyncset.done $0x0  }
0x102: {  	[sflag:s30] =	ssyncadd.s32 $0xFFFFF000  }
0x103: {  	_ =	swait.ge [sflag:s30], $0x1000  }
0x104: {  	[sflag:s30] =	ssyncset.done $0x0  }
0x105: {  	s14 =	sadd.s32 $0x300, s13;
	[sflag:s30] =	ssyncadd.s32 $0xFFFFF000  }
0x106: {  	[tilespmem:s31], [sflag:$0x1] =	stream.indirect.gather [hbm4b:s5+s22], $0x20, s14, s22, $0xb8;
	[tilespmem:$0x14000] =	vst v63  }
.Ltmp4:
0x107: {  	s14 =	sadd.s32 $0x340, s13;
	(pc) =	sbr.rel @p1 .LBB2_8-.Ltmp4, $4  }
0x108: {  	[tilespmem:s1], [sflag:$0x1] =	stream.indirect.gather [hbm4b:s5+s22], $0x20, s14, s22, $0xb8;
	[tilespmem:$0x14000] =	vst v63  }
0x109: {  	s14 =	sadd.s32 $0x380, s13  }
0x10a: {  	[tilespmem:s28], [sflag:$0x1] =	stream.indirect.gather [hbm4b:s5+s22], $0x20, s14, s22, $0xb8;
	[tilespmem:$0x14000] =	vst v63  }
0x10b: {  	s13 =	sadd.s32 $0x3C0, s13  }
.Ltmp5:
0x10c: {  	(pc) =	sbr.rel .LBB2_10-.Ltmp5, $2  }
0x10d: {  	_ =	sdelay $0x2  }
0x10e: {  	[tilespmem:s0], [sflag:$0x1] =	stream.indirect.gather [hbm4b:s5+s22], $0x20, s13, s22, $0xb8;
	[tilespmem:$0x14000] =	vst v63  }
.LBB2_4:
0x10f: {  	[tilespmem:s23], [sflag:$0x1] =	stream.indirect.gather [hbm4b:s4+s22], $0x20, s7, s22, $0xb8;
	[tilespmem:$0x14000] =	vst v63  }
0x110: {  	_ = 	snop  }
0x111: {  	[tilespmem:s24], [sflag:$0x1] =	stream.indirect.gather [hbm4b:s4+s22], $0x20, s22, s22, $0xb8;
	[tilespmem:$0x14000] =	vst v63  }
0x112: {  	_ = 	snop  }
0x113: {  	[tilespmem:s26], [sflag:$0x1] =	stream.indirect.gather [hbm4b:s4+s22], $0x20, s25, s22, $0xb8;
	[tilespmem:$0x14000] =	vst v63  }
0x114: {  	s13 =	simm.s32 $0xC0  }
0x115: {  	[tilespmem:s29], [sflag:$0x1] =	stream.indirect.gather [hbm4b:s4+s22], $0x20, s13, s22, $0xb8;
	[tilespmem:$0x14000] =	vst v63  }
0x116: {  	s14 =	simm.s32 $0x100  }
0x117: {  	[tilespmem:s31], [sflag:$0x1] =	stream.indirect.gather [hbm4b:s4+s22], $0x20, s14, s22, $0xb8;
	[tilespmem:$0x14000] =	vst v63  }
0x118: {  	s13 =	simm.s32 $0x140  }
0x119: {  	[tilespmem:s1], [sflag:$0x1] =	stream.indirect.gather [hbm4b:s4+s22], $0x20, s13, s22, $0xb8;
	[tilespmem:$0x14000] =	vst v63  }
0x11a: {  	s14 =	simm.s32 $0x180  }
0x11b: {  	[tilespmem:s28], [sflag:$0x1] =	stream.indirect.gather [hbm4b:s4+s22], $0x20, s14, s22, $0xb8;
	[tilespmem:$0x14000] =	vst v63  }
0x11c: {  	s13 =	simm.s32 $0x1C0  }
0x11d: {  	[tilespmem:s0], [sflag:$0x1] =	stream.indirect.gather [hbm4b:s4+s22], $0x20, s13, s22, $0xb8;
	[tilespmem:$0x14000] =	vst v63  }
0x11e: {  	_ =	swait.ge [sflag:s20], $0x800  }
0x11f: {  	[sflag:s20] =	ssyncset.done $0x0  }
0x120: {  	[sflag:s20] =	ssyncadd.s32 $0xFFFFF800  }
0x121: {  	_ =	swait.ge [sflag:s20], $0x800  }
0x122: {  	[sflag:s20] =	ssyncset.done $0x0  }
0x123: {  	[sflag:s20] =	ssyncadd.s32 $0xFFFFF800  }
0x124: {  	_ =	swait.ge [sflag:s20], $0x800  }
0x125: {  	[sflag:s20] =	ssyncset.done $0x0  }
0x126: {  	[sflag:s20] =	ssyncadd.s32 $0xFFFFF800  }
0x127: {  	_ =	swait.ge [sflag:s20], $0x800  }
0x128: {  	[sflag:s20] =	ssyncset.done $0x0  }
0x129: {  	s14 =	simm.s32 $0x5000;
	[sflag:s20] =	ssyncadd.s32 $0xFFFFF800  }
0x12a: {  	[spmem:s2] =	stream.indirect.scatter.add.f32 [tilespmem:s23], [sflag:$0x2], $0x20, s14, s25, $0xb8;
	[tilespmem:$0x14000] =	vst v63  }
0x12b: {  	s13 =	simm.s32 $0x5080  }
0x12c: {  	[spmem:s2] =	stream.indirect.scatter.add.f32 [tilespmem:s26], [sflag:$0x2], $0x20, s13, s25, $0xb8;
	[tilespmem:$0x14000] =	vst v63  }
0x12d: {  	_ =	swait.ge [sflag:s20], $0x800  }
0x12e: {  	[sflag:s20] =	ssyncset.done $0x0  }
0x12f: {  	[sflag:s20] =	ssyncadd.s32 $0xFFFFF800  }
0x130: {  	_ =	swait.ge [sflag:s20], $0x800  }
0x131: {  	[sflag:s20] =	ssyncset.done $0x0  }
0x132: {  	[sflag:s20] =	ssyncadd.s32 $0xFFFFF800  }
0x133: {  	_ =	swait.ge [sflag:s20], $0x800  }
0x134: {  	[sflag:s20] =	ssyncset.done $0x0  }
0x135: {  	[sflag:s20] =	ssyncadd.s32 $0xFFFFF800  }
0x136: {  	_ =	swait.ge [sflag:s20], $0x800  }
0x137: {  	[sflag:s20] =	ssyncset.done $0x0  }
0x138: {  	s14 =	simm.s32 $0x5100;
	[sflag:s20] =	ssyncadd.s32 $0xFFFFF800  }
0x139: {  	[spmem:s2] =	stream.indirect.scatter.add.f32 [tilespmem:s31], [sflag:$0x2], $0x20, s14, s25, $0xb8;
	[tilespmem:$0x14000] =	vst v63  }
0x13a: {  	s13 =	simm.s32 $0x5180  }
0x13b: {  	[spmem:s2] =	stream.indirect.scatter.add.f32 [tilespmem:s28], [sflag:$0x2], $0x20, s13, s25, $0xb8;
	[tilespmem:$0x14000] =	vst v63  }
0x13c: {  	_ =	swait.ge [sflag:s30], $0x1000  }
0x13d: {  	[sflag:s30] =	ssyncset.done $0x0  }
0x13e: {  	[sflag:s30] =	ssyncadd.s32 $0xFFFFF000  }
0x13f: {  	_ =	swait.ge [sflag:s30], $0x1000  }
0x140: {  	[sflag:s30] =	ssyncset.done $0x0  }
0x141: {  	s14 =	simm.s32 $0x200;
	[sflag:s30] =	ssyncadd.s32 $0xFFFFF000  }
0x142: {  	[tilespmem:s23], [sflag:$0x1] =	stream.indirect.gather [hbm4b:s4+s22], $0x20, s14, s22, $0xb8;
	[tilespmem:$0x14000] =	vst v63  }
0x143: {  	s13 =	simm.s32 $0x240  }
0x144: {  	[tilespmem:s24], [sflag:$0x1] =	stream.indirect.gather [hbm4b:s4+s22], $0x20, s13, s22, $0xb8;
	[tilespmem:$0x14000] =	vst v63  }
0x145: {  	s14 =	simm.s32 $0x280  }
0x146: {  	[tilespmem:s26], [sflag:$0x1] =	stream.indirect.gather [hbm4b:s4+s22], $0x20, s14, s22, $0xb8;
	[tilespmem:$0x14000] =	vst v63  }
0x147: {  	s13 =	simm.s32 $0x2C0  }
0x148: {  	[tilespmem:s29], [sflag:$0x1] =	stream.indirect.gather [hbm4b:s4+s22], $0x20, s13, s22, $0xb8;
	[tilespmem:$0x14000] =	vst v63  }
0x149: {  	_ =	swait.ge [sflag:s30], $0x1000  }
0x14a: {  	[sflag:s30] =	ssyncset.done $0x0  }
0x14b: {  	[sflag:s30] =	ssyncadd.s32 $0xFFFFF000  }
0x14c: {  	_ =	swait.ge [sflag:s30], $0x1000  }
0x14d: {  	[sflag:s30] =	ssyncset.done $0x0  }
0x14e: {  	s14 =	simm.s32 $0x300;
	[sflag:s30] =	ssyncadd.s32 $0xFFFFF000  }
0x14f: {  	[tilespmem:s31], [sflag:$0x1] =	stream.indirect.gather [hbm4b:s4+s22], $0x20, s14, s22, $0xb8;
	[tilespmem:$0x14000] =	vst v63  }
0x150: {  	s13 =	simm.s32 $0x340  }
0x151: {  	[tilespmem:s1], [sflag:$0x1] =	stream.indirect.gather [hbm4b:s4+s22], $0x20, s13, s22, $0xb8;
	[tilespmem:$0x14000] =	vst v63  }
0x152: {  	s7 =	simm.s32 $0x800;
	s14 =	simm.s32 $0x380;
	s13 =	simm.s32 $0x3C0  }
0x153: {  	[tilespmem:s28], [sflag:$0x1] =	stream.indirect.gather [hbm4b:s4+s22], $0x20, s14, s22, $0xb8;
	[tilespmem:$0x14000] =	vst v63  }
.LBB2_5:
0x154: {  	[tilespmem:s0], [sflag:$0x1] =	stream.indirect.gather [hbm4b:s4+s22], $0x20, s13, s22, $0xb8;
	[tilespmem:$0x14000] =	vst v63  }
0x155: {  	s13 =	smov.u32 s7  }
0x156: {  	p1 =	seq.s32 s7, $0x13000;
	s7 =	sadd.s32 $0x800, s7;
	_ =	swait.ge [sflag:s20], $0x800  }
0x157: {  	[sflag:s20] =	ssyncset.done $0x0  }
0x158: {  	[sflag:s20] =	ssyncadd.s32 $0xFFFFF800  }
0x159: {  	_ =	swait.ge [sflag:s20], $0x800  }
0x15a: {  	[sflag:s20] =	ssyncset.done $0x0  }
0x15b: {  	[sflag:s20] =	ssyncadd.s32 $0xFFFFF800  }
0x15c: {  	_ =	swait.ge [sflag:s20], $0x800  }
0x15d: {  	[sflag:s20] =	ssyncset.done $0x0  }
0x15e: {  	[sflag:s20] =	ssyncadd.s32 $0xFFFFF800  }
0x15f: {  	_ =	swait.ge [sflag:s20], $0x800  }
0x160: {  	s13 =	sshra.s32 s13, $0x2;
	[sflag:s20] =	ssyncset.done $0x0  }
0x161: {  	s14 =	sadd.s32 $0x5000, s13;
	[sflag:s20] =	ssyncadd.s32 $0xFFFFF800  }
0x162: {  	[spmem:s2] =	stream.indirect.scatter.add.f32 [tilespmem:s23], [sflag:$0x2], $0x20, s14, s25, $0xb8;
	[tilespmem:$0x14000] =	vst v63  }
0x163: {  	s14 =	sadd.s32 $0x5080, s13  }
0x164: {  	[spmem:s2] =	stream.indirect.scatter.add.f32 [tilespmem:s26], [sflag:$0x2], $0x20, s14, s25, $0xb8;
	[tilespmem:$0x14000] =	vst v63  }
0x165: {  	_ =	swait.ge [sflag:s20], $0x800  }
0x166: {  	[sflag:s20] =	ssyncset.done $0x0  }
0x167: {  	[sflag:s20] =	ssyncadd.s32 $0xFFFFF800  }
0x168: {  	_ =	swait.ge [sflag:s20], $0x800  }
0x169: {  	[sflag:s20] =	ssyncset.done $0x0  }
0x16a: {  	[sflag:s20] =	ssyncadd.s32 $0xFFFFF800  }
0x16b: {  	_ =	swait.ge [sflag:s20], $0x800  }
0x16c: {  	[sflag:s20] =	ssyncset.done $0x0  }
0x16d: {  	[sflag:s20] =	ssyncadd.s32 $0xFFFFF800  }
0x16e: {  	_ =	swait.ge [sflag:s20], $0x800  }
0x16f: {  	[sflag:s20] =	ssyncset.done $0x0  }
0x170: {  	s14 =	sadd.s32 $0x5100, s13;
	[sflag:s20] =	ssyncadd.s32 $0xFFFFF800  }
0x171: {  	[spmem:s2] =	stream.indirect.scatter.add.f32 [tilespmem:s31], [sflag:$0x2], $0x20, s14, s25, $0xb8;
	[tilespmem:$0x14000] =	vst v63  }
0x172: {  	s14 =	sadd.s32 $0x5180, s13  }
0x173: {  	[spmem:s2] =	stream.indirect.scatter.add.f32 [tilespmem:s28], [sflag:$0x2], $0x20, s14, s25, $0xb8;
	[tilespmem:$0x14000] =	vst v63  }
0x174: {  	_ =	swait.ge [sflag:s30], $0x1000  }
0x175: {  	[sflag:s30] =	ssyncset.done $0x0  }
0x176: {  	[sflag:s30] =	ssyncadd.s32 $0xFFFFF000  }
0x177: {  	_ =	swait.ge [sflag:s30], $0x1000  }
0x178: {  	[sflag:s30] =	ssyncset.done $0x0  }
0x179: {  	s14 =	sadd.s32 $0x200, s13;
	[sflag:s30] =	ssyncadd.s32 $0xFFFFF000  }
0x17a: {  	[tilespmem:s23], [sflag:$0x1] =	stream.indirect.gather [hbm4b:s4+s22], $0x20, s14, s22, $0xb8;
	[tilespmem:$0x14000] =	vst v63  }
0x17b: {  	s14 =	sadd.s32 $0x240, s13  }
0x17c: {  	[tilespmem:s24], [sflag:$0x1] =	stream.indirect.gather [hbm4b:s4+s22], $0x20, s14, s22, $0xb8;
	[tilespmem:$0x14000] =	vst v63  }
0x17d: {  	s14 =	sadd.s32 $0x280, s13  }
0x17e: {  	[tilespmem:s26], [sflag:$0x1] =	stream.indirect.gather [hbm4b:s4+s22], $0x20, s14, s22, $0xb8;
	[tilespmem:$0x14000] =	vst v63  }
0x17f: {  	s14 =	sadd.s32 $0x2C0, s13  }
0x180: {  	[tilespmem:s29], [sflag:$0x1] =	stream.indirect.gather [hbm4b:s4+s22], $0x20, s14, s22, $0xb8;
	[tilespmem:$0x14000] =	vst v63  }
0x181: {  	_ =	swait.ge [sflag:s30], $0x1000  }
0x182: {  	[sflag:s30] =	ssyncset.done $0x0  }
0x183: {  	[sflag:s30] =	ssyncadd.s32 $0xFFFFF000  }
0x184: {  	_ =	swait.ge [sflag:s30], $0x1000  }
0x185: {  	[sflag:s30] =	ssyncset.done $0x0  }
0x186: {  	s14 =	sadd.s32 $0x300, s13;
	[sflag:s30] =	ssyncadd.s32 $0xFFFFF000  }
0x187: {  	[tilespmem:s31], [sflag:$0x1] =	stream.indirect.gather [hbm4b:s4+s22], $0x20, s14, s22, $0xb8;
	[tilespmem:$0x14000] =	vst v63  }
.Ltmp6:
0x188: {  	s14 =	sadd.s32 $0x340, s13;
	(pc) =	sbr.rel @!p1 .LBB2_5-.Ltmp6, $4  }
0x189: {  	[tilespmem:s1], [sflag:$0x1] =	stream.indirect.gather [hbm4b:s4+s22], $0x20, s14, s22, $0xb8;
	[tilespmem:$0x14000] =	vst v63  }
0x18a: {  	s14 =	sadd.s32 $0x380, s13  }
0x18b: {  	[tilespmem:s28], [sflag:$0x1] =	stream.indirect.gather [hbm4b:s4+s22], $0x20, s14, s22, $0xb8;
	[tilespmem:$0x14000] =	vst v63  }
0x18c: {  	s13 =	sadd.s32 $0x3C0, s13  }
.Ltmp7:
0x18d: {  	_ = 	snop;
	(pc) =	sbr.rel .LBB2_6-.Ltmp7, $1  }
0x18e: {  	_ =	sdelay $0x3  }
.LBB2_11:
0x18f: {  	_ =	sfence.sel $0x180000  }
0x190: {  	[bflag:$0x0] =	sbarrier.arrive $0xFFFF  }
0x191: {  	_ =	strace $0x9000004A  }
0x192: {  	s0 =	stileid.u32;
	[bflag:$0x2] =	sbarrier.arrive $0xFFFF  }
0x193: {  	p0 =	sne.s32 s0, $0x0;
	s0 =	rddreg [dreg:$0x2]  }
0x194: {  	s0 =	sadd.s32 @!p0 $0x100000, s0  }
0x195: {  	[sflag:s0] =	ssyncadd.tile.s32 @!p0 $0x1;
	_ =	shalt  }
.Lfunc_end2:
_tile_overlayer_lowered:
.L_overlay_start_2:
0x196: {  	(tag) =	ssettag $0x2  }
0x197: {  	s0 =	rddreg [dreg:$0x0];
	s2 =	stileid.u32  }
0x198: {  	s1 =	rddreg [dreg:$0x1];
	p0 =	sne.s32 s2, $0x0  }
0x199: {  	s3 =	rddreg [dreg:$0x2];
	[bflag:$0x3] =	sbarrier.arrive $0xFFFF;
	s2 =	simm.s32 @!p0 $0x1C03  }
0x19a: {  	[timem:s3], [sflag:s2] =	dma.local @!p0 [hbm:s0], s1  }
0x19b: {  	s0 =	simm.s32 @!p0 $0x3  }
0x19c: {  	_ =	swait.ge @!p0 [sflag:s0], s1  }
0x19d: {  	s1 =	ssub.s32 @!p0 $0x0, s1;
	[sflag:s0] =	ssyncset.done @!p0 $0x0  }
0x19e: {  	[sflag:s0] =	ssyncadd.s32 @!p0 s1  }
0x19f: {  	[bflag:$0x3] =	sbarrier.arrive $0xFFFF  }
0x1a0: {  	_ =	shalt  }

// kernel: kernel.14.cloned.1.call-start
scs
__scs_entry_jumppad:
0x0: {  	(pc) =	sbr.rel $0x88, $3  }
0x1: {  	(tag) =	ssettag $0x0;
	lr =	simm.s32 $0x1  }
0x2: {  	[smem:$0x3F98] =	sst lr;
	_ =	strace $0xD0000000  }
0x3: {  	_ = 	snop  }
0x4: {  	_ = 	snop  }
0x5: {  	_ = 	snop  }
0x6: {  	_ = 	snop  }
0x7: {  	_ = 	snop  }
__scs_overlays_trampoline_lowered:
0x8: {  	[smem:$0x3FA7] =	sst s0  }
0x9: {  	[smem:$0x3FA8] =	sst s1  }
0xa: {  	[smem:$0x3FA9] =	sst s2  }
0xb: {  	[smem:$0x3FAA] =	sst s3  }
0xc: {  	[smem:$0x3FAB] =	sst s4  }
0xd: {  	[smem:$0x3FAC] =	sst s5  }
0xe: {  	[smem:$0x3FAD] =	sst s6  }
0xf: {  	[smem:$0x3FAE] =	sst s7  }
0x10: {  	[smem:$0x3FAF] =	sst s8  }
0x11: {  	[smem:$0x3FB0] =	sst s9;
	s0 =	simm.s32 @!p0 $0x0  }
0x12: {  	s1 =	sld [smem:$0x3F96];
	s0 =	simm.s32 @p0 $0x1  }
0x13: {  	[smem:$0x3FB1] =	sst s0;
	s0 =	simm.s32 @!p1 $0x0  }
0x14: {  	s2 =	sld [smem:$0x3F95];
	s0 =	simm.s32 @p1 $0x1  }
0x15: {  	[smem:$0x3FB2] =	sst s0;
	s0 =	simm.s32 @!p2 $0x0  }
0x16: {  	s3 =	sld [smem:$0x3FDB];
	s0 =	simm.s32 @p2 $0x1  }
0x17: {  	s4 =	simm.s32 $0x1BF5;
	[smem:$0x3FB4] =	sst s0  }
0x18: {  	s0 =	sld [smem:$0x3F97];
	_ =	swait.ge [sflag:s4], $0x0  }
0x19: {  	s7 =	sld [smem:$0x3F98]  }
0x1a: {  	s8 =	sadd.s32 $0xFFFFE003, lr  }
0x1b: {  	s9 =	sadd.s32 $0xFFFFFEF7, lr;
	s5 =	simm.s32 $0xFFFFFFFF;
	p2 =	slt.u32 s8, $0xFFFFF086  }
0x1c: {  	p1 =	slt.u32 s9, $0xF7A;
	s5 =	simm.s32 @!p2 $0x0  }
0x1d: {  	s5 =	simm.s32 @p1 $0x1;
	p0 =	seq.s32 s7, s2  }
0x1e: {  	s7 =	smul.u32 @!p0 $0xF7A, s2;
	p2 =	seq.s32 @!p0 s5, $0x0  }
0x1f: {  	s9 =	smul.u32 $0xF7A, s1;
	s8 =	simm.s32 @!p0 $0x1BF5;
	p2 =	por !p2, p0  }
0x20: {  	[sflag:s8] =	ssyncset.s32 @!p0 $0xFFFFF086;
	s6 =	sadd.s32 @!p0 s3, s7;
	s7 =	simm.s32 @!p0 $0x108  }
0x21: {  	s3 =	sadd.s32 s3, s9;
	s6 =	sadd.s32 @!p0 $0x88, s6;
	s7 =	simm.s32 @p2 $0x1082  }
0x22: {  	[simem:s7], [sflag:s8] =	dma.local @!p0 [hbm:s6], $0xF7A  }
0x23: {  	s9 =	sor.u32 $0xD0000000, s2;
	s6 =	simm.s32 $0x108;
	_ =	swait.ge @!p0 [sflag:s8], $0x0  }
0x24: {  	s3 =	sadd.s32 $0x88, s3;
	s6 =	simm.s32 @!p1 $0x1082;
	[sflag:s4] =	ssyncset.s32 $0xFFFFF086  }
0x25: {  	[simem:s6], [sflag:s4] =	dma.local [hbm:s3], $0xF7A  }
0x26: {  	[smem:$0x3F98] =	sst s1;
	(tag) =	ssettag s2;
	_ =	strace s9  }
0x27: {  	s1 =	sld [smem:$0x3FA8]  }
0x28: {  	s2 =	sld [smem:$0x3FA9]  }
0x29: {  	s4 =	sld [smem:$0x3FAB]  }
0x2a: {  	p0 =	seq.s32 s5, $0x0;
	s5 =	sld [smem:$0x3FAC]  }
0x2b: {  	s6 =	sld [smem:$0x3FAD]  }
0x2c: {  	s7 =	sld [smem:$0x3FAE]  }
0x2d: {  	s3 =	simm.s32 $0x108;
	s8 =	sld [smem:$0x3FAF]  }
0x2e: {  	s3 =	simm.s32 @!p0 $0x1082;
	s9 =	sld [smem:$0x3FB0]  }
0x2f: {  	lr =	sadd.s32 s0, s3;
	s0 =	sld [smem:$0x3FA7]  }
0x30: {  	s3 =	sld [smem:$0x3FAA]  }
0x31: {  	[smem:$0x3FB3] =	sst s10  }
0x32: {  	s10 =	sld [smem:$0x3FB1];
	_ =	sdelay $0x3  }
0x33: {  	p0 =	seq.s32 s10, $0x1;
	s10 =	sld [smem:$0x3FB3];
	_ =	sdelay $0x3  }
0x34: {  	[smem:$0x3FB3] =	sst s10  }
0x35: {  	s10 =	sld [smem:$0x3FB2];
	_ =	sdelay $0x3  }
0x36: {  	p1 =	seq.s32 s10, $0x1;
	s10 =	sld [smem:$0x3FB3];
	_ =	sdelay $0x3  }
0x37: {  	[smem:$0x3FB3] =	sst s10  }
0x38: {  	s10 =	sld [smem:$0x3FB4]  }
0x39: {  	_ = 	snop;
	(pc) =	sbr.ind lr, $3  }
0x3a: {  	_ = 	snop  }
0x3b: {  	_ = 	snop  }
0x3c: {  	p2 =	seq.s32 s10, $0x1;
	s10 =	sld [smem:$0x3FB3]  }
0x3d: {  	_ =	shalt  }
0x3e: {  	_ =	shalt  }
0x3f: {  	_ =	shalt  }
0x40: {  	_ =	shalt  }
0x41: {  	_ =	shalt  }
0x42: {  	_ =	shalt  }
0x43: {  	_ =	shalt  }
0x44: {  	_ =	shalt  }
0x45: {  	_ =	shalt  }
0x46: {  	_ =	shalt  }
0x47: {  	_ =	shalt  }
0x48: {  	_ =	shalt  }
0x49: {  	_ =	shalt  }
0x4a: {  	_ =	shalt  }
0x4b: {  	_ =	shalt  }
0x4c: {  	_ =	shalt  }
0x4d: {  	_ =	shalt  }
0x4e: {  	_ =	shalt  }
0x4f: {  	_ =	shalt  }
0x50: {  	_ =	shalt  }
0x51: {  	_ =	shalt  }
0x52: {  	_ =	shalt  }
0x53: {  	_ =	shalt  }
0x54: {  	_ =	shalt  }
0x55: {  	_ =	shalt  }
0x56: {  	_ =	shalt  }
0x57: {  	_ =	shalt  }
0x58: {  	_ =	shalt  }
0x59: {  	_ =	shalt  }
0x5a: {  	_ =	shalt  }
0x5b: {  	_ =	shalt  }
0x5c: {  	_ =	shalt  }
0x5d: {  	_ =	shalt  }
0x5e: {  	_ =	shalt  }
0x5f: {  	_ =	shalt  }
0x60: {  	_ =	shalt  }
0x61: {  	_ =	shalt  }
0x62: {  	_ =	shalt  }
0x63: {  	_ =	shalt  }
0x64: {  	_ =	shalt  }
0x65: {  	_ =	shalt  }
0x66: {  	_ =	shalt  }
0x67: {  	_ =	shalt  }
0x68: {  	_ =	shalt  }
0x69: {  	_ =	shalt  }
0x6a: {  	_ =	shalt  }
0x6b: {  	_ =	shalt  }
0x6c: {  	_ =	shalt  }
0x6d: {  	_ =	shalt  }
0x6e: {  	_ =	shalt  }
0x6f: {  	_ =	shalt  }
0x70: {  	_ =	shalt  }
0x71: {  	_ =	shalt  }
0x72: {  	_ =	shalt  }
0x73: {  	_ =	shalt  }
0x74: {  	_ =	shalt  }
0x75: {  	_ =	shalt  }
0x76: {  	_ =	shalt  }
0x77: {  	_ =	shalt  }
0x78: {  	_ =	shalt  }
0x79: {  	_ =	shalt  }
0x7a: {  	_ =	shalt  }
0x7b: {  	_ =	shalt  }
0x7c: {  	_ =	shalt  }
0x7d: {  	_ =	shalt  }
0x7e: {  	_ =	shalt  }
0x7f: {  	_ =	shalt  }
0x80: {  	_ =	shalt  }
0x81: {  	_ =	shalt  }
0x82: {  	_ =	shalt  }
0x83: {  	_ =	shalt  }
0x84: {  	_ =	shalt  }
0x85: {  	_ =	shalt  }
0x86: {  	_ =	shalt  }
0x87: {  	_ =	shalt  }
.Lfunc_end0:
.L_simem_size_0:
called_computation.2_lowered:
.L_overlay_start_0:
0x88: {  	s2 =	sld [smem:$0x3FD9]  }
0x89: {  	s3 =	sld [smem:$0x3FFE];
	_ =	sdelay $0x1  }
0x8a: {  	s1 =	srdreg.scid  }
0x8b: {  	s0 =	sand.u32 $0x1, s1  }
0x8c: {  	s16 =	sshll.u32 s0, $0xA;
	s2 =	sadd.s32 s3, s2  }
0x8d: {  	s2 =	sadd.s32 s2, s16  }
0x8e: {  	[smem:$0x3FBF] =	sst s2  }
0x8f: {  	_ = 	snop  }
0x90: {  	(tm) =	ssettm $0x1  }
0x91: {  	s17 =	sld [smem:$0x3FFB];
	_ =	sdelay $0x3  }
0x92: {  	_ =	strace s17  }
0x93: {  	s2 =	sld [smem:$0x3FFC];
	_ =	sdelay $0x3  }
0x94: {  	_ =	strace s2  }
0x95: {  	s2 =	sld [smem:$0x3FFD];
	_ =	sdelay $0x3  }
0x96: {  	_ =	strace s2  }
0x97: {  	_ =	strace $0x8FFFFFFF  }
0x98: {  	s18 =	sld [smem:$0x3FDB];
	_ =	sdelay $0x1  }
0x99: {  	s19 =	simm.s32 $_scs_section_size  }
0x9a: {  	s4 =	simm.s32 $_size__tile_overlayer_lowered;
	s5 =	simm.s32 $_tile_overlayer_lowered  }
0x9b: {  	s22 =	simm.s32 $0x1BFF;
	s21 =	sshll.u32 s5, $0x1;
	s2 =	sadd.s32 s19, s18  }
0x9c: {  	s6 =	simm.s32 $0x0;
	s20 =	sshll.u32 s4, $0x1;
	s4 =	sadd.s32 s21, s2  }
0x9d: {  	[timem:s6], [sflag:s22] =	dma.local [hbm:s4], s20  }
0x9e: {  	_ =	swait.ge [sflag:s22], s20  }
0x9f: {  	s3 =	ssub.s32 $0x0, s20;
	[sflag:s22] =	ssyncset.done $0x0  }
0xa0: {  	[sflag:s22] =	ssyncadd.s32 s3;
	_ =	sdelay $0x1  }
0xa1: {  	s23 =	simm.s32 $0x1B8B  }
0xa2: {  	_ =	swait.ge [sflag:s23], $0x1  }
0xa3: {  	[sflag:s23] =	ssyncset.done $0x0  }
0xa4: {  	s25 =	simm.s32 $0x1B8E;
	s24 =	sld [smem:$0x3FFE];
	[sflag:s23] =	ssyncadd.s32 $0xFFFFFFFF  }
0xa5: {  	s26 =	simm.s32 $execute0_lowered;
	[smem:$0x3FD2] =	sst s25  }
0xa6: {  	s4 =	sshll.u32 s26, $0x1;
	_ =	strace $0x8000004C;
	[dreg:$0x1] =	wrdreg $0xFFFFFFFF  }
0xa7: {  	s28 =	simm.s32 $_size_execute0_lowered;
	s2 =	sadd.s32 s2, s4;
	[dreg:$0x0] =	wrdreg $0x0  }
0xa8: {  	s4 =	sshll.u32 s28, $0x1;
	[dreg:$0x2] =	wrdreg s2  }
0xa9: {  	[dreg:$0x3] =	wrdreg s4  }
0xaa: {  	[dreg:$0x4] =	wrdreg $0xC0  }
0xab: {  	_ =	task [dreg:s6], $0x5FFFF  }
0xac: {  	[dreg:$0x1] =	wrdreg $0xFFFFFFFF  }
0xad: {  	[dreg:$0x0] =	wrdreg $0x60  }
0xae: {  	[dreg:$0x2] =	wrdreg s24  }
0xaf: {  	[dreg:$0x3] =	wrdreg $0x140000  }
0xb0: {  	[dreg:$0x4] =	wrdreg $0x9  }
0xb1: {  	_ =	task.clear_ibuf [dreg:s6], $0x5FFFF;
	_ =	strace $0x9000004C  }
0xb2: {  	s29 =	simm.s32 $0x9;
	_ =	strace $0x8000004E  }
0xb3: {  	_ =	swait.ge [sflag:s29], $0x1  }
0xb4: {  	[sflag:s29] =	ssyncadd.s32 $0xFFFFFFFF  }
0xb5: {  	_ =	strace $0x9000004E  }
0xb6: {  	_ =	sfence  }
0xb7: {  	s30 =	sld [smem:$0x0];
	_ =	sdelay $0x2  }
0xb8: {  	s31 =	sshll.u32 s1, $0xD;
	s1 =	sshrl.u32 s1, $0x2  }
0xb9: {  	s3 =	sand.u32 $0x4000, s31;
	s1 =	sadd.s32 s1, s30  }
0xba: {  	s0 =	sor.u32 s3, s0;
	s1 =	sshll.u32 s1, $0x11  }
0xbb: {  	s0 =	sor.u32 s1, s0  }
0xbc: {  	s0 =	sadd.s32 $0x8F2B, s0  }
0xbd: {  	[sflag:s0] =	ssyncadd.remote.s32 $0x1  }
0xbe: {  	_ =	sfence.sel $0xFFFF  }
0xbf: {  	[dreg:$0x0] =	wrdreg $0xFFFFFFFF;
	(pc) =	sbr.abs _section_cstart, $3  }
0xc0: {  	[dreg:$0x1] =	wrdreg $0xFFFFFFFF  }
0xc1: {  	_ =	task.clear_ibuf [dreg:s6], $0x2FFFF;
	_ =	strace $0x9FFFFFFF  }
0xc2: {  	(tm) =	ssettm $0x7FFFFFFF  }
0xc3: {  	_ =	shalt  }
tec
execute0_lowered:
.L_overlay_start_1:
0x0: {  	(tag) =	ssettag $0x1  }
0x1: {  	s0 =	rddreg [dreg:$0x0]  }
0x2: {  	s2 =	rddreg [dreg:$0x1]  }
0x3: {  	s3 =	simm.s32 $0x0;
	s9 =	stileid.u32;
	s1 =	srdreg.scid  }
0x4: {  	s19 =	simm.s32 $0x3;
	s29 =	simm.s32 $0xD000;
	s31 =	simm.s32 $0xE000  }
0x5: {  	s28 =	simm.s32 $0x10000;
	s20 =	simm.s32 $0x1;
	s6 =	smul.u32 $0x280, s9  }
0x6: {  	s30 =	simm.s32 $0x2;
	[smem:$0x7FF] =	sst s3;
	s8 =	smul.u32 $0xA00, s9  }
0x7: {  	s1 =	sand.u32 $0x1, s1;
	s4 =	sadd.s32 $0x82800, s0;
	s9 =	smul.u32 $0x28000, s9  }
0x8: {  	s5 =	sadd.s32 $0x6EE00, s0;
	_ =	strace $0x8000004D;
	s7 =	smul.u32 $0x2800, s1  }
0x9: {  	s21 =	ssub.s32 $0x2, s1;
	p0 =	seq.s32 s1, $0x1;
	s1 =	simm.s32 $0xF000  }
0xa: {  	s8 =	sadd.s32 s8, s0;
	s10 =	sshrl.u32 s21, $0x1;
	s23 =	sshrl.u32 s9, $0x2  }
0xb: {  	s6 =	sadd.s32 s6, s7;
	s22 =	ssub.s32 s21, s10;
	s24 =	sadd.s32 $0x16A00, s8  }
0xc: {  	s8 =	sadd.s32 $0x2A00, s8;
	s21 =	simm.s32 $0x12000;
	[dreg:$0x3] =	wrdreg s24  }
0xd: {  	s6 =	sshll.u32 s6, $0x3;
	[dreg:$0x4] =	wrdreg s8;
	s8 =	sadd.s32 s23, s2  }
0xe: {  	s18 =	smax.u32 s22, $0x1;
	s22 =	simm.s32 $0x40;
	s23 =	simm.s32 $0xA000  }
0xf: {  	s24 =	simm.s32 $0xB000;
	s0 =	sadd.s32 s6, s0;
	s9 =	sadd.s32 $0x2000, s8  }
.Ltmp0:
0x10: {  	s10 =	sadd.s32 $0x4000, s8;
	s11 =	sadd.s32 $0x6000, s8;
	(pc) =	sbr.rel .LBB2_1-.Ltmp0, $4  }
0x11: {  	s12 =	sadd.s32 $0x8000, s8;
	s6 =	simm.s32 $0x0;
	s25 =	sadd.s32 $0x96200, s0  }
0x12: {  	s26 =	sadd.s32 $0x96600, s0;
	s15 =	sadd.s32 $0x96A00, s0;
	s16 =	sadd.s32 $0x96E00, s0  }
0x13: {  	s17 =	sadd.s32 $0x97200, s0;
	s0 =	simm.s32 $0x11000;
	[dreg:$0x5] =	wrdreg s25  }
0x14: {  	v0 =	vimm.f32 $0.0e+00;
	[dreg:$0x6] =	wrdreg s26;
	s25 =	simm.s32 $0x80;
	s26 =	simm.s32 $0xC000  }
.LBB2_6:
0x15: {  	[tilespmem:s0], [sflag:$0x1] =	stream.indirect.gather [hbm4b:s4+s22], $0x40, s13, s22, $0xb8;
	[tilespmem:$0x1E000] =	vst v63  }
.LBB2_10:
0x16: {  	_ =	swait.ge [sflag:s20], $0x1000  }
0x17: {  	[sflag:s20] =	ssyncset.done $0x0  }
0x18: {  	[sflag:s20] =	ssyncadd.s32 $0xFFFFF000  }
0x19: {  	_ =	swait.ge [sflag:s20], $0x1000  }
0x1a: {  	[sflag:s20] =	ssyncset.done $0x0  }
0x1b: {  	[sflag:s20] =	ssyncadd.s32 $0xFFFFF000  }
0x1c: {  	_ =	swait.ge [sflag:s20], $0x1000  }
0x1d: {  	[sflag:s20] =	ssyncset.done $0x0  }
0x1e: {  	[sflag:s20] =	ssyncadd.s32 $0xFFFFF000  }
0x1f: {  	_ =	swait.ge [sflag:s20], $0x1000  }
0x20: {  	[sflag:s20] =	ssyncset.done $0x0  }
0x21: {  	s7 =	simm.s32 $0x9E00;
	[sflag:s20] =	ssyncadd.s32 $0xFFFFF000  }
0x22: {  	[spmem:s2] =	stream.indirect.scatter.add.f32 [tilespmem:s23], [sflag:$0x2], $0x40, s7, s25, $0xb8;
	[tilespmem:$0x1E000] =	vst v63  }
0x23: {  	s14 =	simm.s32 $0x9E80  }
0x24: {  	[spmem:s2] =	stream.indirect.scatter.add.f32 [tilespmem:s26], [sflag:$0x2], $0x40, s14, s25, $0xb8;
	[tilespmem:$0x1E000] =	vst v63  }
0x25: {  	_ =	swait.ge [sflag:s20], $0x1000  }
0x26: {  	[sflag:s20] =	ssyncset.done $0x0  }
0x27: {  	[sflag:s20] =	ssyncadd.s32 $0xFFFFF000  }
0x28: {  	_ =	swait.ge [sflag:s20], $0x1000  }
0x29: {  	[sflag:s20] =	ssyncset.done $0x0  }
0x2a: {  	[sflag:s20] =	ssyncadd.s32 $0xFFFFF000  }
0x2b: {  	_ =	swait.ge [sflag:s20], $0x1000  }
0x2c: {  	[sflag:s20] =	ssyncset.done $0x0  }
0x2d: {  	[sflag:s20] =	ssyncadd.s32 $0xFFFFF000  }
0x2e: {  	_ =	swait.ge [sflag:s20], $0x1000  }
0x2f: {  	[sflag:s20] =	ssyncset.done $0x0  }
0x30: {  	s13 =	simm.s32 $0x9F00;
	[sflag:s20] =	ssyncadd.s32 $0xFFFFF000  }
0x31: {  	[spmem:s2] =	stream.indirect.scatter.add.f32 [tilespmem:s31], [sflag:$0x2], $0x40, s13, s25, $0xb8;
	[tilespmem:$0x1E000] =	vst v63  }
0x32: {  	s14 =	simm.s32 $0x9F80  }
0x33: {  	[spmem:s2] =	stream.indirect.scatter.add.f32 [tilespmem:s28], [sflag:$0x2], $0x40, s14, s25, $0xb8;
	[tilespmem:$0x1E000] =	vst v63  }
0x34: {  	_ =	swait.ge [sflag:s30], $0x2000  }
0x35: {  	[sflag:s30] =	ssyncset.done $0x0  }
0x36: {  	[sflag:s30] =	ssyncadd.s32 $0xFFFFE000  }
0x37: {  	_ =	swait.ge [sflag:s30], $0x2000  }
0x38: {  	[sflag:s30] =	ssyncset.done $0x0  }
0x39: {  	[sflag:s30] =	ssyncadd.s32 $0xFFFFE000  }
0x3a: {  	_ =	swait.ge [sflag:s30], $0x2000  }
0x3b: {  	[sflag:s30] =	ssyncset.done $0x0  }
0x3c: {  	[sflag:s30] =	ssyncadd.s32 $0xFFFFE000  }
0x3d: {  	_ =	swait.ge [sflag:s30], $0x2000  }
0x3e: {  	[sflag:s30] =	ssyncset.done $0x0  }
0x3f: {  	[sflag:s30] =	ssyncadd.s32 $0xFFFFE000  }
0x40: {  	[bflag:$0x0] =	sbarrier.arrive $0xFFFF  }
0x41: {  	[tilespmem:s21], [sflag:$0x3] =	stream.linear.gather [spmem:s8], $0x2000, $0x38;
	[tilespmem:$0x1E000] =	vst v63  }
0x42: {  	_ =	swait.ge [sflag:s19], $0x2000  }
0x43: {  	[sflag:s19] =	ssyncset.done $0x0  }
0x44: {  	s13 =	rddreg [dreg:$0x5];
	[sflag:s19] =	ssyncadd.s32 $0xFFFFE000  }
0x45: {  	[hbm4b:s13+s3] =	stream.linear.scatter [tilespmem:s21], [sflag:$0x3], $0x2000, $0x38;
	[tilespmem:$0x1E000] =	vst v63  }
0x46: {  	_ =	swait.ge [sflag:s19], $0x2000  }
0x47: {  	[sflag:s19] =	ssyncset.done $0x0  }
0x48: {  	[sflag:s19] =	ssyncadd.s32 $0xFFFFE000  }
0x49: {  	[tilespmem:s21], [sflag:$0x3] =	stream.linear.gather [spmem:s9], $0x2000, $0x38;
	[tilespmem:$0x1E000] =	vst v63  }
0x4a: {  	_ =	swait.ge [sflag:s19], $0x2000  }
0x4b: {  	[sflag:s19] =	ssyncset.done $0x0  }
0x4c: {  	s14 =	rddreg [dreg:$0x6];
	[sflag:s19] =	ssyncadd.s32 $0xFFFFE000  }
0x4d: {  	[hbm4b:s14+s3] =	stream.linear.scatter [tilespmem:s21], [sflag:$0x3], $0x2000, $0x38;
	[tilespmem:$0x1E000] =	vst v63  }
0x4e: {  	_ =	swait.ge [sflag:s19], $0x2000  }
0x4f: {  	[sflag:s19] =	ssyncset.done $0x0  }
0x50: {  	[sflag:s19] =	ssyncadd.s32 $0xFFFFE000  }
0x51: {  	[tilespmem:s21], [sflag:$0x3] =	stream.linear.gather [spmem:s10], $0x2000, $0x38;
	[tilespmem:$0x1E000] =	vst v63  }
0x52: {  	_ =	swait.ge [sflag:s19], $0x2000  }
0x53: {  	[sflag:s19] =	ssyncset.done $0x0  }
0x54: {  	[sflag:s19] =	ssyncadd.s32 $0xFFFFE000  }
0x55: {  	[hbm4b:s15+s3] =	stream.linear.scatter [tilespmem:s21], [sflag:$0x3], $0x2000, $0x38;
	[tilespmem:$0x1E000] =	vst v63  }
0x56: {  	_ =	swait.ge [sflag:s19], $0x2000  }
0x57: {  	[sflag:s19] =	ssyncset.done $0x0  }
0x58: {  	[sflag:s19] =	ssyncadd.s32 $0xFFFFE000  }
0x59: {  	[tilespmem:s21], [sflag:$0x3] =	stream.linear.gather [spmem:s11], $0x2000, $0x38;
	[tilespmem:$0x1E000] =	vst v63  }
0x5a: {  	_ =	swait.ge [sflag:s19], $0x2000  }
0x5b: {  	[sflag:s19] =	ssyncset.done $0x0  }
0x5c: {  	[sflag:s19] =	ssyncadd.s32 $0xFFFFE000  }
0x5d: {  	[hbm4b:s16+s3] =	stream.linear.scatter [tilespmem:s21], [sflag:$0x3], $0x2000, $0x38;
	[tilespmem:$0x1E000] =	vst v63  }
0x5e: {  	_ =	swait.ge [sflag:s19], $0x2000  }
0x5f: {  	[sflag:s19] =	ssyncset.done $0x0  }
0x60: {  	[sflag:s19] =	ssyncadd.s32 $0xFFFFE000  }
0x61: {  	[tilespmem:s21], [sflag:$0x3] =	stream.linear.gather [spmem:s12], $0x2000, $0x38;
	[tilespmem:$0x1E000] =	vst v63  }
0x62: {  	s6 =	sadd.s32 $0x1, s6;
	_ =	swait.ge [sflag:s19], $0x2000  }
0x63: {  	p1 =	sne.s32 s6, s18;
	[sflag:s19] =	ssyncset.done $0x0  }
.Ltmp1:
0x64: {  	[sflag:s19] =	ssyncadd.s32 $0xFFFFE000;
	(pc) =	sbr.rel @!p1 .LBB2_11-.Ltmp1, $4  }
0x65: {  	[hbm4b:s17+s3] =	stream.linear.scatter [tilespmem:s21], [sflag:$0x3], $0x2000, $0x38;
	[tilespmem:$0x1E000] =	vst v63  }
0x66: {  	_ =	swait.ge [sflag:s19], $0x2000  }
0x67: {  	[sflag:s19] =	ssyncset.done $0x0  }
0x68: {  	[sflag:s19] =	ssyncadd.s32 $0xFFFFE000  }
.LBB2_1:
0x69: {  	s7 =	rddreg [dreg:$0x3]  }
0x6a: {  	[tilespmem:s3], [sflag:$0x3] =	stream.linear.gather [hbm4b:s7+s3], $0x5000, $0x38;
	[tilespmem:$0x1E000] =	vst v63  }
0x6b: {  	_ =	swait.ge [sflag:s19], $0x5000  }
0x6c: {  	[sflag:s19] =	ssyncset.done $0x0  }
0x6d: {  	s13 =	simm.s32 $0x5000;
	s14 =	rddreg [dreg:$0x4];
	[sflag:s19] =	ssyncadd.s32 $0xFFFFB000  }
0x6e: {  	[tilespmem:s13], [sflag:$0x3] =	stream.linear.gather [hbm4b:s14+s3], $0x5000, $0x38;
	[tilespmem:$0x1E000] =	vst v63  }
0x6f: {  	_ =	swait.ge [sflag:s19], $0x5000  }
0x70: {  	[sflag:s19] =	ssyncset.done $0x0  }
0x71: {  	s7 =	simm.s32 $0x0;
	s13 =	simm.s32 $0x100;
	[sflag:s19] =	ssyncadd.s32 $0xFFFFB000  }
.LBB2_2:
0x72: {  	p1 =	sne.s32 s13, $0x7F00;
	[tilespmem:s7+$0x12030] =	vst v0;
	s14 =	smov.u32 s13;
	s13 =	sadd.s32 $0x100, s13  }
.Ltmp2:
0x73: {  	[tilespmem:s7+$0x12020] =	vst v0;
	(pc) =	sbr.rel @p1 .LBB2_2-.Ltmp2, $3  }
0x74: {  	[tilespmem:s7+$0x12000] =	vst v0  }
0x75: {  	[tilespmem:s7+$0x12010] =	vst v0;
	_ =	sdelay $0x1  }
0x76: {  	s7 =	sshra.s32 s14, $0x2  }
0x77: {  	[tilespmem:s7+$0x12030] =	vst v0  }
0x78: {  	[tilespmem:s7+$0x12020] =	vst v0  }
0x79: {  	[tilespmem:s7+$0x12000] =	vst v0  }
0x7a: {  	[tilespmem:s7+$0x12010] =	vst v0  }
0x7b: {  	[spmem:s8] =	stream.linear.scatter [tilespmem:s21], [sflag:$0x3], $0x2000, $0x38;
	[tilespmem:$0x1E000] =	vst v63  }
0x7c: {  	_ =	swait.ge [sflag:s19], $0x2000  }
0x7d: {  	[sflag:s19] =	ssyncset.done $0x0  }
0x7e: {  	[sflag:s19] =	ssyncadd.s32 $0xFFFFE000  }
0x7f: {  	[spmem:s9] =	stream.linear.scatter [tilespmem:s21], [sflag:$0x3], $0x2000, $0x38;
	[tilespmem:$0x1E000] =	vst v63  }
0x80: {  	_ =	swait.ge [sflag:s19], $0x2000  }
0x81: {  	[sflag:s19] =	ssyncset.done $0x0  }
0x82: {  	[sflag:s19] =	ssyncadd.s32 $0xFFFFE000  }
0x83: {  	[spmem:s10] =	stream.linear.scatter [tilespmem:s21], [sflag:$0x3], $0x2000, $0x38;
	[tilespmem:$0x1E000] =	vst v63  }
0x84: {  	_ =	swait.ge [sflag:s19], $0x2000  }
0x85: {  	[sflag:s19] =	ssyncset.done $0x0  }
0x86: {  	[sflag:s19] =	ssyncadd.s32 $0xFFFFE000  }
0x87: {  	[spmem:s11] =	stream.linear.scatter [tilespmem:s21], [sflag:$0x3], $0x2000, $0x38;
	[tilespmem:$0x1E000] =	vst v63  }
0x88: {  	_ =	swait.ge [sflag:s19], $0x2000  }
0x89: {  	[sflag:s19] =	ssyncset.done $0x0  }
0x8a: {  	[sflag:s19] =	ssyncadd.s32 $0xFFFFE000  }
0x8b: {  	[spmem:s12] =	stream.linear.scatter [tilespmem:s21], [sflag:$0x3], $0x2000, $0x38;
	[tilespmem:$0x1E000] =	vst v63  }
.Ltmp3:
0x8c: {  	_ =	swait.ge [sflag:s19], $0x2000;
	(pc) =	sbr.rel @!p0 .LBB2_4-.Ltmp3, $4  }
0x8d: {  	[sflag:s19] =	ssyncset.done $0x0  }
0x8e: {  	[sflag:s19] =	ssyncadd.s32 $0xFFFFE000  }
0x8f: {  	[bflag:$0x0] =	sbarrier.arrive $0xFFFF  }
0x90: {  	s7 =	simm.s32 $0x0  }
0x91: {  	[tilespmem:s23], [sflag:$0x1] =	stream.indirect.gather [hbm4b:s5+s22], $0x40, s7, s22, $0xb8;
	[tilespmem:$0x1E000] =	vst v63  }
0x92: {  	_ = 	snop  }
0x93: {  	[tilespmem:s24], [sflag:$0x1] =	stream.indirect.gather [hbm4b:s5+s22], $0x40, s22, s22, $0xb8;
	[tilespmem:$0x1E000] =	vst v63  }
0x94: {  	_ = 	snop  }
0x95: {  	[tilespmem:s26], [sflag:$0x1] =	stream.indirect.gather [hbm4b:s5+s22], $0x40, s25, s22, $0xb8;
	[tilespmem:$0x1E000] =	vst v63  }
0x96: {  	s13 =	simm.s32 $0xC0  }
0x97: {  	[tilespmem:s29], [sflag:$0x1] =	stream.indirect.gather [hbm4b:s5+s22], $0x40, s13, s22, $0xb8;
	[tilespmem:$0x1E000] =	vst v63  }
0x98: {  	s14 =	simm.s32 $0x100  }
0x99: {  	[tilespmem:s31], [sflag:$0x1] =	stream.indirect.gather [hbm4b:s5+s22], $0x40, s14, s22, $0xb8;
	[tilespmem:$0x1E000] =	vst v63  }
0x9a: {  	s13 =	simm.s32 $0x140  }
0x9b: {  	[tilespmem:s1], [sflag:$0x1] =	stream.indirect.gather [hbm4b:s5+s22], $0x40, s13, s22, $0xb8;
	[tilespmem:$0x1E000] =	vst v63  }
0x9c: {  	s14 =	simm.s32 $0x180  }
0x9d: {  	[tilespmem:s28], [sflag:$0x1] =	stream.indirect.gather [hbm4b:s5+s22], $0x40, s14, s22, $0xb8;
	[tilespmem:$0x1E000] =	vst v63  }
0x9e: {  	s13 =	simm.s32 $0x1C0  }
0x9f: {  	[tilespmem:s0], [sflag:$0x1] =	stream.indirect.gather [hbm4b:s5+s22], $0x40, s13, s22, $0xb8;
	[tilespmem:$0x1E000] =	vst v63  }
0xa0: {  	_ =	swait.ge [sflag:s20], $0x1000  }
0xa1: {  	[sflag:s20] =	ssyncset.done $0x0  }
0xa2: {  	[sflag:s20] =	ssyncadd.s32 $0xFFFFF000  }
0xa3: {  	_ =	swait.ge [sflag:s20], $0x1000  }
0xa4: {  	[sflag:s20] =	ssyncset.done $0x0  }
0xa5: {  	[sflag:s20] =	ssyncadd.s32 $0xFFFFF000  }
0xa6: {  	_ =	swait.ge [sflag:s20], $0x1000  }
0xa7: {  	[sflag:s20] =	ssyncset.done $0x0  }
0xa8: {  	[sflag:s20] =	ssyncadd.s32 $0xFFFFF000  }
0xa9: {  	_ =	swait.ge [sflag:s20], $0x1000  }
0xaa: {  	[sflag:s20] =	ssyncset.done $0x0  }
0xab: {  	s14 =	simm.s32 $0x5000;
	[sflag:s20] =	ssyncadd.s32 $0xFFFFF000  }
0xac: {  	[spmem:s2] =	stream.indirect.scatter.add.f32 [tilespmem:s23], [sflag:$0x2], $0x40, s14, s25, $0xb8;
	[tilespmem:$0x1E000] =	vst v63  }
0xad: {  	s13 =	simm.s32 $0x5080  }
0xae: {  	[spmem:s2] =	stream.indirect.scatter.add.f32 [tilespmem:s26], [sflag:$0x2], $0x40, s13, s25, $0xb8;
	[tilespmem:$0x1E000] =	vst v63  }
0xaf: {  	_ =	swait.ge [sflag:s20], $0x1000  }
0xb0: {  	[sflag:s20] =	ssyncset.done $0x0  }
0xb1: {  	[sflag:s20] =	ssyncadd.s32 $0xFFFFF000  }
0xb2: {  	_ =	swait.ge [sflag:s20], $0x1000  }
0xb3: {  	[sflag:s20] =	ssyncset.done $0x0  }
0xb4: {  	[sflag:s20] =	ssyncadd.s32 $0xFFFFF000  }
0xb5: {  	_ =	swait.ge [sflag:s20], $0x1000  }
0xb6: {  	[sflag:s20] =	ssyncset.done $0x0  }
0xb7: {  	[sflag:s20] =	ssyncadd.s32 $0xFFFFF000  }
0xb8: {  	_ =	swait.ge [sflag:s20], $0x1000  }
0xb9: {  	[sflag:s20] =	ssyncset.done $0x0  }
0xba: {  	s14 =	simm.s32 $0x5100;
	[sflag:s20] =	ssyncadd.s32 $0xFFFFF000  }
0xbb: {  	[spmem:s2] =	stream.indirect.scatter.add.f32 [tilespmem:s31], [sflag:$0x2], $0x40, s14, s25, $0xb8;
	[tilespmem:$0x1E000] =	vst v63  }
0xbc: {  	s13 =	simm.s32 $0x5180  }
0xbd: {  	[spmem:s2] =	stream.indirect.scatter.add.f32 [tilespmem:s28], [sflag:$0x2], $0x40, s13, s25, $0xb8;
	[tilespmem:$0x1E000] =	vst v63  }
0xbe: {  	_ =	swait.ge [sflag:s30], $0x2000  }
0xbf: {  	[sflag:s30] =	ssyncset.done $0x0  }
0xc0: {  	[sflag:s30] =	ssyncadd.s32 $0xFFFFE000  }
0xc1: {  	_ =	swait.ge [sflag:s30], $0x2000  }
0xc2: {  	[sflag:s30] =	ssyncset.done $0x0  }
0xc3: {  	s14 =	simm.s32 $0x200;
	[sflag:s30] =	ssyncadd.s32 $0xFFFFE000  }
0xc4: {  	[tilespmem:s23], [sflag:$0x1] =	stream.indirect.gather [hbm4b:s5+s22], $0x40, s14, s22, $0xb8;
	[tilespmem:$0x1E000] =	vst v63  }
0xc5: {  	s13 =	simm.s32 $0x240  }
0xc6: {  	[tilespmem:s24], [sflag:$0x1] =	stream.indirect.gather [hbm4b:s5+s22], $0x40, s13, s22, $0xb8;
	[tilespmem:$0x1E000] =	vst v63  }
0xc7: {  	s14 =	simm.s32 $0x280  }
0xc8: {  	[tilespmem:s26], [sflag:$0x1] =	stream.indirect.gather [hbm4b:s5+s22], $0x40, s14, s22, $0xb8;
	[tilespmem:$0x1E000] =	vst v63  }
0xc9: {  	s13 =	simm.s32 $0x2C0  }
0xca: {  	[tilespmem:s29], [sflag:$0x1] =	stream.indirect.gather [hbm4b:s5+s22], $0x40, s13, s22, $0xb8;
	[tilespmem:$0x1E000] =	vst v63  }
0xcb: {  	_ =	swait.ge [sflag:s30], $0x2000  }
0xcc: {  	[sflag:s30] =	ssyncset.done $0x0  }
0xcd: {  	[sflag:s30] =	ssyncadd.s32 $0xFFFFE000  }
0xce: {  	_ =	swait.ge [sflag:s30], $0x2000  }
0xcf: {  	[sflag:s30] =	ssyncset.done $0x0  }
0xd0: {  	s14 =	simm.s32 $0x300;
	[sflag:s30] =	ssyncadd.s32 $0xFFFFE000  }
0xd1: {  	[tilespmem:s31], [sflag:$0x1] =	stream.indirect.gather [hbm4b:s5+s22], $0x40, s14, s22, $0xb8;
	[tilespmem:$0x1E000] =	vst v63  }
0xd2: {  	s13 =	simm.s32 $0x340  }
0xd3: {  	[tilespmem:s1], [sflag:$0x1] =	stream.indirect.gather [hbm4b:s5+s22], $0x40, s13, s22, $0xb8;
	[tilespmem:$0x1E000] =	vst v63  }
0xd4: {  	s7 =	simm.s32 $0x800;
	s14 =	simm.s32 $0x380;
	s13 =	simm.s32 $0x3C0  }
0xd5: {  	[tilespmem:s28], [sflag:$0x1] =	stream.indirect.gather [hbm4b:s5+s22], $0x40, s14, s22, $0xb8;
	[tilespmem:$0x1E000] =	vst v63  }
.LBB2_8:
0xd6: {  	[tilespmem:s0], [sflag:$0x1] =	stream.indirect.gather [hbm4b:s5+s22], $0x40, s13, s22, $0xb8;
	[tilespmem:$0x1E000] =	vst v63  }
0xd7: {  	s13 =	smov.u32 s7  }
0xd8: {  	p1 =	sne.s32 s7, $0x13000;
	s7 =	sadd.s32 $0x800, s7;
	_ =	swait.ge [sflag:s20], $0x1000  }
0xd9: {  	[sflag:s20] =	ssyncset.done $0x0  }
0xda: {  	[sflag:s20] =	ssyncadd.s32 $0xFFFFF000  }
0xdb: {  	_ =	swait.ge [sflag:s20], $0x1000  }
0xdc: {  	[sflag:s20] =	ssyncset.done $0x0  }
0xdd: {  	[sflag:s20] =	ssyncadd.s32 $0xFFFFF000  }
0xde: {  	_ =	swait.ge [sflag:s20], $0x1000  }
0xdf: {  	[sflag:s20] =	ssyncset.done $0x0  }
0xe0: {  	[sflag:s20] =	ssyncadd.s32 $0xFFFFF000  }
0xe1: {  	_ =	swait.ge [sflag:s20], $0x1000  }
0xe2: {  	s13 =	sshra.s32 s13, $0x2;
	[sflag:s20] =	ssyncset.done $0x0  }
0xe3: {  	s14 =	sadd.s32 $0x5000, s13;
	[sflag:s20] =	ssyncadd.s32 $0xFFFFF000  }
0xe4: {  	[spmem:s2] =	stream.indirect.scatter.add.f32 [tilespmem:s23], [sflag:$0x2], $0x40, s14, s25, $0xb8;
	[tilespmem:$0x1E000] =	vst v63  }
0xe5: {  	s14 =	sadd.s32 $0x5080, s13  }
0xe6: {  	[spmem:s2] =	stream.indirect.scatter.add.f32 [tilespmem:s26], [sflag:$0x2], $0x40, s14, s25, $0xb8;
	[tilespmem:$0x1E000] =	vst v63  }
0xe7: {  	_ =	swait.ge [sflag:s20], $0x1000  }
0xe8: {  	[sflag:s20] =	ssyncset.done $0x0  }
0xe9: {  	[sflag:s20] =	ssyncadd.s32 $0xFFFFF000  }
0xea: {  	_ =	swait.ge [sflag:s20], $0x1000  }
0xeb: {  	[sflag:s20] =	ssyncset.done $0x0  }
0xec: {  	[sflag:s20] =	ssyncadd.s32 $0xFFFFF000  }
0xed: {  	_ =	swait.ge [sflag:s20], $0x1000  }
0xee: {  	[sflag:s20] =	ssyncset.done $0x0  }
0xef: {  	[sflag:s20] =	ssyncadd.s32 $0xFFFFF000  }
0xf0: {  	_ =	swait.ge [sflag:s20], $0x1000  }
0xf1: {  	[sflag:s20] =	ssyncset.done $0x0  }
0xf2: {  	s14 =	sadd.s32 $0x5100, s13;
	[sflag:s20] =	ssyncadd.s32 $0xFFFFF000  }
0xf3: {  	[spmem:s2] =	stream.indirect.scatter.add.f32 [tilespmem:s31], [sflag:$0x2], $0x40, s14, s25, $0xb8;
	[tilespmem:$0x1E000] =	vst v63  }
0xf4: {  	s14 =	sadd.s32 $0x5180, s13  }
0xf5: {  	[spmem:s2] =	stream.indirect.scatter.add.f32 [tilespmem:s28], [sflag:$0x2], $0x40, s14, s25, $0xb8;
	[tilespmem:$0x1E000] =	vst v63  }
0xf6: {  	_ =	swait.ge [sflag:s30], $0x2000  }
0xf7: {  	[sflag:s30] =	ssyncset.done $0x0  }
0xf8: {  	[sflag:s30] =	ssyncadd.s32 $0xFFFFE000  }
0xf9: {  	_ =	swait.ge [sflag:s30], $0x2000  }
0xfa: {  	[sflag:s30] =	ssyncset.done $0x0  }
0xfb: {  	s14 =	sadd.s32 $0x200, s13;
	[sflag:s30] =	ssyncadd.s32 $0xFFFFE000  }
0xfc: {  	[tilespmem:s23], [sflag:$0x1] =	stream.indirect.gather [hbm4b:s5+s22], $0x40, s14, s22, $0xb8;
	[tilespmem:$0x1E000] =	vst v63  }
0xfd: {  	s14 =	sadd.s32 $0x240, s13  }
0xfe: {  	[tilespmem:s24], [sflag:$0x1] =	stream.indirect.gather [hbm4b:s5+s22], $0x40, s14, s22, $0xb8;
	[tilespmem:$0x1E000] =	vst v63  }
0xff: {  	s14 =	sadd.s32 $0x280, s13  }
0x100: {  	[tilespmem:s26], [sflag:$0x1] =	stream.indirect.gather [hbm4b:s5+s22], $0x40, s14, s22, $0xb8;
	[tilespmem:$0x1E000] =	vst v63  }
0x101: {  	s14 =	sadd.s32 $0x2C0, s13  }
0x102: {  	[tilespmem:s29], [sflag:$0x1] =	stream.indirect.gather [hbm4b:s5+s22], $0x40, s14, s22, $0xb8;
	[tilespmem:$0x1E000] =	vst v63  }
0x103: {  	_ =	swait.ge [sflag:s30], $0x2000  }
0x104: {  	[sflag:s30] =	ssyncset.done $0x0  }
0x105: {  	[sflag:s30] =	ssyncadd.s32 $0xFFFFE000  }
0x106: {  	_ =	swait.ge [sflag:s30], $0x2000  }
0x107: {  	[sflag:s30] =	ssyncset.done $0x0  }
0x108: {  	s14 =	sadd.s32 $0x300, s13;
	[sflag:s30] =	ssyncadd.s32 $0xFFFFE000  }
0x109: {  	[tilespmem:s31], [sflag:$0x1] =	stream.indirect.gather [hbm4b:s5+s22], $0x40, s14, s22, $0xb8;
	[tilespmem:$0x1E000] =	vst v63  }
.Ltmp4:
0x10a: {  	s14 =	sadd.s32 $0x340, s13;
	(pc) =	sbr.rel @p1 .LBB2_8-.Ltmp4, $4  }
0x10b: {  	[tilespmem:s1], [sflag:$0x1] =	stream.indirect.gather [hbm4b:s5+s22], $0x40, s14, s22, $0xb8;
	[tilespmem:$0x1E000] =	vst v63  }
0x10c: {  	s14 =	sadd.s32 $0x380, s13  }
0x10d: {  	[tilespmem:s28], [sflag:$0x1] =	stream.indirect.gather [hbm4b:s5+s22], $0x40, s14, s22, $0xb8;
	[tilespmem:$0x1E000] =	vst v63  }
0x10e: {  	s13 =	sadd.s32 $0x3C0, s13  }
.Ltmp5:
0x10f: {  	(pc) =	sbr.rel .LBB2_10-.Ltmp5, $2  }
0x110: {  	_ =	sdelay $0x2  }
0x111: {  	[tilespmem:s0], [sflag:$0x1] =	stream.indirect.gather [hbm4b:s5+s22], $0x40, s13, s22, $0xb8;
	[tilespmem:$0x1E000] =	vst v63  }
.LBB2_4:
0x112: {  	[tilespmem:s23], [sflag:$0x1] =	stream.indirect.gather [hbm4b:s4+s22], $0x40, s7, s22, $0xb8;
	[tilespmem:$0x1E000] =	vst v63  }
0x113: {  	_ = 	snop  }
0x114: {  	[tilespmem:s24], [sflag:$0x1] =	stream.indirect.gather [hbm4b:s4+s22], $0x40, s22, s22, $0xb8;
	[tilespmem:$0x1E000] =	vst v63  }
0x115: {  	_ = 	snop  }
0x116: {  	[tilespmem:s26], [sflag:$0x1] =	stream.indirect.gather [hbm4b:s4+s22], $0x40, s25, s22, $0xb8;
	[tilespmem:$0x1E000] =	vst v63  }
0x117: {  	s13 =	simm.s32 $0xC0  }
0x118: {  	[tilespmem:s29], [sflag:$0x1] =	stream.indirect.gather [hbm4b:s4+s22], $0x40, s13, s22, $0xb8;
	[tilespmem:$0x1E000] =	vst v63  }
0x119: {  	s14 =	simm.s32 $0x100  }
0x11a: {  	[tilespmem:s31], [sflag:$0x1] =	stream.indirect.gather [hbm4b:s4+s22], $0x40, s14, s22, $0xb8;
	[tilespmem:$0x1E000] =	vst v63  }
0x11b: {  	s13 =	simm.s32 $0x140  }
0x11c: {  	[tilespmem:s1], [sflag:$0x1] =	stream.indirect.gather [hbm4b:s4+s22], $0x40, s13, s22, $0xb8;
	[tilespmem:$0x1E000] =	vst v63  }
0x11d: {  	s14 =	simm.s32 $0x180  }
0x11e: {  	[tilespmem:s28], [sflag:$0x1] =	stream.indirect.gather [hbm4b:s4+s22], $0x40, s14, s22, $0xb8;
	[tilespmem:$0x1E000] =	vst v63  }
0x11f: {  	s13 =	simm.s32 $0x1C0  }
0x120: {  	[tilespmem:s0], [sflag:$0x1] =	stream.indirect.gather [hbm4b:s4+s22], $0x40, s13, s22, $0xb8;
	[tilespmem:$0x1E000] =	vst v63  }
0x121: {  	_ =	swait.ge [sflag:s20], $0x1000  }
0x122: {  	[sflag:s20] =	ssyncset.done $0x0  }
0x123: {  	[sflag:s20] =	ssyncadd.s32 $0xFFFFF000  }
0x124: {  	_ =	swait.ge [sflag:s20], $0x1000  }
0x125: {  	[sflag:s20] =	ssyncset.done $0x0  }
0x126: {  	[sflag:s20] =	ssyncadd.s32 $0xFFFFF000  }
0x127: {  	_ =	swait.ge [sflag:s20], $0x1000  }
0x128: {  	[sflag:s20] =	ssyncset.done $0x0  }
0x129: {  	[sflag:s20] =	ssyncadd.s32 $0xFFFFF000  }
0x12a: {  	_ =	swait.ge [sflag:s20], $0x1000  }
0x12b: {  	[sflag:s20] =	ssyncset.done $0x0  }
0x12c: {  	s14 =	simm.s32 $0x5000;
	[sflag:s20] =	ssyncadd.s32 $0xFFFFF000  }
0x12d: {  	[spmem:s2] =	stream.indirect.scatter.add.f32 [tilespmem:s23], [sflag:$0x2], $0x40, s14, s25, $0xb8;
	[tilespmem:$0x1E000] =	vst v63  }
0x12e: {  	s13 =	simm.s32 $0x5080  }
0x12f: {  	[spmem:s2] =	stream.indirect.scatter.add.f32 [tilespmem:s26], [sflag:$0x2], $0x40, s13, s25, $0xb8;
	[tilespmem:$0x1E000] =	vst v63  }
0x130: {  	_ =	swait.ge [sflag:s20], $0x1000  }
0x131: {  	[sflag:s20] =	ssyncset.done $0x0  }
0x132: {  	[sflag:s20] =	ssyncadd.s32 $0xFFFFF000  }
0x133: {  	_ =	swait.ge [sflag:s20], $0x1000  }
0x134: {  	[sflag:s20] =	ssyncset.done $0x0  }
0x135: {  	[sflag:s20] =	ssyncadd.s32 $0xFFFFF000  }
0x136: {  	_ =	swait.ge [sflag:s20], $0x1000  }
0x137: {  	[sflag:s20] =	ssyncset.done $0x0  }
0x138: {  	[sflag:s20] =	ssyncadd.s32 $0xFFFFF000  }
0x139: {  	_ =	swait.ge [sflag:s20], $0x1000  }
0x13a: {  	[sflag:s20] =	ssyncset.done $0x0  }
0x13b: {  	s14 =	simm.s32 $0x5100;
	[sflag:s20] =	ssyncadd.s32 $0xFFFFF000  }
0x13c: {  	[spmem:s2] =	stream.indirect.scatter.add.f32 [tilespmem:s31], [sflag:$0x2], $0x40, s14, s25, $0xb8;
	[tilespmem:$0x1E000] =	vst v63  }
0x13d: {  	s13 =	simm.s32 $0x5180  }
0x13e: {  	[spmem:s2] =	stream.indirect.scatter.add.f32 [tilespmem:s28], [sflag:$0x2], $0x40, s13, s25, $0xb8;
	[tilespmem:$0x1E000] =	vst v63  }
0x13f: {  	_ =	swait.ge [sflag:s30], $0x2000  }
0x140: {  	[sflag:s30] =	ssyncset.done $0x0  }
0x141: {  	[sflag:s30] =	ssyncadd.s32 $0xFFFFE000  }
0x142: {  	_ =	swait.ge [sflag:s30], $0x2000  }
0x143: {  	[sflag:s30] =	ssyncset.done $0x0  }
0x144: {  	s14 =	simm.s32 $0x200;
	[sflag:s30] =	ssyncadd.s32 $0xFFFFE000  }
0x145: {  	[tilespmem:s23], [sflag:$0x1] =	stream.indirect.gather [hbm4b:s4+s22], $0x40, s14, s22, $0xb8;
	[tilespmem:$0x1E000] =	vst v63  }
0x146: {  	s13 =	simm.s32 $0x240  }
0x147: {  	[tilespmem:s24], [sflag:$0x1] =	stream.indirect.gather [hbm4b:s4+s22], $0x40, s13, s22, $0xb8;
	[tilespmem:$0x1E000] =	vst v63  }
0x148: {  	s14 =	simm.s32 $0x280  }
0x149: {  	[tilespmem:s26], [sflag:$0x1] =	stream.indirect.gather [hbm4b:s4+s22], $0x40, s14, s22, $0xb8;
	[tilespmem:$0x1E000] =	vst v63  }
0x14a: {  	s13 =	simm.s32 $0x2C0  }
0x14b: {  	[tilespmem:s29], [sflag:$0x1] =	stream.indirect.gather [hbm4b:s4+s22], $0x40, s13, s22, $0xb8;
	[tilespmem:$0x1E000] =	vst v63  }
0x14c: {  	_ =	swait.ge [sflag:s30], $0x2000  }
0x14d: {  	[sflag:s30] =	ssyncset.done $0x0  }
0x14e: {  	[sflag:s30] =	ssyncadd.s32 $0xFFFFE000  }
0x14f: {  	_ =	swait.ge [sflag:s30], $0x2000  }
0x150: {  	[sflag:s30] =	ssyncset.done $0x0  }
0x151: {  	s14 =	simm.s32 $0x300;
	[sflag:s30] =	ssyncadd.s32 $0xFFFFE000  }
0x152: {  	[tilespmem:s31], [sflag:$0x1] =	stream.indirect.gather [hbm4b:s4+s22], $0x40, s14, s22, $0xb8;
	[tilespmem:$0x1E000] =	vst v63  }
0x153: {  	s13 =	simm.s32 $0x340  }
0x154: {  	[tilespmem:s1], [sflag:$0x1] =	stream.indirect.gather [hbm4b:s4+s22], $0x40, s13, s22, $0xb8;
	[tilespmem:$0x1E000] =	vst v63  }
0x155: {  	s7 =	simm.s32 $0x800;
	s14 =	simm.s32 $0x380;
	s13 =	simm.s32 $0x3C0  }
0x156: {  	[tilespmem:s28], [sflag:$0x1] =	stream.indirect.gather [hbm4b:s4+s22], $0x40, s14, s22, $0xb8;
	[tilespmem:$0x1E000] =	vst v63  }
.LBB2_5:
0x157: {  	[tilespmem:s0], [sflag:$0x1] =	stream.indirect.gather [hbm4b:s4+s22], $0x40, s13, s22, $0xb8;
	[tilespmem:$0x1E000] =	vst v63  }
0x158: {  	s13 =	smov.u32 s7  }
0x159: {  	p1 =	seq.s32 s7, $0x13000;
	s7 =	sadd.s32 $0x800, s7;
	_ =	swait.ge [sflag:s20], $0x1000  }
0x15a: {  	[sflag:s20] =	ssyncset.done $0x0  }
0x15b: {  	[sflag:s20] =	ssyncadd.s32 $0xFFFFF000  }
0x15c: {  	_ =	swait.ge [sflag:s20], $0x1000  }
0x15d: {  	[sflag:s20] =	ssyncset.done $0x0  }
0x15e: {  	[sflag:s20] =	ssyncadd.s32 $0xFFFFF000  }
0x15f: {  	_ =	swait.ge [sflag:s20], $0x1000  }
0x160: {  	[sflag:s20] =	ssyncset.done $0x0  }
0x161: {  	[sflag:s20] =	ssyncadd.s32 $0xFFFFF000  }
0x162: {  	_ =	swait.ge [sflag:s20], $0x1000  }
0x163: {  	s13 =	sshra.s32 s13, $0x2;
	[sflag:s20] =	ssyncset.done $0x0  }
0x164: {  	s14 =	sadd.s32 $0x5000, s13;
	[sflag:s20] =	ssyncadd.s32 $0xFFFFF000  }
0x165: {  	[spmem:s2] =	stream.indirect.scatter.add.f32 [tilespmem:s23], [sflag:$0x2], $0x40, s14, s25, $0xb8;
	[tilespmem:$0x1E000] =	vst v63  }
0x166: {  	s14 =	sadd.s32 $0x5080, s13  }
0x167: {  	[spmem:s2] =	stream.indirect.scatter.add.f32 [tilespmem:s26], [sflag:$0x2], $0x40, s14, s25, $0xb8;
	[tilespmem:$0x1E000] =	vst v63  }
0x168: {  	_ =	swait.ge [sflag:s20], $0x1000  }
0x169: {  	[sflag:s20] =	ssyncset.done $0x0  }
0x16a: {  	[sflag:s20] =	ssyncadd.s32 $0xFFFFF000  }
0x16b: {  	_ =	swait.ge [sflag:s20], $0x1000  }
0x16c: {  	[sflag:s20] =	ssyncset.done $0x0  }
0x16d: {  	[sflag:s20] =	ssyncadd.s32 $0xFFFFF000  }
0x16e: {  	_ =	swait.ge [sflag:s20], $0x1000  }
0x16f: {  	[sflag:s20] =	ssyncset.done $0x0  }
0x170: {  	[sflag:s20] =	ssyncadd.s32 $0xFFFFF000  }
0x171: {  	_ =	swait.ge [sflag:s20], $0x1000  }
0x172: {  	[sflag:s20] =	ssyncset.done $0x0  }
0x173: {  	s14 =	sadd.s32 $0x5100, s13;
	[sflag:s20] =	ssyncadd.s32 $0xFFFFF000  }
0x174: {  	[spmem:s2] =	stream.indirect.scatter.add.f32 [tilespmem:s31], [sflag:$0x2], $0x40, s14, s25, $0xb8;
	[tilespmem:$0x1E000] =	vst v63  }
0x175: {  	s14 =	sadd.s32 $0x5180, s13  }
0x176: {  	[spmem:s2] =	stream.indirect.scatter.add.f32 [tilespmem:s28], [sflag:$0x2], $0x40, s14, s25, $0xb8;
	[tilespmem:$0x1E000] =	vst v63  }
0x177: {  	_ =	swait.ge [sflag:s30], $0x2000  }
0x178: {  	[sflag:s30] =	ssyncset.done $0x0  }
0x179: {  	[sflag:s30] =	ssyncadd.s32 $0xFFFFE000  }
0x17a: {  	_ =	swait.ge [sflag:s30], $0x2000  }
0x17b: {  	[sflag:s30] =	ssyncset.done $0x0  }
0x17c: {  	s14 =	sadd.s32 $0x200, s13;
	[sflag:s30] =	ssyncadd.s32 $0xFFFFE000  }
0x17d: {  	[tilespmem:s23], [sflag:$0x1] =	stream.indirect.gather [hbm4b:s4+s22], $0x40, s14, s22, $0xb8;
	[tilespmem:$0x1E000] =	vst v63  }
0x17e: {  	s14 =	sadd.s32 $0x240, s13  }
0x17f: {  	[tilespmem:s24], [sflag:$0x1] =	stream.indirect.gather [hbm4b:s4+s22], $0x40, s14, s22, $0xb8;
	[tilespmem:$0x1E000] =	vst v63  }
0x180: {  	s14 =	sadd.s32 $0x280, s13  }
0x181: {  	[tilespmem:s26], [sflag:$0x1] =	stream.indirect.gather [hbm4b:s4+s22], $0x40, s14, s22, $0xb8;
	[tilespmem:$0x1E000] =	vst v63  }
0x182: {  	s14 =	sadd.s32 $0x2C0, s13  }
0x183: {  	[tilespmem:s29], [sflag:$0x1] =	stream.indirect.gather [hbm4b:s4+s22], $0x40, s14, s22, $0xb8;
	[tilespmem:$0x1E000] =	vst v63  }
0x184: {  	_ =	swait.ge [sflag:s30], $0x2000  }
0x185: {  	[sflag:s30] =	ssyncset.done $0x0  }
0x186: {  	[sflag:s30] =	ssyncadd.s32 $0xFFFFE000  }
0x187: {  	_ =	swait.ge [sflag:s30], $0x2000  }
0x188: {  	[sflag:s30] =	ssyncset.done $0x0  }
0x189: {  	s14 =	sadd.s32 $0x300, s13;
	[sflag:s30] =	ssyncadd.s32 $0xFFFFE000  }
0x18a: {  	[tilespmem:s31], [sflag:$0x1] =	stream.indirect.gather [hbm4b:s4+s22], $0x40, s14, s22, $0xb8;
	[tilespmem:$0x1E000] =	vst v63  }
.Ltmp6:
0x18b: {  	s14 =	sadd.s32 $0x340, s13;
	(pc) =	sbr.rel @!p1 .LBB2_5-.Ltmp6, $4  }
0x18c: {  	[tilespmem:s1], [sflag:$0x1] =	stream.indirect.gather [hbm4b:s4+s22], $0x40, s14, s22, $0xb8;
	[tilespmem:$0x1E000] =	vst v63  }
0x18d: {  	s14 =	sadd.s32 $0x380, s13  }
0x18e: {  	[tilespmem:s28], [sflag:$0x1] =	stream.indirect.gather [hbm4b:s4+s22], $0x40, s14, s22, $0xb8;
	[tilespmem:$0x1E000] =	vst v63  }
0x18f: {  	s13 =	sadd.s32 $0x3C0, s13  }
.Ltmp7:
0x190: {  	_ = 	snop;
	(pc) =	sbr.rel .LBB2_6-.Ltmp7, $1  }
0x191: {  	_ =	sdelay $0x3  }
.LBB2_11:
0x192: {  	_ =	sfence.sel $0x180000  }
0x193: {  	[bflag:$0x0] =	sbarrier.arrive $0xFFFF  }
0x194: {  	_ =	strace $0x9000004D  }
0x195: {  	s0 =	stileid.u32;
	[bflag:$0x2] =	sbarrier.arrive $0xFFFF  }
0x196: {  	p0 =	sne.s32 s0, $0x0;
	s0 =	rddreg [dreg:$0x2]  }
0x197: {  	s0 =	sadd.s32 @!p0 $0x100000, s0  }
0x198: {  	[sflag:s0] =	ssyncadd.tile.s32 @!p0 $0x1;
	_ =	shalt  }
.Lfunc_end2:
_tile_overlayer_lowered:
.L_overlay_start_2:
0x199: {  	(tag) =	ssettag $0x2  }
0x19a: {  	s0 =	rddreg [dreg:$0x0];
	s2 =	stileid.u32  }
0x19b: {  	s1 =	rddreg [dreg:$0x1];
	p0 =	sne.s32 s2, $0x0  }
0x19c: {  	s3 =	rddreg [dreg:$0x2];
	[bflag:$0x3] =	sbarrier.arrive $0xFFFF;
	s2 =	simm.s32 @!p0 $0x1C03  }
0x19d: {  	[timem:s3], [sflag:s2] =	dma.local @!p0 [hbm:s0], s1  }
0x19e: {  	s0 =	simm.s32 @!p0 $0x3  }
0x19f: {  	_ =	swait.ge @!p0 [sflag:s0], s1  }
0x1a0: {  	s1 =	ssub.s32 @!p0 $0x0, s1;
	[sflag:s0] =	ssyncset.done @!p0 $0x0  }
0x1a1: {  	[sflag:s0] =	ssyncadd.s32 @!p0 s1  }
0x1a2: {  	[bflag:$0x3] =	sbarrier.arrive $0xFFFF  }
0x1a3: {  	_ =	shalt  }

// kernel: kernel.8.cloned.1.call-start
scs
__scs_entry_jumppad:
0x0: {  	(pc) =	sbr.rel $0x88, $3  }
0x1: {  	(tag) =	ssettag $0x0;
	lr =	simm.s32 $0x1  }
0x2: {  	[smem:$0x3F98] =	sst lr;
	_ =	strace $0xD0000000  }
0x3: {  	_ = 	snop  }
0x4: {  	_ = 	snop  }
0x5: {  	_ = 	snop  }
0x6: {  	_ = 	snop  }
0x7: {  	_ = 	snop  }
__scs_overlays_trampoline_lowered:
0x8: {  	[smem:$0x3FA7] =	sst s0  }
0x9: {  	[smem:$0x3FA8] =	sst s1  }
0xa: {  	[smem:$0x3FA9] =	sst s2  }
0xb: {  	[smem:$0x3FAA] =	sst s3  }
0xc: {  	[smem:$0x3FAB] =	sst s4  }
0xd: {  	[smem:$0x3FAC] =	sst s5  }
0xe: {  	[smem:$0x3FAD] =	sst s6  }
0xf: {  	[smem:$0x3FAE] =	sst s7  }
0x10: {  	[smem:$0x3FAF] =	sst s8  }
0x11: {  	[smem:$0x3FB0] =	sst s9;
	s0 =	simm.s32 @!p0 $0x0  }
0x12: {  	s1 =	sld [smem:$0x3F96];
	s0 =	simm.s32 @p0 $0x1  }
0x13: {  	[smem:$0x3FB1] =	sst s0;
	s0 =	simm.s32 @!p1 $0x0  }
0x14: {  	s2 =	sld [smem:$0x3F95];
	s0 =	simm.s32 @p1 $0x1  }
0x15: {  	[smem:$0x3FB2] =	sst s0;
	s0 =	simm.s32 @!p2 $0x0  }
0x16: {  	s3 =	sld [smem:$0x3FDB];
	s0 =	simm.s32 @p2 $0x1  }
0x17: {  	s4 =	simm.s32 $0x1BF5;
	[smem:$0x3FB4] =	sst s0  }
0x18: {  	s0 =	sld [smem:$0x3F97];
	_ =	swait.ge [sflag:s4], $0x0  }
0x19: {  	s7 =	sld [smem:$0x3F98]  }
0x1a: {  	s8 =	sadd.s32 $0xFFFFE003, lr  }
0x1b: {  	s9 =	sadd.s32 $0xFFFFFEF7, lr;
	s5 =	simm.s32 $0xFFFFFFFF;
	p2 =	slt.u32 s8, $0xFFFFF086  }
0x1c: {  	p1 =	slt.u32 s9, $0xF7A;
	s5 =	simm.s32 @!p2 $0x0  }
0x1d: {  	s5 =	simm.s32 @p1 $0x1;
	p0 =	seq.s32 s7, s2  }
0x1e: {  	s7 =	smul.u32 @!p0 $0xF7A, s2;
	p2 =	seq.s32 @!p0 s5, $0x0  }
0x1f: {  	s9 =	smul.u32 $0xF7A, s1;
	s8 =	simm.s32 @!p0 $0x1BF5;
	p2 =	por !p2, p0  }
0x20: {  	[sflag:s8] =	ssyncset.s32 @!p0 $0xFFFFF086;
	s6 =	sadd.s32 @!p0 s3, s7;
	s7 =	simm.s32 @!p0 $0x108  }
0x21: {  	s3 =	sadd.s32 s3, s9;
	s6 =	sadd.s32 @!p0 $0x88, s6;
	s7 =	simm.s32 @p2 $0x1082  }
0x22: {  	[simem:s7], [sflag:s8] =	dma.local @!p0 [hbm:s6], $0xF7A  }
0x23: {  	s9 =	sor.u32 $0xD0000000, s2;
	s6 =	simm.s32 $0x108;
	_ =	swait.ge @!p0 [sflag:s8], $0x0  }
0x24: {  	s3 =	sadd.s32 $0x88, s3;
	s6 =	simm.s32 @!p1 $0x1082;
	[sflag:s4] =	ssyncset.s32 $0xFFFFF086  }
0x25: {  	[simem:s6], [sflag:s4] =	dma.local [hbm:s3], $0xF7A  }
0x26: {  	[smem:$0x3F98] =	sst s1;
	(tag) =	ssettag s2;
	_ =	strace s9  }
0x27: {  	s1 =	sld [smem:$0x3FA8]  }
0x28: {  	s2 =	sld [smem:$0x3FA9]  }
0x29: {  	s4 =	sld [smem:$0x3FAB]  }
0x2a: {  	p0 =	seq.s32 s5, $0x0;
	s5 =	sld [smem:$0x3FAC]  }
0x2b: {  	s6 =	sld [smem:$0x3FAD]  }
0x2c: {  	s7 =	sld [smem:$0x3FAE]  }
0x2d: {  	s3 =	simm.s32 $0x108;
	s8 =	sld [smem:$0x3FAF]  }
0x2e: {  	s3 =	simm.s32 @!p0 $0x1082;
	s9 =	sld [smem:$0x3FB0]  }
0x2f: {  	lr =	sadd.s32 s0, s3;
	s0 =	sld [smem:$0x3FA7]  }
0x30: {  	s3 =	sld [smem:$0x3FAA]  }
0x31: {  	[smem:$0x3FB3] =	sst s10  }
0x32: {  	s10 =	sld [smem:$0x3FB1];
	_ =	sdelay $0x3  }
0x33: {  	p0 =	seq.s32 s10, $0x1;
	s10 =	sld [smem:$0x3FB3];
	_ =	sdelay $0x3  }
0x34: {  	[smem:$0x3FB3] =	sst s10  }
0x35: {  	s10 =	sld [smem:$0x3FB2];
	_ =	sdelay $0x3  }
0x36: {  	p1 =	seq.s32 s10, $0x1;
	s10 =	sld [smem:$0x3FB3];
	_ =	sdelay $0x3  }
0x37: {  	[smem:$0x3FB3] =	sst s10  }
0x38: {  	s10 =	sld [smem:$0x3FB4]  }
0x39: {  	_ = 	snop;
	(pc) =	sbr.ind lr, $3  }
0x3a: {  	_ = 	snop  }
0x3b: {  	_ = 	snop  }
0x3c: {  	p2 =	seq.s32 s10, $0x1;
	s10 =	sld [smem:$0x3FB3]  }
0x3d: {  	_ =	shalt  }
0x3e: {  	_ =	shalt  }
0x3f: {  	_ =	shalt  }
0x40: {  	_ =	shalt  }
0x41: {  	_ =	shalt  }
0x42: {  	_ =	shalt  }
0x43: {  	_ =	shalt  }
0x44: {  	_ =	shalt  }
0x45: {  	_ =	shalt  }
0x46: {  	_ =	shalt  }
0x47: {  	_ =	shalt  }
0x48: {  	_ =	shalt  }
0x49: {  	_ =	shalt  }
0x4a: {  	_ =	shalt  }
0x4b: {  	_ =	shalt  }
0x4c: {  	_ =	shalt  }
0x4d: {  	_ =	shalt  }
0x4e: {  	_ =	shalt  }
0x4f: {  	_ =	shalt  }
0x50: {  	_ =	shalt  }
0x51: {  	_ =	shalt  }
0x52: {  	_ =	shalt  }
0x53: {  	_ =	shalt  }
0x54: {  	_ =	shalt  }
0x55: {  	_ =	shalt  }
0x56: {  	_ =	shalt  }
0x57: {  	_ =	shalt  }
0x58: {  	_ =	shalt  }
0x59: {  	_ =	shalt  }
0x5a: {  	_ =	shalt  }
0x5b: {  	_ =	shalt  }
0x5c: {  	_ =	shalt  }
0x5d: {  	_ =	shalt  }
0x5e: {  	_ =	shalt  }
0x5f: {  	_ =	shalt  }
0x60: {  	_ =	shalt  }
0x61: {  	_ =	shalt  }
0x62: {  	_ =	shalt  }
0x63: {  	_ =	shalt  }
0x64: {  	_ =	shalt  }
0x65: {  	_ =	shalt  }
0x66: {  	_ =	shalt  }
0x67: {  	_ =	shalt  }
0x68: {  	_ =	shalt  }
0x69: {  	_ =	shalt  }
0x6a: {  	_ =	shalt  }
0x6b: {  	_ =	shalt  }
0x6c: {  	_ =	shalt  }
0x6d: {  	_ =	shalt  }
0x6e: {  	_ =	shalt  }
0x6f: {  	_ =	shalt  }
0x70: {  	_ =	shalt  }
0x71: {  	_ =	shalt  }
0x72: {  	_ =	shalt  }
0x73: {  	_ =	shalt  }
0x74: {  	_ =	shalt  }
0x75: {  	_ =	shalt  }
0x76: {  	_ =	shalt  }
0x77: {  	_ =	shalt  }
0x78: {  	_ =	shalt  }
0x79: {  	_ =	shalt  }
0x7a: {  	_ =	shalt  }
0x7b: {  	_ =	shalt  }
0x7c: {  	_ =	shalt  }
0x7d: {  	_ =	shalt  }
0x7e: {  	_ =	shalt  }
0x7f: {  	_ =	shalt  }
0x80: {  	_ =	shalt  }
0x81: {  	_ =	shalt  }
0x82: {  	_ =	shalt  }
0x83: {  	_ =	shalt  }
0x84: {  	_ =	shalt  }
0x85: {  	_ =	shalt  }
0x86: {  	_ =	shalt  }
0x87: {  	_ =	shalt  }
.Lfunc_end0:
.L_simem_size_0:
called_computation_lowered:
.L_overlay_start_0:
0x88: {  	s2 =	sld [smem:$0x3FD9]  }
0x89: {  	s3 =	sld [smem:$0x3FFE];
	_ =	sdelay $0x1  }
0x8a: {  	s1 =	srdreg.scid  }
0x8b: {  	s0 =	sand.u32 $0x1, s1  }
0x8c: {  	s16 =	sshll.u32 s0, $0xA;
	s2 =	sadd.s32 s3, s2  }
0x8d: {  	s2 =	sadd.s32 s2, s16  }
0x8e: {  	[smem:$0x3FBF] =	sst s2  }
0x8f: {  	_ = 	snop  }
0x90: {  	(tm) =	ssettm $0x1  }
0x91: {  	s17 =	sld [smem:$0x3FFB];
	_ =	sdelay $0x3  }
0x92: {  	_ =	strace s17  }
0x93: {  	s2 =	sld [smem:$0x3FFC];
	_ =	sdelay $0x3  }
0x94: {  	_ =	strace s2  }
0x95: {  	s2 =	sld [smem:$0x3FFD];
	_ =	sdelay $0x3  }
0x96: {  	_ =	strace s2  }
0x97: {  	_ =	strace $0x8FFFFFFF  }
0x98: {  	s18 =	sld [smem:$0x3FDB];
	_ =	sdelay $0x1  }
0x99: {  	s19 =	simm.s32 $_scs_section_size  }
0x9a: {  	s4 =	simm.s32 $_size__tile_overlayer_lowered;
	s5 =	simm.s32 $_tile_overlayer_lowered  }
0x9b: {  	s22 =	simm.s32 $0x1BFF;
	s21 =	sshll.u32 s5, $0x1;
	s2 =	sadd.s32 s19, s18  }
0x9c: {  	s6 =	simm.s32 $0x0;
	s20 =	sshll.u32 s4, $0x1;
	s4 =	sadd.s32 s21, s2  }
0x9d: {  	[timem:s6], [sflag:s22] =	dma.local [hbm:s4], s20  }
0x9e: {  	_ =	swait.ge [sflag:s22], s20  }
0x9f: {  	s3 =	ssub.s32 $0x0, s20;
	[sflag:s22] =	ssyncset.done $0x0  }
0xa0: {  	[sflag:s22] =	ssyncadd.s32 s3;
	_ =	sdelay $0x1  }
0xa1: {  	s23 =	simm.s32 $0x1B8B  }
0xa2: {  	_ =	swait.ge [sflag:s23], $0x1  }
0xa3: {  	[sflag:s23] =	ssyncset.done $0x0  }
0xa4: {  	s25 =	simm.s32 $0x1B8E;
	s24 =	sld [smem:$0x3FFE];
	[sflag:s23] =	ssyncadd.s32 $0xFFFFFFFF  }
0xa5: {  	s26 =	simm.s32 $execute0_lowered;
	[smem:$0x3FD2] =	sst s25  }
0xa6: {  	s4 =	sshll.u32 s26, $0x1;
	_ =	strace $0x80000046;
	[dreg:$0x1] =	wrdreg $0xFFFFFFFF  }
0xa7: {  	s28 =	simm.s32 $_size_execute0_lowered;
	s2 =	sadd.s32 s2, s4;
	[dreg:$0x0] =	wrdreg $0x0  }
0xa8: {  	s4 =	sshll.u32 s28, $0x1;
	[dreg:$0x2] =	wrdreg s2  }
0xa9: {  	[dreg:$0x3] =	wrdreg s4  }
0xaa: {  	[dreg:$0x4] =	wrdreg $0xC0  }
0xab: {  	_ =	task [dreg:s6], $0x5FFFF  }
0xac: {  	[dreg:$0x1] =	wrdreg $0xFFFFFFFF  }
0xad: {  	[dreg:$0x0] =	wrdreg $0x60  }
0xae: {  	[dreg:$0x2] =	wrdreg s24  }
0xaf: {  	[dreg:$0x3] =	wrdreg $0x38000  }
0xb0: {  	[dreg:$0x4] =	wrdreg $0x9  }
0xb1: {  	_ =	task.clear_ibuf [dreg:s6], $0x5FFFF;
	_ =	strace $0x90000046  }
0xb2: {  	s29 =	simm.s32 $0x9;
	_ =	strace $0x80000048  }
0xb3: {  	_ =	swait.ge [sflag:s29], $0x1  }
0xb4: {  	[sflag:s29] =	ssyncadd.s32 $0xFFFFFFFF  }
0xb5: {  	_ =	strace $0x90000048  }
0xb6: {  	_ =	sfence  }
0xb7: {  	s30 =	sld [smem:$0x0];
	_ =	sdelay $0x2  }
0xb8: {  	s31 =	sshll.u32 s1, $0xD;
	s1 =	sshrl.u32 s1, $0x2  }
0xb9: {  	s3 =	sand.u32 $0x4000, s31;
	s1 =	sadd.s32 s1, s30  }
0xba: {  	s0 =	sor.u32 s3, s0;
	s1 =	sshll.u32 s1, $0x11  }
0xbb: {  	s0 =	sor.u32 s1, s0  }
0xbc: {  	s0 =	sadd.s32 $0x8F2B, s0  }
0xbd: {  	[sflag:s0] =	ssyncadd.remote.s32 $0x1  }
0xbe: {  	_ =	sfence.sel $0xFFFF  }
0xbf: {  	[dreg:$0x0] =	wrdreg $0xFFFFFFFF;
	(pc) =	sbr.abs _section_cstart, $3  }
0xc0: {  	[dreg:$0x1] =	wrdreg $0xFFFFFFFF  }
0xc1: {  	_ =	task.clear_ibuf [dreg:s6], $0x2FFFF;
	_ =	strace $0x9FFFFFFF  }
0xc2: {  	(tm) =	ssettm $0x7FFFFFFF  }
0xc3: {  	_ =	shalt  }
tec
execute0_lowered:
.L_overlay_start_1:
0x0: {  	(tag) =	ssettag $0x1  }
0x1: {  	s1 =	srdreg.scid;
	s5 =	rddreg [dreg:$0x0]  }
0x2: {  	s0 =	stileid.u32;
	s2 =	rddreg [dreg:$0x1];
	s3 =	simm.s32 $0x0  }
0x3: {  	s16 =	simm.s32 $0x2;
	s17 =	simm.s32 $0x3000;
	s18 =	simm.s32 $0x80  }
0x4: {  	s19 =	simm.s32 $0x2800;
	s20 =	simm.s32 $0x1;
	s7 =	smul.u32 $0x280, s0  }
0x5: {  	s4 =	sand.u32 $0x1, s1;
	s28 =	sshll.u32 s0, $0x1;
	s9 =	smul.u32 $0xA000, s0  }
0x6: {  	s21 =	simm.s32 $0x0;
	s1 =	sor.u32 s4, s28;
	s8 =	smul.u32 $0x2800, s4  }
0x7: {  	[smem:$0x7FF] =	sst s3;
	s29 =	ssub.s32 $0x2, s4;
	s6 =	smul.u32 $0x500, s1  }
0x8: {  	s1 =	rddreg [dreg:$0x2];
	_ =	strace $0x80000047;
	s30 =	sshrl.u32 s9, $0x2  }
0x9: {  	s31 =	sshrl.u32 s29, $0x1;
	s7 =	sadd.s32 s7, s8;
	s4 =	sadd.s32 s30, s2  }
0xa: {  	s15 =	ssub.s32 s29, s31;
	s6 =	sadd.s32 s6, s5;
	s7 =	sshll.u32 s7, $0x1  }
0xb: {  	s8 =	sadd.s32 $0x1800, s4;
	s9 =	sadd.s32 $0x2000, s4;
	s15 =	smax.u32 s15, $0x1  }
0xc: {  	s14 =	sadd.s32 s7, s5;
	s5 =	sadd.s32 $0x2A00, s6;
	s6 =	sadd.s32 $0x800, s4  }
0xd: {  	s7 =	sadd.s32 $0x1000, s4;
	s10 =	sadd.s32 $0xCA00, s14;
	s11 =	sadd.s32 $0xCB00, s14  }
0xe: {  	v0 =	vimm.f32 $1.000000000e+00;
	v1 =	vimm.f32 $0.0e+00;
	s12 =	sadd.s32 $0xCC00, s14;
	s13 =	sadd.s32 $0xCD00, s14;
	s14 =	sadd.s32 $0xCE00, s14  }
.LBB2_1:
0xf: {  	s22 =	simm.s32 $0x40;
	s23 =	simm.s32 $0x0  }
.LBB2_2:
0x10: {  	p0 =	sne.s32 s22, $0x1FC0;
	[tilespmem:s23+$0x2800] =	vst v0;
	s23 =	smov.u32 s22;
	s22 =	sadd.s32 $0x40, s22  }
.Ltmp0:
0x11: {  	(pc) =	sbr.rel @p0 .LBB2_2-.Ltmp0, $2  }
0x12: {  	_ =	sdelay $0x2  }
0x13: {  	s23 =	sshra.s32 s23, $0x2  }
0x14: {  	[tilespmem:s23+$0x2800] =	vst v0;
	s22 =	simm.s32 $0x0  }
0x15: {  	[tilespmem:s22], [sflag:$0x2] =	stream.linear.gather [hbm4b:s5+s22], $0x2800, $0x38;
	[tilespmem:$0x6000] =	vst v63  }
0x16: {  	_ =	swait.ge [sflag:s16], $0x2800  }
0x17: {  	[sflag:s16] =	ssyncset.done $0x0  }
0x18: {  	s23 =	simm.s32 $0x0;
	s22 =	simm.s32 $0x40;
	[sflag:s16] =	ssyncadd.s32 $0xFFFFD800  }
.LBB2_4:
0x19: {  	p0 =	sne.s32 s22, $0x1FC0;
	[tilespmem:s23+$0x3000] =	vst v1;
	s23 =	smov.u32 s22;
	s22 =	sadd.s32 $0x40, s22  }
.Ltmp1:
0x1a: {  	(pc) =	sbr.rel @p0 .LBB2_4-.Ltmp1, $2  }
0x1b: {  	_ =	sdelay $0x2  }
0x1c: {  	s23 =	sshra.s32 s23, $0x2  }
0x1d: {  	[tilespmem:s23+$0x3000] =	vst v1  }
0x1e: {  	[spmem:s4] =	stream.linear.scatter [tilespmem:s17], [sflag:$0x2], $0x800, $0x38;
	[tilespmem:$0x6000] =	vst v63  }
0x1f: {  	_ =	swait.ge [sflag:s16], $0x800  }
0x20: {  	[sflag:s16] =	ssyncset.done $0x0  }
0x21: {  	[sflag:s16] =	ssyncadd.s32 $0xFFFFF800  }
0x22: {  	[spmem:s6] =	stream.linear.scatter [tilespmem:s17], [sflag:$0x2], $0x800, $0x38;
	[tilespmem:$0x6000] =	vst v63  }
0x23: {  	_ =	swait.ge [sflag:s16], $0x800  }
0x24: {  	[sflag:s16] =	ssyncset.done $0x0  }
0x25: {  	[sflag:s16] =	ssyncadd.s32 $0xFFFFF800  }
0x26: {  	[spmem:s7] =	stream.linear.scatter [tilespmem:s17], [sflag:$0x2], $0x800, $0x38;
	[tilespmem:$0x6000] =	vst v63  }
0x27: {  	_ =	swait.ge [sflag:s16], $0x800  }
0x28: {  	[sflag:s16] =	ssyncset.done $0x0  }
0x29: {  	[sflag:s16] =	ssyncadd.s32 $0xFFFFF800  }
0x2a: {  	[spmem:s8] =	stream.linear.scatter [tilespmem:s17], [sflag:$0x2], $0x800, $0x38;
	[tilespmem:$0x6000] =	vst v63  }
0x2b: {  	_ =	swait.ge [sflag:s16], $0x800  }
0x2c: {  	[sflag:s16] =	ssyncset.done $0x0  }
0x2d: {  	[sflag:s16] =	ssyncadd.s32 $0xFFFFF800  }
0x2e: {  	[spmem:s9] =	stream.linear.scatter [tilespmem:s17], [sflag:$0x2], $0x800, $0x38;
	[tilespmem:$0x6000] =	vst v63  }
0x2f: {  	_ =	swait.ge [sflag:s16], $0x800  }
0x30: {  	[sflag:s16] =	ssyncset.done $0x0  }
0x31: {  	[sflag:s16] =	ssyncadd.s32 $0xFFFFF800  }
0x32: {  	s22 =	simm.s32 $0x0;
	[bflag:$0x0] =	sbarrier.arrive $0xFFFF  }
0x33: {  	[spmem:s2] =	stream.indirect.scatter.add.f32 [tilespmem:s19], [sflag:$0x1], $0x10, s22, s18, $0xb8;
	[tilespmem:$0x6000] =	vst v63  }
0x34: {  	s24 =	simm.s32 $0x80  }
0x35: {  	[spmem:s2] =	stream.indirect.scatter.add.f32 [tilespmem:s19], [sflag:$0x1], $0x10, s24, s18, $0xb8;
	[tilespmem:$0x6000] =	vst v63  }
0x36: {  	s25 =	simm.s32 $0x100  }
0x37: {  	[spmem:s2] =	stream.indirect.scatter.add.f32 [tilespmem:s19], [sflag:$0x1], $0x10, s25, s18, $0xb8;
	[tilespmem:$0x6000] =	vst v63  }
0x38: {  	s26 =	simm.s32 $0x180  }
0x39: {  	[spmem:s2] =	stream.indirect.scatter.add.f32 [tilespmem:s19], [sflag:$0x1], $0x10, s26, s18, $0xb8;
	[tilespmem:$0x6000] =	vst v63  }
0x3a: {  	s28 =	simm.s32 $0x200  }
0x3b: {  	[spmem:s2] =	stream.indirect.scatter.add.f32 [tilespmem:s19], [sflag:$0x1], $0x10, s28, s18, $0xb8;
	[tilespmem:$0x6000] =	vst v63  }
0x3c: {  	s29 =	simm.s32 $0x280  }
0x3d: {  	[spmem:s2] =	stream.indirect.scatter.add.f32 [tilespmem:s19], [sflag:$0x1], $0x10, s29, s18, $0xb8;
	[tilespmem:$0x6000] =	vst v63  }
0x3e: {  	s30 =	simm.s32 $0x300  }
0x3f: {  	[spmem:s2] =	stream.indirect.scatter.add.f32 [tilespmem:s19], [sflag:$0x1], $0x10, s30, s18, $0xb8;
	[tilespmem:$0x6000] =	vst v63  }
0x40: {  	s31 =	simm.s32 $0x380  }
0x41: {  	[spmem:s2] =	stream.indirect.scatter.add.f32 [tilespmem:s19], [sflag:$0x1], $0x10, s31, s18, $0xb8;
	[tilespmem:$0x6000] =	vst v63  }
0x42: {  	_ =	swait.ge [sflag:s20], $0x800  }
0x43: {  	[sflag:s20] =	ssyncset.done $0x0  }
0x44: {  	[sflag:s20] =	ssyncadd.s32 $0xFFFFF800  }
0x45: {  	_ =	swait.ge [sflag:s20], $0x800  }
0x46: {  	[sflag:s20] =	ssyncset.done $0x0  }
0x47: {  	[sflag:s20] =	ssyncadd.s32 $0xFFFFF800  }
0x48: {  	_ =	swait.ge [sflag:s20], $0x800  }
0x49: {  	[sflag:s20] =	ssyncset.done $0x0  }
0x4a: {  	[sflag:s20] =	ssyncadd.s32 $0xFFFFF800  }
0x4b: {  	_ =	swait.ge [sflag:s20], $0x800  }
0x4c: {  	[sflag:s20] =	ssyncset.done $0x0  }
0x4d: {  	[sflag:s20] =	ssyncadd.s32 $0xFFFFF800  }
0x4e: {  	_ =	swait.ge [sflag:s20], $0x800  }
0x4f: {  	[sflag:s20] =	ssyncset.done $0x0  }
0x50: {  	[sflag:s20] =	ssyncadd.s32 $0xFFFFF800  }
0x51: {  	_ =	swait.ge [sflag:s20], $0x800  }
0x52: {  	[sflag:s20] =	ssyncset.done $0x0  }
0x53: {  	[sflag:s20] =	ssyncadd.s32 $0xFFFFF800  }
0x54: {  	_ =	swait.ge [sflag:s20], $0x800  }
0x55: {  	[sflag:s20] =	ssyncset.done $0x0  }
0x56: {  	[sflag:s20] =	ssyncadd.s32 $0xFFFFF800  }
0x57: {  	_ =	swait.ge [sflag:s20], $0x800  }
0x58: {  	s22 =	simm.s32 $0x1000;
	s24 =	simm.s32 $0x2000;
	[sflag:s20] =	ssyncset.done $0x0  }
.LBB2_6:
0x59: {  	s25 =	sshra.s32 s22, $0x2  }
0x5a: {  	[sflag:s20] =	ssyncadd.s32 $0xFFFFF800;
	s22 =	smov.u32 s24;
	s23 =	sadd.s32 $0x1000, s24  }
0x5b: {  	[spmem:s2] =	stream.indirect.scatter.add.f32 [tilespmem:s19], [sflag:$0x1], $0x10, s25, s18, $0xb8;
	[tilespmem:$0x6000] =	vst v63  }
0x5c: {  	p0 =	sne.s32 s24, $0x9000;
	s24 =	sadd.s32 $0x80, s25  }
0x5d: {  	[spmem:s2] =	stream.indirect.scatter.add.f32 [tilespmem:s19], [sflag:$0x1], $0x10, s24, s18, $0xb8;
	[tilespmem:$0x6000] =	vst v63  }
0x5e: {  	s24 =	sadd.s32 $0x100, s25  }
0x5f: {  	[spmem:s2] =	stream.indirect.scatter.add.f32 [tilespmem:s19], [sflag:$0x1], $0x10, s24, s18, $0xb8;
	[tilespmem:$0x6000] =	vst v63  }
0x60: {  	s24 =	sadd.s32 $0x180, s25  }
0x61: {  	[spmem:s2] =	stream.indirect.scatter.add.f32 [tilespmem:s19], [sflag:$0x1], $0x10, s24, s18, $0xb8;
	[tilespmem:$0x6000] =	vst v63  }
0x62: {  	s24 =	sadd.s32 $0x200, s25  }
0x63: {  	[spmem:s2] =	stream.indirect.scatter.add.f32 [tilespmem:s19], [sflag:$0x1], $0x10, s24, s18, $0xb8;
	[tilespmem:$0x6000] =	vst v63  }
0x64: {  	s24 =	sadd.s32 $0x280, s25  }
0x65: {  	[spmem:s2] =	stream.indirect.scatter.add.f32 [tilespmem:s19], [sflag:$0x1], $0x10, s24, s18, $0xb8;
	[tilespmem:$0x6000] =	vst v63  }
0x66: {  	s24 =	sadd.s32 $0x300, s25  }
0x67: {  	[spmem:s2] =	stream.indirect.scatter.add.f32 [tilespmem:s19], [sflag:$0x1], $0x10, s24, s18, $0xb8;
	[tilespmem:$0x6000] =	vst v63  }
0x68: {  	s24 =	sadd.s32 $0x380, s25  }
0x69: {  	[spmem:s2] =	stream.indirect.scatter.add.f32 [tilespmem:s19], [sflag:$0x1], $0x10, s24, s18, $0xb8;
	[tilespmem:$0x6000] =	vst v63  }
0x6a: {  	_ =	swait.ge [sflag:s20], $0x800  }
0x6b: {  	[sflag:s20] =	ssyncset.done $0x0  }
0x6c: {  	[sflag:s20] =	ssyncadd.s32 $0xFFFFF800  }
0x6d: {  	_ =	swait.ge [sflag:s20], $0x800  }
0x6e: {  	[sflag:s20] =	ssyncset.done $0x0  }
0x6f: {  	[sflag:s20] =	ssyncadd.s32 $0xFFFFF800  }
0x70: {  	_ =	swait.ge [sflag:s20], $0x800  }
0x71: {  	[sflag:s20] =	ssyncset.done $0x0  }
0x72: {  	[sflag:s20] =	ssyncadd.s32 $0xFFFFF800  }
0x73: {  	_ =	swait.ge [sflag:s20], $0x800  }
0x74: {  	[sflag:s20] =	ssyncset.done $0x0  }
0x75: {  	[sflag:s20] =	ssyncadd.s32 $0xFFFFF800  }
0x76: {  	_ =	swait.ge [sflag:s20], $0x800  }
0x77: {  	[sflag:s20] =	ssyncset.done $0x0  }
0x78: {  	[sflag:s20] =	ssyncadd.s32 $0xFFFFF800  }
0x79: {  	_ =	swait.ge [sflag:s20], $0x800  }
0x7a: {  	[sflag:s20] =	ssyncset.done $0x0  }
0x7b: {  	[sflag:s20] =	ssyncadd.s32 $0xFFFFF800  }
.Ltmp2:
0x7c: {  	_ =	swait.ge [sflag:s20], $0x800;
	(pc) =	sbr.rel @p0 .LBB2_6-.Ltmp2, $4  }
0x7d: {  	[sflag:s20] =	ssyncset.done $0x0  }
0x7e: {  	[sflag:s20] =	ssyncadd.s32 $0xFFFFF800  }
0x7f: {  	_ =	swait.ge [sflag:s20], $0x800  }
0x80: {  	s24 =	smov.u32 s23;
	[sflag:s20] =	ssyncset.done $0x0  }
0x81: {  	s22 =	sshra.s32 s22, $0x2;
	[sflag:s20] =	ssyncadd.s32 $0xFFFFF800  }
0x82: {  	[spmem:s2] =	stream.indirect.scatter.add.f32 [tilespmem:s19], [sflag:$0x1], $0x10, s22, s18, $0xb8;
	[tilespmem:$0x6000] =	vst v63  }
0x83: {  	s23 =	sadd.s32 $0x80, s22  }
0x84: {  	[spmem:s2] =	stream.indirect.scatter.add.f32 [tilespmem:s19], [sflag:$0x1], $0x10, s23, s18, $0xb8;
	[tilespmem:$0x6000] =	vst v63  }
0x85: {  	s26 =	sadd.s32 $0x100, s22  }
0x86: {  	[spmem:s2] =	stream.indirect.scatter.add.f32 [tilespmem:s19], [sflag:$0x1], $0x10, s26, s18, $0xb8;
	[tilespmem:$0x6000] =	vst v63  }
0x87: {  	s28 =	sadd.s32 $0x180, s22  }
0x88: {  	[spmem:s2] =	stream.indirect.scatter.add.f32 [tilespmem:s19], [sflag:$0x1], $0x10, s28, s18, $0xb8;
	[tilespmem:$0x6000] =	vst v63  }
0x89: {  	s29 =	sadd.s32 $0x200, s22  }
0x8a: {  	[spmem:s2] =	stream.indirect.scatter.add.f32 [tilespmem:s19], [sflag:$0x1], $0x10, s29, s18, $0xb8;
	[tilespmem:$0x6000] =	vst v63  }
0x8b: {  	s30 =	sadd.s32 $0x280, s22  }
0x8c: {  	[spmem:s2] =	stream.indirect.scatter.add.f32 [tilespmem:s19], [sflag:$0x1], $0x10, s30, s18, $0xb8;
	[tilespmem:$0x6000] =	vst v63  }
0x8d: {  	s31 =	sadd.s32 $0x300, s22  }
0x8e: {  	[spmem:s2] =	stream.indirect.scatter.add.f32 [tilespmem:s19], [sflag:$0x1], $0x10, s31, s18, $0xb8;
	[tilespmem:$0x6000] =	vst v63  }
0x8f: {  	s22 =	sadd.s32 $0x380, s22  }
0x90: {  	[spmem:s2] =	stream.indirect.scatter.add.f32 [tilespmem:s19], [sflag:$0x1], $0x10, s22, s18, $0xb8;
	[tilespmem:$0x6000] =	vst v63  }
0x91: {  	_ =	swait.ge [sflag:s20], $0x800  }
0x92: {  	[sflag:s20] =	ssyncset.done $0x0  }
0x93: {  	[sflag:s20] =	ssyncadd.s32 $0xFFFFF800  }
0x94: {  	_ =	swait.ge [sflag:s20], $0x800  }
0x95: {  	[sflag:s20] =	ssyncset.done $0x0  }
0x96: {  	[sflag:s20] =	ssyncadd.s32 $0xFFFFF800  }
0x97: {  	_ =	swait.ge [sflag:s20], $0x800  }
0x98: {  	[sflag:s20] =	ssyncset.done $0x0  }
0x99: {  	[sflag:s20] =	ssyncadd.s32 $0xFFFFF800  }
0x9a: {  	_ =	swait.ge [sflag:s20], $0x800  }
0x9b: {  	[sflag:s20] =	ssyncset.done $0x0  }
0x9c: {  	[sflag:s20] =	ssyncadd.s32 $0xFFFFF800  }
0x9d: {  	_ =	swait.ge [sflag:s20], $0x800  }
0x9e: {  	[sflag:s20] =	ssyncset.done $0x0  }
0x9f: {  	[sflag:s20] =	ssyncadd.s32 $0xFFFFF800  }
0xa0: {  	_ =	swait.ge [sflag:s20], $0x800  }
0xa1: {  	[sflag:s20] =	ssyncset.done $0x0  }
0xa2: {  	[sflag:s20] =	ssyncadd.s32 $0xFFFFF800  }
0xa3: {  	_ =	swait.ge [sflag:s20], $0x800  }
0xa4: {  	[sflag:s20] =	ssyncset.done $0x0  }
0xa5: {  	[sflag:s20] =	ssyncadd.s32 $0xFFFFF800  }
0xa6: {  	_ =	swait.ge [sflag:s20], $0x800  }
0xa7: {  	[sflag:s20] =	ssyncset.done $0x0  }
0xa8: {  	[sflag:s20] =	ssyncadd.s32 $0xFFFFF800  }
0xa9: {  	[bflag:$0x0] =	sbarrier.arrive $0xFFFF  }
0xaa: {  	[tilespmem:s17], [sflag:$0x2] =	stream.linear.gather [spmem:s4], $0x800, $0x38;
	[tilespmem:$0x6000] =	vst v63  }
0xab: {  	_ =	swait.ge [sflag:s16], $0x800  }
0xac: {  	[sflag:s16] =	ssyncset.done $0x0  }
0xad: {  	[sflag:s16] =	ssyncadd.s32 $0xFFFFF800  }
0xae: {  	[hbm4b:s10+s3] =	stream.linear.scatter [tilespmem:s17], [sflag:$0x2], $0x800, $0x38;
	[tilespmem:$0x6000] =	vst v63  }
0xaf: {  	_ =	swait.ge [sflag:s16], $0x800  }
0xb0: {  	[sflag:s16] =	ssyncset.done $0x0  }
0xb1: {  	[sflag:s16] =	ssyncadd.s32 $0xFFFFF800  }
0xb2: {  	[tilespmem:s17], [sflag:$0x2] =	stream.linear.gather [spmem:s6], $0x800, $0x38;
	[tilespmem:$0x6000] =	vst v63  }
0xb3: {  	_ =	swait.ge [sflag:s16], $0x800  }
0xb4: {  	[sflag:s16] =	ssyncset.done $0x0  }
0xb5: {  	[sflag:s16] =	ssyncadd.s32 $0xFFFFF800  }
0xb6: {  	[hbm4b:s11+s3] =	stream.linear.scatter [tilespmem:s17], [sflag:$0x2], $0x800, $0x38;
	[tilespmem:$0x6000] =	vst v63  }
0xb7: {  	_ =	swait.ge [sflag:s16], $0x800  }
0xb8: {  	[sflag:s16] =	ssyncset.done $0x0  }
0xb9: {  	[sflag:s16] =	ssyncadd.s32 $0xFFFFF800  }
0xba: {  	[tilespmem:s17], [sflag:$0x2] =	stream.linear.gather [spmem:s7], $0x800, $0x38;
	[tilespmem:$0x6000] =	vst v63  }
0xbb: {  	_ =	swait.ge [sflag:s16], $0x800  }
0xbc: {  	[sflag:s16] =	ssyncset.done $0x0  }
0xbd: {  	[sflag:s16] =	ssyncadd.s32 $0xFFFFF800  }
0xbe: {  	[hbm4b:s12+s3] =	stream.linear.scatter [tilespmem:s17], [sflag:$0x2], $0x800, $0x38;
	[tilespmem:$0x6000] =	vst v63  }
0xbf: {  	_ =	swait.ge [sflag:s16], $0x800  }
0xc0: {  	[sflag:s16] =	ssyncset.done $0x0  }
0xc1: {  	[sflag:s16] =	ssyncadd.s32 $0xFFFFF800  }
0xc2: {  	[tilespmem:s17], [sflag:$0x2] =	stream.linear.gather [spmem:s8], $0x800, $0x38;
	[tilespmem:$0x6000] =	vst v63  }
0xc3: {  	_ =	swait.ge [sflag:s16], $0x800  }
0xc4: {  	[sflag:s16] =	ssyncset.done $0x0  }
0xc5: {  	[sflag:s16] =	ssyncadd.s32 $0xFFFFF800  }
0xc6: {  	[hbm4b:s13+s3] =	stream.linear.scatter [tilespmem:s17], [sflag:$0x2], $0x800, $0x38;
	[tilespmem:$0x6000] =	vst v63  }
0xc7: {  	_ =	swait.ge [sflag:s16], $0x800  }
0xc8: {  	[sflag:s16] =	ssyncset.done $0x0  }
0xc9: {  	[sflag:s16] =	ssyncadd.s32 $0xFFFFF800  }
0xca: {  	[tilespmem:s17], [sflag:$0x2] =	stream.linear.gather [spmem:s9], $0x800, $0x38;
	[tilespmem:$0x6000] =	vst v63  }
0xcb: {  	s21 =	sadd.s32 $0x1, s21;
	_ =	swait.ge [sflag:s16], $0x800  }
0xcc: {  	p0 =	sne.s32 s21, s15;
	[sflag:s16] =	ssyncset.done $0x0  }
.Ltmp3:
0xcd: {  	[sflag:s16] =	ssyncadd.s32 $0xFFFFF800;
	(pc) =	sbr.rel @p0 .LBB2_1-.Ltmp3, $4  }
0xce: {  	[hbm4b:s14+s3] =	stream.linear.scatter [tilespmem:s17], [sflag:$0x2], $0x800, $0x38;
	[tilespmem:$0x6000] =	vst v63  }
0xcf: {  	_ =	swait.ge [sflag:s16], $0x800  }
0xd0: {  	[sflag:s16] =	ssyncset.done $0x0  }
0xd1: {  	[sflag:s16] =	ssyncadd.s32 $0xFFFFF800  }
0xd2: {  	_ =	sfence.sel $0x180000  }
0xd3: {  	[bflag:$0x0] =	sbarrier.arrive $0xFFFF  }
0xd4: {  	p0 =	sne.s32 s0, $0x0;
	_ =	strace $0x90000047  }
0xd5: {  	s0 =	sadd.s32 @!p0 $0x100000, s1;
	[bflag:$0x2] =	sbarrier.arrive $0xFFFF  }
0xd6: {  	[sflag:s0] =	ssyncadd.tile.s32 @!p0 $0x1;
	_ =	shalt  }
.Lfunc_end2:
_tile_overlayer_lowered:
.L_overlay_start_2:
0xd7: {  	(tag) =	ssettag $0x2  }
0xd8: {  	s0 =	rddreg [dreg:$0x0];
	s2 =	stileid.u32  }
0xd9: {  	s1 =	rddreg [dreg:$0x1];
	p0 =	sne.s32 s2, $0x0  }
0xda: {  	s3 =	rddreg [dreg:$0x2];
	[bflag:$0x3] =	sbarrier.arrive $0xFFFF;
	s2 =	simm.s32 @!p0 $0x1C02  }
0xdb: {  	[timem:s3], [sflag:s2] =	dma.local @!p0 [hbm:s0], s1  }
0xdc: {  	s0 =	simm.s32 @!p0 $0x2  }
0xdd: {  	_ =	swait.ge @!p0 [sflag:s0], s1  }
0xde: {  	s1 =	ssub.s32 @!p0 $0x0, s1;
	[sflag:s0] =	ssyncset.done @!p0 $0x0  }
0xdf: {  	[sflag:s0] =	ssyncadd.s32 @!p0 s1  }
0xe0: {  	[bflag:$0x3] =	sbarrier.arrive $0xFFFF  }
0xe1: {  	_ =	shalt  }

</sc_bundles>
